<compile_context>
chip_gen: v7x
topology: tpu7x:2x2x1
jax: 0.10.2.dev20260603
libtpu: 0.0.44.dev20260713+nightly
codegen_flags: <defaults>
</compile_context>

<pallas_src>
import functools

import jax
import jax.numpy as jnp
from jax import lax
from jax.experimental import pallas as pl
from jax.experimental.pallas import tpu as pltpu
from jax.experimental.pallas import tpu_sc as plsc

NC = 2
NS = 16
L = 16
NW = NC * NS


def _edge_pass(ht, a_s, a_d, src, dst, sd=None, *, interpret=False):
    H, N = ht.shape
    E = src.shape[0]
    has_sd = sd is not None
    assert N <= (1 << 14)
    EH = E // 2
    CH1 = 2000 if (E // NS) % 2000 == 0 else E // NS
    CH = 8000 if EH % (2 * 8000) == 0 else E // NS
    assert H == NC * (NS // 2) * 4 and NS % 2 == 0
    assert (E // NS) % CH1 == 0 and CH1 % L == 0 and N % L == 0
    assert EH % CH == 0 and (EH // CH) % 2 == 0 and CH % L == 0 and CH >= CH1

    mesh = plsc.VectorSubcoreMesh(core_axis_name="c", subcore_axis_name="s", num_cores=NC, num_subcores=NS)

    out_type = [
        jax.ShapeDtypeStruct((H * N,), jnp.float32),
        jax.ShapeDtypeStruct((NW * N,), jnp.float32),
        jax.ShapeDtypeStruct((NC * E,), jnp.float32),
        jax.ShapeDtypeStruct((H * N,), jnp.float32),
    ]
    if not has_sd:
        out_type.append(jax.ShapeDtypeStruct((NC * E,), jnp.int32))

    @functools.partial(
        pl.kernel,
        mesh=mesh,
        out_type=tuple(out_type),
        scratch_types=[
            pltpu.VMEM((N,), jnp.float32),
            pltpu.VMEM((N,), jnp.float32),
            pltpu.VMEM((N,), jnp.float32),
            pltpu.VMEM((N,), jnp.float32),
            pltpu.VMEM((N,), jnp.float32),
            pltpu.VMEM((N,), jnp.float32),
            pltpu.VMEM((N,), jnp.float32),
            pltpu.VMEM((N,), jnp.float32),
            pltpu.VMEM((N,), jnp.float32),
            pltpu.VMEM((CH,), jnp.int32),
            pltpu.VMEM((CH1,), jnp.int32),
            pltpu.VMEM((CH,), jnp.float32),
            pltpu.VMEM((CH,), jnp.int32),
            pltpu.VMEM((CH1,), jnp.int32),
            pltpu.VMEM((CH,), jnp.float32),
            pltpu.SemaphoreType.DMA,
            pltpu.SemaphoreType.DMA,
            pltpu.SemaphoreType.DMA,
            pltpu.SemaphoreType.DMA,
        ],
        compiler_params=pltpu.CompilerParams(use_tc_tiling_on_sc=False, needs_layout_passes=False),
        interpret=interpret,
    )
    def body(*refs):
        if has_sd:
            (ht_hbm, as_hbm, ad_hbm, sd_hbm,
             acc_hbm, denp_hbm, w_hbm, accp_hbm,
             h0, h1, t0, t1, acc0, acc1, acc2, acc3, den,
             sbuf, dbuf, wbuf, sbuf1, dbuf1, wbuf1,
             sem0, sem1, semw0, semw1) = refs
            src_hbm = dst_hbm = sdout_hbm = None
        else:
            (ht_hbm, as_hbm, ad_hbm, src_hbm, dst_hbm,
             acc_hbm, denp_hbm, w_hbm, accp_hbm, sdout_hbm,
             h0, h1, t0, t1, acc0, acc1, acc2, acc3, den,
             sbuf, dbuf, wbuf, sbuf1, dbuf1, wbuf1,
             sem0, sem1, semw0, semw1) = refs
            sd_hbm = sdout_hbm
        c = lax.axis_index("c")
        s = lax.axis_index("s")
        wid = c * NS + s
        half = s % 2
        base_f = (c * (NS // 2) + s // 2) * 4
        rows = [base_f + (k + 2 * half) % 4 for k in range(4)]

        pltpu.sync_copy(as_hbm, t0)
        pltpu.sync_copy(ad_hbm, t1)

        zero16 = jnp.zeros((L,), jnp.float32)

        def zbody(i, _):
            acc0[pl.ds(i * L, L)] = zero16
            acc1[pl.ds(i * L, L)] = zero16
            acc2[pl.ds(i * L, L)] = zero16
            acc3[pl.ds(i * L, L)] = zero16
            den[pl.ds(i * L, L)] = zero16
            return _
        lax.fori_loop(0, N // L, zbody, None)

        base_s = s * (E // NS)
        nch1 = (E // NS) // CH1
        assert nch1 % 2 == 0

        def p1_issue(t, sb, db, sem):
            base = base_s + t * CH1
            if has_sd:
                pltpu.async_copy(sd_hbm.at[pl.ds(c * E + base, CH1)],
                                 sb.at[pl.ds(0, CH1)], sem)
            else:
                pltpu.async_copy(src_hbm.at[pl.ds(base, CH1)],
                                 sb.at[pl.ds(0, CH1)], sem)
                pltpu.async_copy(dst_hbm.at[pl.ds(base, CH1)], db, sem)

        def p1_drain(t, sb, db, sem):
            base = base_s + t * CH1
            if has_sd:
                pltpu.make_async_copy(sd_hbm.at[pl.ds(c * E + base, CH1)],
                                      sb.at[pl.ds(0, CH1)], sem).wait()
            else:
                pltpu.make_async_copy(src_hbm.at[pl.ds(base, CH1)],
                                      sb.at[pl.ds(0, CH1)], sem).wait()
                pltpu.make_async_copy(dst_hbm.at[pl.ds(base, CH1)],
                                      db, sem).wait()

        def p1_compute(t, sb, db, wb, wsem):
            if has_sd:
                @plsc.parallel_loop(0, CH1 // L, unroll=4)
                def p1_g(g):
                    sd16 = sb[pl.ds(g * L, L)]
                    s16 = sd16 & 0x3FFF
                    d16 = sd16 >> 14
                    e = (plsc.load_gather(t0, [s16])
                         + plsc.load_gather(t1, [d16]))
                    e = jnp.where(e >= 0.0, e, 0.2 * e)
                    w = jnp.exp(e)
                    wb[pl.ds(g * L, L)] = w
                    plsc.addupdate_scatter(den, [d16], w)
            else:
                @plsc.parallel_loop(0, CH1 // L, unroll=4)
                def p1_g(g):
                    s16 = sb[pl.ds(g * L, L)]
                    d16 = db[pl.ds(g * L, L)]
                    e = (plsc.load_gather(t0, [s16])
                         + plsc.load_gather(t1, [d16]))
                    e = jnp.where(e >= 0.0, e, 0.2 * e)
                    w = jnp.exp(e)
                    wb[pl.ds(g * L, L)] = w
                    plsc.addupdate_scatter(den, [d16], w)
                    sb[pl.ds(g * L, L)] = s16 | (d16 << 14)
            base = base_s + t * CH1
            pltpu.async_copy(wb.at[pl.ds(0, CH1)],
                             w_hbm.at[pl.ds(c * E + base, CH1)], wsem)
            if not has_sd:
                pltpu.async_copy(sb.at[pl.ds(0, CH1)],
                                 sd_hbm.at[pl.ds(c * E + base, CH1)], wsem)

        def p1_wdrain(t, sb, wb, wsem):
            base = base_s + t * CH1
            pltpu.make_async_copy(
                wb.at[pl.ds(0, CH1)],
                w_hbm.at[pl.ds(c * E + base, CH1)], wsem).wait()
            if not has_sd:
                pltpu.make_async_copy(
                    sb.at[pl.ds(0, CH1)],
                    sd_hbm.at[pl.ds(c * E + base, CH1)], wsem).wait()

        p1_issue(0, sbuf, dbuf, sem0)

        def p1_pair(t, carry):
            c0 = 2 * t
            p1_drain(c0, sbuf, dbuf, sem0)

            @pl.when(t > 0)
            def _wd1():
                p1_wdrain(c0 - 1, sbuf1, wbuf1, semw1)
            p1_issue(c0 + 1, sbuf1, dbuf1, sem1)
            p1_compute(c0, sbuf, dbuf, wbuf, semw0)
            p1_drain(c0 + 1, sbuf1, dbuf1, sem1)

            @pl.when(t + 1 < nch1 // 2)
            def _issue_next():
                p1_wdrain(c0, sbuf, wbuf, semw0)
                p1_issue(c0 + 2, sbuf, dbuf, sem0)
            p1_compute(c0 + 1, sbuf1, dbuf1, wbuf1, semw1)
            return carry
        lax.fori_loop(0, nch1 // 2, p1_pair, None)
        p1_wdrain(nch1 - 2, sbuf, wbuf, semw0)
        p1_wdrain(nch1 - 1, sbuf1, wbuf1, semw1)
        pltpu.sync_copy(den, denp_hbm.at[pl.ds(wid * N, N)])
        plsc.subcore_barrier()

        accs = (acc0, acc1, acc2, acc3)
        for k, hp in ((0, t0), (2, t1)):
            pltpu.sync_copy(ht_hbm.at[pl.ds(rows[k] * N, N)], h0)
            pltpu.sync_copy(ht_hbm.at[pl.ds(rows[k + 1] * N, N)], h1)

            @plsc.parallel_loop(0, N // L, unroll=8)
            def pk_g(g):
                a = h0[pl.ds(g * L, L)]
                b = h1[pl.ds(g * L, L)]
                packed = plsc.pack(a, b, format=plsc.PackFormat.INTERLEAVED)
                hp[pl.ds(g * L, L)] = plsc.bitcast(packed, jnp.float32)

        bo = half * EH

        def issue(chunk, sb, wb, sem):
            base = bo + chunk * CH
            pltpu.async_copy(sd_hbm.at[pl.ds(c * E + base, CH)], sb, sem)
            pltpu.async_copy(w_hbm.at[pl.ds(c * E + base, CH)], wb, sem)

        def drain(chunk, sb, wb, sem):
            base = bo + chunk * CH
            pltpu.make_async_copy(
                sd_hbm.at[pl.ds(c * E + base, CH)], sb, sem).wait()
            pltpu.make_async_copy(
                w_hbm.at[pl.ds(c * E + base, CH)], wb, sem).wait()

        def compute(sb, wb):
            @plsc.parallel_loop(0, CH // L, unroll=8)
            def p2_g(g):
                sd16 = sb[pl.ds(g * L, L)]
                s16 = sd16 & 0x3FFF
                d16 = sd16 >> 14
                w16 = wb[pl.ds(g * L, L)]
                for k, hp in ((0, t0), (2, t1)):
                    g32 = plsc.load_gather(hp, [s16])
                    ab = plsc.bitcast(g32, jnp.bfloat16)
                    va, vb = plsc.unpack(
                        ab, format=plsc.PackFormat.INTERLEAVED)
                    plsc.addupdate_scatter(accs[k], [d16], va * w16)
                    plsc.addupdate_scatter(accs[k + 1], [d16], vb * w16)

        nch = EH // CH
        issue(0, sbuf, wbuf, sem0)

        def p2_pair(t, carry):
            c0 = 2 * t
            drain(c0, sbuf, wbuf, sem0)
            issue(c0 + 1, sbuf1, wbuf1, sem1)
            compute(sbuf, wbuf)
            drain(c0 + 1, sbuf1, wbuf1, sem1)

            @pl.when(t + 1 < nch // 2)
            def _issue_next():
                issue(c0 + 2, sbuf, wbuf, sem0)
            compute(sbuf1, wbuf1)
            return carry
        lax.fori_loop(0, nch // 2, p2_pair, None)

        pltpu.sync_copy(acc2, accp_hbm.at[pl.ds(rows[2] * N, N)])
        pltpu.sync_copy(acc3, accp_hbm.at[pl.ds(rows[3] * N, N)])
        plsc.subcore_barrier()

        for k in range(2):
            pltpu.sync_copy(accp_hbm.at[pl.ds(rows[k] * N, N)], den)

            @plsc.parallel_loop(0, N // L, unroll=8)
            def red_g(g):
                accs[k][pl.ds(g * L, L)] = (
                    accs[k][pl.ds(g * L, L)] + den[pl.ds(g * L, L)])
            pltpu.sync_copy(accs[k], acc_hbm.at[pl.ds(rows[k] * N, N)])

    if has_sd:
        acc, denp, _, _ = body(ht.reshape(H * N), a_s, a_d, sd)
        return acc, denp, None
    acc, denp, _, _, sd_out = body(ht.reshape(H * N), a_s, a_d, src, dst)
    return acc, denp, sd_out


def _rating_gather(pt, qt, u_idx, m_idx, *, interpret=False):
    H, N = pt.shape
    B = u_idx.shape[0]
    assert B % L == 0

    mesh = plsc.VectorSubcoreMesh(core_axis_name="c", subcore_axis_name="s", num_cores=NC, num_subcores=NS)

    @functools.partial(
        pl.kernel,
        mesh=mesh,
        out_type=jax.ShapeDtypeStruct((NW * B,), jnp.float32),
        scratch_types=[
            pltpu.VMEM((N,), jnp.float32),
            pltpu.VMEM((N,), jnp.float32),
            pltpu.VMEM((N,), jnp.float32),
            pltpu.VMEM((N,), jnp.float32),
            pltpu.VMEM((B,), jnp.int32),
            pltpu.VMEM((B,), jnp.int32),
            pltpu.VMEM((B,), jnp.float32),
            pltpu.SemaphoreType.DMA,
        ],
        compiler_params=pltpu.CompilerParams(use_tc_tiling_on_sc=False, needs_layout_passes=False),
        interpret=interpret,
    )
    def body(pt_hbm, qt_hbm, u_hbm, m_hbm, out_hbm,
             p0, p1, q0, q1, ubuf, mbuf, obuf, sem):
        c = lax.axis_index("c")
        s = lax.axis_index("s")
        wid = c * NS + s
        f0 = wid * 2

        pltpu.async_copy(pt_hbm.at[pl.ds(f0 * N, N)], p0, sem)
        pltpu.async_copy(pt_hbm.at[pl.ds((f0 + 1) * N, N)], p1, sem)
        pltpu.async_copy(qt_hbm.at[pl.ds(f0 * N, N)], q0, sem)
        pltpu.async_copy(qt_hbm.at[pl.ds((f0 + 1) * N, N)], q1, sem)
        pltpu.async_copy(u_hbm, ubuf, sem)
        pltpu.async_copy(m_hbm, mbuf, sem)
        pltpu.make_async_copy(pt_hbm.at[pl.ds(f0 * N, N)], p0, sem).wait()
        pltpu.make_async_copy(pt_hbm.at[pl.ds(f0 * N, N)], p1, sem).wait()
        pltpu.make_async_copy(qt_hbm.at[pl.ds(f0 * N, N)], q0, sem).wait()
        pltpu.make_async_copy(qt_hbm.at[pl.ds(f0 * N, N)], q1, sem).wait()
        pltpu.make_async_copy(u_hbm, ubuf, sem).wait()
        pltpu.make_async_copy(m_hbm, mbuf, sem).wait()

        @plsc.parallel_loop(0, B // L, unroll=8)
        def gbody(g):
            u16 = ubuf[pl.ds(g * L, L)]
            m16 = mbuf[pl.ds(g * L, L)]
            r = (plsc.load_gather(p0, [u16]) + plsc.load_gather(p1, [u16])
                 + plsc.load_gather(q0, [m16]) + plsc.load_gather(q1, [m16]))
            obuf[pl.ds(g * L, L)] = r
        pltpu.sync_copy(obuf, out_hbm.at[pl.ds(wid * B, B)])

    return body(pt.reshape(H * N), qt.reshape(H * N), u_idx, m_idx)


def _tc1_body(x_ref, w1t_ref, a1s_ref, a1d_ref, ht_ref, as_ref, ad_ref):
    ht = lax.dot_general(w1t_ref[...], x_ref[...],
                         (((1,), (1,)), ((), ())),
                         preferred_element_type=jnp.float32,
                         precision=lax.Precision.HIGHEST)
    ht_ref[...] = ht
    as_ref[...] = jnp.dot(a1s_ref[...], ht, preferred_element_type=jnp.float32,
                         precision=lax.Precision.HIGHEST)
    ad_ref[...] = jnp.dot(a1d_ref[...], ht, preferred_element_type=jnp.float32,
                         precision=lax.Precision.HIGHEST)


def _tc1(x, w1t, a1s, a1d):
    N = x.shape[0]
    H = w1t.shape[0]
    return pl.pallas_call(
        _tc1_body,
        out_shape=(
            jax.ShapeDtypeStruct((H, N), jnp.float32),
            jax.ShapeDtypeStruct((1, N), jnp.float32),
            jax.ShapeDtypeStruct((1, N), jnp.float32),
        ),
    )(x, w1t, a1s, a1d)


def _norm_next(accT, denP, ht, as_v, ad_v, b_col, w2t, a2s, a2d):
    def body(acc_ref, den_ref, ht_ref, as_ref, ad_ref, b_ref,
             w2t_ref, a2s_ref, a2d_ref, h2_ref, as2_ref, ad2_ref):
        e = as_ref[...] + ad_ref[...]
        wself = jnp.exp(jnp.where(e >= 0.0, e, 0.2 * e))
        den = jnp.sum(den_ref[...][:NS, :], axis=0, keepdims=True) + wself
        num = acc_ref[...] + wself * ht_ref[...]
        out1 = num / (den + 1e-16) + b_ref[...]
        r = jnp.maximum(out1, 0.0)
        h2 = lax.dot_general(w2t_ref[...], r, (((1,), (0,)), ((), ())),
                             preferred_element_type=jnp.float32,
                         precision=lax.Precision.HIGHEST)
        h2_ref[...] = h2
        as2_ref[...] = jnp.dot(a2s_ref[...], h2,
                               preferred_element_type=jnp.float32,
                         precision=lax.Precision.HIGHEST)
        ad2_ref[...] = jnp.dot(a2d_ref[...], h2,
                               preferred_element_type=jnp.float32,
                         precision=lax.Precision.HIGHEST)

    H, N = ht.shape
    return pl.pallas_call(
        body,
        out_shape=(
            jax.ShapeDtypeStruct((H, N), jnp.float32),
            jax.ShapeDtypeStruct((1, N), jnp.float32),
            jax.ShapeDtypeStruct((1, N), jnp.float32),
        ),
    )(accT, denP, ht, as_v, ad_v, b_col, w2t, a2s, a2d)


def _norm_scale(accT, denP, ht, as_v, ad_v, b_col, fwu, fwm):
    def body(acc_ref, den_ref, ht_ref, as_ref, ad_ref, b_ref,
             fwu_ref, fwm_ref, pt_ref, qt_ref):
        e = as_ref[...] + ad_ref[...]
        wself = jnp.exp(jnp.where(e >= 0.0, e, 0.2 * e))
        den = jnp.sum(den_ref[...][:NS, :], axis=0, keepdims=True) + wself
        num = acc_ref[...] + wself * ht_ref[...]
        out2 = num / (den + 1e-16) + b_ref[...]
        pt_ref[...] = out2 * fwu_ref[...]
        qt_ref[...] = out2 * fwm_ref[...]

    H, N = ht.shape
    return pl.pallas_call(
        body,
        out_shape=(
            jax.ShapeDtypeStruct((H, N), jnp.float32),
            jax.ShapeDtypeStruct((H, N), jnp.float32),
        ),
    )(accT, denP, ht, as_v, ad_v, b_col, fwu, fwm)


def _reduce_partials(partial, fcb):
    def body(p_ref, b_ref, o_ref):
        o_ref[...] = jnp.sum(p_ref[...], axis=0, keepdims=True) + b_ref[...]

    NWp, B = partial.shape
    return pl.pallas_call(
        body,
        out_shape=jax.ShapeDtypeStruct((1, B), jnp.float32),
    )(partial, fcb)


def kernel(x, edge_index, user_indices, movie_indices,
           W1, a1_src, a1_dst, b1, W2, a2_src, a2_dst, b2, fc_W, fc_b):
    N, F_in = x.shape
    H = W1.shape[1]
    E = edge_index.shape[1]
    B = user_indices.shape[0]

    src = edge_index[0]
    dst = edge_index[1]

    h1t, as1, ad1 = _tc1(x, W1.T, a1_src.reshape(1, H), a1_dst.reshape(1, H))
    acc1, denp1, sd1 = _edge_pass(h1t, as1.reshape(N), ad1.reshape(N),
                                  src, dst)
    acc1 = acc1.reshape(H, N)
    denp1 = denp1.reshape(NW, N)

    h2t, as2, ad2 = _norm_next(acc1, denp1, h1t, as1, ad1, b1.reshape(H, 1),
                               W2.T, a2_src.reshape(1, H), a2_dst.reshape(1, H))
    acc2, denp2, _ = _edge_pass(h2t, as2.reshape(N), ad2.reshape(N),
                                src, dst, sd=sd1)
    acc2 = acc2.reshape(H, N)
    denp2 = denp2.reshape(NW, N)

    pt, qt = _norm_scale(acc2, denp2, h2t, as2, ad2, b2.reshape(H, 1),
                         fc_W[:H].reshape(H, 1), fc_W[H:].reshape(H, 1))

    partial = _rating_gather(pt, qt, user_indices, movie_indices)
    out = _reduce_partials(partial.reshape(NW, B), fc_b.reshape(1, 1))
    return out.reshape(B, 1)

# --- scband reference (transcript-rebuilt; emitter-appended) ---
"""Pipeline reference for scband-gatrating-prediction-15315853377884 (READ-ONLY COPY).

The authoritative reference and input builder live on the scoring server;
editing this copy changes nothing except your own understanding.
"""

import jax, jax.numpy as jnp
import numpy as np


def gat_conv(x, edge_index, W, a_src, a_dst, b):
    # PyG-style single-head GATConv with default add_self_loops=True, negative_slope=0.2
    N = x.shape[0]
    loop = jnp.arange(N, dtype=edge_index.dtype)
    src = jnp.concatenate([edge_index[0], loop])
    dst = jnp.concatenate([edge_index[1], loop])
    h = x @ W  # [N, out]
    alpha_s = h @ a_src  # [N]
    alpha_d = h @ a_dst  # [N]
    e = alpha_s[src] + alpha_d[dst]  # [E+N]
    e = jax.nn.leaky_relu(e, 0.2)
    # segment softmax over incoming edges per destination node
    e_max = jax.ops.segment_max(e, dst, num_segments=N)
    ex = jnp.exp(e - e_max[dst])
    denom = jax.ops.segment_sum(ex, dst, num_segments=N)
    alpha = ex / (denom[dst] + 1e-16)
    out = jax.ops.segment_sum(h[src] * alpha[:, None], dst, num_segments=N)
    return out + b


def setup_inputs(seed: int = 0):
    key = jax.random.key(seed)
    ks = jax.random.split(key, 16)
    N, E, F_in, H, B = 10000, 320000, 128, 64, 16384
    x = jax.random.normal(ks[0], (N, F_in), dtype=jnp.float32)
    edge_index = jax.random.randint(ks[1], (2, E), 0, N, dtype=jnp.int32)
    user_indices = jax.random.randint(ks[2], (B,), 0, N, dtype=jnp.int32)
    movie_indices = jax.random.randint(ks[3], (B,), 0, N, dtype=jnp.int32)
    # conv1 params
    W1 = jax.random.normal(ks[4], (F_in, H), dtype=jnp.float32) / np.sqrt(F_in)
    a1_src = jax.random.normal(ks[5], (H,), dtype=jnp.float32) / np.sqrt(H)
    a1_dst = jax.random.normal(ks[6], (H,), dtype=jnp.float32) / np.sqrt(H)
    b1 = jnp.zeros((H,), dtype=jnp.float32)
    # conv2 params
    W2 = jax.random.normal(ks[7], (H, H), dtype=jnp.float32) / np.sqrt(H)
    a2_src = jax.random.normal(ks[8], (H,), dtype=jnp.float32) / np.sqrt(H)
    a2_dst = jax.random.normal(ks[9], (H,), dtype=jnp.float32) / np.sqrt(H)
    b2 = jnp.zeros((H,), dtype=jnp.float32)
    # fc params (hidden_dim*2 -> 1)
    fc_W = jax.random.normal(ks[10], (2 * H, 1), dtype=jnp.float32) / np.sqrt(2 * H)
    fc_b = jnp.zeros((1,), dtype=jnp.float32)
    return {
        "x": x, "edge_index": edge_index,
        "user_indices": user_indices, "movie_indices": movie_indices,
        "W1": W1, "a1_src": a1_src, "a1_dst": a1_dst, "b1": b1,
        "W2": W2, "a2_src": a2_src, "a2_dst": a2_dst, "b2": b2,
        "fc_W": fc_W, "fc_b": fc_b,
    }


def reference(x, edge_index, user_indices, movie_indices,
              W1, a1_src, a1_dst, b1, W2, a2_src, a2_dst, b2, fc_W, fc_b):
    h = gat_conv(x, edge_index, W1, a1_src, a1_dst, b1)
    h = jax.nn.relu(h)
    h = gat_conv(h, edge_index, W2, a2_src, a2_dst, b2)
    user_emb = h[user_indices]
    movie_emb = h[movie_indices]
    combined = jnp.concatenate([user_emb, movie_emb], axis=1)
    ratings_pred = combined @ fc_W + fc_b
    return ratings_pred

if __name__ == "__main__":
    import jax
    _d = setup_inputs()
    print(jax.jit(kernel)(*tuple(_d.values())))

</pallas_src>

<mosaic_0001>
#map = affine_map<(d0, d1) -> (0)>
module attributes {stable_mosaic.version = 14 : i64} {
  func.func @body(%arg0: i32, %arg1: i32, %arg2: memref<640000xf32, #tpu.memory_space<hbm>>, %arg3: memref<640000xf32, #tpu.memory_space<hbm>>, %arg4: memref<16384xi32, #tpu.memory_space<hbm>>, %arg5: memref<16384xi32, #tpu.memory_space<hbm>>, %arg6: memref<524288xf32, #tpu.memory_space<hbm>>, %arg7: memref<10000xf32, #tpu.memory_space<vmem>>, %arg8: memref<10000xf32, #tpu.memory_space<vmem>>, %arg9: memref<10000xf32, #tpu.memory_space<vmem>>, %arg10: memref<10000xf32, #tpu.memory_space<vmem>>, %arg11: memref<16384xi32, #tpu.memory_space<vmem>>, %arg12: memref<16384xi32, #tpu.memory_space<vmem>>, %arg13: memref<16384xf32, #tpu.memory_space<vmem>>, %arg14: memref<!tpu.dma_semaphore, #tpu.memory_space<semaphore_mem>>) attributes {dimension_semantics = [#tpu.dimension_semantics<core_parallel>, #tpu.dimension_semantics<subcore_parallel>], iteration_bounds = array<i64: 2, 16>, scalar_prefetch = 0 : i64, scratch_operands = 8 : i64, tpu.core_type = #tpu.core_type<sc_vector_subcore>, window_params = [{transform_indices = #map}, {transform_indices = #map}, {transform_indices = #map}, {transform_indices = #map}, {transform_indices = #map}]} {
    %mul3A = arith.constant 16 : i32
    %mul3A_0 = arith.muli %arg0, %mul3A : i32
    %add3A = arith.addi %mul3A_0, %arg1 : i32
    %mul3A_1 = arith.constant 2 : i32
    %mul3A_2 = arith.muli %add3A, %mul3A_1 : i32
    %mul3A_3 = arith.constant 10000 : i32
    %mul3A_4 = arith.muli %mul3A_2, %mul3A_3 : i32
    %dma_start3A = tpu.memref_slice %arg2[%mul3A_4] : memref<640000xf32, #tpu.memory_space<hbm>> -> memref<10000xf32, #tpu.memory_space<hbm>>
    %dma_start3A_5 = tpu.memref_slice %arg2[%mul3A_4] : memref<640000xf32, #tpu.memory_space<hbm>> -> memref<10000xf32, #tpu.memory_space<hbm>>
    tpu.enqueue_dma source(%dma_start3A_5 : memref<10000xf32, #tpu.memory_space<hbm>>) target(%arg7 : memref<10000xf32, #tpu.memory_space<vmem>>) target_semaphore(%arg14 : memref<!tpu.dma_semaphore, #tpu.memory_space<semaphore_mem>>)
    %add3A_6 = arith.constant 1 : i32
    %add3A_7 = arith.addi %mul3A_2, %add3A_6 : i32
    %mul3A_8 = arith.constant 10000 : i32
    %mul3A_9 = arith.muli %add3A_7, %mul3A_8 : i32
    %dma_start3A_10 = tpu.memref_slice %arg2[%mul3A_9] : memref<640000xf32, #tpu.memory_space<hbm>> -> memref<10000xf32, #tpu.memory_space<hbm>>
    %dma_start3A_11 = tpu.memref_slice %arg2[%mul3A_9] : memref<640000xf32, #tpu.memory_space<hbm>> -> memref<10000xf32, #tpu.memory_space<hbm>>
    tpu.enqueue_dma source(%dma_start3A_11 : memref<10000xf32, #tpu.memory_space<hbm>>) target(%arg8 : memref<10000xf32, #tpu.memory_space<vmem>>) target_semaphore(%arg14 : memref<!tpu.dma_semaphore, #tpu.memory_space<semaphore_mem>>)
    %mul3A_12 = arith.constant 10000 : i32
    %mul3A_13 = arith.muli %mul3A_2, %mul3A_12 : i32
    %dma_start3A_14 = tpu.memref_slice %arg3[%mul3A_13] : memref<640000xf32, #tpu.memory_space<hbm>> -> memref<10000xf32, #tpu.memory_space<hbm>>
    %dma_start3A_15 = tpu.memref_slice %arg3[%mul3A_13] : memref<640000xf32, #tpu.memory_space<hbm>> -> memref<10000xf32, #tpu.memory_space<hbm>>
    tpu.enqueue_dma source(%dma_start3A_15 : memref<10000xf32, #tpu.memory_space<hbm>>) target(%arg9 : memref<10000xf32, #tpu.memory_space<vmem>>) target_semaphore(%arg14 : memref<!tpu.dma_semaphore, #tpu.memory_space<semaphore_mem>>)
    %add3A_16 = arith.constant 1 : i32
    %add3A_17 = arith.addi %mul3A_2, %add3A_16 : i32
    %mul3A_18 = arith.constant 10000 : i32
    %mul3A_19 = arith.muli %add3A_17, %mul3A_18 : i32
    %dma_start3A_20 = tpu.memref_slice %arg3[%mul3A_19] : memref<640000xf32, #tpu.memory_space<hbm>> -> memref<10000xf32, #tpu.memory_space<hbm>>
    %dma_start3A_21 = tpu.memref_slice %arg3[%mul3A_19] : memref<640000xf32, #tpu.memory_space<hbm>> -> memref<10000xf32, #tpu.memory_space<hbm>>
    tpu.enqueue_dma source(%dma_start3A_21 : memref<10000xf32, #tpu.memory_space<hbm>>) target(%arg10 : memref<10000xf32, #tpu.memory_space<vmem>>) target_semaphore(%arg14 : memref<!tpu.dma_semaphore, #tpu.memory_space<semaphore_mem>>)
    tpu.enqueue_dma source(%arg4 : memref<16384xi32, #tpu.memory_space<hbm>>) target(%arg11 : memref<16384xi32, #tpu.memory_space<vmem>>) target_semaphore(%arg14 : memref<!tpu.dma_semaphore, #tpu.memory_space<semaphore_mem>>)
    tpu.enqueue_dma source(%arg5 : memref<16384xi32, #tpu.memory_space<hbm>>) target(%arg12 : memref<16384xi32, #tpu.memory_space<vmem>>) target_semaphore(%arg14 : memref<!tpu.dma_semaphore, #tpu.memory_space<semaphore_mem>>)
    %mul3A_22 = arith.constant 10000 : i32
    %mul3A_23 = arith.muli %mul3A_2, %mul3A_22 : i32
    %dma_wait3A = tpu.memref_slice %arg2[%mul3A_23] : memref<640000xf32, #tpu.memory_space<hbm>> -> memref<10000xf32, #tpu.memory_space<hbm>>
    %dma_wait3A_24 = tpu.memref_slice %arg2[%mul3A_23] : memref<640000xf32, #tpu.memory_space<hbm>> -> memref<10000xf32, #tpu.memory_space<hbm>>
    tpu.wait_dma2 semaphore(%arg14 : memref<!tpu.dma_semaphore, #tpu.memory_space<semaphore_mem>>) src(%dma_wait3A_24 : memref<10000xf32, #tpu.memory_space<hbm>>) dst(%arg7 : memref<10000xf32, #tpu.memory_space<vmem>>)
    %mul3A_25 = arith.constant 10000 : i32
    %mul3A_26 = arith.muli %mul3A_2, %mul3A_25 : i32
    %dma_wait3A_27 = tpu.memref_slice %arg2[%mul3A_26] : memref<640000xf32, #tpu.memory_space<hbm>> -> memref<10000xf32, #tpu.memory_space<hbm>>
    %dma_wait3A_28 = tpu.memref_slice %arg2[%mul3A_26] : memref<640000xf32, #tpu.memory_space<hbm>> -> memref<10000xf32, #tpu.memory_space<hbm>>
    tpu.wait_dma2 semaphore(%arg14 : memref<!tpu.dma_semaphore, #tpu.memory_space<semaphore_mem>>) src(%dma_wait3A_28 : memref<10000xf32, #tpu.memory_space<hbm>>) dst(%arg8 : memref<10000xf32, #tpu.memory_space<vmem>>)
    %mul3A_29 = arith.constant 10000 : i32
    %mul3A_30 = arith.muli %mul3A_2, %mul3A_29 : i32
    %dma_wait3A_31 = tpu.memref_slice %arg3[%mul3A_30] : memref<640000xf32, #tpu.memory_space<hbm>> -> memref<10000xf32, #tpu.memory_space<hbm>>
    %dma_wait3A_32 = tpu.memref_slice %arg3[%mul3A_30] : memref<640000xf32, #tpu.memory_space<hbm>> -> memref<10000xf32, #tpu.memory_space<hbm>>
    tpu.wait_dma2 semaphore(%arg14 : memref<!tpu.dma_semaphore, #tpu.memory_space<semaphore_mem>>) src(%dma_wait3A_32 : memref<10000xf32, #tpu.memory_space<hbm>>) dst(%arg9 : memref<10000xf32, #tpu.memory_space<vmem>>)
    %mul3A_33 = arith.constant 10000 : i32
    %mul3A_34 = arith.muli %mul3A_2, %mul3A_33 : i32
    %dma_wait3A_35 = tpu.memref_slice %arg3[%mul3A_34] : memref<640000xf32, #tpu.memory_space<hbm>> -> memref<10000xf32, #tpu.memory_space<hbm>>
    %dma_wait3A_36 = tpu.memref_slice %arg3[%mul3A_34] : memref<640000xf32, #tpu.memory_space<hbm>> -> memref<10000xf32, #tpu.memory_space<hbm>>
    tpu.wait_dma2 semaphore(%arg14 : memref<!tpu.dma_semaphore, #tpu.memory_space<semaphore_mem>>) src(%dma_wait3A_36 : memref<10000xf32, #tpu.memory_space<hbm>>) dst(%arg10 : memref<10000xf32, #tpu.memory_space<vmem>>)
    tpu.wait_dma2 semaphore(%arg14 : memref<!tpu.dma_semaphore, #tpu.memory_space<semaphore_mem>>) src(%arg4 : memref<16384xi32, #tpu.memory_space<hbm>>) dst(%arg11 : memref<16384xi32, #tpu.memory_space<vmem>>)
    tpu.wait_dma2 semaphore(%arg14 : memref<!tpu.dma_semaphore, #tpu.memory_space<semaphore_mem>>) src(%arg5 : memref<16384xi32, #tpu.memory_space<hbm>>) dst(%arg12 : memref<16384xi32, #tpu.memory_space<vmem>>)
    %parallel_loop3A = arith.constant 0 : i32
    %parallel_loop3A_37 = arith.constant 1024 : i32
    %parallel_loop3A_38 = arith.constant 1 : i32
    scf.for %parallel_loop3A_41 = %parallel_loop3A to %parallel_loop3A_37 step %parallel_loop3A_38  : i32 {
      %parallel_loop3A_42 = arith.constant 16 : i32
      %parallel_loop3A_43 = arith.muli %parallel_loop3A_41, %parallel_loop3A_42 : i32
      %parallel_loop3A_44 = arith.index_cast %parallel_loop3A_43 : i32 to index
      %parallel_loop3A_45 = tpu.vector_load %arg11[%parallel_loop3A_44] {strides = array<i32>} : memref<16384xi32, #tpu.memory_space<vmem>>, vector<16xi32>,
      %parallel_loop3A_46 = arith.constant 16 : i32
      %parallel_loop3A_47 = arith.muli %parallel_loop3A_41, %parallel_loop3A_46 : i32
      %parallel_loop3A_48 = arith.index_cast %parallel_loop3A_47 : i32 to index
      %parallel_loop3A_49 = tpu.vector_load %arg12[%parallel_loop3A_48] {strides = array<i32>} : memref<16384xi32, #tpu.memory_space<vmem>>, vector<16xi32>,
      %parallel_loop3A_50 = tpu.vector_load_idx %arg7[%parallel_loop3A_45] : memref<10000xf32, #tpu.memory_space<vmem>>[vector<16xi32>], vector<16xf32>,
      %parallel_loop3A_51 = tpu.vector_load_idx %arg8[%parallel_loop3A_45] : memref<10000xf32, #tpu.memory_space<vmem>>[vector<16xi32>], vector<16xf32>,
      %parallel_loop3A_52 = arith.addf %parallel_loop3A_50, %parallel_loop3A_51 : vector<16xf32>
      %parallel_loop3A_53 = tpu.vector_load_idx %arg9[%parallel_loop3A_49] : memref<10000xf32, #tpu.memory_space<vmem>>[vector<16xi32>], vector<16xf32>,
      %parallel_loop3A_54 = arith.addf %parallel_loop3A_52, %parallel_loop3A_53 : vector<16xf32>
      %parallel_loop3A_55 = tpu.vector_load_idx %arg10[%parallel_loop3A_49] : memref<10000xf32, #tpu.memory_space<vmem>>[vector<16xi32>], vector<16xf32>,
      %parallel_loop3A_56 = arith.addf %parallel_loop3A_54, %parallel_loop3A_55 : vector<16xf32>
      %parallel_loop3A_57 = arith.constant 16 : i32
      %parallel_loop3A_58 = arith.muli %parallel_loop3A_41, %parallel_loop3A_57 : i32
      %parallel_loop3A_59 = arith.index_cast %parallel_loop3A_58 : i32 to index
      %parallel_loop3A_60 = tpu.vector_load %arg13[%parallel_loop3A_59] {strides = array<i32>} : memref<16384xf32, #tpu.memory_space<vmem>>, vector<16xf32>,
      tpu.vector_store %arg13[%parallel_loop3A_59], %parallel_loop3A_56 {strides = array<i32>} : memref<16384xf32, #tpu.memory_space<vmem>>, vector<16xf32>,
    } {sc.loop_unroll_factor = 8 : i64, sc.parallel_access}
    %mul3A_39 = arith.constant 16384 : i32
    %mul3A_40 = arith.muli %add3A, %mul3A_39 : i32
    "tpu.region"() ({
      %run_scoped3A = tpu.sem_alloc : memref<!tpu.dma_semaphore, #tpu.memory_space<semaphore_mem>>
      %dma_start3A_41 = tpu.memref_slice %arg6[%mul3A_40] : memref<524288xf32, #tpu.memory_space<hbm>> -> memref<16384xf32, #tpu.memory_space<hbm>>
      %dma_start3A_42 = tpu.memref_slice %arg6[%mul3A_40] : memref<524288xf32, #tpu.memory_space<hbm>> -> memref<16384xf32, #tpu.memory_space<hbm>>
      tpu.enqueue_dma source(%arg13 : memref<16384xf32, #tpu.memory_space<vmem>>) target(%dma_start3A_42 : memref<16384xf32, #tpu.memory_space<hbm>>) target_semaphore(%run_scoped3A : memref<!tpu.dma_semaphore, #tpu.memory_space<semaphore_mem>>)
      %dma_wait3A_43 = tpu.memref_slice %arg6[%mul3A_40] : memref<524288xf32, #tpu.memory_space<hbm>> -> memref<16384xf32, #tpu.memory_space<hbm>>
      %dma_wait3A_44 = tpu.memref_slice %arg6[%mul3A_40] : memref<524288xf32, #tpu.memory_space<hbm>> -> memref<16384xf32, #tpu.memory_space<hbm>>
      tpu.wait_dma2 semaphore(%run_scoped3A : memref<!tpu.dma_semaphore, #tpu.memory_space<semaphore_mem>>) src(%arg13 : memref<16384xf32, #tpu.memory_space<vmem>>) dst(%dma_wait3A_44 : memref<16384xf32, #tpu.memory_space<hbm>>)
      tpu.yield
    }) : () -> ()
    return
  }
}

#map = affine_map<(d0, d1) -> (0)>
module attributes {stable_mosaic.version = 14 : i64} {
  func.func @body(%arg0: i32, %arg1: i32, %arg2: memref<640000xf32, #tpu.memory_space<hbm>>, %arg3: memref<10000xf32, #tpu.memory_space<hbm>>, %arg4: memref<10000xf32, #tpu.memory_space<hbm>>, %arg5: memref<320000xi32, #tpu.memory_space<hbm>>, %arg6: memref<320000xi32, #tpu.memory_space<hbm>>, %arg7: memref<640000xf32, #tpu.memory_space<hbm>>, %arg8: memref<320000xf32, #tpu.memory_space<hbm>>, %arg9: memref<640000xf32, #tpu.memory_space<hbm>>, %arg10: memref<640000xf32, #tpu.memory_space<hbm>>, %arg11: memref<640000xi32, #tpu.memory_space<hbm>>, %arg12: memref<10000xf32, #tpu.memory_space<vmem>>, %arg13: memref<10000xf32, #tpu.memory_space<vmem>>, %arg14: memref<10000xf32, #tpu.memory_space<vmem>>, %arg15: memref<10000xf32, #tpu.memory_space<vmem>>, %arg16: memref<10000xf32, #tpu.memory_space<vmem>>, %arg17: memref<10000xf32, #tpu.memory_space<vmem>>, %arg18: memref<10000xf32, #tpu.memory_space<vmem>>, %arg19: memref<10000xf32, #tpu.memory_space<vmem>>, %arg20: memref<10000xf32, #tpu.memory_space<vmem>>, %arg21: memref<8000xi32, #tpu.memory_space<vmem>>, %arg22: memref<2000xi32, #tpu.memory_space<vmem>>, %arg23: memref<8000xf32, #tpu.memory_space<vmem>>, %arg24: memref<8000xi32, #tpu.memory_space<vmem>>, %arg25: memref<2000xi32, #tpu.memory_space<vmem>>, %arg26: memref<8000xf32, #tpu.memory_space<vmem>>, %arg27: memref<!tpu.dma_semaphore, #tpu.memory_space<semaphore_mem>>, %arg28: memref<!tpu.dma_semaphore, #tpu.memory_space<semaphore_mem>>, %arg29: memref<!tpu.dma_semaphore, #tpu.memory_space<semaphore_mem>>, %arg30: memref<!tpu.dma_semaphore, #tpu.memory_space<semaphore_mem>>) attributes {dimension_semantics = [#tpu.dimension_semantics<core_parallel>, #tpu.dimension_semantics<subcore_parallel>], iteration_bounds = array<i64: 2, 16>, scalar_prefetch = 0 : i64, scratch_operands = 19 : i64, tpu.core_type = #tpu.core_type<sc_vector_subcore>, window_params = [{transform_indices = #map}, {transform_indices = #map}, {transform_indices = #map}, {transform_indices = #map}, {transform_indices = #map}, {transform_indices = #map}, {transform_indices = #map}, {transform_indices = #map}, {transform_indices = #map}, {transform_indices = #map}]} {
    %mul3A = arith.constant 16 : i32
    %mul3A_0 = arith.muli %arg0, %mul3A : i32
    %add3A = arith.addi %mul3A_0, %arg1 : i32
    %jit3A = arith.constant 2 : i32
    %eq3A = arith.constant 0 : i32
    %eq3A_1 = arith.cmpi eq, %jit3A, %eq3A : i32
    %jit3A_2 = arith.constant 1 : i32
    %select_n3A = arith.select %eq3A_1, %jit3A_2, %jit3A : i32
    %rem3A = arith.remsi %arg1, %select_n3A : i32
    %ne3A = arith.constant 0 : i32
    %ne3A_3 = arith.cmpi ne, %rem3A, %ne3A : i32
    %lt3A = arith.constant 0 : i32
    %lt3A_4 = arith.cmpi slt, %rem3A, %lt3A : i32
    %lt3A_5 = arith.constant 0 : i32
    %lt3A_6 = arith.cmpi slt, %select_n3A, %lt3A_5 : i32
    %ne3A_7 = arith.xori %lt3A_4, %lt3A_6 : i1
    %and3A = arith.andi %ne3A_7, %ne3A_3 : i1
    %add3A_8 = arith.addi %rem3A, %select_n3A : i32
    %select_n3A_9 = arith.select %and3A, %add3A_8, %rem3A : i32
    %mul3A_10 = arith.constant 8 : i32
    %mul3A_11 = arith.muli %arg0, %mul3A_10 : i32
    %jit3A_12 = arith.constant 2 : i32
    %div3A = arith.divsi %arg1, %jit3A_12 : i32
    %sign3A = arith.constant 0 : i32
    %sign3A_13 = arith.cmpi sgt, %arg1, %sign3A : i32
    %sign3A_14 = arith.extui %sign3A_13 : i1 to i32
    %sign3A_15 = arith.constant 0 : i32
    %sign3A_16 = arith.cmpi slt, %arg1, %sign3A_15 : i32
    %sign3A_17 = arith.extui %sign3A_16 : i1 to i32
    %sign3A_18 = arith.subi %sign3A_14, %sign3A_17 : i32
    %sign3A_19 = arith.constant 0 : i32
    %sign3A_20 = arith.cmpi sgt, %jit3A_12, %sign3A_19 : i32
    %sign3A_21 = arith.extui %sign3A_20 : i1 to i32
    %sign3A_22 = arith.constant 0 : i32
    %sign3A_23 = arith.cmpi slt, %jit3A_12, %sign3A_22 : i32
    %sign3A_24 = arith.extui %sign3A_23 : i1 to i32
    %sign3A_25 = arith.subi %sign3A_21, %sign3A_24 : i32
    %ne3A_26 = arith.cmpi ne, %sign3A_18, %sign3A_25 : i32
    %rem3A_27 = arith.remsi %arg1, %jit3A_12 : i32
    %ne3A_28 = arith.constant 0 : i32
    %ne3A_29 = arith.cmpi ne, %rem3A_27, %ne3A_28 : i32
    %and3A_30 = arith.andi %ne3A_26, %ne3A_29 : i1
    %sub3A = arith.constant 1 : i32
    %sub3A_31 = arith.subi %div3A, %sub3A : i32
    %select_n3A_32 = arith.select %and3A_30, %sub3A_31, %div3A : i32
    %add3A_33 = arith.addi %mul3A_11, %select_n3A_32 : i32
    %mul3A_34 = arith.constant 4 : i32
    %mul3A_35 = arith.muli %add3A_33, %mul3A_34 : i32
    %mul3A_36 = arith.constant 2 : i32
    %mul3A_37 = arith.muli %mul3A_36, %select_n3A_9 : i32
    %add3A_38 = arith.constant 0 : i32
    %add3A_39 = arith.addi %add3A_38, %mul3A_37 : i32
    %jit3A_40 = arith.constant 4 : i32
    %eq3A_41 = arith.constant 0 : i32
    %eq3A_42 = arith.cmpi eq, %jit3A_40, %eq3A_41 : i32
    %jit3A_43 = arith.constant 1 : i32
    %select_n3A_44 = arith.select %eq3A_42, %jit3A_43, %jit3A_40 : i32
    %rem3A_45 = arith.remsi %add3A_39, %select_n3A_44 : i32
    %ne3A_46 = arith.constant 0 : i32
    %ne3A_47 = arith.cmpi ne, %rem3A_45, %ne3A_46 : i32
    %lt3A_48 = arith.constant 0 : i32
    %lt3A_49 = arith.cmpi slt, %rem3A_45, %lt3A_48 : i32
    %lt3A_50 = arith.constant 0 : i32
    %lt3A_51 = arith.cmpi slt, %select_n3A_44, %lt3A_50 : i32
    %ne3A_52 = arith.xori %lt3A_49, %lt3A_51 : i1
    %and3A_53 = arith.andi %ne3A_52, %ne3A_47 : i1
    %add3A_54 = arith.addi %rem3A_45, %select_n3A_44 : i32
    %select_n3A_55 = arith.select %and3A_53, %add3A_54, %rem3A_45 : i32
    %add3A_56 = arith.addi %mul3A_35, %select_n3A_55 : i32
    %mul3A_57 = arith.constant 2 : i32
    %mul3A_58 = arith.muli %mul3A_57, %select_n3A_9 : i32
    %add3A_59 = arith.constant 1 : i32
    %add3A_60 = arith.addi %add3A_59, %mul3A_58 : i32
    %jit3A_61 = arith.constant 4 : i32
    %eq3A_62 = arith.constant 0 : i32
    %eq3A_63 = arith.cmpi eq, %jit3A_61, %eq3A_62 : i32
    %jit3A_64 = arith.constant 1 : i32
    %select_n3A_65 = arith.select %eq3A_63, %jit3A_64, %jit3A_61 : i32
    %rem3A_66 = arith.remsi %add3A_60, %select_n3A_65 : i32
    %ne3A_67 = arith.constant 0 : i32
    %ne3A_68 = arith.cmpi ne, %rem3A_66, %ne3A_67 : i32
    %lt3A_69 = arith.constant 0 : i32
    %lt3A_70 = arith.cmpi slt, %rem3A_66, %lt3A_69 : i32
    %lt3A_71 = arith.constant 0 : i32
    %lt3A_72 = arith.cmpi slt, %select_n3A_65, %lt3A_71 : i32
    %ne3A_73 = arith.xori %lt3A_70, %lt3A_72 : i1
    %and3A_74 = arith.andi %ne3A_73, %ne3A_68 : i1
    %add3A_75 = arith.addi %rem3A_66, %select_n3A_65 : i32
    %select_n3A_76 = arith.select %and3A_74, %add3A_75, %rem3A_66 : i32
    %add3A_77 = arith.addi %mul3A_35, %select_n3A_76 : i32
    %mul3A_78 = arith.constant 2 : i32
    %mul3A_79 = arith.muli %mul3A_78, %select_n3A_9 : i32
    %add3A_80 = arith.constant 2 : i32
    %add3A_81 = arith.addi %add3A_80, %mul3A_79 : i32
    %jit3A_82 = arith.constant 4 : i32
    %eq3A_83 = arith.constant 0 : i32
    %eq3A_84 = arith.cmpi eq, %jit3A_82, %eq3A_83 : i32
    %jit3A_85 = arith.constant 1 : i32
    %select_n3A_86 = arith.select %eq3A_84, %jit3A_85, %jit3A_82 : i32
    %rem3A_87 = arith.remsi %add3A_81, %select_n3A_86 : i32
    %ne3A_88 = arith.constant 0 : i32
    %ne3A_89 = arith.cmpi ne, %rem3A_87, %ne3A_88 : i32
    %lt3A_90 = arith.constant 0 : i32
    %lt3A_91 = arith.cmpi slt, %rem3A_87, %lt3A_90 : i32
    %lt3A_92 = arith.constant 0 : i32
    %lt3A_93 = arith.cmpi slt, %select_n3A_86, %lt3A_92 : i32
    %ne3A_94 = arith.xori %lt3A_91, %lt3A_93 : i1
    %and3A_95 = arith.andi %ne3A_94, %ne3A_89 : i1
    %add3A_96 = arith.addi %rem3A_87, %select_n3A_86 : i32
    %select_n3A_97 = arith.select %and3A_95, %add3A_96, %rem3A_87 : i32
    %add3A_98 = arith.addi %mul3A_35, %select_n3A_97 : i32
    %mul3A_99 = arith.constant 2 : i32
    %mul3A_100 = arith.muli %mul3A_99, %select_n3A_9 : i32
    %add3A_101 = arith.constant 3 : i32
    %add3A_102 = arith.addi %add3A_101, %mul3A_100 : i32
    %jit3A_103 = arith.constant 4 : i32
    %eq3A_104 = arith.constant 0 : i32
    %eq3A_105 = arith.cmpi eq, %jit3A_103, %eq3A_104 : i32
    %jit3A_106 = arith.constant 1 : i32
    %select_n3A_107 = arith.select %eq3A_105, %jit3A_106, %jit3A_103 : i32
    %rem3A_108 = arith.remsi %add3A_102, %select_n3A_107 : i32
    %ne3A_109 = arith.constant 0 : i32
    %ne3A_110 = arith.cmpi ne, %rem3A_108, %ne3A_109 : i32
    %lt3A_111 = arith.constant 0 : i32
    %lt3A_112 = arith.cmpi slt, %rem3A_108, %lt3A_111 : i32
    %lt3A_113 = arith.constant 0 : i32
    %lt3A_114 = arith.cmpi slt, %select_n3A_107, %lt3A_113 : i32
    %ne3A_115 = arith.xori %lt3A_112, %lt3A_114 : i1
    %and3A_116 = arith.andi %ne3A_115, %ne3A_110 : i1
    %add3A_117 = arith.addi %rem3A_108, %select_n3A_107 : i32
    %select_n3A_118 = arith.select %and3A_116, %add3A_117, %rem3A_108 : i32
    %add3A_119 = arith.addi %mul3A_35, %select_n3A_118 : i32
    "tpu.region"() ({
      %run_scoped3A = tpu.sem_alloc : memref<!tpu.dma_semaphore, #tpu.memory_space<semaphore_mem>>
      tpu.enqueue_dma source(%arg3 : memref<10000xf32, #tpu.memory_space<hbm>>) target(%arg14 : memref<10000xf32, #tpu.memory_space<vmem>>) target_semaphore(%run_scoped3A : memref<!tpu.dma_semaphore, #tpu.memory_space<semaphore_mem>>)
      tpu.wait_dma2 semaphore(%run_scoped3A : memref<!tpu.dma_semaphore, #tpu.memory_space<semaphore_mem>>) src(%arg3 : memref<10000xf32, #tpu.memory_space<hbm>>) dst(%arg14 : memref<10000xf32, #tpu.memory_space<vmem>>)
      tpu.yield
    }) : () -> ()
    "tpu.region"() ({
      %run_scoped3A = tpu.sem_alloc : memref<!tpu.dma_semaphore, #tpu.memory_space<semaphore_mem>>
      tpu.enqueue_dma source(%arg4 : memref<10000xf32, #tpu.memory_space<hbm>>) target(%arg15 : memref<10000xf32, #tpu.memory_space<vmem>>) target_semaphore(%run_scoped3A : memref<!tpu.dma_semaphore, #tpu.memory_space<semaphore_mem>>)
      tpu.wait_dma2 semaphore(%run_scoped3A : memref<!tpu.dma_semaphore, #tpu.memory_space<semaphore_mem>>) src(%arg4 : memref<10000xf32, #tpu.memory_space<hbm>>) dst(%arg15 : memref<10000xf32, #tpu.memory_space<vmem>>)
      tpu.yield
    }) : () -> ()
    %broadcast_in_dim3A = arith.constant 0.000000e+00 : f32
    %broadcast_in_dim3A_120 = vector.broadcast %broadcast_in_dim3A : f32 to vector<16xf32>
    %scan3A = arith.constant 0 : i32
    %scan3A_121 = arith.constant 625 : i32
    %scan3A_122 = arith.addi %scan3A, %scan3A_121 : i32
    %scan3A_123 = arith.constant 1 : i32
    scf.for %scan3A_233 = %scan3A to %scan3A_122 step %scan3A_123  : i32 {
      %mul3A_234 = arith.constant 16 : i32
      %mul3A_235 = arith.muli %scan3A_233, %mul3A_234 : i32
      %swap3A = arith.index_cast %mul3A_235 : i32 to index
      %swap3A_236 = tpu.vector_load %arg16[%swap3A] {strides = array<i32>} : memref<10000xf32, #tpu.memory_space<vmem>>, vector<16xf32>,
      tpu.vector_store %arg16[%swap3A], %broadcast_in_dim3A_120 {strides = array<i32>} : memref<10000xf32, #tpu.memory_space<vmem>>, vector<16xf32>,
      %mul3A_237 = arith.constant 16 : i32
      %mul3A_238 = arith.muli %scan3A_233, %mul3A_237 : i32
      %swap3A_239 = arith.index_cast %mul3A_238 : i32 to index
      %swap3A_240 = tpu.vector_load %arg17[%swap3A_239] {strides = array<i32>} : memref<10000xf32, #tpu.memory_space<vmem>>, vector<16xf32>,
      tpu.vector_store %arg17[%swap3A_239], %broadcast_in_dim3A_120 {strides = array<i32>} : memref<10000xf32, #tpu.memory_space<vmem>>, vector<16xf32>,
      %mul3A_241 = arith.constant 16 : i32
      %mul3A_242 = arith.muli %scan3A_233, %mul3A_241 : i32
      %swap3A_243 = arith.index_cast %mul3A_242 : i32 to index
      %swap3A_244 = tpu.vector_load %arg18[%swap3A_243] {strides = array<i32>} : memref<10000xf32, #tpu.memory_space<vmem>>, vector<16xf32>,
      tpu.vector_store %arg18[%swap3A_243], %broadcast_in_dim3A_120 {strides = array<i32>} : memref<10000xf32, #tpu.memory_space<vmem>>, vector<16xf32>,
      %mul3A_245 = arith.constant 16 : i32
      %mul3A_246 = arith.muli %scan3A_233, %mul3A_245 : i32
      %swap3A_247 = arith.index_cast %mul3A_246 : i32 to index
      %swap3A_248 = tpu.vector_load %arg19[%swap3A_247] {strides = array<i32>} : memref<10000xf32, #tpu.memory_space<vmem>>, vector<16xf32>,
      tpu.vector_store %arg19[%swap3A_247], %broadcast_in_dim3A_120 {strides = array<i32>} : memref<10000xf32, #tpu.memory_space<vmem>>, vector<16xf32>,
      %mul3A_249 = arith.constant 16 : i32
      %mul3A_250 = arith.muli %scan3A_233, %mul3A_249 : i32
      %swap3A_251 = arith.index_cast %mul3A_250 : i32 to index
      %swap3A_252 = tpu.vector_load %arg20[%swap3A_251] {strides = array<i32>} : memref<10000xf32, #tpu.memory_space<vmem>>, vector<16xf32>,
      tpu.vector_store %arg20[%swap3A_251], %broadcast_in_dim3A_120 {strides = array<i32>} : memref<10000xf32, #tpu.memory_space<vmem>>, vector<16xf32>,
    }
    %scan3A_124 = arith.constant 625 : i32
    %mul3A_125 = arith.constant 20000 : i32
    %mul3A_126 = arith.muli %arg1, %mul3A_125 : i32
    %add3A_127 = arith.constant 0 : i32
    %add3A_128 = arith.addi %mul3A_126, %add3A_127 : i32
    %dma_start3A = arith.constant 0 : i32
    %dma_start3A_129 = tpu.memref_slice %arg21[%dma_start3A] : memref<8000xi32, #tpu.memory_space<vmem>> -> memref<2000xi32, #tpu.memory_space<vmem>>
    %dma_start3A_130 = tpu.memref_slice %arg5[%add3A_128] : memref<320000xi32, #tpu.memory_space<hbm>> -> memref<2000xi32, #tpu.memory_space<hbm>>
    %dma_start3A_131 = arith.constant 0 : i32
    %dma_start3A_132 = tpu.memref_slice %arg21[%dma_start3A_131] : memref<8000xi32, #tpu.memory_space<vmem>> -> memref<2000xi32, #tpu.memory_space<vmem>>
    %dma_start3A_133 = tpu.memref_slice %arg5[%add3A_128] : memref<320000xi32, #tpu.memory_space<hbm>> -> memref<2000xi32, #tpu.memory_space<hbm>>
    tpu.enqueue_dma source(%dma_start3A_133 : memref<2000xi32, #tpu.memory_space<hbm>>) target(%dma_start3A_132 : memref<2000xi32, #tpu.memory_space<vmem>>) target_semaphore(%arg27 : memref<!tpu.dma_semaphore, #tpu.memory_space<semaphore_mem>>)
    %dma_start3A_134 = tpu.memref_slice %arg6[%add3A_128] : memref<320000xi32, #tpu.memory_space<hbm>> -> memref<2000xi32, #tpu.memory_space<hbm>>
    %dma_start3A_135 = tpu.memref_slice %arg6[%add3A_128] : memref<320000xi32, #tpu.memory_space<hbm>> -> memref<2000xi32, #tpu.memory_space<hbm>>
    tpu.enqueue_dma source(%dma_start3A_135 : memref<2000xi32, #tpu.memory_space<hbm>>) target(%arg22 : memref<2000xi32, #tpu.memory_space<vmem>>) target_semaphore(%arg27 : memref<!tpu.dma_semaphore, #tpu.memory_space<semaphore_mem>>)
    %scan3A_136 = arith.constant 0 : i32
    %scan3A_137 = arith.constant 5 : i32
    %scan3A_138 = arith.addi %scan3A_136, %scan3A_137 : i32
    %scan3A_139 = arith.constant 1 : i32
    scf.for %scan3A_233 = %scan3A_136 to %scan3A_138 step %scan3A_139  : i32 {
      %mul3A_234 = arith.constant 2 : i32
      %mul3A_235 = arith.muli %mul3A_234, %scan3A_233 : i32
      %mul3A_236 = arith.constant 2000 : i32
      %mul3A_237 = arith.muli %mul3A_235, %mul3A_236 : i32
      %add3A_238 = arith.addi %mul3A_126, %mul3A_237 : i32
      %dma_wait3A_239 = arith.constant 0 : i32
      %dma_wait3A_240 = tpu.memref_slice %arg21[%dma_wait3A_239] : memref<8000xi32, #tpu.memory_space<vmem>> -> memref<2000xi32, #tpu.memory_space<vmem>>
      %dma_wait3A_241 = tpu.memref_slice %arg5[%add3A_238] : memref<320000xi32, #tpu.memory_space<hbm>> -> memref<2000xi32, #tpu.memory_space<hbm>>
      %dma_wait3A_242 = arith.constant 0 : i32
      %dma_wait3A_243 = tpu.memref_slice %arg21[%dma_wait3A_242] : memref<8000xi32, #tpu.memory_space<vmem>> -> memref<2000xi32, #tpu.memory_space<vmem>>
      %dma_wait3A_244 = tpu.memref_slice %arg5[%add3A_238] : memref<320000xi32, #tpu.memory_space<hbm>> -> memref<2000xi32, #tpu.memory_space<hbm>>
      tpu.wait_dma2 semaphore(%arg27 : memref<!tpu.dma_semaphore, #tpu.memory_space<semaphore_mem>>) src(%dma_wait3A_244 : memref<2000xi32, #tpu.memory_space<hbm>>) dst(%dma_wait3A_243 : memref<2000xi32, #tpu.memory_space<vmem>>)
      %dma_wait3A_245 = tpu.memref_slice %arg6[%add3A_238] : memref<320000xi32, #tpu.memory_space<hbm>> -> memref<2000xi32, #tpu.memory_space<hbm>>
      %dma_wait3A_246 = tpu.memref_slice %arg6[%add3A_238] : memref<320000xi32, #tpu.memory_space<hbm>> -> memref<2000xi32, #tpu.memory_space<hbm>>
      tpu.wait_dma2 semaphore(%arg27 : memref<!tpu.dma_semaphore, #tpu.memory_space<semaphore_mem>>) src(%dma_wait3A_246 : memref<2000xi32, #tpu.memory_space<hbm>>) dst(%arg22 : memref<2000xi32, #tpu.memory_space<vmem>>)
      %gt3A = arith.constant 0 : i32
      %gt3A_247 = arith.cmpi sgt, %scan3A_233, %gt3A : i32
      %convert_element_type3A = arith.extui %gt3A_247 : i1 to i32
      %cond3A = arith.constant 0 : i32
      %cond3A_248 = arith.cmpi ne, %convert_element_type3A, %cond3A : i32
      scf.if %cond3A_248 {
        %sub3A_332 = arith.constant 1 : i32
        %sub3A_333 = arith.subi %mul3A_235, %sub3A_332 : i32
        %mul3A_334 = arith.constant 2000 : i32
        %mul3A_335 = arith.muli %sub3A_333, %mul3A_334 : i32
        %add3A_336 = arith.addi %mul3A_126, %mul3A_335 : i32
        %mul3A_337 = arith.constant 320000 : i32
        %mul3A_338 = arith.muli %arg0, %mul3A_337 : i32
        %add3A_339 = arith.addi %mul3A_338, %add3A_336 : i32
        %dma_wait3A_340 = arith.constant 0 : i32
        %dma_wait3A_341 = tpu.memref_slice %arg26[%dma_wait3A_340] : memref<8000xf32, #tpu.memory_space<vmem>> -> memref<2000xf32, #tpu.memory_space<vmem>>
        %dma_wait3A_342 = tpu.memref_slice %arg9[%add3A_339] : memref<640000xf32, #tpu.memory_space<hbm>> -> memref<2000xf32, #tpu.memory_space<hbm>>
        %dma_wait3A_343 = tpu.memref_slice %arg9[%add3A_339] : memref<640000xf32, #tpu.memory_space<hbm>> -> memref<2000xf32, #tpu.memory_space<hbm>>
        %dma_wait3A_344 = arith.constant 0 : i32
        %dma_wait3A_345 = tpu.memref_slice %arg26[%dma_wait3A_344] : memref<8000xf32, #tpu.memory_space<vmem>> -> memref<2000xf32, #tpu.memory_space<vmem>>
        tpu.wait_dma2 semaphore(%arg30 : memref<!tpu.dma_semaphore, #tpu.memory_space<semaphore_mem>>) src(%dma_wait3A_345 : memref<2000xf32, #tpu.memory_space<vmem>>) dst(%dma_wait3A_343 : memref<2000xf32, #tpu.memory_space<hbm>>)
        %mul3A_346 = arith.constant 320000 : i32
        %mul3A_347 = arith.muli %arg0, %mul3A_346 : i32
        %add3A_348 = arith.addi %mul3A_347, %add3A_336 : i32
        %dma_wait3A_349 = arith.constant 0 : i32
        %dma_wait3A_350 = tpu.memref_slice %arg24[%dma_wait3A_349] : memref<8000xi32, #tpu.memory_space<vmem>> -> memref<2000xi32, #tpu.memory_space<vmem>>
        %dma_wait3A_351 = tpu.memref_slice %arg11[%add3A_348] : memref<640000xi32, #tpu.memory_space<hbm>> -> memref<2000xi32, #tpu.memory_space<hbm>>
        %dma_wait3A_352 = tpu.memref_slice %arg11[%add3A_348] : memref<640000xi32, #tpu.memory_space<hbm>> -> memref<2000xi32, #tpu.memory_space<hbm>>
        %dma_wait3A_353 = arith.constant 0 : i32
        %dma_wait3A_354 = tpu.memref_slice %arg24[%dma_wait3A_353] : memref<8000xi32, #tpu.memory_space<vmem>> -> memref<2000xi32, #tpu.memory_space<vmem>>
        tpu.wait_dma2 semaphore(%arg30 : memref<!tpu.dma_semaphore, #tpu.memory_space<semaphore_mem>>) src(%dma_wait3A_354 : memref<2000xi32, #tpu.memory_space<vmem>>) dst(%dma_wait3A_352 : memref<2000xi32, #tpu.memory_space<hbm>>)
      } else {
      }
      %add3A_249 = arith.constant 1 : i32
      %add3A_250 = arith.addi %mul3A_235, %add3A_249 : i32
      %mul3A_251 = arith.constant 2000 : i32
      %mul3A_252 = arith.muli %add3A_250, %mul3A_251 : i32
      %add3A_253 = arith.addi %mul3A_126, %mul3A_252 : i32
      %dma_start3A_254 = arith.constant 0 : i32
      %dma_start3A_255 = tpu.memref_slice %arg24[%dma_start3A_254] : memref<8000xi32, #tpu.memory_space<vmem>> -> memref<2000xi32, #tpu.memory_space<vmem>>
      %dma_start3A_256 = tpu.memref_slice %arg5[%add3A_253] : memref<320000xi32, #tpu.memory_space<hbm>> -> memref<2000xi32, #tpu.memory_space<hbm>>
      %dma_start3A_257 = arith.constant 0 : i32
      %dma_start3A_258 = tpu.memref_slice %arg24[%dma_start3A_257] : memref<8000xi32, #tpu.memory_space<vmem>> -> memref<2000xi32, #tpu.memory_space<vmem>>
      %dma_start3A_259 = tpu.memref_slice %arg5[%add3A_253] : memref<320000xi32, #tpu.memory_space<hbm>> -> memref<2000xi32, #tpu.memory_space<hbm>>
      tpu.enqueue_dma source(%dma_start3A_259 : memref<2000xi32, #tpu.memory_space<hbm>>) target(%dma_start3A_258 : memref<2000xi32, #tpu.memory_space<vmem>>) target_semaphore(%arg28 : memref<!tpu.dma_semaphore, #tpu.memory_space<semaphore_mem>>)
      %dma_start3A_260 = tpu.memref_slice %arg6[%add3A_253] : memref<320000xi32, #tpu.memory_space<hbm>> -> memref<2000xi32, #tpu.memory_space<hbm>>
      %dma_start3A_261 = tpu.memref_slice %arg6[%add3A_253] : memref<320000xi32, #tpu.memory_space<hbm>> -> memref<2000xi32, #tpu.memory_space<hbm>>
      tpu.enqueue_dma source(%dma_start3A_261 : memref<2000xi32, #tpu.memory_space<hbm>>) target(%arg25 : memref<2000xi32, #tpu.memory_space<vmem>>) target_semaphore(%arg28 : memref<!tpu.dma_semaphore, #tpu.memory_space<semaphore_mem>>)
      %parallel_loop3A_262 = arith.constant 0 : i32
      %parallel_loop3A_263 = arith.constant 125 : i32
      %parallel_loop3A_264 = arith.constant 1 : i32
      scf.for %parallel_loop3A_332 = %parallel_loop3A_262 to %parallel_loop3A_263 step %parallel_loop3A_264  : i32 {
        %parallel_loop3A_333 = arith.constant 16 : i32
        %parallel_loop3A_334 = arith.muli %parallel_loop3A_332, %parallel_loop3A_333 : i32
        %parallel_loop3A_335 = arith.index_cast %parallel_loop3A_334 : i32 to index
        %parallel_loop3A_336 = tpu.vector_load %arg21[%parallel_loop3A_335] {strides = array<i32>} : memref<8000xi32, #tpu.memory_space<vmem>>, vector<16xi32>,
        %parallel_loop3A_337 = arith.constant 16 : i32
        %parallel_loop3A_338 = arith.muli %parallel_loop3A_332, %parallel_loop3A_337 : i32
        %parallel_loop3A_339 = arith.index_cast %parallel_loop3A_338 : i32 to index
        %parallel_loop3A_340 = tpu.vector_load %arg22[%parallel_loop3A_339] {strides = array<i32>} : memref<2000xi32, #tpu.memory_space<vmem>>, vector<16xi32>,
        %parallel_loop3A_341 = tpu.vector_load_idx %arg14[%parallel_loop3A_336] : memref<10000xf32, #tpu.memory_space<vmem>>[vector<16xi32>], vector<16xf32>,
        %parallel_loop3A_342 = tpu.vector_load_idx %arg15[%parallel_loop3A_340] : memref<10000xf32, #tpu.memory_space<vmem>>[vector<16xi32>], vector<16xf32>,
        %parallel_loop3A_343 = arith.addf %parallel_loop3A_341, %parallel_loop3A_342 : vector<16xf32>
        %parallel_loop3A_344 = arith.constant 0.000000e+00 : f32
        %parallel_loop3A_345 = vector.broadcast %parallel_loop3A_344 : f32 to vector<16xf32>
        %parallel_loop3A_346 = arith.cmpf oge, %parallel_loop3A_343, %parallel_loop3A_345 : vector<16xf32>
        %parallel_loop3A_347 = arith.constant 2.000000e-01 : f32
        %parallel_loop3A_348 = vector.broadcast %parallel_loop3A_347 : f32 to vector<16xf32>
        %parallel_loop3A_349 = arith.mulf %parallel_loop3A_348, %parallel_loop3A_343 : vector<16xf32>
        %parallel_loop3A_350 = arith.select %parallel_loop3A_346, %parallel_loop3A_343, %parallel_loop3A_349 : vector<16xi1>, vector<16xf32>
        %parallel_loop3A_351 = math.exp %parallel_loop3A_350 : vector<16xf32>
        %parallel_loop3A_352 = arith.constant 16 : i32
        %parallel_loop3A_353 = arith.muli %parallel_loop3A_332, %parallel_loop3A_352 : i32
        %parallel_loop3A_354 = arith.index_cast %parallel_loop3A_353 : i32 to index
        %parallel_loop3A_355 = tpu.vector_load %arg23[%parallel_loop3A_354] {strides = array<i32>} : memref<8000xf32, #tpu.memory_space<vmem>>, vector<16xf32>,
        tpu.vector_store %arg23[%parallel_loop3A_354], %parallel_loop3A_351 {strides = array<i32>} : memref<8000xf32, #tpu.memory_space<vmem>>, vector<16xf32>,
        tpu.vector_store_idx %arg20[%parallel_loop3A_340], %parallel_loop3A_351 {add = true} : memref<10000xf32, #tpu.memory_space<vmem>>[vector<16xi32>], vector<16xf32>,
        %parallel_loop3A_356 = arith.constant 14 : i32
        %parallel_loop3A_357 = vector.broadcast %parallel_loop3A_356 : i32 to vector<16xi32>
        %parallel_loop3A_358 = arith.shli %parallel_loop3A_340, %parallel_loop3A_357 : vector<16xi32>
        %parallel_loop3A_359 = arith.ori %parallel_loop3A_336, %parallel_loop3A_358 : vector<16xi32>
        %parallel_loop3A_360 = arith.constant 16 : i32
        %parallel_loop3A_361 = arith.muli %parallel_loop3A_332, %parallel_loop3A_360 : i32
        %parallel_loop3A_362 = arith.index_cast %parallel_loop3A_361 : i32 to index
        %parallel_loop3A_363 = tpu.vector_load %arg21[%parallel_loop3A_362] {strides = array<i32>} : memref<8000xi32, #tpu.memory_space<vmem>>, vector<16xi32>,
        tpu.vector_store %arg21[%parallel_loop3A_362], %parallel_loop3A_359 {strides = array<i32>} : memref<8000xi32, #tpu.memory_space<vmem>>, vector<16xi32>,
      } {sc.loop_unroll_factor = 4 : i64, sc.parallel_access}
      %mul3A_265 = arith.constant 2000 : i32
      %mul3A_266 = arith.muli %mul3A_235, %mul3A_265 : i32
      %add3A_267 = arith.addi %mul3A_126, %mul3A_266 : i32
      %mul3A_268 = arith.constant 320000 : i32
      %mul3A_269 = arith.muli %arg0, %mul3A_268 : i32
      %add3A_270 = arith.addi %mul3A_269, %add3A_267 : i32
      %dma_start3A_271 = arith.constant 0 : i32
      %dma_start3A_272 = tpu.memref_slice %arg23[%dma_start3A_271] : memref<8000xf32, #tpu.memory_space<vmem>> -> memref<2000xf32, #tpu.memory_space<vmem>>
      %dma_start3A_273 = tpu.memref_slice %arg9[%add3A_270] : memref<640000xf32, #tpu.memory_space<hbm>> -> memref<2000xf32, #tpu.memory_space<hbm>>
      %dma_start3A_274 = tpu.memref_slice %arg9[%add3A_270] : memref<640000xf32, #tpu.memory_space<hbm>> -> memref<2000xf32, #tpu.memory_space<hbm>>
      %dma_start3A_275 = arith.constant 0 : i32
      %dma_start3A_276 = tpu.memref_slice %arg23[%dma_start3A_275] : memref<8000xf32, #tpu.memory_space<vmem>> -> memref<2000xf32, #tpu.memory_space<vmem>>
      tpu.enqueue_dma source(%dma_start3A_276 : memref<2000xf32, #tpu.memory_space<vmem>>) target(%dma_start3A_274 : memref<2000xf32, #tpu.memory_space<hbm>>) target_semaphore(%arg29 : memref<!tpu.dma_semaphore, #tpu.memory_space<semaphore_mem>>)
      %mul3A_277 = arith.constant 320000 : i32
      %mul3A_278 = arith.muli %arg0, %mul3A_277 : i32
      %add3A_279 = arith.addi %mul3A_278, %add3A_267 : i32
      %dma_start3A_280 = arith.constant 0 : i32
      %dma_start3A_281 = tpu.memref_slice %arg21[%dma_start3A_280] : memref<8000xi32, #tpu.memory_space<vmem>> -> memref<2000xi32, #tpu.memory_space<vmem>>
      %dma_start3A_282 = tpu.memref_slice %arg11[%add3A_279] : memref<640000xi32, #tpu.memory_space<hbm>> -> memref<2000xi32, #tpu.memory_space<hbm>>
      %dma_start3A_283 = tpu.memref_slice %arg11[%add3A_279] : memref<640000xi32, #tpu.memory_space<hbm>> -> memref<2000xi32, #tpu.memory_space<hbm>>
      %dma_start3A_284 = arith.constant 0 : i32
      %dma_start3A_285 = tpu.memref_slice %arg21[%dma_start3A_284] : memref<8000xi32, #tpu.memory_space<vmem>> -> memref<2000xi32, #tpu.memory_space<vmem>>
      tpu.enqueue_dma source(%dma_start3A_285 : memref<2000xi32, #tpu.memory_space<vmem>>) target(%dma_start3A_283 : memref<2000xi32, #tpu.memory_space<hbm>>) target_semaphore(%arg29 : memref<!tpu.dma_semaphore, #tpu.memory_space<semaphore_mem>>)
      %add3A_286 = arith.constant 1 : i32
      %add3A_287 = arith.addi %mul3A_235, %add3A_286 : i32
      %mul3A_288 = arith.constant 2000 : i32
      %mul3A_289 = arith.muli %add3A_287, %mul3A_288 : i32
      %add3A_290 = arith.addi %mul3A_126, %mul3A_289 : i32
      %dma_wait3A_291 = arith.constant 0 : i32
      %dma_wait3A_292 = tpu.memref_slice %arg24[%dma_wait3A_291] : memref<8000xi32, #tpu.memory_space<vmem>> -> memref<2000xi32, #tpu.memory_space<vmem>>
      %dma_wait3A_293 = tpu.memref_slice %arg5[%add3A_290] : memref<320000xi32, #tpu.memory_space<hbm>> -> memref<2000xi32, #tpu.memory_space<hbm>>
      %dma_wait3A_294 = arith.constant 0 : i32
      %dma_wait3A_295 = tpu.memref_slice %arg24[%dma_wait3A_294] : memref<8000xi32, #tpu.memory_space<vmem>> -> memref<2000xi32, #tpu.memory_space<vmem>>
      %dma_wait3A_296 = tpu.memref_slice %arg5[%add3A_290] : memref<320000xi32, #tpu.memory_space<hbm>> -> memref<2000xi32, #tpu.memory_space<hbm>>
      tpu.wait_dma2 semaphore(%arg28 : memref<!tpu.dma_semaphore, #tpu.memory_space<semaphore_mem>>) src(%dma_wait3A_296 : memref<2000xi32, #tpu.memory_space<hbm>>) dst(%dma_wait3A_295 : memref<2000xi32, #tpu.memory_space<vmem>>)
      %dma_wait3A_297 = tpu.memref_slice %arg6[%add3A_290] : memref<320000xi32, #tpu.memory_space<hbm>> -> memref<2000xi32, #tpu.memory_space<hbm>>
      %dma_wait3A_298 = tpu.memref_slice %arg6[%add3A_290] : memref<320000xi32, #tpu.memory_space<hbm>> -> memref<2000xi32, #tpu.memory_space<hbm>>
      tpu.wait_dma2 semaphore(%arg28 : memref<!tpu.dma_semaphore, #tpu.memory_space<semaphore_mem>>) src(%dma_wait3A_298 : memref<2000xi32, #tpu.memory_space<hbm>>) dst(%arg25 : memref<2000xi32, #tpu.memory_space<vmem>>)
      %add3A_299 = arith.constant 1 : i32
      %add3A_300 = arith.addi %scan3A_233, %add3A_299 : i32
      %lt3A_301 = arith.constant 5 : i32
      %lt3A_302 = arith.cmpi slt, %add3A_300, %lt3A_301 : i32
      %convert_element_type3A_303 = arith.extui %lt3A_302 : i1 to i32
      %cond3A_304 = arith.constant 0 : i32
      %cond3A_305 = arith.cmpi ne, %convert_element_type3A_303, %cond3A_304 : i32
      scf.if %cond3A_305 {
        %mul3A_332 = arith.constant 2000 : i32
        %mul3A_333 = arith.muli %mul3A_235, %mul3A_332 : i32
        %add3A_334 = arith.addi %mul3A_126, %mul3A_333 : i32
        %mul3A_335 = arith.constant 320000 : i32
        %mul3A_336 = arith.muli %arg0, %mul3A_335 : i32
        %add3A_337 = arith.addi %mul3A_336, %add3A_334 : i32
        %dma_wait3A_338 = arith.constant 0 : i32
        %dma_wait3A_339 = tpu.memref_slice %arg23[%dma_wait3A_338] : memref<8000xf32, #tpu.memory_space<vmem>> -> memref<2000xf32, #tpu.memory_space<vmem>>
        %dma_wait3A_340 = tpu.memref_slice %arg9[%add3A_337] : memref<640000xf32, #tpu.memory_space<hbm>> -> memref<2000xf32, #tpu.memory_space<hbm>>
        %dma_wait3A_341 = tpu.memref_slice %arg9[%add3A_337] : memref<640000xf32, #tpu.memory_space<hbm>> -> memref<2000xf32, #tpu.memory_space<hbm>>
        %dma_wait3A_342 = arith.constant 0 : i32
        %dma_wait3A_343 = tpu.memref_slice %arg23[%dma_wait3A_342] : memref<8000xf32, #tpu.memory_space<vmem>> -> memref<2000xf32, #tpu.memory_space<vmem>>
        tpu.wait_dma2 semaphore(%arg29 : memref<!tpu.dma_semaphore, #tpu.memory_space<semaphore_mem>>) src(%dma_wait3A_343 : memref<2000xf32, #tpu.memory_space<vmem>>) dst(%dma_wait3A_341 : memref<2000xf32, #tpu.memory_space<hbm>>)
        %mul3A_344 = arith.constant 320000 : i32
        %mul3A_345 = arith.muli %arg0, %mul3A_344 : i32
        %add3A_346 = arith.addi %mul3A_345, %add3A_334 : i32
        %dma_wait3A_347 = arith.constant 0 : i32
        %dma_wait3A_348 = tpu.memref_slice %arg21[%dma_wait3A_347] : memref<8000xi32, #tpu.memory_space<vmem>> -> memref<2000xi32, #tpu.memory_space<vmem>>
        %dma_wait3A_349 = tpu.memref_slice %arg11[%add3A_346] : memref<640000xi32, #tpu.memory_space<hbm>> -> memref<2000xi32, #tpu.memory_space<hbm>>
        %dma_wait3A_350 = tpu.memref_slice %arg11[%add3A_346] : memref<640000xi32, #tpu.memory_space<hbm>> -> memref<2000xi32, #tpu.memory_space<hbm>>
        %dma_wait3A_351 = arith.constant 0 : i32
        %dma_wait3A_352 = tpu.memref_slice %arg21[%dma_wait3A_351] : memref<8000xi32, #tpu.memory_space<vmem>> -> memref<2000xi32, #tpu.memory_space<vmem>>
        tpu.wait_dma2 semaphore(%arg29 : memref<!tpu.dma_semaphore, #tpu.memory_space<semaphore_mem>>) src(%dma_wait3A_352 : memref<2000xi32, #tpu.memory_space<vmem>>) dst(%dma_wait3A_350 : memref<2000xi32, #tpu.memory_space<hbm>>)
        %add3A_353 = arith.constant 2 : i32
        %add3A_354 = arith.addi %mul3A_235, %add3A_353 : i32
        %mul3A_355 = arith.constant 2000 : i32
        %mul3A_356 = arith.muli %add3A_354, %mul3A_355 : i32
        %add3A_357 = arith.addi %mul3A_126, %mul3A_356 : i32
        %dma_start3A_358 = arith.constant 0 : i32
        %dma_start3A_359 = tpu.memref_slice %arg21[%dma_start3A_358] : memref<8000xi32, #tpu.memory_space<vmem>> -> memref<2000xi32, #tpu.memory_space<vmem>>
        %dma_start3A_360 = tpu.memref_slice %arg5[%add3A_357] : memref<320000xi32, #tpu.memory_space<hbm>> -> memref<2000xi32, #tpu.memory_space<hbm>>
        %dma_start3A_361 = arith.constant 0 : i32
        %dma_start3A_362 = tpu.memref_slice %arg21[%dma_start3A_361] : memref<8000xi32, #tpu.memory_space<vmem>> -> memref<2000xi32, #tpu.memory_space<vmem>>
        %dma_start3A_363 = tpu.memref_slice %arg5[%add3A_357] : memref<320000xi32, #tpu.memory_space<hbm>> -> memref<2000xi32, #tpu.memory_space<hbm>>
        tpu.enqueue_dma source(%dma_start3A_363 : memref<2000xi32, #tpu.memory_space<hbm>>) target(%dma_start3A_362 : memref<2000xi32, #tpu.memory_space<vmem>>) target_semaphore(%arg27 : memref<!tpu.dma_semaphore, #tpu.memory_space<semaphore_mem>>)
        %dma_start3A_364 = tpu.memref_slice %arg6[%add3A_357] : memref<320000xi32, #tpu.memory_space<hbm>> -> memref<2000xi32, #tpu.memory_space<hbm>>
        %dma_start3A_365 = tpu.memref_slice %arg6[%add3A_357] : memref<320000xi32, #tpu.memory_space<hbm>> -> memref<2000xi32, #tpu.memory_space<hbm>>
        tpu.enqueue_dma source(%dma_start3A_365 : memref<2000xi32, #tpu.memory_space<hbm>>) target(%arg22 : memref<2000xi32, #tpu.memory_space<vmem>>) target_semaphore(%arg27 : memref<!tpu.dma_semaphore, #tpu.memory_space<semaphore_mem>>)
      } else {
      }
      %add3A_306 = arith.constant 1 : i32
      %add3A_307 = arith.addi %mul3A_235, %add3A_306 : i32
      %parallel_loop3A_308 = arith.constant 0 : i32
      %parallel_loop3A_309 = arith.constant 125 : i32
      %parallel_loop3A_310 = arith.constant 1 : i32
      scf.for %parallel_loop3A_332 = %parallel_loop3A_308 to %parallel_loop3A_309 step %parallel_loop3A_310  : i32 {
        %parallel_loop3A_333 = arith.constant 16 : i32
        %parallel_loop3A_334 = arith.muli %parallel_loop3A_332, %parallel_loop3A_333 : i32
        %parallel_loop3A_335 = arith.index_cast %parallel_loop3A_334 : i32 to index
        %parallel_loop3A_336 = tpu.vector_load %arg24[%parallel_loop3A_335] {strides = array<i32>} : memref<8000xi32, #tpu.memory_space<vmem>>, vector<16xi32>,
        %parallel_loop3A_337 = arith.constant 16 : i32
        %parallel_loop3A_338 = arith.muli %parallel_loop3A_332, %parallel_loop3A_337 : i32
        %parallel_loop3A_339 = arith.index_cast %parallel_loop3A_338 : i32 to index
        %parallel_loop3A_340 = tpu.vector_load %arg25[%parallel_loop3A_339] {strides = array<i32>} : memref<2000xi32, #tpu.memory_space<vmem>>, vector<16xi32>,
        %parallel_loop3A_341 = tpu.vector_load_idx %arg14[%parallel_loop3A_336] : memref<10000xf32, #tpu.memory_space<vmem>>[vector<16xi32>], vector<16xf32>,
        %parallel_loop3A_342 = tpu.vector_load_idx %arg15[%parallel_loop3A_340] : memref<10000xf32, #tpu.memory_space<vmem>>[vector<16xi32>], vector<16xf32>,
        %parallel_loop3A_343 = arith.addf %parallel_loop3A_341, %parallel_loop3A_342 : vector<16xf32>
        %parallel_loop3A_344 = arith.constant 0.000000e+00 : f32
        %parallel_loop3A_345 = vector.broadcast %parallel_loop3A_344 : f32 to vector<16xf32>
        %parallel_loop3A_346 = arith.cmpf oge, %parallel_loop3A_343, %parallel_loop3A_345 : vector<16xf32>
        %parallel_loop3A_347 = arith.constant 2.000000e-01 : f32
        %parallel_loop3A_348 = vector.broadcast %parallel_loop3A_347 : f32 to vector<16xf32>
        %parallel_loop3A_349 = arith.mulf %parallel_loop3A_348, %parallel_loop3A_343 : vector<16xf32>
        %parallel_loop3A_350 = arith.select %parallel_loop3A_346, %parallel_loop3A_343, %parallel_loop3A_349 : vector<16xi1>, vector<16xf32>
        %parallel_loop3A_351 = math.exp %parallel_loop3A_350 : vector<16xf32>
        %parallel_loop3A_352 = arith.constant 16 : i32
        %parallel_loop3A_353 = arith.muli %parallel_loop3A_332, %parallel_loop3A_352 : i32
        %parallel_loop3A_354 = arith.index_cast %parallel_loop3A_353 : i32 to index
        %parallel_loop3A_355 = tpu.vector_load %arg26[%parallel_loop3A_354] {strides = array<i32>} : memref<8000xf32, #tpu.memory_space<vmem>>, vector<16xf32>,
        tpu.vector_store %arg26[%parallel_loop3A_354], %parallel_loop3A_351 {strides = array<i32>} : memref<8000xf32, #tpu.memory_space<vmem>>, vector<16xf32>,
        tpu.vector_store_idx %arg20[%parallel_loop3A_340], %parallel_loop3A_351 {add = true} : memref<10000xf32, #tpu.memory_space<vmem>>[vector<16xi32>], vector<16xf32>,
        %parallel_loop3A_356 = arith.constant 14 : i32
        %parallel_loop3A_357 = vector.broadcast %parallel_loop3A_356 : i32 to vector<16xi32>
        %parallel_loop3A_358 = arith.shli %parallel_loop3A_340, %parallel_loop3A_357 : vector<16xi32>
        %parallel_loop3A_359 = arith.ori %parallel_loop3A_336, %parallel_loop3A_358 : vector<16xi32>
        %parallel_loop3A_360 = arith.constant 16 : i32
        %parallel_loop3A_361 = arith.muli %parallel_loop3A_332, %parallel_loop3A_360 : i32
        %parallel_loop3A_362 = arith.index_cast %parallel_loop3A_361 : i32 to index
        %parallel_loop3A_363 = tpu.vector_load %arg24[%parallel_loop3A_362] {strides = array<i32>} : memref<8000xi32, #tpu.memory_space<vmem>>, vector<16xi32>,
        tpu.vector_store %arg24[%parallel_loop3A_362], %parallel_loop3A_359 {strides = array<i32>} : memref<8000xi32, #tpu.memory_space<vmem>>, vector<16xi32>,
      } {sc.loop_unroll_factor = 4 : i64, sc.parallel_access}
      %mul3A_311 = arith.constant 2000 : i32
      %mul3A_312 = arith.muli %add3A_307, %mul3A_311 : i32
      %add3A_313 = arith.addi %mul3A_126, %mul3A_312 : i32
      %mul3A_314 = arith.constant 320000 : i32
      %mul3A_315 = arith.muli %arg0, %mul3A_314 : i32
      %add3A_316 = arith.addi %mul3A_315, %add3A_313 : i32
      %dma_start3A_317 = arith.constant 0 : i32
      %dma_start3A_318 = tpu.memref_slice %arg26[%dma_start3A_317] : memref<8000xf32, #tpu.memory_space<vmem>> -> memref<2000xf32, #tpu.memory_space<vmem>>
      %dma_start3A_319 = tpu.memref_slice %arg9[%add3A_316] : memref<640000xf32, #tpu.memory_space<hbm>> -> memref<2000xf32, #tpu.memory_space<hbm>>
      %dma_start3A_320 = tpu.memref_slice %arg9[%add3A_316] : memref<640000xf32, #tpu.memory_space<hbm>> -> memref<2000xf32, #tpu.memory_space<hbm>>
      %dma_start3A_321 = arith.constant 0 : i32
      %dma_start3A_322 = tpu.memref_slice %arg26[%dma_start3A_321] : memref<8000xf32, #tpu.memory_space<vmem>> -> memref<2000xf32, #tpu.memory_space<vmem>>
      tpu.enqueue_dma source(%dma_start3A_322 : memref<2000xf32, #tpu.memory_space<vmem>>) target(%dma_start3A_320 : memref<2000xf32, #tpu.memory_space<hbm>>) target_semaphore(%arg30 : memref<!tpu.dma_semaphore, #tpu.memory_space<semaphore_mem>>)
      %mul3A_323 = arith.constant 320000 : i32
      %mul3A_324 = arith.muli %arg0, %mul3A_323 : i32
      %add3A_325 = arith.addi %mul3A_324, %add3A_313 : i32
      %dma_start3A_326 = arith.constant 0 : i32
      %dma_start3A_327 = tpu.memref_slice %arg24[%dma_start3A_326] : memref<8000xi32, #tpu.memory_space<vmem>> -> memref<2000xi32, #tpu.memory_space<vmem>>
      %dma_start3A_328 = tpu.memref_slice %arg11[%add3A_325] : memref<640000xi32, #tpu.memory_space<hbm>> -> memref<2000xi32, #tpu.memory_space<hbm>>
      %dma_start3A_329 = tpu.memref_slice %arg11[%add3A_325] : memref<640000xi32, #tpu.memory_space<hbm>> -> memref<2000xi32, #tpu.memory_space<hbm>>
      %dma_start3A_330 = arith.constant 0 : i32
      %dma_start3A_331 = tpu.memref_slice %arg24[%dma_start3A_330] : memref<8000xi32, #tpu.memory_space<vmem>> -> memref<2000xi32, #tpu.memory_space<vmem>>
      tpu.enqueue_dma source(%dma_start3A_331 : memref<2000xi32, #tpu.memory_space<vmem>>) target(%dma_start3A_329 : memref<2000xi32, #tpu.memory_space<hbm>>) target_semaphore(%arg30 : memref<!tpu.dma_semaphore, #tpu.memory_space<semaphore_mem>>)
    }
    %scan3A_140 = arith.constant 5 : i32
    %add3A_141 = arith.constant 16000 : i32
    %add3A_142 = arith.addi %mul3A_126, %add3A_141 : i32
    %mul3A_143 = arith.constant 320000 : i32
    %mul3A_144 = arith.muli %arg0, %mul3A_143 : i32
    %add3A_145 = arith.addi %mul3A_144, %add3A_142 : i32
    %dma_wait3A = arith.constant 0 : i32
    %dma_wait3A_146 = tpu.memref_slice %arg23[%dma_wait3A] : memref<8000xf32, #tpu.memory_space<vmem>> -> memref<2000xf32, #tpu.memory_space<vmem>>
    %dma_wait3A_147 = tpu.memref_slice %arg9[%add3A_145] : memref<640000xf32, #tpu.memory_space<hbm>> -> memref<2000xf32, #tpu.memory_space<hbm>>
    %dma_wait3A_148 = tpu.memref_slice %arg9[%add3A_145] : memref<640000xf32, #tpu.memory_space<hbm>> -> memref<2000xf32, #tpu.memory_space<hbm>>
    %dma_wait3A_149 = arith.constant 0 : i32
    %dma_wait3A_150 = tpu.memref_slice %arg23[%dma_wait3A_149] : memref<8000xf32, #tpu.memory_space<vmem>> -> memref<2000xf32, #tpu.memory_space<vmem>>
    tpu.wait_dma2 semaphore(%arg29 : memref<!tpu.dma_semaphore, #tpu.memory_space<semaphore_mem>>) src(%dma_wait3A_150 : memref<2000xf32, #tpu.memory_space<vmem>>) dst(%dma_wait3A_148 : memref<2000xf32, #tpu.memory_space<hbm>>)
    %mul3A_151 = arith.constant 320000 : i32
    %mul3A_152 = arith.muli %arg0, %mul3A_151 : i32
    %add3A_153 = arith.addi %mul3A_152, %add3A_142 : i32
    %dma_wait3A_154 = arith.constant 0 : i32
    %dma_wait3A_155 = tpu.memref_slice %arg21[%dma_wait3A_154] : memref<8000xi32, #tpu.memory_space<vmem>> -> memref<2000xi32, #tpu.memory_space<vmem>>
    %dma_wait3A_156 = tpu.memref_slice %arg11[%add3A_153] : memref<640000xi32, #tpu.memory_space<hbm>> -> memref<2000xi32, #tpu.memory_space<hbm>>
    %dma_wait3A_157 = tpu.memref_slice %arg11[%add3A_153] : memref<640000xi32, #tpu.memory_space<hbm>> -> memref<2000xi32, #tpu.memory_space<hbm>>
    %dma_wait3A_158 = arith.constant 0 : i32
    %dma_wait3A_159 = tpu.memref_slice %arg21[%dma_wait3A_158] : memref<8000xi32, #tpu.memory_space<vmem>> -> memref<2000xi32, #tpu.memory_space<vmem>>
    tpu.wait_dma2 semaphore(%arg29 : memref<!tpu.dma_semaphore, #tpu.memory_space<semaphore_mem>>) src(%dma_wait3A_159 : memref<2000xi32, #tpu.memory_space<vmem>>) dst(%dma_wait3A_157 : memref<2000xi32, #tpu.memory_space<hbm>>)
    %add3A_160 = arith.constant 18000 : i32
    %add3A_161 = arith.addi %mul3A_126, %add3A_160 : i32
    %mul3A_162 = arith.constant 320000 : i32
    %mul3A_163 = arith.muli %arg0, %mul3A_162 : i32
    %add3A_164 = arith.addi %mul3A_163, %add3A_161 : i32
    %dma_wait3A_165 = arith.constant 0 : i32
    %dma_wait3A_166 = tpu.memref_slice %arg26[%dma_wait3A_165] : memref<8000xf32, #tpu.memory_space<vmem>> -> memref<2000xf32, #tpu.memory_space<vmem>>
    %dma_wait3A_167 = tpu.memref_slice %arg9[%add3A_164] : memref<640000xf32, #tpu.memory_space<hbm>> -> memref<2000xf32, #tpu.memory_space<hbm>>
    %dma_wait3A_168 = tpu.memref_slice %arg9[%add3A_164] : memref<640000xf32, #tpu.memory_space<hbm>> -> memref<2000xf32, #tpu.memory_space<hbm>>
    %dma_wait3A_169 = arith.constant 0 : i32
    %dma_wait3A_170 = tpu.memref_slice %arg26[%dma_wait3A_169] : memref<8000xf32, #tpu.memory_space<vmem>> -> memref<2000xf32, #tpu.memory_space<vmem>>
    tpu.wait_dma2 semaphore(%arg30 : memref<!tpu.dma_semaphore, #tpu.memory_space<semaphore_mem>>) src(%dma_wait3A_170 : memref<2000xf32, #tpu.memory_space<vmem>>) dst(%dma_wait3A_168 : memref<2000xf32, #tpu.memory_space<hbm>>)
    %mul3A_171 = arith.constant 320000 : i32
    %mul3A_172 = arith.muli %arg0, %mul3A_171 : i32
    %add3A_173 = arith.addi %mul3A_172, %add3A_161 : i32
    %dma_wait3A_174 = arith.constant 0 : i32
    %dma_wait3A_175 = tpu.memref_slice %arg24[%dma_wait3A_174] : memref<8000xi32, #tpu.memory_space<vmem>> -> memref<2000xi32, #tpu.memory_space<vmem>>
    %dma_wait3A_176 = tpu.memref_slice %arg11[%add3A_173] : memref<640000xi32, #tpu.memory_space<hbm>> -> memref<2000xi32, #tpu.memory_space<hbm>>
    %dma_wait3A_177 = tpu.memref_slice %arg11[%add3A_173] : memref<640000xi32, #tpu.memory_space<hbm>> -> memref<2000xi32, #tpu.memory_space<hbm>>
    %dma_wait3A_178 = arith.constant 0 : i32
    %dma_wait3A_179 = tpu.memref_slice %arg24[%dma_wait3A_178] : memref<8000xi32, #tpu.memory_space<vmem>> -> memref<2000xi32, #tpu.memory_space<vmem>>
    tpu.wait_dma2 semaphore(%arg30 : memref<!tpu.dma_semaphore, #tpu.memory_space<semaphore_mem>>) src(%dma_wait3A_179 : memref<2000xi32, #tpu.memory_space<vmem>>) dst(%dma_wait3A_177 : memref<2000xi32, #tpu.memory_space<hbm>>)
    %mul3A_180 = arith.constant 10000 : i32
    %mul3A_181 = arith.muli %add3A, %mul3A_180 : i32
    "tpu.region"() ({
      %run_scoped3A = tpu.sem_alloc : memref<!tpu.dma_semaphore, #tpu.memory_space<semaphore_mem>>
      %dma_start3A_233 = tpu.memref_slice %arg8[%mul3A_181] : memref<320000xf32, #tpu.memory_space<hbm>> -> memref<10000xf32, #tpu.memory_space<hbm>>
      %dma_start3A_234 = tpu.memref_slice %arg8[%mul3A_181] : memref<320000xf32, #tpu.memory_space<hbm>> -> memref<10000xf32, #tpu.memory_space<hbm>>
      tpu.enqueue_dma source(%arg20 : memref<10000xf32, #tpu.memory_space<vmem>>) target(%dma_start3A_234 : memref<10000xf32, #tpu.memory_space<hbm>>) target_semaphore(%run_scoped3A : memref<!tpu.dma_semaphore, #tpu.memory_space<semaphore_mem>>)
      %dma_wait3A_235 = tpu.memref_slice %arg8[%mul3A_181] : memref<320000xf32, #tpu.memory_space<hbm>> -> memref<10000xf32, #tpu.memory_space<hbm>>
      %dma_wait3A_236 = tpu.memref_slice %arg8[%mul3A_181] : memref<320000xf32, #tpu.memory_space<hbm>> -> memref<10000xf32, #tpu.memory_space<hbm>>
      tpu.wait_dma2 semaphore(%run_scoped3A : memref<!tpu.dma_semaphore, #tpu.memory_space<semaphore_mem>>) src(%arg20 : memref<10000xf32, #tpu.memory_space<vmem>>) dst(%dma_wait3A_236 : memref<10000xf32, #tpu.memory_space<hbm>>)
      tpu.yield
    }) : () -> ()
    %barrier3A = arith.constant 0 : index
    tpu.barrier barrier_id(%barrier3A)
    %mul3A_182 = arith.constant 10000 : i32
    %mul3A_183 = arith.muli %add3A_56, %mul3A_182 : i32
    "tpu.region"() ({
      %run_scoped3A = tpu.sem_alloc : memref<!tpu.dma_semaphore, #tpu.memory_space<semaphore_mem>>
      %dma_start3A_233 = tpu.memref_slice %arg2[%mul3A_183] : memref<640000xf32, #tpu.memory_space<hbm>> -> memref<10000xf32, #tpu.memory_space<hbm>>
      %dma_start3A_234 = tpu.memref_slice %arg2[%mul3A_183] : memref<640000xf32, #tpu.memory_space<hbm>> -> memref<10000xf32, #tpu.memory_space<hbm>>
      tpu.enqueue_dma source(%dma_start3A_234 : memref<10000xf32, #tpu.memory_space<hbm>>) target(%arg12 : memref<10000xf32, #tpu.memory_space<vmem>>) target_semaphore(%run_scoped3A : memref<!tpu.dma_semaphore, #tpu.memory_space<semaphore_mem>>)
      %dma_wait3A_235 = tpu.memref_slice %arg2[%mul3A_183] : memref<640000xf32, #tpu.memory_space<hbm>> -> memref<10000xf32, #tpu.memory_space<hbm>>
      %dma_wait3A_236 = tpu.memref_slice %arg2[%mul3A_183] : memref<640000xf32, #tpu.memory_space<hbm>> -> memref<10000xf32, #tpu.memory_space<hbm>>
      tpu.wait_dma2 semaphore(%run_scoped3A : memref<!tpu.dma_semaphore, #tpu.memory_space<semaphore_mem>>) src(%dma_wait3A_236 : memref<10000xf32, #tpu.memory_space<hbm>>) dst(%arg12 : memref<10000xf32, #tpu.memory_space<vmem>>)
      tpu.yield
    }) : () -> ()
    %mul3A_184 = arith.constant 10000 : i32
    %mul3A_185 = arith.muli %add3A_77, %mul3A_184 : i32
    "tpu.region"() ({
      %run_scoped3A = tpu.sem_alloc : memref<!tpu.dma_semaphore, #tpu.memory_space<semaphore_mem>>
      %dma_start3A_233 = tpu.memref_slice %arg2[%mul3A_185] : memref<640000xf32, #tpu.memory_space<hbm>> -> memref<10000xf32, #tpu.memory_space<hbm>>
      %dma_start3A_234 = tpu.memref_slice %arg2[%mul3A_185] : memref<640000xf32, #tpu.memory_space<hbm>> -> memref<10000xf32, #tpu.memory_space<hbm>>
      tpu.enqueue_dma source(%dma_start3A_234 : memref<10000xf32, #tpu.memory_space<hbm>>) target(%arg13 : memref<10000xf32, #tpu.memory_space<vmem>>) target_semaphore(%run_scoped3A : memref<!tpu.dma_semaphore, #tpu.memory_space<semaphore_mem>>)
      %dma_wait3A_235 = tpu.memref_slice %arg2[%mul3A_185] : memref<640000xf32, #tpu.memory_space<hbm>> -> memref<10000xf32, #tpu.memory_space<hbm>>
      %dma_wait3A_236 = tpu.memref_slice %arg2[%mul3A_185] : memref<640000xf32, #tpu.memory_space<hbm>> -> memref<10000xf32, #tpu.memory_space<hbm>>
      tpu.wait_dma2 semaphore(%run_scoped3A : memref<!tpu.dma_semaphore, #tpu.memory_space<semaphore_mem>>) src(%dma_wait3A_236 : memref<10000xf32, #tpu.memory_space<hbm>>) dst(%arg13 : memref<10000xf32, #tpu.memory_space<vmem>>)
      tpu.yield
    }) : () -> ()
    %parallel_loop3A = arith.constant 0 : i32
    %parallel_loop3A_186 = arith.constant 625 : i32
    %parallel_loop3A_187 = arith.constant 1 : i32
    scf.for %parallel_loop3A_233 = %parallel_loop3A to %parallel_loop3A_186 step %parallel_loop3A_187  : i32 {
      %parallel_loop3A_234 = arith.constant 16 : i32
      %parallel_loop3A_235 = arith.muli %parallel_loop3A_233, %parallel_loop3A_234 : i32
      %parallel_loop3A_236 = arith.index_cast %parallel_loop3A_235 : i32 to index
      %parallel_loop3A_237 = tpu.vector_load %arg12[%parallel_loop3A_236] {strides = array<i32>} : memref<10000xf32, #tpu.memory_space<vmem>>, vector<16xf32>,
      %parallel_loop3A_238 = arith.constant 16 : i32
      %parallel_loop3A_239 = arith.muli %parallel_loop3A_233, %parallel_loop3A_238 : i32
      %parallel_loop3A_240 = arith.index_cast %parallel_loop3A_239 : i32 to index
      %parallel_loop3A_241 = tpu.vector_load %arg13[%parallel_loop3A_240] {strides = array<i32>} : memref<10000xf32, #tpu.memory_space<vmem>>, vector<16xf32>,
      %parallel_loop3A_242 = tpu.pack_subelements %parallel_loop3A_237, %parallel_loop3A_241 {pack_format = #tpu.pack_format<interleaved>, positions = array<i32: 0, 1>} : vector<16xf32>, vector<16xf32> -> vector<32xbf16>
      %parallel_loop3A_243 = vector.bitcast %parallel_loop3A_242 : vector<32xbf16> to vector<16xf32>
      %parallel_loop3A_244 = arith.constant 16 : i32
      %parallel_loop3A_245 = arith.muli %parallel_loop3A_233, %parallel_loop3A_244 : i32
      %parallel_loop3A_246 = arith.index_cast %parallel_loop3A_245 : i32 to index
      %parallel_loop3A_247 = tpu.vector_load %arg14[%parallel_loop3A_246] {strides = array<i32>} : memref<10000xf32, #tpu.memory_space<vmem>>, vector<16xf32>,
      tpu.vector_store %arg14[%parallel_loop3A_246], %parallel_loop3A_243 {strides = array<i32>} : memref<10000xf32, #tpu.memory_space<vmem>>, vector<16xf32>,
    } {sc.loop_unroll_factor = 8 : i64, sc.parallel_access}
    %mul3A_188 = arith.constant 10000 : i32
    %mul3A_189 = arith.muli %add3A_98, %mul3A_188 : i32
    "tpu.region"() ({
      %run_scoped3A = tpu.sem_alloc : memref<!tpu.dma_semaphore, #tpu.memory_space<semaphore_mem>>
      %dma_start3A_233 = tpu.memref_slice %arg2[%mul3A_189] : memref<640000xf32, #tpu.memory_space<hbm>> -> memref<10000xf32, #tpu.memory_space<hbm>>
      %dma_start3A_234 = tpu.memref_slice %arg2[%mul3A_189] : memref<640000xf32, #tpu.memory_space<hbm>> -> memref<10000xf32, #tpu.memory_space<hbm>>
      tpu.enqueue_dma source(%dma_start3A_234 : memref<10000xf32, #tpu.memory_space<hbm>>) target(%arg12 : memref<10000xf32, #tpu.memory_space<vmem>>) target_semaphore(%run_scoped3A : memref<!tpu.dma_semaphore, #tpu.memory_space<semaphore_mem>>)
      %dma_wait3A_235 = tpu.memref_slice %arg2[%mul3A_189] : memref<640000xf32, #tpu.memory_space<hbm>> -> memref<10000xf32, #tpu.memory_space<hbm>>
      %dma_wait3A_236 = tpu.memref_slice %arg2[%mul3A_189] : memref<640000xf32, #tpu.memory_space<hbm>> -> memref<10000xf32, #tpu.memory_space<hbm>>
      tpu.wait_dma2 semaphore(%run_scoped3A : memref<!tpu.dma_semaphore, #tpu.memory_space<semaphore_mem>>) src(%dma_wait3A_236 : memref<10000xf32, #tpu.memory_space<hbm>>) dst(%arg12 : memref<10000xf32, #tpu.memory_space<vmem>>)
      tpu.yield
    }) : () -> ()
    %mul3A_190 = arith.constant 10000 : i32
    %mul3A_191 = arith.muli %add3A_119, %mul3A_190 : i32
    "tpu.region"() ({
      %run_scoped3A = tpu.sem_alloc : memref<!tpu.dma_semaphore, #tpu.memory_space<semaphore_mem>>
      %dma_start3A_233 = tpu.memref_slice %arg2[%mul3A_191] : memref<640000xf32, #tpu.memory_space<hbm>> -> memref<10000xf32, #tpu.memory_space<hbm>>
      %dma_start3A_234 = tpu.memref_slice %arg2[%mul3A_191] : memref<640000xf32, #tpu.memory_space<hbm>> -> memref<10000xf32, #tpu.memory_space<hbm>>
      tpu.enqueue_dma source(%dma_start3A_234 : memref<10000xf32, #tpu.memory_space<hbm>>) target(%arg13 : memref<10000xf32, #tpu.memory_space<vmem>>) target_semaphore(%run_scoped3A : memref<!tpu.dma_semaphore, #tpu.memory_space<semaphore_mem>>)
      %dma_wait3A_235 = tpu.memref_slice %arg2[%mul3A_191] : memref<640000xf32, #tpu.memory_space<hbm>> -> memref<10000xf32, #tpu.memory_space<hbm>>
      %dma_wait3A_236 = tpu.memref_slice %arg2[%mul3A_191] : memref<640000xf32, #tpu.memory_space<hbm>> -> memref<10000xf32, #tpu.memory_space<hbm>>
      tpu.wait_dma2 semaphore(%run_scoped3A : memref<!tpu.dma_semaphore, #tpu.memory_space<semaphore_mem>>) src(%dma_wait3A_236 : memref<10000xf32, #tpu.memory_space<hbm>>) dst(%arg13 : memref<10000xf32, #tpu.memory_space<vmem>>)
      tpu.yield
    }) : () -> ()
    %parallel_loop3A_192 = arith.constant 0 : i32
    %parallel_loop3A_193 = arith.constant 625 : i32
    %parallel_loop3A_194 = arith.constant 1 : i32
    scf.for %parallel_loop3A_233 = %parallel_loop3A_192 to %parallel_loop3A_193 step %parallel_loop3A_194  : i32 {
      %parallel_loop3A_234 = arith.constant 16 : i32
      %parallel_loop3A_235 = arith.muli %parallel_loop3A_233, %parallel_loop3A_234 : i32
      %parallel_loop3A_236 = arith.index_cast %parallel_loop3A_235 : i32 to index
      %parallel_loop3A_237 = tpu.vector_load %arg12[%parallel_loop3A_236] {strides = array<i32>} : memref<10000xf32, #tpu.memory_space<vmem>>, vector<16xf32>,
      %parallel_loop3A_238 = arith.constant 16 : i32
      %parallel_loop3A_239 = arith.muli %parallel_loop3A_233, %parallel_loop3A_238 : i32
      %parallel_loop3A_240 = arith.index_cast %parallel_loop3A_239 : i32 to index
      %parallel_loop3A_241 = tpu.vector_load %arg13[%parallel_loop3A_240] {strides = array<i32>} : memref<10000xf32, #tpu.memory_space<vmem>>, vector<16xf32>,
      %parallel_loop3A_242 = tpu.pack_subelements %parallel_loop3A_237, %parallel_loop3A_241 {pack_format = #tpu.pack_format<interleaved>, positions = array<i32: 0, 1>} : vector<16xf32>, vector<16xf32> -> vector<32xbf16>
      %parallel_loop3A_243 = vector.bitcast %parallel_loop3A_242 : vector<32xbf16> to vector<16xf32>
      %parallel_loop3A_244 = arith.constant 16 : i32
      %parallel_loop3A_245 = arith.muli %parallel_loop3A_233, %parallel_loop3A_244 : i32
      %parallel_loop3A_246 = arith.index_cast %parallel_loop3A_245 : i32 to index
      %parallel_loop3A_247 = tpu.vector_load %arg15[%parallel_loop3A_246] {strides = array<i32>} : memref<10000xf32, #tpu.memory_space<vmem>>, vector<16xf32>,
      tpu.vector_store %arg15[%parallel_loop3A_246], %parallel_loop3A_243 {strides = array<i32>} : memref<10000xf32, #tpu.memory_space<vmem>>, vector<16xf32>,
    } {sc.loop_unroll_factor = 8 : i64, sc.parallel_access}
    %mul3A_195 = arith.constant 160000 : i32
    %mul3A_196 = arith.muli %select_n3A_9, %mul3A_195 : i32
    %add3A_197 = arith.constant 0 : i32
    %add3A_198 = arith.addi %mul3A_196, %add3A_197 : i32
    %mul3A_199 = arith.constant 320000 : i32
    %mul3A_200 = arith.muli %arg0, %mul3A_199 : i32
    %add3A_201 = arith.addi %mul3A_200, %add3A_198 : i32
    %dma_start3A_202 = tpu.memref_slice %arg11[%add3A_201] : memref<640000xi32, #tpu.memory_space<hbm>> -> memref<8000xi32, #tpu.memory_space<hbm>>
    %dma_start3A_203 = tpu.memref_slice %arg11[%add3A_201] : memref<640000xi32, #tpu.memory_space<hbm>> -> memref<8000xi32, #tpu.memory_space<hbm>>
    tpu.enqueue_dma source(%dma_start3A_203 : memref<8000xi32, #tpu.memory_space<hbm>>) target(%arg21 : memref<8000xi32, #tpu.memory_space<vmem>>) target_semaphore(%arg27 : memref<!tpu.dma_semaphore, #tpu.memory_space<semaphore_mem>>)
    %mul3A_204 = arith.constant 320000 : i32
    %mul3A_205 = arith.muli %arg0, %mul3A_204 : i32
    %add3A_206 = arith.addi %mul3A_205, %add3A_198 : i32
    %dma_start3A_207 = tpu.memref_slice %arg9[%add3A_206] : memref<640000xf32, #tpu.memory_space<hbm>> -> memref<8000xf32, #tpu.memory_space<hbm>>
    %dma_start3A_208 = tpu.memref_slice %arg9[%add3A_206] : memref<640000xf32, #tpu.memory_space<hbm>> -> memref<8000xf32, #tpu.memory_space<hbm>>
    tpu.enqueue_dma source(%dma_start3A_208 : memref<8000xf32, #tpu.memory_space<hbm>>) target(%arg23 : memref<8000xf32, #tpu.memory_space<vmem>>) target_semaphore(%arg27 : memref<!tpu.dma_semaphore, #tpu.memory_space<semaphore_mem>>)
    %scan3A_209 = arith.constant 0 : i32
    %scan3A_210 = arith.constant 10 : i32
    %scan3A_211 = arith.addi %scan3A_209, %scan3A_210 : i32
    %scan3A_212 = arith.constant 1 : i32
    scf.for %scan3A_233 = %scan3A_209 to %scan3A_211 step %scan3A_212  : i32 {
      %mul3A_234 = arith.constant 2 : i32
      %mul3A_235 = arith.muli %mul3A_234, %scan3A_233 : i32
      %mul3A_236 = arith.constant 8000 : i32
      %mul3A_237 = arith.muli %mul3A_235, %mul3A_236 : i32
      %add3A_238 = arith.addi %mul3A_196, %mul3A_237 : i32
      %mul3A_239 = arith.constant 320000 : i32
      %mul3A_240 = arith.muli %arg0, %mul3A_239 : i32
      %add3A_241 = arith.addi %mul3A_240, %add3A_238 : i32
      %dma_wait3A_242 = tpu.memref_slice %arg11[%add3A_241] : memref<640000xi32, #tpu.memory_space<hbm>> -> memref<8000xi32, #tpu.memory_space<hbm>>
      %dma_wait3A_243 = tpu.memref_slice %arg11[%add3A_241] : memref<640000xi32, #tpu.memory_space<hbm>> -> memref<8000xi32, #tpu.memory_space<hbm>>
      tpu.wait_dma2 semaphore(%arg27 : memref<!tpu.dma_semaphore, #tpu.memory_space<semaphore_mem>>) src(%dma_wait3A_243 : memref<8000xi32, #tpu.memory_space<hbm>>) dst(%arg21 : memref<8000xi32, #tpu.memory_space<vmem>>)
      %mul3A_244 = arith.constant 320000 : i32
      %mul3A_245 = arith.muli %arg0, %mul3A_244 : i32
      %add3A_246 = arith.addi %mul3A_245, %add3A_238 : i32
      %dma_wait3A_247 = tpu.memref_slice %arg9[%add3A_246] : memref<640000xf32, #tpu.memory_space<hbm>> -> memref<8000xf32, #tpu.memory_space<hbm>>
      %dma_wait3A_248 = tpu.memref_slice %arg9[%add3A_246] : memref<640000xf32, #tpu.memory_space<hbm>> -> memref<8000xf32, #tpu.memory_space<hbm>>
      tpu.wait_dma2 semaphore(%arg27 : memref<!tpu.dma_semaphore, #tpu.memory_space<semaphore_mem>>) src(%dma_wait3A_248 : memref<8000xf32, #tpu.memory_space<hbm>>) dst(%arg23 : memref<8000xf32, #tpu.memory_space<vmem>>)
      %add3A_249 = arith.constant 1 : i32
      %add3A_250 = arith.addi %mul3A_235, %add3A_249 : i32
      %mul3A_251 = arith.constant 8000 : i32
      %mul3A_252 = arith.muli %add3A_250, %mul3A_251 : i32
      %add3A_253 = arith.addi %mul3A_196, %mul3A_252 : i32
      %mul3A_254 = arith.constant 320000 : i32
      %mul3A_255 = arith.muli %arg0, %mul3A_254 : i32
      %add3A_256 = arith.addi %mul3A_255, %add3A_253 : i32
      %dma_start3A_257 = tpu.memref_slice %arg11[%add3A_256] : memref<640000xi32, #tpu.memory_space<hbm>> -> memref<8000xi32, #tpu.memory_space<hbm>>
      %dma_start3A_258 = tpu.memref_slice %arg11[%add3A_256] : memref<640000xi32, #tpu.memory_space<hbm>> -> memref<8000xi32, #tpu.memory_space<hbm>>
      tpu.enqueue_dma source(%dma_start3A_258 : memref<8000xi32, #tpu.memory_space<hbm>>) target(%arg24 : memref<8000xi32, #tpu.memory_space<vmem>>) target_semaphore(%arg28 : memref<!tpu.dma_semaphore, #tpu.memory_space<semaphore_mem>>)
      %mul3A_259 = arith.constant 320000 : i32
      %mul3A_260 = arith.muli %arg0, %mul3A_259 : i32
      %add3A_261 = arith.addi %mul3A_260, %add3A_253 : i32
      %dma_start3A_262 = tpu.memref_slice %arg9[%add3A_261] : memref<640000xf32, #tpu.memory_space<hbm>> -> memref<8000xf32, #tpu.memory_space<hbm>>
      %dma_start3A_263 = tpu.memref_slice %arg9[%add3A_261] : memref<640000xf32, #tpu.memory_space<hbm>> -> memref<8000xf32, #tpu.memory_space<hbm>>
      tpu.enqueue_dma source(%dma_start3A_263 : memref<8000xf32, #tpu.memory_space<hbm>>) target(%arg26 : memref<8000xf32, #tpu.memory_space<vmem>>) target_semaphore(%arg28 : memref<!tpu.dma_semaphore, #tpu.memory_space<semaphore_mem>>)
      %parallel_loop3A_264 = arith.constant 0 : i32
      %parallel_loop3A_265 = arith.constant 500 : i32
      %parallel_loop3A_266 = arith.constant 1 : i32
      scf.for %parallel_loop3A_290 = %parallel_loop3A_264 to %parallel_loop3A_265 step %parallel_loop3A_266  : i32 {
        %parallel_loop3A_291 = arith.constant 16 : i32
        %parallel_loop3A_292 = arith.muli %parallel_loop3A_290, %parallel_loop3A_291 : i32
        %parallel_loop3A_293 = arith.index_cast %parallel_loop3A_292 : i32 to index
        %parallel_loop3A_294 = tpu.vector_load %arg21[%parallel_loop3A_293] {strides = array<i32>} : memref<8000xi32, #tpu.memory_space<vmem>>, vector<16xi32>,
        %parallel_loop3A_295 = arith.constant 16383 : i32
        %parallel_loop3A_296 = vector.broadcast %parallel_loop3A_295 : i32 to vector<16xi32>
        %parallel_loop3A_297 = arith.andi %parallel_loop3A_294, %parallel_loop3A_296 : vector<16xi32>
        %parallel_loop3A_298 = arith.constant 14 : i32
        %parallel_loop3A_299 = vector.broadcast %parallel_loop3A_298 : i32 to vector<16xi32>
        %parallel_loop3A_300 = arith.shrsi %parallel_loop3A_294, %parallel_loop3A_299 : vector<16xi32>
        %parallel_loop3A_301 = arith.constant 16 : i32
        %parallel_loop3A_302 = arith.muli %parallel_loop3A_290, %parallel_loop3A_301 : i32
        %parallel_loop3A_303 = arith.index_cast %parallel_loop3A_302 : i32 to index
        %parallel_loop3A_304 = tpu.vector_load %arg23[%parallel_loop3A_303] {strides = array<i32>} : memref<8000xf32, #tpu.memory_space<vmem>>, vector<16xf32>,
        %parallel_loop3A_305 = tpu.vector_load_idx %arg14[%parallel_loop3A_297] : memref<10000xf32, #tpu.memory_space<vmem>>[vector<16xi32>], vector<16xf32>,
        %parallel_loop3A_306 = vector.bitcast %parallel_loop3A_305 : vector<16xf32> to vector<32xbf16>
        %parallel_loop3A_307 = tpu.unpack_subelements %parallel_loop3A_306, 0 {pack_format = #tpu.pack_format<interleaved>} : vector<32xbf16> -> vector<16xf32>
        %parallel_loop3A_308 = tpu.unpack_subelements %parallel_loop3A_306, 1 {pack_format = #tpu.pack_format<interleaved>} : vector<32xbf16> -> vector<16xf32>
        %parallel_loop3A_309 = arith.mulf %parallel_loop3A_307, %parallel_loop3A_304 : vector<16xf32>
        tpu.vector_store_idx %arg16[%parallel_loop3A_300], %parallel_loop3A_309 {add = true} : memref<10000xf32, #tpu.memory_space<vmem>>[vector<16xi32>], vector<16xf32>,
        %parallel_loop3A_310 = arith.mulf %parallel_loop3A_308, %parallel_loop3A_304 : vector<16xf32>
        tpu.vector_store_idx %arg17[%parallel_loop3A_300], %parallel_loop3A_310 {add = true} : memref<10000xf32, #tpu.memory_space<vmem>>[vector<16xi32>], vector<16xf32>,
        %parallel_loop3A_311 = tpu.vector_load_idx %arg15[%parallel_loop3A_297] : memref<10000xf32, #tpu.memory_space<vmem>>[vector<16xi32>], vector<16xf32>,
        %parallel_loop3A_312 = vector.bitcast %parallel_loop3A_311 : vector<16xf32> to vector<32xbf16>
        %parallel_loop3A_313 = tpu.unpack_subelements %parallel_loop3A_312, 0 {pack_format = #tpu.pack_format<interleaved>} : vector<32xbf16> -> vector<16xf32>
        %parallel_loop3A_314 = tpu.unpack_subelements %parallel_loop3A_312, 1 {pack_format = #tpu.pack_format<interleaved>} : vector<32xbf16> -> vector<16xf32>
        %parallel_loop3A_315 = arith.mulf %parallel_loop3A_313, %parallel_loop3A_304 : vector<16xf32>
        tpu.vector_store_idx %arg18[%parallel_loop3A_300], %parallel_loop3A_315 {add = true} : memref<10000xf32, #tpu.memory_space<vmem>>[vector<16xi32>], vector<16xf32>,
        %parallel_loop3A_316 = arith.mulf %parallel_loop3A_314, %parallel_loop3A_304 : vector<16xf32>
        tpu.vector_store_idx %arg19[%parallel_loop3A_300], %parallel_loop3A_316 {add = true} : memref<10000xf32, #tpu.memory_space<vmem>>[vector<16xi32>], vector<16xf32>,
      } {sc.loop_unroll_factor = 8 : i64, sc.parallel_access}
      %add3A_267 = arith.constant 1 : i32
      %add3A_268 = arith.addi %mul3A_235, %add3A_267 : i32
      %mul3A_269 = arith.constant 8000 : i32
      %mul3A_270 = arith.muli %add3A_268, %mul3A_269 : i32
      %add3A_271 = arith.addi %mul3A_196, %mul3A_270 : i32
      %mul3A_272 = arith.constant 320000 : i32
      %mul3A_273 = arith.muli %arg0, %mul3A_272 : i32
      %add3A_274 = arith.addi %mul3A_273, %add3A_271 : i32
      %dma_wait3A_275 = tpu.memref_slice %arg11[%add3A_274] : memref<640000xi32, #tpu.memory_space<hbm>> -> memref<8000xi32, #tpu.memory_space<hbm>>
      %dma_wait3A_276 = tpu.memref_slice %arg11[%add3A_274] : memref<640000xi32, #tpu.memory_space<hbm>> -> memref<8000xi32, #tpu.memory_space<hbm>>
      tpu.wait_dma2 semaphore(%arg28 : memref<!tpu.dma_semaphore, #tpu.memory_space<semaphore_mem>>) src(%dma_wait3A_276 : memref<8000xi32, #tpu.memory_space<hbm>>) dst(%arg24 : memref<8000xi32, #tpu.memory_space<vmem>>)
      %mul3A_277 = arith.constant 320000 : i32
      %mul3A_278 = arith.muli %arg0, %mul3A_277 : i32
      %add3A_279 = arith.addi %mul3A_278, %add3A_271 : i32
      %dma_wait3A_280 = tpu.memref_slice %arg9[%add3A_279] : memref<640000xf32, #tpu.memory_space<hbm>> -> memref<8000xf32, #tpu.memory_space<hbm>>
      %dma_wait3A_281 = tpu.memref_slice %arg9[%add3A_279] : memref<640000xf32, #tpu.memory_space<hbm>> -> memref<8000xf32, #tpu.memory_space<hbm>>
      tpu.wait_dma2 semaphore(%arg28 : memref<!tpu.dma_semaphore, #tpu.memory_space<semaphore_mem>>) src(%dma_wait3A_281 : memref<8000xf32, #tpu.memory_space<hbm>>) dst(%arg26 : memref<8000xf32, #tpu.memory_space<vmem>>)
      %add3A_282 = arith.constant 1 : i32
      %add3A_283 = arith.addi %scan3A_233, %add3A_282 : i32
      %lt3A_284 = arith.constant 10 : i32
      %lt3A_285 = arith.cmpi slt, %add3A_283, %lt3A_284 : i32
      %convert_element_type3A = arith.extui %lt3A_285 : i1 to i32
      %cond3A = arith.constant 0 : i32
      %cond3A_286 = arith.cmpi ne, %convert_element_type3A, %cond3A : i32
      scf.if %cond3A_286 {
        %add3A_290 = arith.constant 2 : i32
        %add3A_291 = arith.addi %mul3A_235, %add3A_290 : i32
        %mul3A_292 = arith.constant 8000 : i32
        %mul3A_293 = arith.muli %add3A_291, %mul3A_292 : i32
        %add3A_294 = arith.addi %mul3A_196, %mul3A_293 : i32
        %mul3A_295 = arith.constant 320000 : i32
        %mul3A_296 = arith.muli %arg0, %mul3A_295 : i32
        %add3A_297 = arith.addi %mul3A_296, %add3A_294 : i32
        %dma_start3A_298 = tpu.memref_slice %arg11[%add3A_297] : memref<640000xi32, #tpu.memory_space<hbm>> -> memref<8000xi32, #tpu.memory_space<hbm>>
        %dma_start3A_299 = tpu.memref_slice %arg11[%add3A_297] : memref<640000xi32, #tpu.memory_space<hbm>> -> memref<8000xi32, #tpu.memory_space<hbm>>
        tpu.enqueue_dma source(%dma_start3A_299 : memref<8000xi32, #tpu.memory_space<hbm>>) target(%arg21 : memref<8000xi32, #tpu.memory_space<vmem>>) target_semaphore(%arg27 : memref<!tpu.dma_semaphore, #tpu.memory_space<semaphore_mem>>)
        %mul3A_300 = arith.constant 320000 : i32
        %mul3A_301 = arith.muli %arg0, %mul3A_300 : i32
        %add3A_302 = arith.addi %mul3A_301, %add3A_294 : i32
        %dma_start3A_303 = tpu.memref_slice %arg9[%add3A_302] : memref<640000xf32, #tpu.memory_space<hbm>> -> memref<8000xf32, #tpu.memory_space<hbm>>
        %dma_start3A_304 = tpu.memref_slice %arg9[%add3A_302] : memref<640000xf32, #tpu.memory_space<hbm>> -> memref<8000xf32, #tpu.memory_space<hbm>>
        tpu.enqueue_dma source(%dma_start3A_304 : memref<8000xf32, #tpu.memory_space<hbm>>) target(%arg23 : memref<8000xf32, #tpu.memory_space<vmem>>) target_semaphore(%arg27 : memref<!tpu.dma_semaphore, #tpu.memory_space<semaphore_mem>>)
      } else {
      }
      %parallel_loop3A_287 = arith.constant 0 : i32
      %parallel_loop3A_288 = arith.constant 500 : i32
      %parallel_loop3A_289 = arith.constant 1 : i32
      scf.for %parallel_loop3A_290 = %parallel_loop3A_287 to %parallel_loop3A_288 step %parallel_loop3A_289  : i32 {
        %parallel_loop3A_291 = arith.constant 16 : i32
        %parallel_loop3A_292 = arith.muli %parallel_loop3A_290, %parallel_loop3A_291 : i32
        %parallel_loop3A_293 = arith.index_cast %parallel_loop3A_292 : i32 to index
        %parallel_loop3A_294 = tpu.vector_load %arg24[%parallel_loop3A_293] {strides = array<i32>} : memref<8000xi32, #tpu.memory_space<vmem>>, vector<16xi32>,
        %parallel_loop3A_295 = arith.constant 16383 : i32
        %parallel_loop3A_296 = vector.broadcast %parallel_loop3A_295 : i32 to vector<16xi32>
        %parallel_loop3A_297 = arith.andi %parallel_loop3A_294, %parallel_loop3A_296 : vector<16xi32>
        %parallel_loop3A_298 = arith.constant 14 : i32
        %parallel_loop3A_299 = vector.broadcast %parallel_loop3A_298 : i32 to vector<16xi32>
        %parallel_loop3A_300 = arith.shrsi %parallel_loop3A_294, %parallel_loop3A_299 : vector<16xi32>
        %parallel_loop3A_301 = arith.constant 16 : i32
        %parallel_loop3A_302 = arith.muli %parallel_loop3A_290, %parallel_loop3A_301 : i32
        %parallel_loop3A_303 = arith.index_cast %parallel_loop3A_302 : i32 to index
        %parallel_loop3A_304 = tpu.vector_load %arg26[%parallel_loop3A_303] {strides = array<i32>} : memref<8000xf32, #tpu.memory_space<vmem>>, vector<16xf32>,
        %parallel_loop3A_305 = tpu.vector_load_idx %arg14[%parallel_loop3A_297] : memref<10000xf32, #tpu.memory_space<vmem>>[vector<16xi32>], vector<16xf32>,
        %parallel_loop3A_306 = vector.bitcast %parallel_loop3A_305 : vector<16xf32> to vector<32xbf16>
        %parallel_loop3A_307 = tpu.unpack_subelements %parallel_loop3A_306, 0 {pack_format = #tpu.pack_format<interleaved>} : vector<32xbf16> -> vector<16xf32>
        %parallel_loop3A_308 = tpu.unpack_subelements %parallel_loop3A_306, 1 {pack_format = #tpu.pack_format<interleaved>} : vector<32xbf16> -> vector<16xf32>
        %parallel_loop3A_309 = arith.mulf %parallel_loop3A_307, %parallel_loop3A_304 : vector<16xf32>
        tpu.vector_store_idx %arg16[%parallel_loop3A_300], %parallel_loop3A_309 {add = true} : memref<10000xf32, #tpu.memory_space<vmem>>[vector<16xi32>], vector<16xf32>,
        %parallel_loop3A_310 = arith.mulf %parallel_loop3A_308, %parallel_loop3A_304 : vector<16xf32>
        tpu.vector_store_idx %arg17[%parallel_loop3A_300], %parallel_loop3A_310 {add = true} : memref<10000xf32, #tpu.memory_space<vmem>>[vector<16xi32>], vector<16xf32>,
        %parallel_loop3A_311 = tpu.vector_load_idx %arg15[%parallel_loop3A_297] : memref<10000xf32, #tpu.memory_space<vmem>>[vector<16xi32>], vector<16xf32>,
        %parallel_loop3A_312 = vector.bitcast %parallel_loop3A_311 : vector<16xf32> to vector<32xbf16>
        %parallel_loop3A_313 = tpu.unpack_subelements %parallel_loop3A_312, 0 {pack_format = #tpu.pack_format<interleaved>} : vector<32xbf16> -> vector<16xf32>
        %parallel_loop3A_314 = tpu.unpack_subelements %parallel_loop3A_312, 1 {pack_format = #tpu.pack_format<interleaved>} : vector<32xbf16> -> vector<16xf32>
        %parallel_loop3A_315 = arith.mulf %parallel_loop3A_313, %parallel_loop3A_304 : vector<16xf32>
        tpu.vector_store_idx %arg18[%parallel_loop3A_300], %parallel_loop3A_315 {add = true} : memref<10000xf32, #tpu.memory_space<vmem>>[vector<16xi32>], vector<16xf32>,
        %parallel_loop3A_316 = arith.mulf %parallel_loop3A_314, %parallel_loop3A_304 : vector<16xf32>
        tpu.vector_store_idx %arg19[%parallel_loop3A_300], %parallel_loop3A_316 {add = true} : memref<10000xf32, #tpu.memory_space<vmem>>[vector<16xi32>], vector<16xf32>,
      } {sc.loop_unroll_factor = 8 : i64, sc.parallel_access}
    }
    %scan3A_213 = arith.constant 10 : i32
    %mul3A_214 = arith.constant 10000 : i32
    %mul3A_215 = arith.muli %add3A_98, %mul3A_214 : i32
    "tpu.region"() ({
      %run_scoped3A = tpu.sem_alloc : memref<!tpu.dma_semaphore, #tpu.memory_space<semaphore_mem>>
      %dma_start3A_233 = tpu.memref_slice %arg10[%mul3A_215] : memref<640000xf32, #tpu.memory_space<hbm>> -> memref<10000xf32, #tpu.memory_space<hbm>>
      %dma_start3A_234 = tpu.memref_slice %arg10[%mul3A_215] : memref<640000xf32, #tpu.memory_space<hbm>> -> memref<10000xf32, #tpu.memory_space<hbm>>
      tpu.enqueue_dma source(%arg18 : memref<10000xf32, #tpu.memory_space<vmem>>) target(%dma_start3A_234 : memref<10000xf32, #tpu.memory_space<hbm>>) target_semaphore(%run_scoped3A : memref<!tpu.dma_semaphore, #tpu.memory_space<semaphore_mem>>)
      %dma_wait3A_235 = tpu.memref_slice %arg10[%mul3A_215] : memref<640000xf32, #tpu.memory_space<hbm>> -> memref<10000xf32, #tpu.memory_space<hbm>>
      %dma_wait3A_236 = tpu.memref_slice %arg10[%mul3A_215] : memref<640000xf32, #tpu.memory_space<hbm>> -> memref<10000xf32, #tpu.memory_space<hbm>>
      tpu.wait_dma2 semaphore(%run_scoped3A : memref<!tpu.dma_semaphore, #tpu.memory_space<semaphore_mem>>) src(%arg18 : memref<10000xf32, #tpu.memory_space<vmem>>) dst(%dma_wait3A_236 : memref<10000xf32, #tpu.memory_space<hbm>>)
      tpu.yield
    }) : () -> ()
    %mul3A_216 = arith.constant 10000 : i32
    %mul3A_217 = arith.muli %add3A_119, %mul3A_216 : i32
    "tpu.region"() ({
      %run_scoped3A = tpu.sem_alloc : memref<!tpu.dma_semaphore, #tpu.memory_space<semaphore_mem>>
      %dma_start3A_233 = tpu.memref_slice %arg10[%mul3A_217] : memref<640000xf32, #tpu.memory_space<hbm>> -> memref<10000xf32, #tpu.memory_space<hbm>>
      %dma_start3A_234 = tpu.memref_slice %arg10[%mul3A_217] : memref<640000xf32, #tpu.memory_space<hbm>> -> memref<10000xf32, #tpu.memory_space<hbm>>
      tpu.enqueue_dma source(%arg19 : memref<10000xf32, #tpu.memory_space<vmem>>) target(%dma_start3A_234 : memref<10000xf32, #tpu.memory_space<hbm>>) target_semaphore(%run_scoped3A : memref<!tpu.dma_semaphore, #tpu.memory_space<semaphore_mem>>)
      %dma_wait3A_235 = tpu.memref_slice %arg10[%mul3A_217] : memref<640000xf32, #tpu.memory_space<hbm>> -> memref<10000xf32, #tpu.memory_space<hbm>>
      %dma_wait3A_236 = tpu.memref_slice %arg10[%mul3A_217] : memref<640000xf32, #tpu.memory_space<hbm>> -> memref<10000xf32, #tpu.memory_space<hbm>>
      tpu.wait_dma2 semaphore(%run_scoped3A : memref<!tpu.dma_semaphore, #tpu.memory_space<semaphore_mem>>) src(%arg19 : memref<10000xf32, #tpu.memory_space<vmem>>) dst(%dma_wait3A_236 : memref<10000xf32, #tpu.memory_space<hbm>>)
      tpu.yield
    }) : () -> ()
    %barrier3A_218 = arith.constant 0 : index
    tpu.barrier barrier_id(%barrier3A_218)
    %mul3A_219 = arith.constant 10000 : i32
    %mul3A_220 = arith.muli %add3A_56, %mul3A_219 : i32
    "tpu.region"() ({
      %run_scoped3A = tpu.sem_alloc : memref<!tpu.dma_semaphore, #tpu.memory_space<semaphore_mem>>
      %dma_start3A_233 = tpu.memref_slice %arg10[%mul3A_220] : memref<640000xf32, #tpu.memory_space<hbm>> -> memref<10000xf32, #tpu.memory_space<hbm>>
      %dma_start3A_234 = tpu.memref_slice %arg10[%mul3A_220] : memref<640000xf32, #tpu.memory_space<hbm>> -> memref<10000xf32, #tpu.memory_space<hbm>>
      tpu.enqueue_dma source(%dma_start3A_234 : memref<10000xf32, #tpu.memory_space<hbm>>) target(%arg20 : memref<10000xf32, #tpu.memory_space<vmem>>) target_semaphore(%run_scoped3A : memref<!tpu.dma_semaphore, #tpu.memory_space<semaphore_mem>>)
      %dma_wait3A_235 = tpu.memref_slice %arg10[%mul3A_220] : memref<640000xf32, #tpu.memory_space<hbm>> -> memref<10000xf32, #tpu.memory_space<hbm>>
      %dma_wait3A_236 = tpu.memref_slice %arg10[%mul3A_220] : memref<640000xf32, #tpu.memory_space<hbm>> -> memref<10000xf32, #tpu.memory_space<hbm>>
      tpu.wait_dma2 semaphore(%run_scoped3A : memref<!tpu.dma_semaphore, #tpu.memory_space<semaphore_mem>>) src(%dma_wait3A_236 : memref<10000xf32, #tpu.memory_space<hbm>>) dst(%arg20 : memref<10000xf32, #tpu.memory_space<vmem>>)
      tpu.yield
    }) : () -> ()
    %parallel_loop3A_221 = arith.constant 0 : i32
    %parallel_loop3A_222 = arith.constant 625 : i32
    %parallel_loop3A_223 = arith.constant 1 : i32
    scf.for %parallel_loop3A_233 = %parallel_loop3A_221 to %parallel_loop3A_222 step %parallel_loop3A_223  : i32 {
      %parallel_loop3A_234 = arith.constant 16 : i32
      %parallel_loop3A_235 = arith.muli %parallel_loop3A_233, %parallel_loop3A_234 : i32
      %parallel_loop3A_236 = arith.index_cast %parallel_loop3A_235 : i32 to index
      %parallel_loop3A_237 = tpu.vector_load %arg16[%parallel_loop3A_236] {strides = array<i32>} : memref<10000xf32, #tpu.memory_space<vmem>>, vector<16xf32>,
      %parallel_loop3A_238 = arith.constant 16 : i32
      %parallel_loop3A_239 = arith.muli %parallel_loop3A_233, %parallel_loop3A_238 : i32
      %parallel_loop3A_240 = arith.index_cast %parallel_loop3A_239 : i32 to index
      %parallel_loop3A_241 = tpu.vector_load %arg20[%parallel_loop3A_240] {strides = array<i32>} : memref<10000xf32, #tpu.memory_space<vmem>>, vector<16xf32>,
      %parallel_loop3A_242 = arith.addf %parallel_loop3A_237, %parallel_loop3A_241 : vector<16xf32>
      %parallel_loop3A_243 = arith.constant 16 : i32
      %parallel_loop3A_244 = arith.muli %parallel_loop3A_233, %parallel_loop3A_243 : i32
      %parallel_loop3A_245 = arith.index_cast %parallel_loop3A_244 : i32 to index
      %parallel_loop3A_246 = tpu.vector_load %arg16[%parallel_loop3A_245] {strides = array<i32>} : memref<10000xf32, #tpu.memory_space<vmem>>, vector<16xf32>,
      tpu.vector_store %arg16[%parallel_loop3A_245], %parallel_loop3A_242 {strides = array<i32>} : memref<10000xf32, #tpu.memory_space<vmem>>, vector<16xf32>,
    } {sc.loop_unroll_factor = 8 : i64, sc.parallel_access}
    %mul3A_224 = arith.constant 10000 : i32
    %mul3A_225 = arith.muli %add3A_56, %mul3A_224 : i32
    "tpu.region"() ({
      %run_scoped3A = tpu.sem_alloc : memref<!tpu.dma_semaphore, #tpu.memory_space<semaphore_mem>>
      %dma_start3A_233 = tpu.memref_slice %arg7[%mul3A_225] : memref<640000xf32, #tpu.memory_space<hbm>> -> memref<10000xf32, #tpu.memory_space<hbm>>
      %dma_start3A_234 = tpu.memref_slice %arg7[%mul3A_225] : memref<640000xf32, #tpu.memory_space<hbm>> -> memref<10000xf32, #tpu.memory_space<hbm>>
      tpu.enqueue_dma source(%arg16 : memref<10000xf32, #tpu.memory_space<vmem>>) target(%dma_start3A_234 : memref<10000xf32, #tpu.memory_space<hbm>>) target_semaphore(%run_scoped3A : memref<!tpu.dma_semaphore, #tpu.memory_space<semaphore_mem>>)
      %dma_wait3A_235 = tpu.memref_slice %arg7[%mul3A_225] : memref<640000xf32, #tpu.memory_space<hbm>> -> memref<10000xf32, #tpu.memory_space<hbm>>
      %dma_wait3A_236 = tpu.memref_slice %arg7[%mul3A_225] : memref<640000xf32, #tpu.memory_space<hbm>> -> memref<10000xf32, #tpu.memory_space<hbm>>
      tpu.wait_dma2 semaphore(%run_scoped3A : memref<!tpu.dma_semaphore, #tpu.memory_space<semaphore_mem>>) src(%arg16 : memref<10000xf32, #tpu.memory_space<vmem>>) dst(%dma_wait3A_236 : memref<10000xf32, #tpu.memory_space<hbm>>)
      tpu.yield
    }) : () -> ()
    %mul3A_226 = arith.constant 10000 : i32
    %mul3A_227 = arith.muli %add3A_77, %mul3A_226 : i32
    "tpu.region"() ({
      %run_scoped3A = tpu.sem_alloc : memref<!tpu.dma_semaphore, #tpu.memory_space<semaphore_mem>>
      %dma_start3A_233 = tpu.memref_slice %arg10[%mul3A_227] : memref<640000xf32, #tpu.memory_space<hbm>> -> memref<10000xf32, #tpu.memory_space<hbm>>
      %dma_start3A_234 = tpu.memref_slice %arg10[%mul3A_227] : memref<640000xf32, #tpu.memory_space<hbm>> -> memref<10000xf32, #tpu.memory_space<hbm>>
      tpu.enqueue_dma source(%dma_start3A_234 : memref<10000xf32, #tpu.memory_space<hbm>>) target(%arg20 : memref<10000xf32, #tpu.memory_space<vmem>>) target_semaphore(%run_scoped3A : memref<!tpu.dma_semaphore, #tpu.memory_space<semaphore_mem>>)
      %dma_wait3A_235 = tpu.memref_slice %arg10[%mul3A_227] : memref<640000xf32, #tpu.memory_space<hbm>> -> memref<10000xf32, #tpu.memory_space<hbm>>
      %dma_wait3A_236 = tpu.memref_slice %arg10[%mul3A_227] : memref<640000xf32, #tpu.memory_space<hbm>> -> memref<10000xf32, #tpu.memory_space<hbm>>
      tpu.wait_dma2 semaphore(%run_scoped3A : memref<!tpu.dma_semaphore, #tpu.memory_space<semaphore_mem>>) src(%dma_wait3A_236 : memref<10000xf32, #tpu.memory_space<hbm>>) dst(%arg20 : memref<10000xf32, #tpu.memory_space<vmem>>)
      tpu.yield
    }) : () -> ()
    %parallel_loop3A_228 = arith.constant 0 : i32
    %parallel_loop3A_229 = arith.constant 625 : i32
    %parallel_loop3A_230 = arith.constant 1 : i32
    scf.for %parallel_loop3A_233 = %parallel_loop3A_228 to %parallel_loop3A_229 step %parallel_loop3A_230  : i32 {
      %parallel_loop3A_234 = arith.constant 16 : i32
      %parallel_loop3A_235 = arith.muli %parallel_loop3A_233, %parallel_loop3A_234 : i32
      %parallel_loop3A_236 = arith.index_cast %parallel_loop3A_235 : i32 to index
      %parallel_loop3A_237 = tpu.vector_load %arg17[%parallel_loop3A_236] {strides = array<i32>} : memref<10000xf32, #tpu.memory_space<vmem>>, vector<16xf32>,
      %parallel_loop3A_238 = arith.constant 16 : i32
      %parallel_loop3A_239 = arith.muli %parallel_loop3A_233, %parallel_loop3A_238 : i32
      %parallel_loop3A_240 = arith.index_cast %parallel_loop3A_239 : i32 to index
      %parallel_loop3A_241 = tpu.vector_load %arg20[%parallel_loop3A_240] {strides = array<i32>} : memref<10000xf32, #tpu.memory_space<vmem>>, vector<16xf32>,
      %parallel_loop3A_242 = arith.addf %parallel_loop3A_237, %parallel_loop3A_241 : vector<16xf32>
      %parallel_loop3A_243 = arith.constant 16 : i32
      %parallel_loop3A_244 = arith.muli %parallel_loop3A_233, %parallel_loop3A_243 : i32
      %parallel_loop3A_245 = arith.index_cast %parallel_loop3A_244 : i32 to index
      %parallel_loop3A_246 = tpu.vector_load %arg17[%parallel_loop3A_245] {strides = array<i32>} : memref<10000xf32, #tpu.memory_space<vmem>>, vector<16xf32>,
      tpu.vector_store %arg17[%parallel_loop3A_245], %parallel_loop3A_242 {strides = array<i32>} : memref<10000xf32, #tpu.memory_space<vmem>>, vector<16xf32>,
    } {sc.loop_unroll_factor = 8 : i64, sc.parallel_access}
    %mul3A_231 = arith.constant 10000 : i32
    %mul3A_232 = arith.muli %add3A_77, %mul3A_231 : i32
    "tpu.region"() ({
      %run_scoped3A = tpu.sem_alloc : memref<!tpu.dma_semaphore, #tpu.memory_space<semaphore_mem>>
      %dma_start3A_233 = tpu.memref_slice %arg7[%mul3A_232] : memref<640000xf32, #tpu.memory_space<hbm>> -> memref<10000xf32, #tpu.memory_space<hbm>>
      %dma_start3A_234 = tpu.memref_slice %arg7[%mul3A_232] : memref<640000xf32, #tpu.memory_space<hbm>> -> memref<10000xf32, #tpu.memory_space<hbm>>
      tpu.enqueue_dma source(%arg17 : memref<10000xf32, #tpu.memory_space<vmem>>) target(%dma_start3A_234 : memref<10000xf32, #tpu.memory_space<hbm>>) target_semaphore(%run_scoped3A : memref<!tpu.dma_semaphore, #tpu.memory_space<semaphore_mem>>)
      %dma_wait3A_235 = tpu.memref_slice %arg7[%mul3A_232] : memref<640000xf32, #tpu.memory_space<hbm>> -> memref<10000xf32, #tpu.memory_space<hbm>>
      %dma_wait3A_236 = tpu.memref_slice %arg7[%mul3A_232] : memref<640000xf32, #tpu.memory_space<hbm>> -> memref<10000xf32, #tpu.memory_space<hbm>>
      tpu.wait_dma2 semaphore(%run_scoped3A : memref<!tpu.dma_semaphore, #tpu.memory_space<semaphore_mem>>) src(%arg17 : memref<10000xf32, #tpu.memory_space<vmem>>) dst(%dma_wait3A_236 : memref<10000xf32, #tpu.memory_space<hbm>>)
      tpu.yield
    }) : () -> ()
    return
  }
}

#map = affine_map<(d0, d1) -> (0)>
module attributes {stable_mosaic.version = 14 : i64} {
  func.func @body(%arg0: i32, %arg1: i32, %arg2: memref<640000xf32, #tpu.memory_space<hbm>>, %arg3: memref<10000xf32, #tpu.memory_space<hbm>>, %arg4: memref<10000xf32, #tpu.memory_space<hbm>>, %arg5: memref<640000xi32, #tpu.memory_space<hbm>>, %arg6: memref<640000xf32, #tpu.memory_space<hbm>>, %arg7: memref<320000xf32, #tpu.memory_space<hbm>>, %arg8: memref<640000xf32, #tpu.memory_space<hbm>>, %arg9: memref<640000xf32, #tpu.memory_space<hbm>>, %arg10: memref<10000xf32, #tpu.memory_space<vmem>>, %arg11: memref<10000xf32, #tpu.memory_space<vmem>>, %arg12: memref<10000xf32, #tpu.memory_space<vmem>>, %arg13: memref<10000xf32, #tpu.memory_space<vmem>>, %arg14: memref<10000xf32, #tpu.memory_space<vmem>>, %arg15: memref<10000xf32, #tpu.memory_space<vmem>>, %arg16: memref<10000xf32, #tpu.memory_space<vmem>>, %arg17: memref<10000xf32, #tpu.memory_space<vmem>>, %arg18: memref<10000xf32, #tpu.memory_space<vmem>>, %arg19: memref<8000xi32, #tpu.memory_space<vmem>>, %arg20: memref<2000xi32, #tpu.memory_space<vmem>>, %arg21: memref<8000xf32, #tpu.memory_space<vmem>>, %arg22: memref<8000xi32, #tpu.memory_space<vmem>>, %arg23: memref<2000xi32, #tpu.memory_space<vmem>>, %arg24: memref<8000xf32, #tpu.memory_space<vmem>>, %arg25: memref<!tpu.dma_semaphore, #tpu.memory_space<semaphore_mem>>, %arg26: memref<!tpu.dma_semaphore, #tpu.memory_space<semaphore_mem>>, %arg27: memref<!tpu.dma_semaphore, #tpu.memory_space<semaphore_mem>>, %arg28: memref<!tpu.dma_semaphore, #tpu.memory_space<semaphore_mem>>) attributes {dimension_semantics = [#tpu.dimension_semantics<core_parallel>, #tpu.dimension_semantics<subcore_parallel>], iteration_bounds = array<i64: 2, 16>, scalar_prefetch = 0 : i64, scratch_operands = 19 : i64, tpu.core_type = #tpu.core_type<sc_vector_subcore>, window_params = [{transform_indices = #map}, {transform_indices = #map}, {transform_indices = #map}, {transform_indices = #map}, {transform_indices = #map}, {transform_indices = #map}, {transform_indices = #map}, {transform_indices = #map}]} {
    %mul3A = arith.constant 16 : i32
    %mul3A_0 = arith.muli %arg0, %mul3A : i32
    %add3A = arith.addi %mul3A_0, %arg1 : i32
    %jit3A = arith.constant 2 : i32
    %eq3A = arith.constant 0 : i32
    %eq3A_1 = arith.cmpi eq, %jit3A, %eq3A : i32
    %jit3A_2 = arith.constant 1 : i32
    %select_n3A = arith.select %eq3A_1, %jit3A_2, %jit3A : i32
    %rem3A = arith.remsi %arg1, %select_n3A : i32
    %ne3A = arith.constant 0 : i32
    %ne3A_3 = arith.cmpi ne, %rem3A, %ne3A : i32
    %lt3A = arith.constant 0 : i32
    %lt3A_4 = arith.cmpi slt, %rem3A, %lt3A : i32
    %lt3A_5 = arith.constant 0 : i32
    %lt3A_6 = arith.cmpi slt, %select_n3A, %lt3A_5 : i32
    %ne3A_7 = arith.xori %lt3A_4, %lt3A_6 : i1
    %and3A = arith.andi %ne3A_7, %ne3A_3 : i1
    %add3A_8 = arith.addi %rem3A, %select_n3A : i32
    %select_n3A_9 = arith.select %and3A, %add3A_8, %rem3A : i32
    %mul3A_10 = arith.constant 8 : i32
    %mul3A_11 = arith.muli %arg0, %mul3A_10 : i32
    %jit3A_12 = arith.constant 2 : i32
    %div3A = arith.divsi %arg1, %jit3A_12 : i32
    %sign3A = arith.constant 0 : i32
    %sign3A_13 = arith.cmpi sgt, %arg1, %sign3A : i32
    %sign3A_14 = arith.extui %sign3A_13 : i1 to i32
    %sign3A_15 = arith.constant 0 : i32
    %sign3A_16 = arith.cmpi slt, %arg1, %sign3A_15 : i32
    %sign3A_17 = arith.extui %sign3A_16 : i1 to i32
    %sign3A_18 = arith.subi %sign3A_14, %sign3A_17 : i32
    %sign3A_19 = arith.constant 0 : i32
    %sign3A_20 = arith.cmpi sgt, %jit3A_12, %sign3A_19 : i32
    %sign3A_21 = arith.extui %sign3A_20 : i1 to i32
    %sign3A_22 = arith.constant 0 : i32
    %sign3A_23 = arith.cmpi slt, %jit3A_12, %sign3A_22 : i32
    %sign3A_24 = arith.extui %sign3A_23 : i1 to i32
    %sign3A_25 = arith.subi %sign3A_21, %sign3A_24 : i32
    %ne3A_26 = arith.cmpi ne, %sign3A_18, %sign3A_25 : i32
    %rem3A_27 = arith.remsi %arg1, %jit3A_12 : i32
    %ne3A_28 = arith.constant 0 : i32
    %ne3A_29 = arith.cmpi ne, %rem3A_27, %ne3A_28 : i32
    %and3A_30 = arith.andi %ne3A_26, %ne3A_29 : i1
    %sub3A = arith.constant 1 : i32
    %sub3A_31 = arith.subi %div3A, %sub3A : i32
    %select_n3A_32 = arith.select %and3A_30, %sub3A_31, %div3A : i32
    %add3A_33 = arith.addi %mul3A_11, %select_n3A_32 : i32
    %mul3A_34 = arith.constant 4 : i32
    %mul3A_35 = arith.muli %add3A_33, %mul3A_34 : i32
    %mul3A_36 = arith.constant 2 : i32
    %mul3A_37 = arith.muli %mul3A_36, %select_n3A_9 : i32
    %add3A_38 = arith.constant 0 : i32
    %add3A_39 = arith.addi %add3A_38, %mul3A_37 : i32
    %jit3A_40 = arith.constant 4 : i32
    %eq3A_41 = arith.constant 0 : i32
    %eq3A_42 = arith.cmpi eq, %jit3A_40, %eq3A_41 : i32
    %jit3A_43 = arith.constant 1 : i32
    %select_n3A_44 = arith.select %eq3A_42, %jit3A_43, %jit3A_40 : i32
    %rem3A_45 = arith.remsi %add3A_39, %select_n3A_44 : i32
    %ne3A_46 = arith.constant 0 : i32
    %ne3A_47 = arith.cmpi ne, %rem3A_45, %ne3A_46 : i32
    %lt3A_48 = arith.constant 0 : i32
    %lt3A_49 = arith.cmpi slt, %rem3A_45, %lt3A_48 : i32
    %lt3A_50 = arith.constant 0 : i32
    %lt3A_51 = arith.cmpi slt, %select_n3A_44, %lt3A_50 : i32
    %ne3A_52 = arith.xori %lt3A_49, %lt3A_51 : i1
    %and3A_53 = arith.andi %ne3A_52, %ne3A_47 : i1
    %add3A_54 = arith.addi %rem3A_45, %select_n3A_44 : i32
    %select_n3A_55 = arith.select %and3A_53, %add3A_54, %rem3A_45 : i32
    %add3A_56 = arith.addi %mul3A_35, %select_n3A_55 : i32
    %mul3A_57 = arith.constant 2 : i32
    %mul3A_58 = arith.muli %mul3A_57, %select_n3A_9 : i32
    %add3A_59 = arith.constant 1 : i32
    %add3A_60 = arith.addi %add3A_59, %mul3A_58 : i32
    %jit3A_61 = arith.constant 4 : i32
    %eq3A_62 = arith.constant 0 : i32
    %eq3A_63 = arith.cmpi eq, %jit3A_61, %eq3A_62 : i32
    %jit3A_64 = arith.constant 1 : i32
    %select_n3A_65 = arith.select %eq3A_63, %jit3A_64, %jit3A_61 : i32
    %rem3A_66 = arith.remsi %add3A_60, %select_n3A_65 : i32
    %ne3A_67 = arith.constant 0 : i32
    %ne3A_68 = arith.cmpi ne, %rem3A_66, %ne3A_67 : i32
    %lt3A_69 = arith.constant 0 : i32
    %lt3A_70 = arith.cmpi slt, %rem3A_66, %lt3A_69 : i32
    %lt3A_71 = arith.constant 0 : i32
    %lt3A_72 = arith.cmpi slt, %select_n3A_65, %lt3A_71 : i32
    %ne3A_73 = arith.xori %lt3A_70, %lt3A_72 : i1
    %and3A_74 = arith.andi %ne3A_73, %ne3A_68 : i1
    %add3A_75 = arith.addi %rem3A_66, %select_n3A_65 : i32
    %select_n3A_76 = arith.select %and3A_74, %add3A_75, %rem3A_66 : i32
    %add3A_77 = arith.addi %mul3A_35, %select_n3A_76 : i32
    %mul3A_78 = arith.constant 2 : i32
    %mul3A_79 = arith.muli %mul3A_78, %select_n3A_9 : i32
    %add3A_80 = arith.constant 2 : i32
    %add3A_81 = arith.addi %add3A_80, %mul3A_79 : i32
    %jit3A_82 = arith.constant 4 : i32
    %eq3A_83 = arith.constant 0 : i32
    %eq3A_84 = arith.cmpi eq, %jit3A_82, %eq3A_83 : i32
    %jit3A_85 = arith.constant 1 : i32
    %select_n3A_86 = arith.select %eq3A_84, %jit3A_85, %jit3A_82 : i32
    %rem3A_87 = arith.remsi %add3A_81, %select_n3A_86 : i32
    %ne3A_88 = arith.constant 0 : i32
    %ne3A_89 = arith.cmpi ne, %rem3A_87, %ne3A_88 : i32
    %lt3A_90 = arith.constant 0 : i32
    %lt3A_91 = arith.cmpi slt, %rem3A_87, %lt3A_90 : i32
    %lt3A_92 = arith.constant 0 : i32
    %lt3A_93 = arith.cmpi slt, %select_n3A_86, %lt3A_92 : i32
    %ne3A_94 = arith.xori %lt3A_91, %lt3A_93 : i1
    %and3A_95 = arith.andi %ne3A_94, %ne3A_89 : i1
    %add3A_96 = arith.addi %rem3A_87, %select_n3A_86 : i32
    %select_n3A_97 = arith.select %and3A_95, %add3A_96, %rem3A_87 : i32
    %add3A_98 = arith.addi %mul3A_35, %select_n3A_97 : i32
    %mul3A_99 = arith.constant 2 : i32
    %mul3A_100 = arith.muli %mul3A_99, %select_n3A_9 : i32
    %add3A_101 = arith.constant 3 : i32
    %add3A_102 = arith.addi %add3A_101, %mul3A_100 : i32
    %jit3A_103 = arith.constant 4 : i32
    %eq3A_104 = arith.constant 0 : i32
    %eq3A_105 = arith.cmpi eq, %jit3A_103, %eq3A_104 : i32
    %jit3A_106 = arith.constant 1 : i32
    %select_n3A_107 = arith.select %eq3A_105, %jit3A_106, %jit3A_103 : i32
    %rem3A_108 = arith.remsi %add3A_102, %select_n3A_107 : i32
    %ne3A_109 = arith.constant 0 : i32
    %ne3A_110 = arith.cmpi ne, %rem3A_108, %ne3A_109 : i32
    %lt3A_111 = arith.constant 0 : i32
    %lt3A_112 = arith.cmpi slt, %rem3A_108, %lt3A_111 : i32
    %lt3A_113 = arith.constant 0 : i32
    %lt3A_114 = arith.cmpi slt, %select_n3A_107, %lt3A_113 : i32
    %ne3A_115 = arith.xori %lt3A_112, %lt3A_114 : i1
    %and3A_116 = arith.andi %ne3A_115, %ne3A_110 : i1
    %add3A_117 = arith.addi %rem3A_108, %select_n3A_107 : i32
    %select_n3A_118 = arith.select %and3A_116, %add3A_117, %rem3A_108 : i32
    %add3A_119 = arith.addi %mul3A_35, %select_n3A_118 : i32
    "tpu.region"() ({
      %run_scoped3A = tpu.sem_alloc : memref<!tpu.dma_semaphore, #tpu.memory_space<semaphore_mem>>
      tpu.enqueue_dma source(%arg3 : memref<10000xf32, #tpu.memory_space<hbm>>) target(%arg12 : memref<10000xf32, #tpu.memory_space<vmem>>) target_semaphore(%run_scoped3A : memref<!tpu.dma_semaphore, #tpu.memory_space<semaphore_mem>>)
      tpu.wait_dma2 semaphore(%run_scoped3A : memref<!tpu.dma_semaphore, #tpu.memory_space<semaphore_mem>>) src(%arg3 : memref<10000xf32, #tpu.memory_space<hbm>>) dst(%arg12 : memref<10000xf32, #tpu.memory_space<vmem>>)
      tpu.yield
    }) : () -> ()
    "tpu.region"() ({
      %run_scoped3A = tpu.sem_alloc : memref<!tpu.dma_semaphore, #tpu.memory_space<semaphore_mem>>
      tpu.enqueue_dma source(%arg4 : memref<10000xf32, #tpu.memory_space<hbm>>) target(%arg13 : memref<10000xf32, #tpu.memory_space<vmem>>) target_semaphore(%run_scoped3A : memref<!tpu.dma_semaphore, #tpu.memory_space<semaphore_mem>>)
      tpu.wait_dma2 semaphore(%run_scoped3A : memref<!tpu.dma_semaphore, #tpu.memory_space<semaphore_mem>>) src(%arg4 : memref<10000xf32, #tpu.memory_space<hbm>>) dst(%arg13 : memref<10000xf32, #tpu.memory_space<vmem>>)
      tpu.yield
    }) : () -> ()
    %broadcast_in_dim3A = arith.constant 0.000000e+00 : f32
    %broadcast_in_dim3A_120 = vector.broadcast %broadcast_in_dim3A : f32 to vector<16xf32>
    %scan3A = arith.constant 0 : i32
    %scan3A_121 = arith.constant 625 : i32
    %scan3A_122 = arith.addi %scan3A, %scan3A_121 : i32
    %scan3A_123 = arith.constant 1 : i32
    scf.for %scan3A_216 = %scan3A to %scan3A_122 step %scan3A_123  : i32 {
      %mul3A_217 = arith.constant 16 : i32
      %mul3A_218 = arith.muli %scan3A_216, %mul3A_217 : i32
      %swap3A = arith.index_cast %mul3A_218 : i32 to index
      %swap3A_219 = tpu.vector_load %arg14[%swap3A] {strides = array<i32>} : memref<10000xf32, #tpu.memory_space<vmem>>, vector<16xf32>,
      tpu.vector_store %arg14[%swap3A], %broadcast_in_dim3A_120 {strides = array<i32>} : memref<10000xf32, #tpu.memory_space<vmem>>, vector<16xf32>,
      %mul3A_220 = arith.constant 16 : i32
      %mul3A_221 = arith.muli %scan3A_216, %mul3A_220 : i32
      %swap3A_222 = arith.index_cast %mul3A_221 : i32 to index
      %swap3A_223 = tpu.vector_load %arg15[%swap3A_222] {strides = array<i32>} : memref<10000xf32, #tpu.memory_space<vmem>>, vector<16xf32>,
      tpu.vector_store %arg15[%swap3A_222], %broadcast_in_dim3A_120 {strides = array<i32>} : memref<10000xf32, #tpu.memory_space<vmem>>, vector<16xf32>,
      %mul3A_224 = arith.constant 16 : i32
      %mul3A_225 = arith.muli %scan3A_216, %mul3A_224 : i32
      %swap3A_226 = arith.index_cast %mul3A_225 : i32 to index
      %swap3A_227 = tpu.vector_load %arg16[%swap3A_226] {strides = array<i32>} : memref<10000xf32, #tpu.memory_space<vmem>>, vector<16xf32>,
      tpu.vector_store %arg16[%swap3A_226], %broadcast_in_dim3A_120 {strides = array<i32>} : memref<10000xf32, #tpu.memory_space<vmem>>, vector<16xf32>,
      %mul3A_228 = arith.constant 16 : i32
      %mul3A_229 = arith.muli %scan3A_216, %mul3A_228 : i32
      %swap3A_230 = arith.index_cast %mul3A_229 : i32 to index
      %swap3A_231 = tpu.vector_load %arg17[%swap3A_230] {strides = array<i32>} : memref<10000xf32, #tpu.memory_space<vmem>>, vector<16xf32>,
      tpu.vector_store %arg17[%swap3A_230], %broadcast_in_dim3A_120 {strides = array<i32>} : memref<10000xf32, #tpu.memory_space<vmem>>, vector<16xf32>,
      %mul3A_232 = arith.constant 16 : i32
      %mul3A_233 = arith.muli %scan3A_216, %mul3A_232 : i32
      %swap3A_234 = arith.index_cast %mul3A_233 : i32 to index
      %swap3A_235 = tpu.vector_load %arg18[%swap3A_234] {strides = array<i32>} : memref<10000xf32, #tpu.memory_space<vmem>>, vector<16xf32>,
      tpu.vector_store %arg18[%swap3A_234], %broadcast_in_dim3A_120 {strides = array<i32>} : memref<10000xf32, #tpu.memory_space<vmem>>, vector<16xf32>,
    }
    %scan3A_124 = arith.constant 625 : i32
    %mul3A_125 = arith.constant 20000 : i32
    %mul3A_126 = arith.muli %arg1, %mul3A_125 : i32
    %add3A_127 = arith.constant 0 : i32
    %add3A_128 = arith.addi %mul3A_126, %add3A_127 : i32
    %mul3A_129 = arith.constant 320000 : i32
    %mul3A_130 = arith.muli %arg0, %mul3A_129 : i32
    %add3A_131 = arith.addi %mul3A_130, %add3A_128 : i32
    %dma_start3A = arith.constant 0 : i32
    %dma_start3A_132 = tpu.memref_slice %arg19[%dma_start3A] : memref<8000xi32, #tpu.memory_space<vmem>> -> memref<2000xi32, #tpu.memory_space<vmem>>
    %dma_start3A_133 = tpu.memref_slice %arg5[%add3A_131] : memref<640000xi32, #tpu.memory_space<hbm>> -> memref<2000xi32, #tpu.memory_space<hbm>>
    %dma_start3A_134 = arith.constant 0 : i32
    %dma_start3A_135 = tpu.memref_slice %arg19[%dma_start3A_134] : memref<8000xi32, #tpu.memory_space<vmem>> -> memref<2000xi32, #tpu.memory_space<vmem>>
    %dma_start3A_136 = tpu.memref_slice %arg5[%add3A_131] : memref<640000xi32, #tpu.memory_space<hbm>> -> memref<2000xi32, #tpu.memory_space<hbm>>
    tpu.enqueue_dma source(%dma_start3A_136 : memref<2000xi32, #tpu.memory_space<hbm>>) target(%dma_start3A_135 : memref<2000xi32, #tpu.memory_space<vmem>>) target_semaphore(%arg25 : memref<!tpu.dma_semaphore, #tpu.memory_space<semaphore_mem>>)
    %scan3A_137 = arith.constant 0 : i32
    %scan3A_138 = arith.constant 5 : i32
    %scan3A_139 = arith.addi %scan3A_137, %scan3A_138 : i32
    %scan3A_140 = arith.constant 1 : i32
    scf.for %scan3A_216 = %scan3A_137 to %scan3A_139 step %scan3A_140  : i32 {
      %mul3A_217 = arith.constant 2 : i32
      %mul3A_218 = arith.muli %mul3A_217, %scan3A_216 : i32
      %mul3A_219 = arith.constant 2000 : i32
      %mul3A_220 = arith.muli %mul3A_218, %mul3A_219 : i32
      %add3A_221 = arith.addi %mul3A_126, %mul3A_220 : i32
      %mul3A_222 = arith.constant 320000 : i32
      %mul3A_223 = arith.muli %arg0, %mul3A_222 : i32
      %add3A_224 = arith.addi %mul3A_223, %add3A_221 : i32
      %dma_wait3A_225 = arith.constant 0 : i32
      %dma_wait3A_226 = tpu.memref_slice %arg19[%dma_wait3A_225] : memref<8000xi32, #tpu.memory_space<vmem>> -> memref<2000xi32, #tpu.memory_space<vmem>>
      %dma_wait3A_227 = tpu.memref_slice %arg5[%add3A_224] : memref<640000xi32, #tpu.memory_space<hbm>> -> memref<2000xi32, #tpu.memory_space<hbm>>
      %dma_wait3A_228 = arith.constant 0 : i32
      %dma_wait3A_229 = tpu.memref_slice %arg19[%dma_wait3A_228] : memref<8000xi32, #tpu.memory_space<vmem>> -> memref<2000xi32, #tpu.memory_space<vmem>>
      %dma_wait3A_230 = tpu.memref_slice %arg5[%add3A_224] : memref<640000xi32, #tpu.memory_space<hbm>> -> memref<2000xi32, #tpu.memory_space<hbm>>
      tpu.wait_dma2 semaphore(%arg25 : memref<!tpu.dma_semaphore, #tpu.memory_space<semaphore_mem>>) src(%dma_wait3A_230 : memref<2000xi32, #tpu.memory_space<hbm>>) dst(%dma_wait3A_229 : memref<2000xi32, #tpu.memory_space<vmem>>)
      %gt3A = arith.constant 0 : i32
      %gt3A_231 = arith.cmpi sgt, %scan3A_216, %gt3A : i32
      %convert_element_type3A = arith.extui %gt3A_231 : i1 to i32
      %cond3A = arith.constant 0 : i32
      %cond3A_232 = arith.cmpi ne, %convert_element_type3A, %cond3A : i32
      scf.if %cond3A_232 {
        %sub3A_300 = arith.constant 1 : i32
        %sub3A_301 = arith.subi %mul3A_218, %sub3A_300 : i32
        %mul3A_302 = arith.constant 2000 : i32
        %mul3A_303 = arith.muli %sub3A_301, %mul3A_302 : i32
        %add3A_304 = arith.addi %mul3A_126, %mul3A_303 : i32
        %mul3A_305 = arith.constant 320000 : i32
        %mul3A_306 = arith.muli %arg0, %mul3A_305 : i32
        %add3A_307 = arith.addi %mul3A_306, %add3A_304 : i32
        %dma_wait3A_308 = arith.constant 0 : i32
        %dma_wait3A_309 = tpu.memref_slice %arg24[%dma_wait3A_308] : memref<8000xf32, #tpu.memory_space<vmem>> -> memref<2000xf32, #tpu.memory_space<vmem>>
        %dma_wait3A_310 = tpu.memref_slice %arg8[%add3A_307] : memref<640000xf32, #tpu.memory_space<hbm>> -> memref<2000xf32, #tpu.memory_space<hbm>>
        %dma_wait3A_311 = tpu.memref_slice %arg8[%add3A_307] : memref<640000xf32, #tpu.memory_space<hbm>> -> memref<2000xf32, #tpu.memory_space<hbm>>
        %dma_wait3A_312 = arith.constant 0 : i32
        %dma_wait3A_313 = tpu.memref_slice %arg24[%dma_wait3A_312] : memref<8000xf32, #tpu.memory_space<vmem>> -> memref<2000xf32, #tpu.memory_space<vmem>>
        tpu.wait_dma2 semaphore(%arg28 : memref<!tpu.dma_semaphore, #tpu.memory_space<semaphore_mem>>) src(%dma_wait3A_313 : memref<2000xf32, #tpu.memory_space<vmem>>) dst(%dma_wait3A_311 : memref<2000xf32, #tpu.memory_space<hbm>>)
      } else {
      }
      %add3A_233 = arith.constant 1 : i32
      %add3A_234 = arith.addi %mul3A_218, %add3A_233 : i32
      %mul3A_235 = arith.constant 2000 : i32
      %mul3A_236 = arith.muli %add3A_234, %mul3A_235 : i32
      %add3A_237 = arith.addi %mul3A_126, %mul3A_236 : i32
      %mul3A_238 = arith.constant 320000 : i32
      %mul3A_239 = arith.muli %arg0, %mul3A_238 : i32
      %add3A_240 = arith.addi %mul3A_239, %add3A_237 : i32
      %dma_start3A_241 = arith.constant 0 : i32
      %dma_start3A_242 = tpu.memref_slice %arg22[%dma_start3A_241] : memref<8000xi32, #tpu.memory_space<vmem>> -> memref<2000xi32, #tpu.memory_space<vmem>>
      %dma_start3A_243 = tpu.memref_slice %arg5[%add3A_240] : memref<640000xi32, #tpu.memory_space<hbm>> -> memref<2000xi32, #tpu.memory_space<hbm>>
      %dma_start3A_244 = arith.constant 0 : i32
      %dma_start3A_245 = tpu.memref_slice %arg22[%dma_start3A_244] : memref<8000xi32, #tpu.memory_space<vmem>> -> memref<2000xi32, #tpu.memory_space<vmem>>
      %dma_start3A_246 = tpu.memref_slice %arg5[%add3A_240] : memref<640000xi32, #tpu.memory_space<hbm>> -> memref<2000xi32, #tpu.memory_space<hbm>>
      tpu.enqueue_dma source(%dma_start3A_246 : memref<2000xi32, #tpu.memory_space<hbm>>) target(%dma_start3A_245 : memref<2000xi32, #tpu.memory_space<vmem>>) target_semaphore(%arg26 : memref<!tpu.dma_semaphore, #tpu.memory_space<semaphore_mem>>)
      %parallel_loop3A_247 = arith.constant 0 : i32
      %parallel_loop3A_248 = arith.constant 125 : i32
      %parallel_loop3A_249 = arith.constant 1 : i32
      scf.for %parallel_loop3A_300 = %parallel_loop3A_247 to %parallel_loop3A_248 step %parallel_loop3A_249  : i32 {
        %parallel_loop3A_301 = arith.constant 16 : i32
        %parallel_loop3A_302 = arith.muli %parallel_loop3A_300, %parallel_loop3A_301 : i32
        %parallel_loop3A_303 = arith.index_cast %parallel_loop3A_302 : i32 to index
        %parallel_loop3A_304 = tpu.vector_load %arg19[%parallel_loop3A_303] {strides = array<i32>} : memref<8000xi32, #tpu.memory_space<vmem>>, vector<16xi32>,
        %parallel_loop3A_305 = arith.constant 16383 : i32
        %parallel_loop3A_306 = vector.broadcast %parallel_loop3A_305 : i32 to vector<16xi32>
        %parallel_loop3A_307 = arith.andi %parallel_loop3A_304, %parallel_loop3A_306 : vector<16xi32>
        %parallel_loop3A_308 = arith.constant 14 : i32
        %parallel_loop3A_309 = vector.broadcast %parallel_loop3A_308 : i32 to vector<16xi32>
        %parallel_loop3A_310 = arith.shrsi %parallel_loop3A_304, %parallel_loop3A_309 : vector<16xi32>
        %parallel_loop3A_311 = tpu.vector_load_idx %arg12[%parallel_loop3A_307] : memref<10000xf32, #tpu.memory_space<vmem>>[vector<16xi32>], vector<16xf32>,
        %parallel_loop3A_312 = tpu.vector_load_idx %arg13[%parallel_loop3A_310] : memref<10000xf32, #tpu.memory_space<vmem>>[vector<16xi32>], vector<16xf32>,
        %parallel_loop3A_313 = arith.addf %parallel_loop3A_311, %parallel_loop3A_312 : vector<16xf32>
        %parallel_loop3A_314 = arith.constant 0.000000e+00 : f32
        %parallel_loop3A_315 = vector.broadcast %parallel_loop3A_314 : f32 to vector<16xf32>
        %parallel_loop3A_316 = arith.cmpf oge, %parallel_loop3A_313, %parallel_loop3A_315 : vector<16xf32>
        %parallel_loop3A_317 = arith.constant 2.000000e-01 : f32
        %parallel_loop3A_318 = vector.broadcast %parallel_loop3A_317 : f32 to vector<16xf32>
        %parallel_loop3A_319 = arith.mulf %parallel_loop3A_318, %parallel_loop3A_313 : vector<16xf32>
        %parallel_loop3A_320 = arith.select %parallel_loop3A_316, %parallel_loop3A_313, %parallel_loop3A_319 : vector<16xi1>, vector<16xf32>
        %parallel_loop3A_321 = math.exp %parallel_loop3A_320 : vector<16xf32>
        %parallel_loop3A_322 = arith.constant 16 : i32
        %parallel_loop3A_323 = arith.muli %parallel_loop3A_300, %parallel_loop3A_322 : i32
        %parallel_loop3A_324 = arith.index_cast %parallel_loop3A_323 : i32 to index
        %parallel_loop3A_325 = tpu.vector_load %arg21[%parallel_loop3A_324] {strides = array<i32>} : memref<8000xf32, #tpu.memory_space<vmem>>, vector<16xf32>,
        tpu.vector_store %arg21[%parallel_loop3A_324], %parallel_loop3A_321 {strides = array<i32>} : memref<8000xf32, #tpu.memory_space<vmem>>, vector<16xf32>,
        tpu.vector_store_idx %arg18[%parallel_loop3A_310], %parallel_loop3A_321 {add = true} : memref<10000xf32, #tpu.memory_space<vmem>>[vector<16xi32>], vector<16xf32>,
      } {sc.loop_unroll_factor = 4 : i64, sc.parallel_access}
      %mul3A_250 = arith.constant 2000 : i32
      %mul3A_251 = arith.muli %mul3A_218, %mul3A_250 : i32
      %add3A_252 = arith.addi %mul3A_126, %mul3A_251 : i32
      %mul3A_253 = arith.constant 320000 : i32
      %mul3A_254 = arith.muli %arg0, %mul3A_253 : i32
      %add3A_255 = arith.addi %mul3A_254, %add3A_252 : i32
      %dma_start3A_256 = arith.constant 0 : i32
      %dma_start3A_257 = tpu.memref_slice %arg21[%dma_start3A_256] : memref<8000xf32, #tpu.memory_space<vmem>> -> memref<2000xf32, #tpu.memory_space<vmem>>
      %dma_start3A_258 = tpu.memref_slice %arg8[%add3A_255] : memref<640000xf32, #tpu.memory_space<hbm>> -> memref<2000xf32, #tpu.memory_space<hbm>>
      %dma_start3A_259 = tpu.memref_slice %arg8[%add3A_255] : memref<640000xf32, #tpu.memory_space<hbm>> -> memref<2000xf32, #tpu.memory_space<hbm>>
      %dma_start3A_260 = arith.constant 0 : i32
      %dma_start3A_261 = tpu.memref_slice %arg21[%dma_start3A_260] : memref<8000xf32, #tpu.memory_space<vmem>> -> memref<2000xf32, #tpu.memory_space<vmem>>
      tpu.enqueue_dma source(%dma_start3A_261 : memref<2000xf32, #tpu.memory_space<vmem>>) target(%dma_start3A_259 : memref<2000xf32, #tpu.memory_space<hbm>>) target_semaphore(%arg27 : memref<!tpu.dma_semaphore, #tpu.memory_space<semaphore_mem>>)
      %add3A_262 = arith.constant 1 : i32
      %add3A_263 = arith.addi %mul3A_218, %add3A_262 : i32
      %mul3A_264 = arith.constant 2000 : i32
      %mul3A_265 = arith.muli %add3A_263, %mul3A_264 : i32
      %add3A_266 = arith.addi %mul3A_126, %mul3A_265 : i32
      %mul3A_267 = arith.constant 320000 : i32
      %mul3A_268 = arith.muli %arg0, %mul3A_267 : i32
      %add3A_269 = arith.addi %mul3A_268, %add3A_266 : i32
      %dma_wait3A_270 = arith.constant 0 : i32
      %dma_wait3A_271 = tpu.memref_slice %arg22[%dma_wait3A_270] : memref<8000xi32, #tpu.memory_space<vmem>> -> memref<2000xi32, #tpu.memory_space<vmem>>
      %dma_wait3A_272 = tpu.memref_slice %arg5[%add3A_269] : memref<640000xi32, #tpu.memory_space<hbm>> -> memref<2000xi32, #tpu.memory_space<hbm>>
      %dma_wait3A_273 = arith.constant 0 : i32
      %dma_wait3A_274 = tpu.memref_slice %arg22[%dma_wait3A_273] : memref<8000xi32, #tpu.memory_space<vmem>> -> memref<2000xi32, #tpu.memory_space<vmem>>
      %dma_wait3A_275 = tpu.memref_slice %arg5[%add3A_269] : memref<640000xi32, #tpu.memory_space<hbm>> -> memref<2000xi32, #tpu.memory_space<hbm>>
      tpu.wait_dma2 semaphore(%arg26 : memref<!tpu.dma_semaphore, #tpu.memory_space<semaphore_mem>>) src(%dma_wait3A_275 : memref<2000xi32, #tpu.memory_space<hbm>>) dst(%dma_wait3A_274 : memref<2000xi32, #tpu.memory_space<vmem>>)
      %add3A_276 = arith.constant 1 : i32
      %add3A_277 = arith.addi %scan3A_216, %add3A_276 : i32
      %lt3A_278 = arith.constant 5 : i32
      %lt3A_279 = arith.cmpi slt, %add3A_277, %lt3A_278 : i32
      %convert_element_type3A_280 = arith.extui %lt3A_279 : i1 to i32
      %cond3A_281 = arith.constant 0 : i32
      %cond3A_282 = arith.cmpi ne, %convert_element_type3A_280, %cond3A_281 : i32
      scf.if %cond3A_282 {
        %mul3A_300 = arith.constant 2000 : i32
        %mul3A_301 = arith.muli %mul3A_218, %mul3A_300 : i32
        %add3A_302 = arith.addi %mul3A_126, %mul3A_301 : i32
        %mul3A_303 = arith.constant 320000 : i32
        %mul3A_304 = arith.muli %arg0, %mul3A_303 : i32
        %add3A_305 = arith.addi %mul3A_304, %add3A_302 : i32
        %dma_wait3A_306 = arith.constant 0 : i32
        %dma_wait3A_307 = tpu.memref_slice %arg21[%dma_wait3A_306] : memref<8000xf32, #tpu.memory_space<vmem>> -> memref<2000xf32, #tpu.memory_space<vmem>>
        %dma_wait3A_308 = tpu.memref_slice %arg8[%add3A_305] : memref<640000xf32, #tpu.memory_space<hbm>> -> memref<2000xf32, #tpu.memory_space<hbm>>
        %dma_wait3A_309 = tpu.memref_slice %arg8[%add3A_305] : memref<640000xf32, #tpu.memory_space<hbm>> -> memref<2000xf32, #tpu.memory_space<hbm>>
        %dma_wait3A_310 = arith.constant 0 : i32
        %dma_wait3A_311 = tpu.memref_slice %arg21[%dma_wait3A_310] : memref<8000xf32, #tpu.memory_space<vmem>> -> memref<2000xf32, #tpu.memory_space<vmem>>
        tpu.wait_dma2 semaphore(%arg27 : memref<!tpu.dma_semaphore, #tpu.memory_space<semaphore_mem>>) src(%dma_wait3A_311 : memref<2000xf32, #tpu.memory_space<vmem>>) dst(%dma_wait3A_309 : memref<2000xf32, #tpu.memory_space<hbm>>)
        %add3A_312 = arith.constant 2 : i32
        %add3A_313 = arith.addi %mul3A_218, %add3A_312 : i32
        %mul3A_314 = arith.constant 2000 : i32
        %mul3A_315 = arith.muli %add3A_313, %mul3A_314 : i32
        %add3A_316 = arith.addi %mul3A_126, %mul3A_315 : i32
        %mul3A_317 = arith.constant 320000 : i32
        %mul3A_318 = arith.muli %arg0, %mul3A_317 : i32
        %add3A_319 = arith.addi %mul3A_318, %add3A_316 : i32
        %dma_start3A_320 = arith.constant 0 : i32
        %dma_start3A_321 = tpu.memref_slice %arg19[%dma_start3A_320] : memref<8000xi32, #tpu.memory_space<vmem>> -> memref<2000xi32, #tpu.memory_space<vmem>>
        %dma_start3A_322 = tpu.memref_slice %arg5[%add3A_319] : memref<640000xi32, #tpu.memory_space<hbm>> -> memref<2000xi32, #tpu.memory_space<hbm>>
        %dma_start3A_323 = arith.constant 0 : i32
        %dma_start3A_324 = tpu.memref_slice %arg19[%dma_start3A_323] : memref<8000xi32, #tpu.memory_space<vmem>> -> memref<2000xi32, #tpu.memory_space<vmem>>
        %dma_start3A_325 = tpu.memref_slice %arg5[%add3A_319] : memref<640000xi32, #tpu.memory_space<hbm>> -> memref<2000xi32, #tpu.memory_space<hbm>>
        tpu.enqueue_dma source(%dma_start3A_325 : memref<2000xi32, #tpu.memory_space<hbm>>) target(%dma_start3A_324 : memref<2000xi32, #tpu.memory_space<vmem>>) target_semaphore(%arg25 : memref<!tpu.dma_semaphore, #tpu.memory_space<semaphore_mem>>)
      } else {
      }
      %add3A_283 = arith.constant 1 : i32
      %add3A_284 = arith.addi %mul3A_218, %add3A_283 : i32
      %parallel_loop3A_285 = arith.constant 0 : i32
      %parallel_loop3A_286 = arith.constant 125 : i32
      %parallel_loop3A_287 = arith.constant 1 : i32
      scf.for %parallel_loop3A_300 = %parallel_loop3A_285 to %parallel_loop3A_286 step %parallel_loop3A_287  : i32 {
        %parallel_loop3A_301 = arith.constant 16 : i32
        %parallel_loop3A_302 = arith.muli %parallel_loop3A_300, %parallel_loop3A_301 : i32
        %parallel_loop3A_303 = arith.index_cast %parallel_loop3A_302 : i32 to index
        %parallel_loop3A_304 = tpu.vector_load %arg22[%parallel_loop3A_303] {strides = array<i32>} : memref<8000xi32, #tpu.memory_space<vmem>>, vector<16xi32>,
        %parallel_loop3A_305 = arith.constant 16383 : i32
        %parallel_loop3A_306 = vector.broadcast %parallel_loop3A_305 : i32 to vector<16xi32>
        %parallel_loop3A_307 = arith.andi %parallel_loop3A_304, %parallel_loop3A_306 : vector<16xi32>
        %parallel_loop3A_308 = arith.constant 14 : i32
        %parallel_loop3A_309 = vector.broadcast %parallel_loop3A_308 : i32 to vector<16xi32>
        %parallel_loop3A_310 = arith.shrsi %parallel_loop3A_304, %parallel_loop3A_309 : vector<16xi32>
        %parallel_loop3A_311 = tpu.vector_load_idx %arg12[%parallel_loop3A_307] : memref<10000xf32, #tpu.memory_space<vmem>>[vector<16xi32>], vector<16xf32>,
        %parallel_loop3A_312 = tpu.vector_load_idx %arg13[%parallel_loop3A_310] : memref<10000xf32, #tpu.memory_space<vmem>>[vector<16xi32>], vector<16xf32>,
        %parallel_loop3A_313 = arith.addf %parallel_loop3A_311, %parallel_loop3A_312 : vector<16xf32>
        %parallel_loop3A_314 = arith.constant 0.000000e+00 : f32
        %parallel_loop3A_315 = vector.broadcast %parallel_loop3A_314 : f32 to vector<16xf32>
        %parallel_loop3A_316 = arith.cmpf oge, %parallel_loop3A_313, %parallel_loop3A_315 : vector<16xf32>
        %parallel_loop3A_317 = arith.constant 2.000000e-01 : f32
        %parallel_loop3A_318 = vector.broadcast %parallel_loop3A_317 : f32 to vector<16xf32>
        %parallel_loop3A_319 = arith.mulf %parallel_loop3A_318, %parallel_loop3A_313 : vector<16xf32>
        %parallel_loop3A_320 = arith.select %parallel_loop3A_316, %parallel_loop3A_313, %parallel_loop3A_319 : vector<16xi1>, vector<16xf32>
        %parallel_loop3A_321 = math.exp %parallel_loop3A_320 : vector<16xf32>
        %parallel_loop3A_322 = arith.constant 16 : i32
        %parallel_loop3A_323 = arith.muli %parallel_loop3A_300, %parallel_loop3A_322 : i32
        %parallel_loop3A_324 = arith.index_cast %parallel_loop3A_323 : i32 to index
        %parallel_loop3A_325 = tpu.vector_load %arg24[%parallel_loop3A_324] {strides = array<i32>} : memref<8000xf32, #tpu.memory_space<vmem>>, vector<16xf32>,
        tpu.vector_store %arg24[%parallel_loop3A_324], %parallel_loop3A_321 {strides = array<i32>} : memref<8000xf32, #tpu.memory_space<vmem>>, vector<16xf32>,
        tpu.vector_store_idx %arg18[%parallel_loop3A_310], %parallel_loop3A_321 {add = true} : memref<10000xf32, #tpu.memory_space<vmem>>[vector<16xi32>], vector<16xf32>,
      } {sc.loop_unroll_factor = 4 : i64, sc.parallel_access}
      %mul3A_288 = arith.constant 2000 : i32
      %mul3A_289 = arith.muli %add3A_284, %mul3A_288 : i32
      %add3A_290 = arith.addi %mul3A_126, %mul3A_289 : i32
      %mul3A_291 = arith.constant 320000 : i32
      %mul3A_292 = arith.muli %arg0, %mul3A_291 : i32
      %add3A_293 = arith.addi %mul3A_292, %add3A_290 : i32
      %dma_start3A_294 = arith.constant 0 : i32
      %dma_start3A_295 = tpu.memref_slice %arg24[%dma_start3A_294] : memref<8000xf32, #tpu.memory_space<vmem>> -> memref<2000xf32, #tpu.memory_space<vmem>>
      %dma_start3A_296 = tpu.memref_slice %arg8[%add3A_293] : memref<640000xf32, #tpu.memory_space<hbm>> -> memref<2000xf32, #tpu.memory_space<hbm>>
      %dma_start3A_297 = tpu.memref_slice %arg8[%add3A_293] : memref<640000xf32, #tpu.memory_space<hbm>> -> memref<2000xf32, #tpu.memory_space<hbm>>
      %dma_start3A_298 = arith.constant 0 : i32
      %dma_start3A_299 = tpu.memref_slice %arg24[%dma_start3A_298] : memref<8000xf32, #tpu.memory_space<vmem>> -> memref<2000xf32, #tpu.memory_space<vmem>>
      tpu.enqueue_dma source(%dma_start3A_299 : memref<2000xf32, #tpu.memory_space<vmem>>) target(%dma_start3A_297 : memref<2000xf32, #tpu.memory_space<hbm>>) target_semaphore(%arg28 : memref<!tpu.dma_semaphore, #tpu.memory_space<semaphore_mem>>)
    }
    %scan3A_141 = arith.constant 5 : i32
    %add3A_142 = arith.constant 16000 : i32
    %add3A_143 = arith.addi %mul3A_126, %add3A_142 : i32
    %mul3A_144 = arith.constant 320000 : i32
    %mul3A_145 = arith.muli %arg0, %mul3A_144 : i32
    %add3A_146 = arith.addi %mul3A_145, %add3A_143 : i32
    %dma_wait3A = arith.constant 0 : i32
    %dma_wait3A_147 = tpu.memref_slice %arg21[%dma_wait3A] : memref<8000xf32, #tpu.memory_space<vmem>> -> memref<2000xf32, #tpu.memory_space<vmem>>
    %dma_wait3A_148 = tpu.memref_slice %arg8[%add3A_146] : memref<640000xf32, #tpu.memory_space<hbm>> -> memref<2000xf32, #tpu.memory_space<hbm>>
    %dma_wait3A_149 = tpu.memref_slice %arg8[%add3A_146] : memref<640000xf32, #tpu.memory_space<hbm>> -> memref<2000xf32, #tpu.memory_space<hbm>>
    %dma_wait3A_150 = arith.constant 0 : i32
    %dma_wait3A_151 = tpu.memref_slice %arg21[%dma_wait3A_150] : memref<8000xf32, #tpu.memory_space<vmem>> -> memref<2000xf32, #tpu.memory_space<vmem>>
    tpu.wait_dma2 semaphore(%arg27 : memref<!tpu.dma_semaphore, #tpu.memory_space<semaphore_mem>>) src(%dma_wait3A_151 : memref<2000xf32, #tpu.memory_space<vmem>>) dst(%dma_wait3A_149 : memref<2000xf32, #tpu.memory_space<hbm>>)
    %add3A_152 = arith.constant 18000 : i32
    %add3A_153 = arith.addi %mul3A_126, %add3A_152 : i32
    %mul3A_154 = arith.constant 320000 : i32
    %mul3A_155 = arith.muli %arg0, %mul3A_154 : i32
    %add3A_156 = arith.addi %mul3A_155, %add3A_153 : i32
    %dma_wait3A_157 = arith.constant 0 : i32
    %dma_wait3A_158 = tpu.memref_slice %arg24[%dma_wait3A_157] : memref<8000xf32, #tpu.memory_space<vmem>> -> memref<2000xf32, #tpu.memory_space<vmem>>
    %dma_wait3A_159 = tpu.memref_slice %arg8[%add3A_156] : memref<640000xf32, #tpu.memory_space<hbm>> -> memref<2000xf32, #tpu.memory_space<hbm>>
    %dma_wait3A_160 = tpu.memref_slice %arg8[%add3A_156] : memref<640000xf32, #tpu.memory_space<hbm>> -> memref<2000xf32, #tpu.memory_space<hbm>>
    %dma_wait3A_161 = arith.constant 0 : i32
    %dma_wait3A_162 = tpu.memref_slice %arg24[%dma_wait3A_161] : memref<8000xf32, #tpu.memory_space<vmem>> -> memref<2000xf32, #tpu.memory_space<vmem>>
    tpu.wait_dma2 semaphore(%arg28 : memref<!tpu.dma_semaphore, #tpu.memory_space<semaphore_mem>>) src(%dma_wait3A_162 : memref<2000xf32, #tpu.memory_space<vmem>>) dst(%dma_wait3A_160 : memref<2000xf32, #tpu.memory_space<hbm>>)
    %mul3A_163 = arith.constant 10000 : i32
    %mul3A_164 = arith.muli %add3A, %mul3A_163 : i32
    "tpu.region"() ({
      %run_scoped3A = tpu.sem_alloc : memref<!tpu.dma_semaphore, #tpu.memory_space<semaphore_mem>>
      %dma_start3A_216 = tpu.memref_slice %arg7[%mul3A_164] : memref<320000xf32, #tpu.memory_space<hbm>> -> memref<10000xf32, #tpu.memory_space<hbm>>
      %dma_start3A_217 = tpu.memref_slice %arg7[%mul3A_164] : memref<320000xf32, #tpu.memory_space<hbm>> -> memref<10000xf32, #tpu.memory_space<hbm>>
      tpu.enqueue_dma source(%arg18 : memref<10000xf32, #tpu.memory_space<vmem>>) target(%dma_start3A_217 : memref<10000xf32, #tpu.memory_space<hbm>>) target_semaphore(%run_scoped3A : memref<!tpu.dma_semaphore, #tpu.memory_space<semaphore_mem>>)
      %dma_wait3A_218 = tpu.memref_slice %arg7[%mul3A_164] : memref<320000xf32, #tpu.memory_space<hbm>> -> memref<10000xf32, #tpu.memory_space<hbm>>
      %dma_wait3A_219 = tpu.memref_slice %arg7[%mul3A_164] : memref<320000xf32, #tpu.memory_space<hbm>> -> memref<10000xf32, #tpu.memory_space<hbm>>
      tpu.wait_dma2 semaphore(%run_scoped3A : memref<!tpu.dma_semaphore, #tpu.memory_space<semaphore_mem>>) src(%arg18 : memref<10000xf32, #tpu.memory_space<vmem>>) dst(%dma_wait3A_219 : memref<10000xf32, #tpu.memory_space<hbm>>)
      tpu.yield
    }) : () -> ()
    %barrier3A = arith.constant 0 : index
    tpu.barrier barrier_id(%barrier3A)
    %mul3A_165 = arith.constant 10000 : i32
    %mul3A_166 = arith.muli %add3A_56, %mul3A_165 : i32
    "tpu.region"() ({
      %run_scoped3A = tpu.sem_alloc : memref<!tpu.dma_semaphore, #tpu.memory_space<semaphore_mem>>
      %dma_start3A_216 = tpu.memref_slice %arg2[%mul3A_166] : memref<640000xf32, #tpu.memory_space<hbm>> -> memref<10000xf32, #tpu.memory_space<hbm>>
      %dma_start3A_217 = tpu.memref_slice %arg2[%mul3A_166] : memref<640000xf32, #tpu.memory_space<hbm>> -> memref<10000xf32, #tpu.memory_space<hbm>>
      tpu.enqueue_dma source(%dma_start3A_217 : memref<10000xf32, #tpu.memory_space<hbm>>) target(%arg10 : memref<10000xf32, #tpu.memory_space<vmem>>) target_semaphore(%run_scoped3A : memref<!tpu.dma_semaphore, #tpu.memory_space<semaphore_mem>>)
      %dma_wait3A_218 = tpu.memref_slice %arg2[%mul3A_166] : memref<640000xf32, #tpu.memory_space<hbm>> -> memref<10000xf32, #tpu.memory_space<hbm>>
      %dma_wait3A_219 = tpu.memref_slice %arg2[%mul3A_166] : memref<640000xf32, #tpu.memory_space<hbm>> -> memref<10000xf32, #tpu.memory_space<hbm>>
      tpu.wait_dma2 semaphore(%run_scoped3A : memref<!tpu.dma_semaphore, #tpu.memory_space<semaphore_mem>>) src(%dma_wait3A_219 : memref<10000xf32, #tpu.memory_space<hbm>>) dst(%arg10 : memref<10000xf32, #tpu.memory_space<vmem>>)
      tpu.yield
    }) : () -> ()
    %mul3A_167 = arith.constant 10000 : i32
    %mul3A_168 = arith.muli %add3A_77, %mul3A_167 : i32
    "tpu.region"() ({
      %run_scoped3A = tpu.sem_alloc : memref<!tpu.dma_semaphore, #tpu.memory_space<semaphore_mem>>
      %dma_start3A_216 = tpu.memref_slice %arg2[%mul3A_168] : memref<640000xf32, #tpu.memory_space<hbm>> -> memref<10000xf32, #tpu.memory_space<hbm>>
      %dma_start3A_217 = tpu.memref_slice %arg2[%mul3A_168] : memref<640000xf32, #tpu.memory_space<hbm>> -> memref<10000xf32, #tpu.memory_space<hbm>>
      tpu.enqueue_dma source(%dma_start3A_217 : memref<10000xf32, #tpu.memory_space<hbm>>) target(%arg11 : memref<10000xf32, #tpu.memory_space<vmem>>) target_semaphore(%run_scoped3A : memref<!tpu.dma_semaphore, #tpu.memory_space<semaphore_mem>>)
      %dma_wait3A_218 = tpu.memref_slice %arg2[%mul3A_168] : memref<640000xf32, #tpu.memory_space<hbm>> -> memref<10000xf32, #tpu.memory_space<hbm>>
      %dma_wait3A_219 = tpu.memref_slice %arg2[%mul3A_168] : memref<640000xf32, #tpu.memory_space<hbm>> -> memref<10000xf32, #tpu.memory_space<hbm>>
      tpu.wait_dma2 semaphore(%run_scoped3A : memref<!tpu.dma_semaphore, #tpu.memory_space<semaphore_mem>>) src(%dma_wait3A_219 : memref<10000xf32, #tpu.memory_space<hbm>>) dst(%arg11 : memref<10000xf32, #tpu.memory_space<vmem>>)
      tpu.yield
    }) : () -> ()
    %parallel_loop3A = arith.constant 0 : i32
    %parallel_loop3A_169 = arith.constant 625 : i32
    %parallel_loop3A_170 = arith.constant 1 : i32
    scf.for %parallel_loop3A_216 = %parallel_loop3A to %parallel_loop3A_169 step %parallel_loop3A_170  : i32 {
      %parallel_loop3A_217 = arith.constant 16 : i32
      %parallel_loop3A_218 = arith.muli %parallel_loop3A_216, %parallel_loop3A_217 : i32
      %parallel_loop3A_219 = arith.index_cast %parallel_loop3A_218 : i32 to index
      %parallel_loop3A_220 = tpu.vector_load %arg10[%parallel_loop3A_219] {strides = array<i32>} : memref<10000xf32, #tpu.memory_space<vmem>>, vector<16xf32>,
      %parallel_loop3A_221 = arith.constant 16 : i32
      %parallel_loop3A_222 = arith.muli %parallel_loop3A_216, %parallel_loop3A_221 : i32
      %parallel_loop3A_223 = arith.index_cast %parallel_loop3A_222 : i32 to index
      %parallel_loop3A_224 = tpu.vector_load %arg11[%parallel_loop3A_223] {strides = array<i32>} : memref<10000xf32, #tpu.memory_space<vmem>>, vector<16xf32>,
      %parallel_loop3A_225 = tpu.pack_subelements %parallel_loop3A_220, %parallel_loop3A_224 {pack_format = #tpu.pack_format<interleaved>, positions = array<i32: 0, 1>} : vector<16xf32>, vector<16xf32> -> vector<32xbf16>
      %parallel_loop3A_226 = vector.bitcast %parallel_loop3A_225 : vector<32xbf16> to vector<16xf32>
      %parallel_loop3A_227 = arith.constant 16 : i32
      %parallel_loop3A_228 = arith.muli %parallel_loop3A_216, %parallel_loop3A_227 : i32
      %parallel_loop3A_229 = arith.index_cast %parallel_loop3A_228 : i32 to index
      %parallel_loop3A_230 = tpu.vector_load %arg12[%parallel_loop3A_229] {strides = array<i32>} : memref<10000xf32, #tpu.memory_space<vmem>>, vector<16xf32>,
      tpu.vector_store %arg12[%parallel_loop3A_229], %parallel_loop3A_226 {strides = array<i32>} : memref<10000xf32, #tpu.memory_space<vmem>>, vector<16xf32>,
    } {sc.loop_unroll_factor = 8 : i64, sc.parallel_access}
    %mul3A_171 = arith.constant 10000 : i32
    %mul3A_172 = arith.muli %add3A_98, %mul3A_171 : i32
    "tpu.region"() ({
      %run_scoped3A = tpu.sem_alloc : memref<!tpu.dma_semaphore, #tpu.memory_space<semaphore_mem>>
      %dma_start3A_216 = tpu.memref_slice %arg2[%mul3A_172] : memref<640000xf32, #tpu.memory_space<hbm>> -> memref<10000xf32, #tpu.memory_space<hbm>>
      %dma_start3A_217 = tpu.memref_slice %arg2[%mul3A_172] : memref<640000xf32, #tpu.memory_space<hbm>> -> memref<10000xf32, #tpu.memory_space<hbm>>
      tpu.enqueue_dma source(%dma_start3A_217 : memref<10000xf32, #tpu.memory_space<hbm>>) target(%arg10 : memref<10000xf32, #tpu.memory_space<vmem>>) target_semaphore(%run_scoped3A : memref<!tpu.dma_semaphore, #tpu.memory_space<semaphore_mem>>)
      %dma_wait3A_218 = tpu.memref_slice %arg2[%mul3A_172] : memref<640000xf32, #tpu.memory_space<hbm>> -> memref<10000xf32, #tpu.memory_space<hbm>>
      %dma_wait3A_219 = tpu.memref_slice %arg2[%mul3A_172] : memref<640000xf32, #tpu.memory_space<hbm>> -> memref<10000xf32, #tpu.memory_space<hbm>>
      tpu.wait_dma2 semaphore(%run_scoped3A : memref<!tpu.dma_semaphore, #tpu.memory_space<semaphore_mem>>) src(%dma_wait3A_219 : memref<10000xf32, #tpu.memory_space<hbm>>) dst(%arg10 : memref<10000xf32, #tpu.memory_space<vmem>>)
      tpu.yield
    }) : () -> ()
    %mul3A_173 = arith.constant 10000 : i32
    %mul3A_174 = arith.muli %add3A_119, %mul3A_173 : i32
    "tpu.region"() ({
      %run_scoped3A = tpu.sem_alloc : memref<!tpu.dma_semaphore, #tpu.memory_space<semaphore_mem>>
      %dma_start3A_216 = tpu.memref_slice %arg2[%mul3A_174] : memref<640000xf32, #tpu.memory_space<hbm>> -> memref<10000xf32, #tpu.memory_space<hbm>>
      %dma_start3A_217 = tpu.memref_slice %arg2[%mul3A_174] : memref<640000xf32, #tpu.memory_space<hbm>> -> memref<10000xf32, #tpu.memory_space<hbm>>
      tpu.enqueue_dma source(%dma_start3A_217 : memref<10000xf32, #tpu.memory_space<hbm>>) target(%arg11 : memref<10000xf32, #tpu.memory_space<vmem>>) target_semaphore(%run_scoped3A : memref<!tpu.dma_semaphore, #tpu.memory_space<semaphore_mem>>)
      %dma_wait3A_218 = tpu.memref_slice %arg2[%mul3A_174] : memref<640000xf32, #tpu.memory_space<hbm>> -> memref<10000xf32, #tpu.memory_space<hbm>>
      %dma_wait3A_219 = tpu.memref_slice %arg2[%mul3A_174] : memref<640000xf32, #tpu.memory_space<hbm>> -> memref<10000xf32, #tpu.memory_space<hbm>>
      tpu.wait_dma2 semaphore(%run_scoped3A : memref<!tpu.dma_semaphore, #tpu.memory_space<semaphore_mem>>) src(%dma_wait3A_219 : memref<10000xf32, #tpu.memory_space<hbm>>) dst(%arg11 : memref<10000xf32, #tpu.memory_space<vmem>>)
      tpu.yield
    }) : () -> ()
    %parallel_loop3A_175 = arith.constant 0 : i32
    %parallel_loop3A_176 = arith.constant 625 : i32
    %parallel_loop3A_177 = arith.constant 1 : i32
    scf.for %parallel_loop3A_216 = %parallel_loop3A_175 to %parallel_loop3A_176 step %parallel_loop3A_177  : i32 {
      %parallel_loop3A_217 = arith.constant 16 : i32
      %parallel_loop3A_218 = arith.muli %parallel_loop3A_216, %parallel_loop3A_217 : i32
      %parallel_loop3A_219 = arith.index_cast %parallel_loop3A_218 : i32 to index
      %parallel_loop3A_220 = tpu.vector_load %arg10[%parallel_loop3A_219] {strides = array<i32>} : memref<10000xf32, #tpu.memory_space<vmem>>, vector<16xf32>,
      %parallel_loop3A_221 = arith.constant 16 : i32
      %parallel_loop3A_222 = arith.muli %parallel_loop3A_216, %parallel_loop3A_221 : i32
      %parallel_loop3A_223 = arith.index_cast %parallel_loop3A_222 : i32 to index
      %parallel_loop3A_224 = tpu.vector_load %arg11[%parallel_loop3A_223] {strides = array<i32>} : memref<10000xf32, #tpu.memory_space<vmem>>, vector<16xf32>,
      %parallel_loop3A_225 = tpu.pack_subelements %parallel_loop3A_220, %parallel_loop3A_224 {pack_format = #tpu.pack_format<interleaved>, positions = array<i32: 0, 1>} : vector<16xf32>, vector<16xf32> -> vector<32xbf16>
      %parallel_loop3A_226 = vector.bitcast %parallel_loop3A_225 : vector<32xbf16> to vector<16xf32>
      %parallel_loop3A_227 = arith.constant 16 : i32
      %parallel_loop3A_228 = arith.muli %parallel_loop3A_216, %parallel_loop3A_227 : i32
      %parallel_loop3A_229 = arith.index_cast %parallel_loop3A_228 : i32 to index
      %parallel_loop3A_230 = tpu.vector_load %arg13[%parallel_loop3A_229] {strides = array<i32>} : memref<10000xf32, #tpu.memory_space<vmem>>, vector<16xf32>,
      tpu.vector_store %arg13[%parallel_loop3A_229], %parallel_loop3A_226 {strides = array<i32>} : memref<10000xf32, #tpu.memory_space<vmem>>, vector<16xf32>,
    } {sc.loop_unroll_factor = 8 : i64, sc.parallel_access}
    %mul3A_178 = arith.constant 160000 : i32
    %mul3A_179 = arith.muli %select_n3A_9, %mul3A_178 : i32
    %add3A_180 = arith.constant 0 : i32
    %add3A_181 = arith.addi %mul3A_179, %add3A_180 : i32
    %mul3A_182 = arith.constant 320000 : i32
    %mul3A_183 = arith.muli %arg0, %mul3A_182 : i32
    %add3A_184 = arith.addi %mul3A_183, %add3A_181 : i32
    %dma_start3A_185 = tpu.memref_slice %arg5[%add3A_184] : memref<640000xi32, #tpu.memory_space<hbm>> -> memref<8000xi32, #tpu.memory_space<hbm>>
    %dma_start3A_186 = tpu.memref_slice %arg5[%add3A_184] : memref<640000xi32, #tpu.memory_space<hbm>> -> memref<8000xi32, #tpu.memory_space<hbm>>
    tpu.enqueue_dma source(%dma_start3A_186 : memref<8000xi32, #tpu.memory_space<hbm>>) target(%arg19 : memref<8000xi32, #tpu.memory_space<vmem>>) target_semaphore(%arg25 : memref<!tpu.dma_semaphore, #tpu.memory_space<semaphore_mem>>)
    %mul3A_187 = arith.constant 320000 : i32
    %mul3A_188 = arith.muli %arg0, %mul3A_187 : i32
    %add3A_189 = arith.addi %mul3A_188, %add3A_181 : i32
    %dma_start3A_190 = tpu.memref_slice %arg8[%add3A_189] : memref<640000xf32, #tpu.memory_space<hbm>> -> memref<8000xf32, #tpu.memory_space<hbm>>
    %dma_start3A_191 = tpu.memref_slice %arg8[%add3A_189] : memref<640000xf32, #tpu.memory_space<hbm>> -> memref<8000xf32, #tpu.memory_space<hbm>>
    tpu.enqueue_dma source(%dma_start3A_191 : memref<8000xf32, #tpu.memory_space<hbm>>) target(%arg21 : memref<8000xf32, #tpu.memory_space<vmem>>) target_semaphore(%arg25 : memref<!tpu.dma_semaphore, #tpu.memory_space<semaphore_mem>>)
    %scan3A_192 = arith.constant 0 : i32
    %scan3A_193 = arith.constant 10 : i32
    %scan3A_194 = arith.addi %scan3A_192, %scan3A_193 : i32
    %scan3A_195 = arith.constant 1 : i32
    scf.for %scan3A_216 = %scan3A_192 to %scan3A_194 step %scan3A_195  : i32 {
      %mul3A_217 = arith.constant 2 : i32
      %mul3A_218 = arith.muli %mul3A_217, %scan3A_216 : i32
      %mul3A_219 = arith.constant 8000 : i32
      %mul3A_220 = arith.muli %mul3A_218, %mul3A_219 : i32
      %add3A_221 = arith.addi %mul3A_179, %mul3A_220 : i32
      %mul3A_222 = arith.constant 320000 : i32
      %mul3A_223 = arith.muli %arg0, %mul3A_222 : i32
      %add3A_224 = arith.addi %mul3A_223, %add3A_221 : i32
      %dma_wait3A_225 = tpu.memref_slice %arg5[%add3A_224] : memref<640000xi32, #tpu.memory_space<hbm>> -> memref<8000xi32, #tpu.memory_space<hbm>>
      %dma_wait3A_226 = tpu.memref_slice %arg5[%add3A_224] : memref<640000xi32, #tpu.memory_space<hbm>> -> memref<8000xi32, #tpu.memory_space<hbm>>
      tpu.wait_dma2 semaphore(%arg25 : memref<!tpu.dma_semaphore, #tpu.memory_space<semaphore_mem>>) src(%dma_wait3A_226 : memref<8000xi32, #tpu.memory_space<hbm>>) dst(%arg19 : memref<8000xi32, #tpu.memory_space<vmem>>)
      %mul3A_227 = arith.constant 320000 : i32
      %mul3A_228 = arith.muli %arg0, %mul3A_227 : i32
      %add3A_229 = arith.addi %mul3A_228, %add3A_221 : i32
      %dma_wait3A_230 = tpu.memref_slice %arg8[%add3A_229] : memref<640000xf32, #tpu.memory_space<hbm>> -> memref<8000xf32, #tpu.memory_space<hbm>>
      %dma_wait3A_231 = tpu.memref_slice %arg8[%add3A_229] : memref<640000xf32, #tpu.memory_space<hbm>> -> memref<8000xf32, #tpu.memory_space<hbm>>
      tpu.wait_dma2 semaphore(%arg25 : memref<!tpu.dma_semaphore, #tpu.memory_space<semaphore_mem>>) src(%dma_wait3A_231 : memref<8000xf32, #tpu.memory_space<hbm>>) dst(%arg21 : memref<8000xf32, #tpu.memory_space<vmem>>)
      %add3A_232 = arith.constant 1 : i32
      %add3A_233 = arith.addi %mul3A_218, %add3A_232 : i32
      %mul3A_234 = arith.constant 8000 : i32
      %mul3A_235 = arith.muli %add3A_233, %mul3A_234 : i32
      %add3A_236 = arith.addi %mul3A_179, %mul3A_235 : i32
      %mul3A_237 = arith.constant 320000 : i32
      %mul3A_238 = arith.muli %arg0, %mul3A_237 : i32
      %add3A_239 = arith.addi %mul3A_238, %add3A_236 : i32
      %dma_start3A_240 = tpu.memref_slice %arg5[%add3A_239] : memref<640000xi32, #tpu.memory_space<hbm>> -> memref<8000xi32, #tpu.memory_space<hbm>>
      %dma_start3A_241 = tpu.memref_slice %arg5[%add3A_239] : memref<640000xi32, #tpu.memory_space<hbm>> -> memref<8000xi32, #tpu.memory_space<hbm>>
      tpu.enqueue_dma source(%dma_start3A_241 : memref<8000xi32, #tpu.memory_space<hbm>>) target(%arg22 : memref<8000xi32, #tpu.memory_space<vmem>>) target_semaphore(%arg26 : memref<!tpu.dma_semaphore, #tpu.memory_space<semaphore_mem>>)
      %mul3A_242 = arith.constant 320000 : i32
      %mul3A_243 = arith.muli %arg0, %mul3A_242 : i32
      %add3A_244 = arith.addi %mul3A_243, %add3A_236 : i32
      %dma_start3A_245 = tpu.memref_slice %arg8[%add3A_244] : memref<640000xf32, #tpu.memory_space<hbm>> -> memref<8000xf32, #tpu.memory_space<hbm>>
      %dma_start3A_246 = tpu.memref_slice %arg8[%add3A_244] : memref<640000xf32, #tpu.memory_space<hbm>> -> memref<8000xf32, #tpu.memory_space<hbm>>
      tpu.enqueue_dma source(%dma_start3A_246 : memref<8000xf32, #tpu.memory_space<hbm>>) target(%arg24 : memref<8000xf32, #tpu.memory_space<vmem>>) target_semaphore(%arg26 : memref<!tpu.dma_semaphore, #tpu.memory_space<semaphore_mem>>)
      %parallel_loop3A_247 = arith.constant 0 : i32
      %parallel_loop3A_248 = arith.constant 500 : i32
      %parallel_loop3A_249 = arith.constant 1 : i32
      scf.for %parallel_loop3A_273 = %parallel_loop3A_247 to %parallel_loop3A_248 step %parallel_loop3A_249  : i32 {
        %parallel_loop3A_274 = arith.constant 16 : i32
        %parallel_loop3A_275 = arith.muli %parallel_loop3A_273, %parallel_loop3A_274 : i32
        %parallel_loop3A_276 = arith.index_cast %parallel_loop3A_275 : i32 to index
        %parallel_loop3A_277 = tpu.vector_load %arg19[%parallel_loop3A_276] {strides = array<i32>} : memref<8000xi32, #tpu.memory_space<vmem>>, vector<16xi32>,
        %parallel_loop3A_278 = arith.constant 16383 : i32
        %parallel_loop3A_279 = vector.broadcast %parallel_loop3A_278 : i32 to vector<16xi32>
        %parallel_loop3A_280 = arith.andi %parallel_loop3A_277, %parallel_loop3A_279 : vector<16xi32>
        %parallel_loop3A_281 = arith.constant 14 : i32
        %parallel_loop3A_282 = vector.broadcast %parallel_loop3A_281 : i32 to vector<16xi32>
        %parallel_loop3A_283 = arith.shrsi %parallel_loop3A_277, %parallel_loop3A_282 : vector<16xi32>
        %parallel_loop3A_284 = arith.constant 16 : i32
        %parallel_loop3A_285 = arith.muli %parallel_loop3A_273, %parallel_loop3A_284 : i32
        %parallel_loop3A_286 = arith.index_cast %parallel_loop3A_285 : i32 to index
        %parallel_loop3A_287 = tpu.vector_load %arg21[%parallel_loop3A_286] {strides = array<i32>} : memref<8000xf32, #tpu.memory_space<vmem>>, vector<16xf32>,
        %parallel_loop3A_288 = tpu.vector_load_idx %arg12[%parallel_loop3A_280] : memref<10000xf32, #tpu.memory_space<vmem>>[vector<16xi32>], vector<16xf32>,
        %parallel_loop3A_289 = vector.bitcast %parallel_loop3A_288 : vector<16xf32> to vector<32xbf16>
        %parallel_loop3A_290 = tpu.unpack_subelements %parallel_loop3A_289, 0 {pack_format = #tpu.pack_format<interleaved>} : vector<32xbf16> -> vector<16xf32>
        %parallel_loop3A_291 = tpu.unpack_subelements %parallel_loop3A_289, 1 {pack_format = #tpu.pack_format<interleaved>} : vector<32xbf16> -> vector<16xf32>
        %parallel_loop3A_292 = arith.mulf %parallel_loop3A_290, %parallel_loop3A_287 : vector<16xf32>
        tpu.vector_store_idx %arg14[%parallel_loop3A_283], %parallel_loop3A_292 {add = true} : memref<10000xf32, #tpu.memory_space<vmem>>[vector<16xi32>], vector<16xf32>,
        %parallel_loop3A_293 = arith.mulf %parallel_loop3A_291, %parallel_loop3A_287 : vector<16xf32>
        tpu.vector_store_idx %arg15[%parallel_loop3A_283], %parallel_loop3A_293 {add = true} : memref<10000xf32, #tpu.memory_space<vmem>>[vector<16xi32>], vector<16xf32>,
        %parallel_loop3A_294 = tpu.vector_load_idx %arg13[%parallel_loop3A_280] : memref<10000xf32, #tpu.memory_space<vmem>>[vector<16xi32>], vector<16xf32>,
        %parallel_loop3A_295 = vector.bitcast %parallel_loop3A_294 : vector<16xf32> to vector<32xbf16>
        %parallel_loop3A_296 = tpu.unpack_subelements %parallel_loop3A_295, 0 {pack_format = #tpu.pack_format<interleaved>} : vector<32xbf16> -> vector<16xf32>
        %parallel_loop3A_297 = tpu.unpack_subelements %parallel_loop3A_295, 1 {pack_format = #tpu.pack_format<interleaved>} : vector<32xbf16> -> vector<16xf32>
        %parallel_loop3A_298 = arith.mulf %parallel_loop3A_296, %parallel_loop3A_287 : vector<16xf32>
        tpu.vector_store_idx %arg16[%parallel_loop3A_283], %parallel_loop3A_298 {add = true} : memref<10000xf32, #tpu.memory_space<vmem>>[vector<16xi32>], vector<16xf32>,
        %parallel_loop3A_299 = arith.mulf %parallel_loop3A_297, %parallel_loop3A_287 : vector<16xf32>
        tpu.vector_store_idx %arg17[%parallel_loop3A_283], %parallel_loop3A_299 {add = true} : memref<10000xf32, #tpu.memory_space<vmem>>[vector<16xi32>], vector<16xf32>,
      } {sc.loop_unroll_factor = 8 : i64, sc.parallel_access}
      %add3A_250 = arith.constant 1 : i32
      %add3A_251 = arith.addi %mul3A_218, %add3A_250 : i32
      %mul3A_252 = arith.constant 8000 : i32
      %mul3A_253 = arith.muli %add3A_251, %mul3A_252 : i32
      %add3A_254 = arith.addi %mul3A_179, %mul3A_253 : i32
      %mul3A_255 = arith.constant 320000 : i32
      %mul3A_256 = arith.muli %arg0, %mul3A_255 : i32
      %add3A_257 = arith.addi %mul3A_256, %add3A_254 : i32
      %dma_wait3A_258 = tpu.memref_slice %arg5[%add3A_257] : memref<640000xi32, #tpu.memory_space<hbm>> -> memref<8000xi32, #tpu.memory_space<hbm>>
      %dma_wait3A_259 = tpu.memref_slice %arg5[%add3A_257] : memref<640000xi32, #tpu.memory_space<hbm>> -> memref<8000xi32, #tpu.memory_space<hbm>>
      tpu.wait_dma2 semaphore(%arg26 : memref<!tpu.dma_semaphore, #tpu.memory_space<semaphore_mem>>) src(%dma_wait3A_259 : memref<8000xi32, #tpu.memory_space<hbm>>) dst(%arg22 : memref<8000xi32, #tpu.memory_space<vmem>>)
      %mul3A_260 = arith.constant 320000 : i32
      %mul3A_261 = arith.muli %arg0, %mul3A_260 : i32
      %add3A_262 = arith.addi %mul3A_261, %add3A_254 : i32
      %dma_wait3A_263 = tpu.memref_slice %arg8[%add3A_262] : memref<640000xf32, #tpu.memory_space<hbm>> -> memref<8000xf32, #tpu.memory_space<hbm>>
      %dma_wait3A_264 = tpu.memref_slice %arg8[%add3A_262] : memref<640000xf32, #tpu.memory_space<hbm>> -> memref<8000xf32, #tpu.memory_space<hbm>>
      tpu.wait_dma2 semaphore(%arg26 : memref<!tpu.dma_semaphore, #tpu.memory_space<semaphore_mem>>) src(%dma_wait3A_264 : memref<8000xf32, #tpu.memory_space<hbm>>) dst(%arg24 : memref<8000xf32, #tpu.memory_space<vmem>>)
      %add3A_265 = arith.constant 1 : i32
      %add3A_266 = arith.addi %scan3A_216, %add3A_265 : i32
      %lt3A_267 = arith.constant 10 : i32
      %lt3A_268 = arith.cmpi slt, %add3A_266, %lt3A_267 : i32
      %convert_element_type3A = arith.extui %lt3A_268 : i1 to i32
      %cond3A = arith.constant 0 : i32
      %cond3A_269 = arith.cmpi ne, %convert_element_type3A, %cond3A : i32
      scf.if %cond3A_269 {
        %add3A_273 = arith.constant 2 : i32
        %add3A_274 = arith.addi %mul3A_218, %add3A_273 : i32
        %mul3A_275 = arith.constant 8000 : i32
        %mul3A_276 = arith.muli %add3A_274, %mul3A_275 : i32
        %add3A_277 = arith.addi %mul3A_179, %mul3A_276 : i32
        %mul3A_278 = arith.constant 320000 : i32
        %mul3A_279 = arith.muli %arg0, %mul3A_278 : i32
        %add3A_280 = arith.addi %mul3A_279, %add3A_277 : i32
        %dma_start3A_281 = tpu.memref_slice %arg5[%add3A_280] : memref<640000xi32, #tpu.memory_space<hbm>> -> memref<8000xi32, #tpu.memory_space<hbm>>
        %dma_start3A_282 = tpu.memref_slice %arg5[%add3A_280] : memref<640000xi32, #tpu.memory_space<hbm>> -> memref<8000xi32, #tpu.memory_space<hbm>>
        tpu.enqueue_dma source(%dma_start3A_282 : memref<8000xi32, #tpu.memory_space<hbm>>) target(%arg19 : memref<8000xi32, #tpu.memory_space<vmem>>) target_semaphore(%arg25 : memref<!tpu.dma_semaphore, #tpu.memory_space<semaphore_mem>>)
        %mul3A_283 = arith.constant 320000 : i32
        %mul3A_284 = arith.muli %arg0, %mul3A_283 : i32
        %add3A_285 = arith.addi %mul3A_284, %add3A_277 : i32
        %dma_start3A_286 = tpu.memref_slice %arg8[%add3A_285] : memref<640000xf32, #tpu.memory_space<hbm>> -> memref<8000xf32, #tpu.memory_space<hbm>>
        %dma_start3A_287 = tpu.memref_slice %arg8[%add3A_285] : memref<640000xf32, #tpu.memory_space<hbm>> -> memref<8000xf32, #tpu.memory_space<hbm>>
        tpu.enqueue_dma source(%dma_start3A_287 : memref<8000xf32, #tpu.memory_space<hbm>>) target(%arg21 : memref<8000xf32, #tpu.memory_space<vmem>>) target_semaphore(%arg25 : memref<!tpu.dma_semaphore, #tpu.memory_space<semaphore_mem>>)
      } else {
      }
      %parallel_loop3A_270 = arith.constant 0 : i32
      %parallel_loop3A_271 = arith.constant 500 : i32
      %parallel_loop3A_272 = arith.constant 1 : i32
      scf.for %parallel_loop3A_273 = %parallel_loop3A_270 to %parallel_loop3A_271 step %parallel_loop3A_272  : i32 {
        %parallel_loop3A_274 = arith.constant 16 : i32
        %parallel_loop3A_275 = arith.muli %parallel_loop3A_273, %parallel_loop3A_274 : i32
        %parallel_loop3A_276 = arith.index_cast %parallel_loop3A_275 : i32 to index
        %parallel_loop3A_277 = tpu.vector_load %arg22[%parallel_loop3A_276] {strides = array<i32>} : memref<8000xi32, #tpu.memory_space<vmem>>, vector<16xi32>,
        %parallel_loop3A_278 = arith.constant 16383 : i32
        %parallel_loop3A_279 = vector.broadcast %parallel_loop3A_278 : i32 to vector<16xi32>
        %parallel_loop3A_280 = arith.andi %parallel_loop3A_277, %parallel_loop3A_279 : vector<16xi32>
        %parallel_loop3A_281 = arith.constant 14 : i32
        %parallel_loop3A_282 = vector.broadcast %parallel_loop3A_281 : i32 to vector<16xi32>
        %parallel_loop3A_283 = arith.shrsi %parallel_loop3A_277, %parallel_loop3A_282 : vector<16xi32>
        %parallel_loop3A_284 = arith.constant 16 : i32
        %parallel_loop3A_285 = arith.muli %parallel_loop3A_273, %parallel_loop3A_284 : i32
        %parallel_loop3A_286 = arith.index_cast %parallel_loop3A_285 : i32 to index
        %parallel_loop3A_287 = tpu.vector_load %arg24[%parallel_loop3A_286] {strides = array<i32>} : memref<8000xf32, #tpu.memory_space<vmem>>, vector<16xf32>,
        %parallel_loop3A_288 = tpu.vector_load_idx %arg12[%parallel_loop3A_280] : memref<10000xf32, #tpu.memory_space<vmem>>[vector<16xi32>], vector<16xf32>,
        %parallel_loop3A_289 = vector.bitcast %parallel_loop3A_288 : vector<16xf32> to vector<32xbf16>
        %parallel_loop3A_290 = tpu.unpack_subelements %parallel_loop3A_289, 0 {pack_format = #tpu.pack_format<interleaved>} : vector<32xbf16> -> vector<16xf32>
        %parallel_loop3A_291 = tpu.unpack_subelements %parallel_loop3A_289, 1 {pack_format = #tpu.pack_format<interleaved>} : vector<32xbf16> -> vector<16xf32>
        %parallel_loop3A_292 = arith.mulf %parallel_loop3A_290, %parallel_loop3A_287 : vector<16xf32>
        tpu.vector_store_idx %arg14[%parallel_loop3A_283], %parallel_loop3A_292 {add = true} : memref<10000xf32, #tpu.memory_space<vmem>>[vector<16xi32>], vector<16xf32>,
        %parallel_loop3A_293 = arith.mulf %parallel_loop3A_291, %parallel_loop3A_287 : vector<16xf32>
        tpu.vector_store_idx %arg15[%parallel_loop3A_283], %parallel_loop3A_293 {add = true} : memref<10000xf32, #tpu.memory_space<vmem>>[vector<16xi32>], vector<16xf32>,
        %parallel_loop3A_294 = tpu.vector_load_idx %arg13[%parallel_loop3A_280] : memref<10000xf32, #tpu.memory_space<vmem>>[vector<16xi32>], vector<16xf32>,
        %parallel_loop3A_295 = vector.bitcast %parallel_loop3A_294 : vector<16xf32> to vector<32xbf16>
        %parallel_loop3A_296 = tpu.unpack_subelements %parallel_loop3A_295, 0 {pack_format = #tpu.pack_format<interleaved>} : vector<32xbf16> -> vector<16xf32>
        %parallel_loop3A_297 = tpu.unpack_subelements %parallel_loop3A_295, 1 {pack_format = #tpu.pack_format<interleaved>} : vector<32xbf16> -> vector<16xf32>
        %parallel_loop3A_298 = arith.mulf %parallel_loop3A_296, %parallel_loop3A_287 : vector<16xf32>
        tpu.vector_store_idx %arg16[%parallel_loop3A_283], %parallel_loop3A_298 {add = true} : memref<10000xf32, #tpu.memory_space<vmem>>[vector<16xi32>], vector<16xf32>,
        %parallel_loop3A_299 = arith.mulf %parallel_loop3A_297, %parallel_loop3A_287 : vector<16xf32>
        tpu.vector_store_idx %arg17[%parallel_loop3A_283], %parallel_loop3A_299 {add = true} : memref<10000xf32, #tpu.memory_space<vmem>>[vector<16xi32>], vector<16xf32>,
      } {sc.loop_unroll_factor = 8 : i64, sc.parallel_access}
    }
    %scan3A_196 = arith.constant 10 : i32
    %mul3A_197 = arith.constant 10000 : i32
    %mul3A_198 = arith.muli %add3A_98, %mul3A_197 : i32
    "tpu.region"() ({
      %run_scoped3A = tpu.sem_alloc : memref<!tpu.dma_semaphore, #tpu.memory_space<semaphore_mem>>
      %dma_start3A_216 = tpu.memref_slice %arg9[%mul3A_198] : memref<640000xf32, #tpu.memory_space<hbm>> -> memref<10000xf32, #tpu.memory_space<hbm>>
      %dma_start3A_217 = tpu.memref_slice %arg9[%mul3A_198] : memref<640000xf32, #tpu.memory_space<hbm>> -> memref<10000xf32, #tpu.memory_space<hbm>>
      tpu.enqueue_dma source(%arg16 : memref<10000xf32, #tpu.memory_space<vmem>>) target(%dma_start3A_217 : memref<10000xf32, #tpu.memory_space<hbm>>) target_semaphore(%run_scoped3A : memref<!tpu.dma_semaphore, #tpu.memory_space<semaphore_mem>>)
      %dma_wait3A_218 = tpu.memref_slice %arg9[%mul3A_198] : memref<640000xf32, #tpu.memory_space<hbm>> -> memref<10000xf32, #tpu.memory_space<hbm>>
      %dma_wait3A_219 = tpu.memref_slice %arg9[%mul3A_198] : memref<640000xf32, #tpu.memory_space<hbm>> -> memref<10000xf32, #tpu.memory_space<hbm>>
      tpu.wait_dma2 semaphore(%run_scoped3A : memref<!tpu.dma_semaphore, #tpu.memory_space<semaphore_mem>>) src(%arg16 : memref<10000xf32, #tpu.memory_space<vmem>>) dst(%dma_wait3A_219 : memref<10000xf32, #tpu.memory_space<hbm>>)
      tpu.yield
    }) : () -> ()
    %mul3A_199 = arith.constant 10000 : i32
    %mul3A_200 = arith.muli %add3A_119, %mul3A_199 : i32
    "tpu.region"() ({
      %run_scoped3A = tpu.sem_alloc : memref<!tpu.dma_semaphore, #tpu.memory_space<semaphore_mem>>
      %dma_start3A_216 = tpu.memref_slice %arg9[%mul3A_200] : memref<640000xf32, #tpu.memory_space<hbm>> -> memref<10000xf32, #tpu.memory_space<hbm>>
      %dma_start3A_217 = tpu.memref_slice %arg9[%mul3A_200] : memref<640000xf32, #tpu.memory_space<hbm>> -> memref<10000xf32, #tpu.memory_space<hbm>>
      tpu.enqueue_dma source(%arg17 : memref<10000xf32, #tpu.memory_space<vmem>>) target(%dma_start3A_217 : memref<10000xf32, #tpu.memory_space<hbm>>) target_semaphore(%run_scoped3A : memref<!tpu.dma_semaphore, #tpu.memory_space<semaphore_mem>>)
      %dma_wait3A_218 = tpu.memref_slice %arg9[%mul3A_200] : memref<640000xf32, #tpu.memory_space<hbm>> -> memref<10000xf32, #tpu.memory_space<hbm>>
      %dma_wait3A_219 = tpu.memref_slice %arg9[%mul3A_200] : memref<640000xf32, #tpu.memory_space<hbm>> -> memref<10000xf32, #tpu.memory_space<hbm>>
      tpu.wait_dma2 semaphore(%run_scoped3A : memref<!tpu.dma_semaphore, #tpu.memory_space<semaphore_mem>>) src(%arg17 : memref<10000xf32, #tpu.memory_space<vmem>>) dst(%dma_wait3A_219 : memref<10000xf32, #tpu.memory_space<hbm>>)
      tpu.yield
    }) : () -> ()
    %barrier3A_201 = arith.constant 0 : index
    tpu.barrier barrier_id(%barrier3A_201)
    %mul3A_202 = arith.constant 10000 : i32
    %mul3A_203 = arith.muli %add3A_56, %mul3A_202 : i32
    "tpu.region"() ({
      %run_scoped3A = tpu.sem_alloc : memref<!tpu.dma_semaphore, #tpu.memory_space<semaphore_mem>>
      %dma_start3A_216 = tpu.memref_slice %arg9[%mul3A_203] : memref<640000xf32, #tpu.memory_space<hbm>> -> memref<10000xf32, #tpu.memory_space<hbm>>
      %dma_start3A_217 = tpu.memref_slice %arg9[%mul3A_203] : memref<640000xf32, #tpu.memory_space<hbm>> -> memref<10000xf32, #tpu.memory_space<hbm>>
      tpu.enqueue_dma source(%dma_start3A_217 : memref<10000xf32, #tpu.memory_space<hbm>>) target(%arg18 : memref<10000xf32, #tpu.memory_space<vmem>>) target_semaphore(%run_scoped3A : memref<!tpu.dma_semaphore, #tpu.memory_space<semaphore_mem>>)
      %dma_wait3A_218 = tpu.memref_slice %arg9[%mul3A_203] : memref<640000xf32, #tpu.memory_space<hbm>> -> memref<10000xf32, #tpu.memory_space<hbm>>
      %dma_wait3A_219 = tpu.memref_slice %arg9[%mul3A_203] : memref<640000xf32, #tpu.memory_space<hbm>> -> memref<10000xf32, #tpu.memory_space<hbm>>
      tpu.wait_dma2 semaphore(%run_scoped3A : memref<!tpu.dma_semaphore, #tpu.memory_space<semaphore_mem>>) src(%dma_wait3A_219 : memref<10000xf32, #tpu.memory_space<hbm>>) dst(%arg18 : memref<10000xf32, #tpu.memory_space<vmem>>)
      tpu.yield
    }) : () -> ()
    %parallel_loop3A_204 = arith.constant 0 : i32
    %parallel_loop3A_205 = arith.constant 625 : i32
    %parallel_loop3A_206 = arith.constant 1 : i32
    scf.for %parallel_loop3A_216 = %parallel_loop3A_204 to %parallel_loop3A_205 step %parallel_loop3A_206  : i32 {
      %parallel_loop3A_217 = arith.constant 16 : i32
      %parallel_loop3A_218 = arith.muli %parallel_loop3A_216, %parallel_loop3A_217 : i32
      %parallel_loop3A_219 = arith.index_cast %parallel_loop3A_218 : i32 to index
      %parallel_loop3A_220 = tpu.vector_load %arg14[%parallel_loop3A_219] {strides = array<i32>} : memref<10000xf32, #tpu.memory_space<vmem>>, vector<16xf32>,
      %parallel_loop3A_221 = arith.constant 16 : i32
      %parallel_loop3A_222 = arith.muli %parallel_loop3A_216, %parallel_loop3A_221 : i32
      %parallel_loop3A_223 = arith.index_cast %parallel_loop3A_222 : i32 to index
      %parallel_loop3A_224 = tpu.vector_load %arg18[%parallel_loop3A_223] {strides = array<i32>} : memref<10000xf32, #tpu.memory_space<vmem>>, vector<16xf32>,
      %parallel_loop3A_225 = arith.addf %parallel_loop3A_220, %parallel_loop3A_224 : vector<16xf32>
      %parallel_loop3A_226 = arith.constant 16 : i32
      %parallel_loop3A_227 = arith.muli %parallel_loop3A_216, %parallel_loop3A_226 : i32
      %parallel_loop3A_228 = arith.index_cast %parallel_loop3A_227 : i32 to index
      %parallel_loop3A_229 = tpu.vector_load %arg14[%parallel_loop3A_228] {strides = array<i32>} : memref<10000xf32, #tpu.memory_space<vmem>>, vector<16xf32>,
      tpu.vector_store %arg14[%parallel_loop3A_228], %parallel_loop3A_225 {strides = array<i32>} : memref<10000xf32, #tpu.memory_space<vmem>>, vector<16xf32>,
    } {sc.loop_unroll_factor = 8 : i64, sc.parallel_access}
    %mul3A_207 = arith.constant 10000 : i32
    %mul3A_208 = arith.muli %add3A_56, %mul3A_207 : i32
    "tpu.region"() ({
      %run_scoped3A = tpu.sem_alloc : memref<!tpu.dma_semaphore, #tpu.memory_space<semaphore_mem>>
      %dma_start3A_216 = tpu.memref_slice %arg6[%mul3A_208] : memref<640000xf32, #tpu.memory_space<hbm>> -> memref<10000xf32, #tpu.memory_space<hbm>>
      %dma_start3A_217 = tpu.memref_slice %arg6[%mul3A_208] : memref<640000xf32, #tpu.memory_space<hbm>> -> memref<10000xf32, #tpu.memory_space<hbm>>
      tpu.enqueue_dma source(%arg14 : memref<10000xf32, #tpu.memory_space<vmem>>) target(%dma_start3A_217 : memref<10000xf32, #tpu.memory_space<hbm>>) target_semaphore(%run_scoped3A : memref<!tpu.dma_semaphore, #tpu.memory_space<semaphore_mem>>)
      %dma_wait3A_218 = tpu.memref_slice %arg6[%mul3A_208] : memref<640000xf32, #tpu.memory_space<hbm>> -> memref<10000xf32, #tpu.memory_space<hbm>>
      %dma_wait3A_219 = tpu.memref_slice %arg6[%mul3A_208] : memref<640000xf32, #tpu.memory_space<hbm>> -> memref<10000xf32, #tpu.memory_space<hbm>>
      tpu.wait_dma2 semaphore(%run_scoped3A : memref<!tpu.dma_semaphore, #tpu.memory_space<semaphore_mem>>) src(%arg14 : memref<10000xf32, #tpu.memory_space<vmem>>) dst(%dma_wait3A_219 : memref<10000xf32, #tpu.memory_space<hbm>>)
      tpu.yield
    }) : () -> ()
    %mul3A_209 = arith.constant 10000 : i32
    %mul3A_210 = arith.muli %add3A_77, %mul3A_209 : i32
    "tpu.region"() ({
      %run_scoped3A = tpu.sem_alloc : memref<!tpu.dma_semaphore, #tpu.memory_space<semaphore_mem>>
      %dma_start3A_216 = tpu.memref_slice %arg9[%mul3A_210] : memref<640000xf32, #tpu.memory_space<hbm>> -> memref<10000xf32, #tpu.memory_space<hbm>>
      %dma_start3A_217 = tpu.memref_slice %arg9[%mul3A_210] : memref<640000xf32, #tpu.memory_space<hbm>> -> memref<10000xf32, #tpu.memory_space<hbm>>
      tpu.enqueue_dma source(%dma_start3A_217 : memref<10000xf32, #tpu.memory_space<hbm>>) target(%arg18 : memref<10000xf32, #tpu.memory_space<vmem>>) target_semaphore(%run_scoped3A : memref<!tpu.dma_semaphore, #tpu.memory_space<semaphore_mem>>)
      %dma_wait3A_218 = tpu.memref_slice %arg9[%mul3A_210] : memref<640000xf32, #tpu.memory_space<hbm>> -> memref<10000xf32, #tpu.memory_space<hbm>>
      %dma_wait3A_219 = tpu.memref_slice %arg9[%mul3A_210] : memref<640000xf32, #tpu.memory_space<hbm>> -> memref<10000xf32, #tpu.memory_space<hbm>>
      tpu.wait_dma2 semaphore(%run_scoped3A : memref<!tpu.dma_semaphore, #tpu.memory_space<semaphore_mem>>) src(%dma_wait3A_219 : memref<10000xf32, #tpu.memory_space<hbm>>) dst(%arg18 : memref<10000xf32, #tpu.memory_space<vmem>>)
      tpu.yield
    }) : () -> ()
    %parallel_loop3A_211 = arith.constant 0 : i32
    %parallel_loop3A_212 = arith.constant 625 : i32
    %parallel_loop3A_213 = arith.constant 1 : i32
    scf.for %parallel_loop3A_216 = %parallel_loop3A_211 to %parallel_loop3A_212 step %parallel_loop3A_213  : i32 {
      %parallel_loop3A_217 = arith.constant 16 : i32
      %parallel_loop3A_218 = arith.muli %parallel_loop3A_216, %parallel_loop3A_217 : i32
      %parallel_loop3A_219 = arith.index_cast %parallel_loop3A_218 : i32 to index
      %parallel_loop3A_220 = tpu.vector_load %arg15[%parallel_loop3A_219] {strides = array<i32>} : memref<10000xf32, #tpu.memory_space<vmem>>, vector<16xf32>,
      %parallel_loop3A_221 = arith.constant 16 : i32
      %parallel_loop3A_222 = arith.muli %parallel_loop3A_216, %parallel_loop3A_221 : i32
      %parallel_loop3A_223 = arith.index_cast %parallel_loop3A_222 : i32 to index
      %parallel_loop3A_224 = tpu.vector_load %arg18[%parallel_loop3A_223] {strides = array<i32>} : memref<10000xf32, #tpu.memory_space<vmem>>, vector<16xf32>,
      %parallel_loop3A_225 = arith.addf %parallel_loop3A_220, %parallel_loop3A_224 : vector<16xf32>
      %parallel_loop3A_226 = arith.constant 16 : i32
      %parallel_loop3A_227 = arith.muli %parallel_loop3A_216, %parallel_loop3A_226 : i32
      %parallel_loop3A_228 = arith.index_cast %parallel_loop3A_227 : i32 to index
      %parallel_loop3A_229 = tpu.vector_load %arg15[%parallel_loop3A_228] {strides = array<i32>} : memref<10000xf32, #tpu.memory_space<vmem>>, vector<16xf32>,
      tpu.vector_store %arg15[%parallel_loop3A_228], %parallel_loop3A_225 {strides = array<i32>} : memref<10000xf32, #tpu.memory_space<vmem>>, vector<16xf32>,
    } {sc.loop_unroll_factor = 8 : i64, sc.parallel_access}
    %mul3A_214 = arith.constant 10000 : i32
    %mul3A_215 = arith.muli %add3A_77, %mul3A_214 : i32
    "tpu.region"() ({
      %run_scoped3A = tpu.sem_alloc : memref<!tpu.dma_semaphore, #tpu.memory_space<semaphore_mem>>
      %dma_start3A_216 = tpu.memref_slice %arg6[%mul3A_215] : memref<640000xf32, #tpu.memory_space<hbm>> -> memref<10000xf32, #tpu.memory_space<hbm>>
      %dma_start3A_217 = tpu.memref_slice %arg6[%mul3A_215] : memref<640000xf32, #tpu.memory_space<hbm>> -> memref<10000xf32, #tpu.memory_space<hbm>>
      tpu.enqueue_dma source(%arg15 : memref<10000xf32, #tpu.memory_space<vmem>>) target(%dma_start3A_217 : memref<10000xf32, #tpu.memory_space<hbm>>) target_semaphore(%run_scoped3A : memref<!tpu.dma_semaphore, #tpu.memory_space<semaphore_mem>>)
      %dma_wait3A_218 = tpu.memref_slice %arg6[%mul3A_215] : memref<640000xf32, #tpu.memory_space<hbm>> -> memref<10000xf32, #tpu.memory_space<hbm>>
      %dma_wait3A_219 = tpu.memref_slice %arg6[%mul3A_215] : memref<640000xf32, #tpu.memory_space<hbm>> -> memref<10000xf32, #tpu.memory_space<hbm>>
      tpu.wait_dma2 semaphore(%run_scoped3A : memref<!tpu.dma_semaphore, #tpu.memory_space<semaphore_mem>>) src(%arg15 : memref<10000xf32, #tpu.memory_space<vmem>>) dst(%dma_wait3A_219 : memref<10000xf32, #tpu.memory_space<hbm>>)
      tpu.yield
    }) : () -> ()
    return
  }
}

module attributes {stable_mosaic.version = 14 : i64} {
  func.func @_tc1_body(%arg0: memref<10000x128xf32, #tpu.memory_space<vmem>>, %arg1: memref<64x128xf32, #tpu.memory_space<vmem>>, %arg2: memref<1x64xf32, #tpu.memory_space<vmem>>, %arg3: memref<1x64xf32, #tpu.memory_space<vmem>>, %arg4: memref<64x10000xf32, #tpu.memory_space<vmem>>, %arg5: memref<1x10000xf32, #tpu.memory_space<vmem>>, %arg6: memref<1x10000xf32, #tpu.memory_space<vmem>>) attributes {dimension_semantics = [], scalar_prefetch = 0 : i64, scratch_operands = 0 : i64, tpu.core_type = #tpu.core_type<tc>} {
    %get3A = arith.constant 0 : index
    %get3A_0 = arith.constant 0 : index
    %get3A_1 = vector.load %arg1[%get3A, %get3A_0] : memref<64x128xf32, #tpu.memory_space<vmem>>, vector<64x128xf32>
    %get3A_2 = arith.constant 0 : index
    %get3A_3 = arith.constant 0 : index
    %get3A_4 = vector.load %arg0[%get3A_2, %get3A_3] : memref<10000x128xf32, #tpu.memory_space<vmem>>, vector<10000x128xf32>
    %dot_general3A = arith.constant dense<0.000000e+00> : vector<64x10000xf32>
    %dot_general3A_5 = tpu.matmul %get3A_1, %get3A_4, %dot_general3A {dimension_numbers = #tpu.dot_dimension_numbers<[1], [1], [0], [0], [0, 0, 1, 0], [], []>, precision = #tpu.contract_precision<fp32>, transpose_lhs_hint = false} : vector<64x128xf32>, vector<10000x128xf32>, vector<64x10000xf32> -> vector<64x10000xf32>
    %swap3A = arith.constant 0 : index
    %swap3A_6 = arith.constant 0 : index
    %swap3A_7 = vector.load %arg4[%swap3A, %swap3A_6] : memref<64x10000xf32, #tpu.memory_space<vmem>>, vector<64x10000xf32>
    tpu.vector_store %arg4[%swap3A, %swap3A_6], %dot_general3A_5 {strides = array<i32>} : memref<64x10000xf32, #tpu.memory_space<vmem>>, vector<64x10000xf32>,
    %get3A_8 = arith.constant 0 : index
    %get3A_9 = arith.constant 0 : index
    %get3A_10 = vector.load %arg2[%get3A_8, %get3A_9] : memref<1x64xf32, #tpu.memory_space<vmem>>, vector<1x64xf32>
    %dot_general3A_11 = arith.constant dense<0.000000e+00> : vector<1x10000xf32>
    %dot_general3A_12 = tpu.matmul %get3A_10, %dot_general3A_5, %dot_general3A_11 {dimension_numbers = #tpu.dot_dimension_numbers<[1], [0], [0], [1], [0, 0, 1, 1], [], []>, precision = #tpu.contract_precision<fp32>, transpose_lhs_hint = false} : vector<1x64xf32>, vector<64x10000xf32>, vector<1x10000xf32> -> vector<1x10000xf32>
    %swap3A_13 = arith.constant 0 : index
    %swap3A_14 = arith.constant 0 : index
    %swap3A_15 = vector.load %arg5[%swap3A_13, %swap3A_14] : memref<1x10000xf32, #tpu.memory_space<vmem>>, vector<1x10000xf32>
    tpu.vector_store %arg5[%swap3A_13, %swap3A_14], %dot_general3A_12 {strides = array<i32>} : memref<1x10000xf32, #tpu.memory_space<vmem>>, vector<1x10000xf32>,
    %get3A_16 = arith.constant 0 : index
    %get3A_17 = arith.constant 0 : index
    %get3A_18 = vector.load %arg3[%get3A_16, %get3A_17] : memref<1x64xf32, #tpu.memory_space<vmem>>, vector<1x64xf32>
    %dot_general3A_19 = arith.constant dense<0.000000e+00> : vector<1x10000xf32>
    %dot_general3A_20 = tpu.matmul %get3A_18, %dot_general3A_5, %dot_general3A_19 {dimension_numbers = #tpu.dot_dimension_numbers<[1], [0], [0], [1], [0, 0, 1, 1], [], []>, precision = #tpu.contract_precision<fp32>, transpose_lhs_hint = false} : vector<1x64xf32>, vector<64x10000xf32>, vector<1x10000xf32> -> vector<1x10000xf32>
    %swap3A_21 = arith.constant 0 : index
    %swap3A_22 = arith.constant 0 : index
    %swap3A_23 = vector.load %arg6[%swap3A_21, %swap3A_22] : memref<1x10000xf32, #tpu.memory_space<vmem>>, vector<1x10000xf32>
    tpu.vector_store %arg6[%swap3A_21, %swap3A_22], %dot_general3A_20 {strides = array<i32>} : memref<1x10000xf32, #tpu.memory_space<vmem>>, vector<1x10000xf32>,
    return
  }
}

module attributes {stable_mosaic.version = 14 : i64} {
  func.func @body(%arg0: memref<64x10000xf32, #tpu.memory_space<vmem>>, %arg1: memref<32x10000xf32, #tpu.memory_space<vmem>>, %arg2: memref<64x10000xf32, #tpu.memory_space<vmem>>, %arg3: memref<1x10000xf32, #tpu.memory_space<vmem>>, %arg4: memref<1x10000xf32, #tpu.memory_space<vmem>>, %arg5: memref<64x1xf32, #tpu.memory_space<vmem>>, %arg6: memref<64x64xf32, #tpu.memory_space<vmem>>, %arg7: memref<1x64xf32, #tpu.memory_space<vmem>>, %arg8: memref<1x64xf32, #tpu.memory_space<vmem>>, %arg9: memref<64x10000xf32, #tpu.memory_space<vmem>>, %arg10: memref<1x10000xf32, #tpu.memory_space<vmem>>, %arg11: memref<1x10000xf32, #tpu.memory_space<vmem>>) attributes {dimension_semantics = [], scalar_prefetch = 0 : i64, scratch_operands = 0 : i64, tpu.core_type = #tpu.core_type<tc>} {
    %get3A = arith.constant 0 : index
    %get3A_0 = arith.constant 0 : index
    %get3A_1 = vector.load %arg3[%get3A, %get3A_0] : memref<1x10000xf32, #tpu.memory_space<vmem>>, vector<1x10000xf32>
    %get3A_2 = arith.constant 0 : index
    %get3A_3 = arith.constant 0 : index
    %get3A_4 = vector.load %arg4[%get3A_2, %get3A_3] : memref<1x10000xf32, #tpu.memory_space<vmem>>, vector<1x10000xf32>
    %add3A = arith.addf %get3A_1, %get3A_4 : vector<1x10000xf32>
    %ge3A = arith.constant 0.000000e+00 : f32
    %ge3A_5 = vector.broadcast %ge3A : f32 to vector<1x10000xf32>
    %ge3A_6 = arith.cmpf oge, %add3A, %ge3A_5 : vector<1x10000xf32>
    %mul3A = arith.constant 2.000000e-01 : f32
    %mul3A_7 = vector.broadcast %mul3A : f32 to vector<1x10000xf32>
    %mul3A_8 = arith.mulf %mul3A_7, %add3A : vector<1x10000xf32>
    %select_n3A = arith.select %ge3A_6, %add3A, %mul3A_8 : vector<1x10000xi1>, vector<1x10000xf32>
    %exp3A = math.exp %select_n3A : vector<1x10000xf32>
    %get3A_9 = arith.constant 0 : index
    %get3A_10 = arith.constant 0 : index
    %get3A_11 = vector.load %arg1[%get3A_9, %get3A_10] : memref<32x10000xf32, #tpu.memory_space<vmem>>, vector<32x10000xf32>
    %slice3A = vector.extract_strided_slice %get3A_11 {offsets = [0, 0], sizes = [16, 10000], strides = [1, 1]} : vector<32x10000xf32> to vector<16x10000xf32>
    %reduce_sum3A = arith.constant dense<0.000000e+00> : vector<10000xf32>
    %reduce_sum3A_12 = vector.multi_reduction <add>, %slice3A, %reduce_sum3A [0] : vector<16x10000xf32> to vector<10000xf32>
    %broadcast_in_dim3A = vector.shape_cast %reduce_sum3A_12 : vector<10000xf32> to vector<1x10000xf32>
    %add3A_13 = arith.addf %broadcast_in_dim3A, %exp3A : vector<1x10000xf32>
    %get3A_14 = arith.constant 0 : index
    %get3A_15 = arith.constant 0 : index
    %get3A_16 = vector.load %arg0[%get3A_14, %get3A_15] : memref<64x10000xf32, #tpu.memory_space<vmem>>, vector<64x10000xf32>
    %get3A_17 = arith.constant 0 : index
    %get3A_18 = arith.constant 0 : index
    %get3A_19 = vector.load %arg2[%get3A_17, %get3A_18] : memref<64x10000xf32, #tpu.memory_space<vmem>>, vector<64x10000xf32>
    %mul3A_20 = vector.broadcast %exp3A : vector<1x10000xf32> to vector<64x10000xf32>
    %mul3A_21 = arith.mulf %mul3A_20, %get3A_19 : vector<64x10000xf32>
    %add3A_22 = arith.addf %get3A_16, %mul3A_21 : vector<64x10000xf32>
    %add3A_23 = arith.constant 1.000000e-16 : f32
    %add3A_24 = vector.broadcast %add3A_23 : f32 to vector<1x10000xf32>
    %add3A_25 = arith.addf %add3A_13, %add3A_24 : vector<1x10000xf32>
    %div3A = vector.broadcast %add3A_25 : vector<1x10000xf32> to vector<64x10000xf32>
    %div3A_26 = arith.divf %add3A_22, %div3A : vector<64x10000xf32>
    %get3A_27 = arith.constant 0 : index
    %get3A_28 = arith.constant 0 : index
    %get3A_29 = vector.load %arg5[%get3A_27, %get3A_28] : memref<64x1xf32, #tpu.memory_space<vmem>>, vector<64x1xf32>
    %add3A_30 = vector.broadcast %get3A_29 : vector<64x1xf32> to vector<64x10000xf32>
    %add3A_31 = arith.addf %div3A_26, %add3A_30 : vector<64x10000xf32>
    %max3A = arith.constant 0.000000e+00 : f32
    %max3A_32 = vector.broadcast %max3A : f32 to vector<64x10000xf32>
    %max3A_33 = arith.maximumf %add3A_31, %max3A_32 : vector<64x10000xf32>
    %get3A_34 = arith.constant 0 : index
    %get3A_35 = arith.constant 0 : index
    %get3A_36 = vector.load %arg6[%get3A_34, %get3A_35] : memref<64x64xf32, #tpu.memory_space<vmem>>, vector<64x64xf32>
    %dot_general3A = arith.constant dense<0.000000e+00> : vector<64x10000xf32>
    %dot_general3A_37 = tpu.matmul %get3A_36, %max3A_33, %dot_general3A {dimension_numbers = #tpu.dot_dimension_numbers<[1], [0], [0], [1], [0, 0, 1, 1], [], []>, precision = #tpu.contract_precision<fp32>, transpose_lhs_hint = false} : vector<64x64xf32>, vector<64x10000xf32>, vector<64x10000xf32> -> vector<64x10000xf32>
    %swap3A = arith.constant 0 : index
    %swap3A_38 = arith.constant 0 : index
    %swap3A_39 = vector.load %arg9[%swap3A, %swap3A_38] : memref<64x10000xf32, #tpu.memory_space<vmem>>, vector<64x10000xf32>
    tpu.vector_store %arg9[%swap3A, %swap3A_38], %dot_general3A_37 {strides = array<i32>} : memref<64x10000xf32, #tpu.memory_space<vmem>>, vector<64x10000xf32>,
    %get3A_40 = arith.constant 0 : index
    %get3A_41 = arith.constant 0 : index
    %get3A_42 = vector.load %arg7[%get3A_40, %get3A_41] : memref<1x64xf32, #tpu.memory_space<vmem>>, vector<1x64xf32>
    %dot_general3A_43 = arith.constant dense<0.000000e+00> : vector<1x10000xf32>
    %dot_general3A_44 = tpu.matmul %get3A_42, %dot_general3A_37, %dot_general3A_43 {dimension_numbers = #tpu.dot_dimension_numbers<[1], [0], [0], [1], [0, 0, 1, 1], [], []>, precision = #tpu.contract_precision<fp32>, transpose_lhs_hint = false} : vector<1x64xf32>, vector<64x10000xf32>, vector<1x10000xf32> -> vector<1x10000xf32>
    %swap3A_45 = arith.constant 0 : index
    %swap3A_46 = arith.constant 0 : index
    %swap3A_47 = vector.load %arg10[%swap3A_45, %swap3A_46] : memref<1x10000xf32, #tpu.memory_space<vmem>>, vector<1x10000xf32>
    tpu.vector_store %arg10[%swap3A_45, %swap3A_46], %dot_general3A_44 {strides = array<i32>} : memref<1x10000xf32, #tpu.memory_space<vmem>>, vector<1x10000xf32>,
    %get3A_48 = arith.constant 0 : index
    %get3A_49 = arith.constant 0 : index
    %get3A_50 = vector.load %arg8[%get3A_48, %get3A_49] : memref<1x64xf32, #tpu.memory_space<vmem>>, vector<1x64xf32>
    %dot_general3A_51 = arith.constant dense<0.000000e+00> : vector<1x10000xf32>
    %dot_general3A_52 = tpu.matmul %get3A_50, %dot_general3A_37, %dot_general3A_51 {dimension_numbers = #tpu.dot_dimension_numbers<[1], [0], [0], [1], [0, 0, 1, 1], [], []>, precision = #tpu.contract_precision<fp32>, transpose_lhs_hint = false} : vector<1x64xf32>, vector<64x10000xf32>, vector<1x10000xf32> -> vector<1x10000xf32>
    %swap3A_53 = arith.constant 0 : index
    %swap3A_54 = arith.constant 0 : index
    %swap3A_55 = vector.load %arg11[%swap3A_53, %swap3A_54] : memref<1x10000xf32, #tpu.memory_space<vmem>>, vector<1x10000xf32>
    tpu.vector_store %arg11[%swap3A_53, %swap3A_54], %dot_general3A_52 {strides = array<i32>} : memref<1x10000xf32, #tpu.memory_space<vmem>>, vector<1x10000xf32>,
    return
  }
}

module attributes {stable_mosaic.version = 14 : i64} {
  func.func @body(%arg0: memref<64x10000xf32, #tpu.memory_space<vmem>>, %arg1: memref<32x10000xf32, #tpu.memory_space<vmem>>, %arg2: memref<64x10000xf32, #tpu.memory_space<vmem>>, %arg3: memref<1x10000xf32, #tpu.memory_space<vmem>>, %arg4: memref<1x10000xf32, #tpu.memory_space<vmem>>, %arg5: memref<64x1xf32, #tpu.memory_space<vmem>>, %arg6: memref<64x1xf32, #tpu.memory_space<vmem>>, %arg7: memref<64x1xf32, #tpu.memory_space<vmem>>, %arg8: memref<64x10000xf32, #tpu.memory_space<vmem>>, %arg9: memref<64x10000xf32, #tpu.memory_space<vmem>>) attributes {dimension_semantics = [], scalar_prefetch = 0 : i64, scratch_operands = 0 : i64, tpu.core_type = #tpu.core_type<tc>} {
    %get3A = arith.constant 0 : index
    %get3A_0 = arith.constant 0 : index
    %get3A_1 = vector.load %arg3[%get3A, %get3A_0] : memref<1x10000xf32, #tpu.memory_space<vmem>>, vector<1x10000xf32>
    %get3A_2 = arith.constant 0 : index
    %get3A_3 = arith.constant 0 : index
    %get3A_4 = vector.load %arg4[%get3A_2, %get3A_3] : memref<1x10000xf32, #tpu.memory_space<vmem>>, vector<1x10000xf32>
    %add3A = arith.addf %get3A_1, %get3A_4 : vector<1x10000xf32>
    %ge3A = arith.constant 0.000000e+00 : f32
    %ge3A_5 = vector.broadcast %ge3A : f32 to vector<1x10000xf32>
    %ge3A_6 = arith.cmpf oge, %add3A, %ge3A_5 : vector<1x10000xf32>
    %mul3A = arith.constant 2.000000e-01 : f32
    %mul3A_7 = vector.broadcast %mul3A : f32 to vector<1x10000xf32>
    %mul3A_8 = arith.mulf %mul3A_7, %add3A : vector<1x10000xf32>
    %select_n3A = arith.select %ge3A_6, %add3A, %mul3A_8 : vector<1x10000xi1>, vector<1x10000xf32>
    %exp3A = math.exp %select_n3A : vector<1x10000xf32>
    %get3A_9 = arith.constant 0 : index
    %get3A_10 = arith.constant 0 : index
    %get3A_11 = vector.load %arg1[%get3A_9, %get3A_10] : memref<32x10000xf32, #tpu.memory_space<vmem>>, vector<32x10000xf32>
    %slice3A = vector.extract_strided_slice %get3A_11 {offsets = [0, 0], sizes = [16, 10000], strides = [1, 1]} : vector<32x10000xf32> to vector<16x10000xf32>
    %reduce_sum3A = arith.constant dense<0.000000e+00> : vector<10000xf32>
    %reduce_sum3A_12 = vector.multi_reduction <add>, %slice3A, %reduce_sum3A [0] : vector<16x10000xf32> to vector<10000xf32>
    %broadcast_in_dim3A = vector.shape_cast %reduce_sum3A_12 : vector<10000xf32> to vector<1x10000xf32>
    %add3A_13 = arith.addf %broadcast_in_dim3A, %exp3A : vector<1x10000xf32>
    %get3A_14 = arith.constant 0 : index
    %get3A_15 = arith.constant 0 : index
    %get3A_16 = vector.load %arg0[%get3A_14, %get3A_15] : memref<64x10000xf32, #tpu.memory_space<vmem>>, vector<64x10000xf32>
    %get3A_17 = arith.constant 0 : index
    %get3A_18 = arith.constant 0 : index
    %get3A_19 = vector.load %arg2[%get3A_17, %get3A_18] : memref<64x10000xf32, #tpu.memory_space<vmem>>, vector<64x10000xf32>
    %mul3A_20 = vector.broadcast %exp3A : vector<1x10000xf32> to vector<64x10000xf32>
    %mul3A_21 = arith.mulf %mul3A_20, %get3A_19 : vector<64x10000xf32>
    %add3A_22 = arith.addf %get3A_16, %mul3A_21 : vector<64x10000xf32>
    %add3A_23 = arith.constant 1.000000e-16 : f32
    %add3A_24 = vector.broadcast %add3A_23 : f32 to vector<1x10000xf32>
    %add3A_25 = arith.addf %add3A_13, %add3A_24 : vector<1x10000xf32>
    %div3A = vector.broadcast %add3A_25 : vector<1x10000xf32> to vector<64x10000xf32>
    %div3A_26 = arith.divf %add3A_22, %div3A : vector<64x10000xf32>
    %get3A_27 = arith.constant 0 : index
    %get3A_28 = arith.constant 0 : index
    %get3A_29 = vector.load %arg5[%get3A_27, %get3A_28] : memref<64x1xf32, #tpu.memory_space<vmem>>, vector<64x1xf32>
    %add3A_30 = vector.broadcast %get3A_29 : vector<64x1xf32> to vector<64x10000xf32>
    %add3A_31 = arith.addf %div3A_26, %add3A_30 : vector<64x10000xf32>
    %get3A_32 = arith.constant 0 : index
    %get3A_33 = arith.constant 0 : index
    %get3A_34 = vector.load %arg6[%get3A_32, %get3A_33] : memref<64x1xf32, #tpu.memory_space<vmem>>, vector<64x1xf32>
    %mul3A_35 = vector.broadcast %get3A_34 : vector<64x1xf32> to vector<64x10000xf32>
    %mul3A_36 = arith.mulf %add3A_31, %mul3A_35 : vector<64x10000xf32>
    %swap3A = arith.constant 0 : index
    %swap3A_37 = arith.constant 0 : index
    %swap3A_38 = vector.load %arg8[%swap3A, %swap3A_37] : memref<64x10000xf32, #tpu.memory_space<vmem>>, vector<64x10000xf32>
    tpu.vector_store %arg8[%swap3A, %swap3A_37], %mul3A_36 {strides = array<i32>} : memref<64x10000xf32, #tpu.memory_space<vmem>>, vector<64x10000xf32>,
    %get3A_39 = arith.constant 0 : index
    %get3A_40 = arith.constant 0 : index
    %get3A_41 = vector.load %arg7[%get3A_39, %get3A_40] : memref<64x1xf32, #tpu.memory_space<vmem>>, vector<64x1xf32>
    %mul3A_42 = vector.broadcast %get3A_41 : vector<64x1xf32> to vector<64x10000xf32>
    %mul3A_43 = arith.mulf %add3A_31, %mul3A_42 : vector<64x10000xf32>
    %swap3A_44 = arith.constant 0 : index
    %swap3A_45 = arith.constant 0 : index
    %swap3A_46 = vector.load %arg9[%swap3A_44, %swap3A_45] : memref<64x10000xf32, #tpu.memory_space<vmem>>, vector<64x10000xf32>
    tpu.vector_store %arg9[%swap3A_44, %swap3A_45], %mul3A_43 {strides = array<i32>} : memref<64x10000xf32, #tpu.memory_space<vmem>>, vector<64x10000xf32>,
    return
  }
}

module attributes {stable_mosaic.version = 14 : i64} {
  func.func @body(%arg0: memref<32x16384xf32, #tpu.memory_space<vmem>>, %arg1: memref<1x1xf32, #tpu.memory_space<vmem>>, %arg2: memref<1x16384xf32, #tpu.memory_space<vmem>>) attributes {dimension_semantics = [], scalar_prefetch = 0 : i64, scratch_operands = 0 : i64, tpu.core_type = #tpu.core_type<tc>} {
    %get3A = arith.constant 0 : index
    %get3A_0 = arith.constant 0 : index
    %get3A_1 = vector.load %arg0[%get3A, %get3A_0] : memref<32x16384xf32, #tpu.memory_space<vmem>>, vector<32x16384xf32>
    %reduce_sum3A = arith.constant dense<0.000000e+00> : vector<16384xf32>
    %reduce_sum3A_2 = vector.multi_reduction <add>, %get3A_1, %reduce_sum3A [0] : vector<32x16384xf32> to vector<16384xf32>
    %broadcast_in_dim3A = vector.shape_cast %reduce_sum3A_2 : vector<16384xf32> to vector<1x16384xf32>
    %get3A_3 = arith.constant 0 : index
    %get3A_4 = arith.constant 0 : index
    %get3A_5 = vector.load %arg1[%get3A_3, %get3A_4] : memref<1x1xf32, #tpu.memory_space<vmem>>, vector<1x1xf32>
    %add3A = vector.broadcast %get3A_5 : vector<1x1xf32> to vector<1x16384xf32>
    %add3A_6 = arith.addf %broadcast_in_dim3A, %add3A : vector<1x16384xf32>
    %swap3A = arith.constant 0 : index
    %swap3A_7 = arith.constant 0 : index
    %swap3A_8 = vector.load %arg2[%swap3A, %swap3A_7] : memref<1x16384xf32, #tpu.memory_space<vmem>>, vector<1x16384xf32>
    tpu.vector_store %arg2[%swap3A, %swap3A_7], %add3A_6 {strides = array<i32>} : memref<1x16384xf32, #tpu.memory_space<vmem>>, vector<1x16384xf32>,
    return
  }
}

</mosaic_0001>

<sc_bundles>
// kernel: kernel.12.cloned.1.call-start
scs
__scs_entry_jumppad:
0x0: {  	(pc) =	sbr.rel $0x88, $3  }
0x1: {  	(tag) =	ssettag $0x0;
	lr =	simm.s32 $0x1  }
0x2: {  	[smem:$0x3F93] =	sst lr;
	_ =	strace $0xD0000000  }
0x3: {  	_ = 	snop  }
0x4: {  	_ = 	snop  }
0x5: {  	_ = 	snop  }
0x6: {  	_ = 	snop  }
0x7: {  	_ = 	snop  }
__scs_overlays_trampoline_lowered:
0x8: {  	[smem:$0x3FA2] =	sst s0  }
0x9: {  	[smem:$0x3FA3] =	sst s1  }
0xa: {  	[smem:$0x3FA4] =	sst s2  }
0xb: {  	[smem:$0x3FA5] =	sst s3  }
0xc: {  	[smem:$0x3FA6] =	sst s4  }
0xd: {  	[smem:$0x3FA7] =	sst s5  }
0xe: {  	[smem:$0x3FA8] =	sst s6  }
0xf: {  	[smem:$0x3FA9] =	sst s7  }
0x10: {  	[smem:$0x3FAA] =	sst s8  }
0x11: {  	[smem:$0x3FAB] =	sst s9;
	s0 =	simm.s32 @!p0 $0x0  }
0x12: {  	s1 =	sld [smem:$0x3F91];
	s0 =	simm.s32 @p0 $0x1  }
0x13: {  	[smem:$0x3FAC] =	sst s0;
	s0 =	simm.s32 @!p1 $0x0  }
0x14: {  	s2 =	sld [smem:$0x3F90];
	s0 =	simm.s32 @p1 $0x1  }
0x15: {  	[smem:$0x3FAD] =	sst s0;
	s0 =	simm.s32 @!p2 $0x0  }
0x16: {  	s3 =	sld [smem:$0x3FDB];
	s0 =	simm.s32 @p2 $0x1  }
0x17: {  	s4 =	simm.s32 $0x1BF5;
	[smem:$0x3FAF] =	sst s0  }
0x18: {  	s0 =	sld [smem:$0x3F92];
	_ =	swait.ge [sflag:s4], $0x0  }
0x19: {  	s7 =	sld [smem:$0x3F93]  }
0x1a: {  	s8 =	sadd.s32 $0xFFFFE003, lr  }
0x1b: {  	s9 =	sadd.s32 $0xFFFFFEF7, lr;
	s5 =	simm.s32 $0xFFFFFFFF;
	p2 =	slt.u32 s8, $0xFFFFF086  }
0x1c: {  	p1 =	slt.u32 s9, $0xF7A;
	s5 =	simm.s32 @!p2 $0x0  }
0x1d: {  	s5 =	simm.s32 @p1 $0x1;
	p0 =	seq.s32 s7, s2  }
0x1e: {  	s7 =	smul.u32 @!p0 $0xF7A, s2;
	p2 =	seq.s32 @!p0 s5, $0x0  }
0x1f: {  	s9 =	smul.u32 $0xF7A, s1;
	s8 =	simm.s32 @!p0 $0x1BF5;
	p2 =	por !p2, p0  }
0x20: {  	[sflag:s8] =	ssyncset.s32 @!p0 $0xFFFFF086;
	s6 =	sadd.s32 @!p0 s3, s7;
	s7 =	simm.s32 @!p0 $0x108  }
0x21: {  	s3 =	sadd.s32 s3, s9;
	s6 =	sadd.s32 @!p0 $0x88, s6;
	s7 =	simm.s32 @p2 $0x1082  }
0x22: {  	[simem:s7], [sflag:s8] =	dma.local @!p0 [hbm:s6], $0xF7A  }
0x23: {  	s9 =	sor.u32 $0xD0000000, s2;
	s6 =	simm.s32 $0x108;
	_ =	swait.ge @!p0 [sflag:s8], $0x0  }
0x24: {  	s3 =	sadd.s32 $0x88, s3;
	s6 =	simm.s32 @!p1 $0x1082;
	[sflag:s4] =	ssyncset.s32 $0xFFFFF086  }
0x25: {  	[simem:s6], [sflag:s4] =	dma.local [hbm:s3], $0xF7A  }
0x26: {  	[smem:$0x3F93] =	sst s1;
	(tag) =	ssettag s2;
	_ =	strace s9  }
0x27: {  	s1 =	sld [smem:$0x3FA3]  }
0x28: {  	s2 =	sld [smem:$0x3FA4]  }
0x29: {  	s4 =	sld [smem:$0x3FA6]  }
0x2a: {  	p0 =	seq.s32 s5, $0x0;
	s5 =	sld [smem:$0x3FA7]  }
0x2b: {  	s6 =	sld [smem:$0x3FA8]  }
0x2c: {  	s7 =	sld [smem:$0x3FA9]  }
0x2d: {  	s3 =	simm.s32 $0x108;
	s8 =	sld [smem:$0x3FAA]  }
0x2e: {  	s3 =	simm.s32 @!p0 $0x1082;
	s9 =	sld [smem:$0x3FAB]  }
0x2f: {  	lr =	sadd.s32 s0, s3;
	s0 =	sld [smem:$0x3FA2]  }
0x30: {  	s3 =	sld [smem:$0x3FA5]  }
0x31: {  	[smem:$0x3FAE] =	sst s10  }
0x32: {  	s10 =	sld [smem:$0x3FAC];
	_ =	sdelay $0x3  }
0x33: {  	p0 =	seq.s32 s10, $0x1;
	s10 =	sld [smem:$0x3FAE];
	_ =	sdelay $0x3  }
0x34: {  	[smem:$0x3FAE] =	sst s10  }
0x35: {  	s10 =	sld [smem:$0x3FAD];
	_ =	sdelay $0x3  }
0x36: {  	p1 =	seq.s32 s10, $0x1;
	s10 =	sld [smem:$0x3FAE];
	_ =	sdelay $0x3  }
0x37: {  	[smem:$0x3FAE] =	sst s10  }
0x38: {  	s10 =	sld [smem:$0x3FAF]  }
0x39: {  	_ = 	snop;
	(pc) =	sbr.ind lr, $3  }
0x3a: {  	_ = 	snop  }
0x3b: {  	_ = 	snop  }
0x3c: {  	p2 =	seq.s32 s10, $0x1;
	s10 =	sld [smem:$0x3FAE]  }
0x3d: {  	_ =	shalt  }
0x3e: {  	_ =	shalt  }
0x3f: {  	_ =	shalt  }
0x40: {  	_ =	shalt  }
0x41: {  	_ =	shalt  }
0x42: {  	_ =	shalt  }
0x43: {  	_ =	shalt  }
0x44: {  	_ =	shalt  }
0x45: {  	_ =	shalt  }
0x46: {  	_ =	shalt  }
0x47: {  	_ =	shalt  }
0x48: {  	_ =	shalt  }
0x49: {  	_ =	shalt  }
0x4a: {  	_ =	shalt  }
0x4b: {  	_ =	shalt  }
0x4c: {  	_ =	shalt  }
0x4d: {  	_ =	shalt  }
0x4e: {  	_ =	shalt  }
0x4f: {  	_ =	shalt  }
0x50: {  	_ =	shalt  }
0x51: {  	_ =	shalt  }
0x52: {  	_ =	shalt  }
0x53: {  	_ =	shalt  }
0x54: {  	_ =	shalt  }
0x55: {  	_ =	shalt  }
0x56: {  	_ =	shalt  }
0x57: {  	_ =	shalt  }
0x58: {  	_ =	shalt  }
0x59: {  	_ =	shalt  }
0x5a: {  	_ =	shalt  }
0x5b: {  	_ =	shalt  }
0x5c: {  	_ =	shalt  }
0x5d: {  	_ =	shalt  }
0x5e: {  	_ =	shalt  }
0x5f: {  	_ =	shalt  }
0x60: {  	_ =	shalt  }
0x61: {  	_ =	shalt  }
0x62: {  	_ =	shalt  }
0x63: {  	_ =	shalt  }
0x64: {  	_ =	shalt  }
0x65: {  	_ =	shalt  }
0x66: {  	_ =	shalt  }
0x67: {  	_ =	shalt  }
0x68: {  	_ =	shalt  }
0x69: {  	_ =	shalt  }
0x6a: {  	_ =	shalt  }
0x6b: {  	_ =	shalt  }
0x6c: {  	_ =	shalt  }
0x6d: {  	_ =	shalt  }
0x6e: {  	_ =	shalt  }
0x6f: {  	_ =	shalt  }
0x70: {  	_ =	shalt  }
0x71: {  	_ =	shalt  }
0x72: {  	_ =	shalt  }
0x73: {  	_ =	shalt  }
0x74: {  	_ =	shalt  }
0x75: {  	_ =	shalt  }
0x76: {  	_ =	shalt  }
0x77: {  	_ =	shalt  }
0x78: {  	_ =	shalt  }
0x79: {  	_ =	shalt  }
0x7a: {  	_ =	shalt  }
0x7b: {  	_ =	shalt  }
0x7c: {  	_ =	shalt  }
0x7d: {  	_ =	shalt  }
0x7e: {  	_ =	shalt  }
0x7f: {  	_ =	shalt  }
0x80: {  	_ =	shalt  }
0x81: {  	_ =	shalt  }
0x82: {  	_ =	shalt  }
0x83: {  	_ =	shalt  }
0x84: {  	_ =	shalt  }
0x85: {  	_ =	shalt  }
0x86: {  	_ =	shalt  }
0x87: {  	_ =	shalt  }
.Lfunc_end0:
.L_simem_size_0:
called_computation.1_lowered:
.L_overlay_start_0:
0x88: {  	s2 =	sld [smem:$0x3FD9]  }
0x89: {  	s3 =	sld [smem:$0x3FFE];
	_ =	sdelay $0x1  }
0x8a: {  	s1 =	srdreg.scid  }
0x8b: {  	s0 =	sand.u32 $0x1, s1  }
0x8c: {  	s17 =	sshll.u32 s0, $0xA;
	s2 =	sadd.s32 s3, s2  }
0x8d: {  	s2 =	sadd.s32 s2, s17  }
0x8e: {  	[smem:$0x3FBA] =	sst s2  }
0x8f: {  	_ = 	snop  }
0x90: {  	s2 =	sld [smem:$0x3FD0];
	(tm) =	ssettm $0x1  }
0x91: {  	s18 =	sld [smem:$0x3FFB];
	_ =	sdelay $0x3  }
0x92: {  	_ =	strace s18  }
0x93: {  	s3 =	sld [smem:$0x3FFC];
	_ =	sdelay $0x3  }
0x94: {  	_ =	strace s3  }
0x95: {  	s3 =	sld [smem:$0x3FFD];
	_ =	sdelay $0x3  }
0x96: {  	_ =	strace s3  }
0x97: {  	_ =	strace $0x8FFFFFFF  }
0x98: {  	s19 =	sld [smem:$0x3FDB];
	_ =	sdelay $0x1  }
0x99: {  	s4 =	simm.s32 $_scs_section_size  }
0x9a: {  	s5 =	simm.s32 $_size__tile_overlayer_lowered;
	s6 =	simm.s32 $_tile_overlayer_lowered  }
0x9b: {  	s22 =	simm.s32 $0x1BFF;
	s21 =	sshll.u32 s6, $0x1;
	s3 =	sadd.s32 s4, s19  }
0x9c: {  	s7 =	simm.s32 $0x0;
	s20 =	sshll.u32 s5, $0x1;
	s5 =	sadd.s32 s21, s3  }
0x9d: {  	[timem:s7], [sflag:s22] =	dma.local [hbm:s5], s20  }
0x9e: {  	_ =	swait.ge [sflag:s22], s20  }
0x9f: {  	s4 =	ssub.s32 $0x0, s20;
	[sflag:s22] =	ssyncset.done $0x0  }
0xa0: {  	[sflag:s22] =	ssyncadd.s32 s4;
	_ =	sdelay $0x1  }
0xa1: {  	s23 =	simm.s32 $0x1B8B  }
0xa2: {  	_ =	swait.ge [sflag:s23], $0x1  }
0xa3: {  	[sflag:s23] =	ssyncset.done $0x0  }
0xa4: {  	s25 =	simm.s32 $0x1B8E;
	s24 =	sld [smem:$0x3FFE];
	[sflag:s23] =	ssyncadd.s32 $0xFFFFFFFF  }
0xa5: {  	s26 =	simm.s32 $execute0_lowered;
	[smem:$0x3FD2] =	sst s25  }
0xa6: {  	s5 =	sshll.u32 s26, $0x1;
	_ =	strace $0x80000049;
	[dreg:$0x1] =	wrdreg $0xFFFFFFFF  }
0xa7: {  	s28 =	simm.s32 $_size_execute0_lowered;
	s3 =	sadd.s32 s3, s5;
	[dreg:$0x0] =	wrdreg $0x0  }
0xa8: {  	s5 =	sshll.u32 s28, $0x1;
	[dreg:$0x2] =	wrdreg s3  }
0xa9: {  	[dreg:$0x3] =	wrdreg s5  }
0xaa: {  	[dreg:$0x4] =	wrdreg $0xC0  }
0xab: {  	_ =	task [dreg:s7], $0x5FFFF  }
0xac: {  	[dreg:$0x1] =	wrdreg $0xFFFFFFFF  }
0xad: {  	[dreg:$0x0] =	wrdreg $0x60  }
0xae: {  	[dreg:$0x2] =	wrdreg s24  }
0xaf: {  	[dreg:$0x3] =	wrdreg s2  }
0xb0: {  	[dreg:$0x4] =	wrdreg $0x9  }
0xb1: {  	_ =	task.clear_ibuf [dreg:s7], $0x5FFFF;
	_ =	strace $0x90000049  }
0xb2: {  	s29 =	simm.s32 $0x9;
	_ =	strace $0x8000004B  }
0xb3: {  	_ =	swait.ge [sflag:s29], $0x1  }
0xb4: {  	[sflag:s29] =	ssyncadd.s32 $0xFFFFFFFF  }
0xb5: {  	_ =	strace $0x9000004B  }
0xb6: {  	_ =	sfence  }
0xb7: {  	s30 =	sld [smem:$0x0];
	_ =	sdelay $0x2  }
0xb8: {  	s31 =	sshll.u32 s1, $0xD;
	s1 =	sshrl.u32 s1, $0x2  }
0xb9: {  	s3 =	sand.u32 $0x4000, s31;
	s1 =	sadd.s32 s1, s30  }
0xba: {  	s0 =	sor.u32 s3, s0;
	s1 =	sshll.u32 s1, $0x11  }
0xbb: {  	s0 =	sor.u32 s1, s0  }
0xbc: {  	s0 =	sadd.s32 $0x8F2B, s0  }
0xbd: {  	[sflag:s0] =	ssyncadd.remote.s32 $0x1  }
0xbe: {  	_ =	sfence.sel $0xFFFF  }
0xbf: {  	[dreg:$0x0] =	wrdreg $0xFFFFFFFF;
	(pc) =	sbr.abs _section_cstart, $3  }
0xc0: {  	[dreg:$0x1] =	wrdreg $0xFFFFFFFF  }
0xc1: {  	_ =	task.clear_ibuf [dreg:s7], $0x2FFFF;
	_ =	strace $0x9FFFFFFF  }
0xc2: {  	(tm) =	ssettm $0x7FFFFFFF  }
0xc3: {  	_ =	shalt  }
tec
execute0_lowered:
.L_overlay_start_1:
0x0: {  	(tag) =	ssettag $0x1  }
0x1: {  	s0 =	rddreg [dreg:$0x0];
	s1 =	srdreg.scid;
	s3 =	simm.s32 $0x0  }
0x2: {  	s12 =	stileid.u32;
	s28 =	simm.s32 $0x4E20;
	s29 =	simm.s32 $0x5  }
0x3: {  	s30 =	simm.s32 $0x7530;
	s31 =	simm.s32 $0x2;
	s1 =	sand.u32 $0x1, s1  }
0x4: {  	[smem:$0x7FF] =	sst s3;
	s4 =	sadd.s32 $0x1600, s0;
	s5 =	sadd.s32 $0x15000, s0  }
0x5: {  	s8 =	sadd.s32 $0x3CA00, s0;
	s6 =	sadd.s32 $0x15600, s0;
	s9 =	sshll.u32 s12, $0x1  }
0x6: {  	s10 =	sand.u32 $0x1, s12;
	s2 =	sshll.u32 s1, $0x4;
	_ =	strace $0x8000004A  }
0x7: {  	[dreg:$0x3] =	wrdreg s5;
	s5 =	sadd.s32 $0x6DE00, s0;
	s7 =	ssub.s32 $0x2, s1  }
0x8: {  	s11 =	sshll.u32 s1, $0x5;
	s9 =	sand.u32 $0x1C, s9;
	s1 =	smul.u32 $0x4E200, s1  }
0x9: {  	s22 =	sshll.u32 s10, $0x1;
	s10 =	smul.u32 $0x27100, s10;
	s2 =	sor.u32 s12, s2  }
0xa: {  	s9 =	sor.u32 s11, s9;
	s12 =	smul.u32 $0x4E20, s12;
	s13 =	sshrl.u32 s7, $0x1  }
0xb: {  	s23 =	sadd.s32 $0xFFFFFFFF, s22;
	s2 =	smul.u32 $0x4E2, s2;
	s14 =	sor.u32 s22, s9  }
0xc: {  	s13 =	ssub.s32 s7, s13;
	s11 =	sand.u32 $0x3, s23;
	s15 =	sxor.u32 $0x2, s14  }
0xd: {  	s7 =	sadd.s32 s12, s1;
	s12 =	smul.u32 $0x4E2, s14;
	s11 =	sor.u32 s9, s11  }
0xe: {  	s1 =	sadd.s32 s1, s10;
	s14 =	simm.s32 $0xEA60;
	s2 =	sadd.s32 s2, s0  }
0xf: {  	s0 =	sadd.s32 $0x29000, s0;
	s24 =	sshrl.u32 s7, $0x3;
	s25 =	smul.u32 $0x4E2, s15  }
0x10: {  	s11 =	smul.u32 $0x4E2, s11;
	s19 =	sshrl.u32 s1, $0x3;
	s9 =	sadd.s32 s5, s24  }
0x11: {  	s15 =	simm.s32 $0x11170;
	s2 =	sadd.s32 $0x50400, s2;
	[dreg:$0x4] =	wrdreg s9  }
0x12: {  	s26 =	sadd.s32 $0x4E2, s12;
	s16 =	sadd.s32 s4, s12;
	[dreg:$0x5] =	wrdreg s2  }
0x13: {  	s20 =	sadd.s32 s5, s19;
	s23 =	sadd.s32 s0, s12;
	[dreg:$0x6] =	wrdreg s16  }
0x14: {  	s24 =	sadd.s32 s8, s12;
	s12 =	simm.s32 $0x9C40;
	[dreg:$0xa] =	wrdreg s20  }
0x15: {  	s9 =	sadd.s32 $0x7D0, s7;
	s17 =	sadd.s32 s4, s26;
	[dreg:$0xe] =	wrdreg s23  }
0x16: {  	s18 =	sadd.s32 s4, s25;
	s4 =	sadd.s32 s4, s11;
	[dreg:$0xf] =	wrdreg s24  }
0x17: {  	s21 =	sadd.s32 s0, s25;
	s22 =	sadd.s32 s0, s11;
	[dreg:$0x7] =	wrdreg s17  }
0x18: {  	s0 =	sadd.s32 s0, s26;
	s25 =	sadd.s32 s8, s26;
	[dreg:$0x8] =	wrdreg s18  }
0x19: {  	s23 =	sadd.s32 $0x1F40, s1;
	s24 =	sadd.s32 $0x3E80, s1;
	[dreg:$0x9] =	wrdreg s4  }
0x1a: {  	s26 =	smax.u32 s13, $0x1;
	s2 =	simm.s32 $0x19E10;
	[dreg:$0xc] =	wrdreg s21  }
0x1b: {  	s1 =	simm.s32 $0x13880;
	s8 =	simm.s32 $0x1BD50;
	[dreg:$0xd] =	wrdreg s22  }
0x1c: {  	s11 =	simm.s32 $0x4;
	s13 =	simm.s32 $0xC350;
	[dreg:$0x10] =	wrdreg s0  }
0x1d: {  	s16 =	simm.s32 $0x0;
	s4 =	sadd.s32 s6, s19;
	[dreg:$0x11] =	wrdreg s25  }
0x1e: {  	[dreg:$0x12] =	wrdreg s26;
	s26 =	sadd.s32 $0xFA0, s7;
	s25 =	simm.s32 $0x15F90  }
0x1f: {  	v0 =	vimm.f32 $0.0e+00;
	s0 =	simm.s32 $0x1;
	[dreg:$0xb] =	wrdreg s4;
	s4 =	simm.s32 $0x17ED0  }
.LBB2_1:
0x20: {  	s10 =	rddreg [dreg:$0x1]  }
0x21: {  	[tilespmem:s28], [sflag:$0x5] =	stream.linear.gather [hbm4b:s10+s3], $0x2710, $0x38;
	[tilespmem:$0x1DC90] =	vst v63  }
0x22: {  	_ =	swait.ge [sflag:s29], $0x2710  }
0x23: {  	[sflag:s29] =	ssyncset.done $0x0  }
0x24: {  	s22 =	rddreg [dreg:$0x3];
	[sflag:s29] =	ssyncadd.s32 $0xFFFFD8F0  }
0x25: {  	[tilespmem:s30], [sflag:$0x5] =	stream.linear.gather [hbm4b:s22+s3], $0x2710, $0x38;
	[tilespmem:$0x1DC90] =	vst v63  }
0x26: {  	_ =	swait.ge [sflag:s29], $0x2710  }
0x27: {  	[sflag:s29] =	ssyncset.done $0x0  }
0x28: {  	s17 =	simm.s32 $0x40;
	s10 =	simm.s32 $0x0;
	[sflag:s29] =	ssyncadd.s32 $0xFFFFD8F0  }
.LBB2_2:
0x29: {  	p0 =	sne.s32 s17, $0x9C00;
	[tilespmem:s10+$0x13880] =	vst v0;
	s18 =	smov.u32 s17;
	s17 =	sadd.s32 $0x40, s17  }
.Ltmp0:
0x2a: {  	[tilespmem:s10+$0x11170] =	vst v0;
	(pc) =	sbr.rel @p0 .LBB2_2-.Ltmp0, $4  }
0x2b: {  	[tilespmem:s10+$0xEA60] =	vst v0  }
0x2c: {  	[tilespmem:s10+$0x9C40] =	vst v0  }
0x2d: {  	[tilespmem:s10+$0xC350] =	vst v0  }
0x2e: {  	s10 =	sshra.s32 s18, $0x2  }
0x2f: {  	[tilespmem:s10+$0x13880] =	vst v0  }
0x30: {  	[tilespmem:s10+$0x11170] =	vst v0  }
0x31: {  	[tilespmem:s10+$0xEA60] =	vst v0  }
0x32: {  	[tilespmem:s10+$0x9C40] =	vst v0  }
0x33: {  	[tilespmem:s10+$0xC350] =	vst v0;
	s18 =	simm.s32 $0x0;
	s22 =	rddreg [dreg:$0x4]  }
0x34: {  	[tilespmem:s25], [sflag:$0x1] =	stream.linear.gather [hbm4b:s22+s18], $0x7D0, $0x38;
	[tilespmem:$0x1DC90] =	vst v63  }
.LBB2_4:
0x35: {  	_ =	swait.ge [sflag:s0], $0x7D0  }
0x36: {  	s19 =	smul.u32 $0xFA0, s18;
	p0 =	seq.s32 s18, $0x0;
	[sflag:s0] =	ssyncset.done $0x0  }
0x37: {  	s10 =	simm.s32 @!p0 $0x4;
	[sflag:s0] =	ssyncadd.s32 $0xFFFFF830  }
0x38: {  	s17 =	sadd.s32 s19, s9;
	_ =	swait.ge @!p0 [sflag:s10], $0x7D0  }
0x39: {  	s17 =	sshrl.u32 s17, $0x3;
	[sflag:s10] =	ssyncset.done @!p0 $0x0  }
0x3a: {  	s22 =	simm.s32 $0x15FB0;
	s21 =	sadd.s32 s5, s17;
	[sflag:s10] =	ssyncadd.s32 @!p0 $0xFFFFF830  }
0x3b: {  	[tilespmem:s2], [sflag:$0x2] =	stream.linear.gather [hbm4b:s21+s3], $0x7D0, $0x38;
	[tilespmem:$0x1DC90] =	vst v63  }
0x3c: {  	v1 =	vld [tilespmem:s22+$0xFFFFFFE0];
	_ =	sdelay $0x3  }
0x3d: {  	v2 =	vld [tilespmem:s22+$0x10]  }
0x3e: {  	v4 =	vld [tilespmem:s22+$0xFFFFFFF0];
	v3 =	vand.u32 $0x3FFF, v1  }
0x3f: {  	v7 =	vshra.s32 v1, $0xE;
	_ =	sdelay $0x1  }
0x40: {  	s25 =	simm.s32 $0x15FF0;
	v8 =	vld [tilespmem:s22+$0x0]  }
0x41: {  	v10 =	vld [tilespmem:s25+$0xFFFFFFE0];
	v9 =	vand.u32 $0x3FFF, v2  }
0x42: {  	v11 =	vand.u32 $0x3FFF, v4;
	v3 =	vld.idx.msk [tilespmem:v3+s28+$0x0], $0xffff  }
0x43: {  	v5 =	vshra.s32 v2, $0xE;
	v12 =	vld.idx.msk [tilespmem:v7+s30+$0x0], $0xffff  }
0x44: {  	v13 =	vld [tilespmem:s25+$0x10];
	v6 =	vshra.s32 v4, $0xE  }
0x45: {  	v15 =	vld [tilespmem:s25+$0xFFFFFFF0]  }
0x46: {  	v1 =	vshra.s32 v8, $0xE;
	v4 =	vld.idx.msk [tilespmem:v9+s28+$0x0], $0xffff  }
0x47: {  	v2 =	vshra.s32 v10, $0xE;
	v11 =	vld.idx.msk [tilespmem:v11+s28+$0x0], $0xffff  }
0x48: {  	v8 =	vand.u32 $0x3FFF, v8;
	v3 =	vadd.f32 v12, v3;
	v12 =	vld.idx.msk [tilespmem:v5+s30+$0x0], $0xffff  }
0x49: {  	v9 =	vand.u32 $0x3FFF, v10;
	v17 =	vld.idx.msk [tilespmem:v6+s30+$0x0], $0xffff  }
0x4a: {  	v16 =	vld [tilespmem:s25+$0x0];
	v14 =	vmul.f32 $2.000000030e-01, v3  }
0x4b: {  	v10 =	vld.idx.msk [tilespmem:v1+s30+$0x0], $0xffff;
	vm0 =	vge.f32 v3, $0.0e+00  }
0x4c: {  	v19 =	vld.idx.msk [tilespmem:v2+s30+$0x0], $0xffff;
	v3 =	vsel vm0, v3, v14  }
0x4d: {  	v21 =	vand.u32 $0x3FFF, v15;
	v14 =	vld.idx.msk [tilespmem:v8+s28+$0x0], $0xffff;
	v3 =	vmul.f32 $1.442695020e+00, v3;
	v12 =	vadd.f32 v12, v4  }
0x4e: {  	s25 =	simm.s32 $0x16030;
	v20 =	vand.u32 $0x3FFF, v13;
	v18 =	vld.idx.msk [tilespmem:v9+s28+$0x0], $0xffff;
	v4 =	vshra.s32 v13, $0xE;
	v13 =	vadd.f32 v17, v11  }
0x4f: {  	v22 =	vld [tilespmem:s25+$0xFFFFFFE0];
	(erf) = vpow2.f32 v3;
	v17 =	vmul.f32 $2.000000030e-01, v12  }
0x50: {  	v8 =	vshra.s32 v15, $0xE;
	vm13 =	vge.f32 v12, $0.0e+00;
	v23 =	vmul.f32 $2.000000030e-01, v13  }
0x51: {  	v9 =	vld [tilespmem:s25+$0x0];
	v3 =	vshra.s32 v16, $0xE;
	vm1 =	vge.f32 v13, $0.0e+00;
	v12 =	vsel vm13, v12, v17  }
0x52: {  	v15 =	vld.idx.msk [tilespmem:v21+s28+$0x0], $0xffff;
	v10 =	vadd.f32 v10, v14;
	v13 =	vsel vm1, v13, v23;
	v12 =	vmul.f32 $1.442695020e+00, v12  }
0x53: {  	v18 =	vadd.f32 v19, v18;
	v14 =	vld.idx.msk [tilespmem:v20+s28+$0x0], $0xffff;
	v20 =	vmul.f32 $1.442695020e+00, v13  }
0x54: {  	v24 =	vand.u32 $0x3FFF, v22;
	v11 =	vld [tilespmem:s25+$0x10];
	v19 =	vmul.f32 $2.000000030e-01, v10;
	(erf) = vpow2.f32 v12  }
0x55: {  	v21 =	vmul.f32 $2.000000030e-01, v18;
	v17 =	vld.idx.msk [tilespmem:v4+s30+$0x0], $0xffff;
	vm14 =	vge.f32 v10, $0.0e+00;
	(erf) = vpow2.f32 v20  }
0x56: {  	vm15 =	vge.f32 v18, $0.0e+00;
	v13 =	vld.idx.msk [tilespmem:v3+s30+$0x0], $0xffff;
	v10 =	vsel vm14, v10, v19  }
0x57: {  	v12 =	vand.u32 $0x3FFF, v16;
	v16 =	vsel vm15, v18, v21;
	v21 =	vld [tilespmem:s25+$0xFFFFFFF0];
	v23 =	vmul.f32 $1.442695020e+00, v10  }
0x58: {  	s21 =	simm.s32 $0x17EF0;
	v19 =	vld.idx.msk [tilespmem:v8+s30+$0x0], $0xffff;
	v20 =	vpop (erf)  }
0x59: {  	s20 =	sadd.s32 s19, s7;
	s10 =	simm.s32 $0x8;
	s22 =	simm.s32 $0x17EF0;
	v18 =	vmul.f32 $1.442695020e+00, v16;
	v16 =	vld.idx.msk [tilespmem:v24+s28+$0x0], $0xffff;
	v10 =	vshra.s32 v22, $0xE;
	(erf) = vpow2.f32 v23;
	[tilespmem:s21+$0xFFFFFFE0] =	vst v20  }
.LBB2_5:
0x5a: {  	s10 =	sadd.s32 $0x4, s10;
	[tilespmem:v7+s1+$0x0] =	vst.idx.add.f32.msk $0xffff, v20;
	s21 =	sadd.s32 $0x40, s21;
	v7 =	vmov v2;
	v2 =	vmov v10  }
0x5b: {  	v20 =	vshra.s32 v11, $0xE;
	v22 =	vand.u32 $0x3FFF, v11;
	p0 =	slt.u32 s10, $0x78;
	v10 =	vld.idx.msk [tilespmem:v10+s30+$0x0], $0xffff  }
0x5c: {  	v23 =	vshra.s32 v9, $0xE;
	s25 =	sadd.s32 $0x40, s25;
	v14 =	vadd.f32 v17, v14;
	v24 =	vld.idx.msk [tilespmem:v12+s28+$0x0], $0xffff;
	v12 =	vand.u32 $0x3FFF, v9  }
0x5d: {  	v15 =	vadd.f32 v19, v15;
	v25 =	vld [tilespmem:s25+$0xFFFFFFE0];
	v26 =	vshra.s32 v21, $0xE;
	v17 =	vand.u32 $0x3FFF, v21;
	v19 =	vpop (erf)  }
0x5e: {  	v9 =	vld [tilespmem:s25+$0x0];
	(erf) = vpow2.f32 v18;
	[tilespmem:s22+$0x10] =	vst v19;
	v18 =	vpop (erf)  }
0x5f: {  	v27 =	vmul.f32 $2.000000030e-01, v14;
	v21 =	vmul.f32 $2.000000030e-01, v15;
	v11 =	vld [tilespmem:s25+$0x10];
	[tilespmem:s22+$0xFFFFFFF0] =	vst v18  }
0x60: {  	vm1 =	vge.f32 v14, $0.0e+00;
	vm0 =	vge.f32 v15, $0.0e+00;
	[tilespmem:v5+s1+$0x0] =	vst.idx.add.f32.msk $0xffff, v19;
	v5 =	vmovc v4;
	v4 =	vmov v20  }
0x61: {  	v15 =	vsel vm0, v15, v21;
	v21 =	vsel vm1, v14, v27;
	[tilespmem:v6+s1+$0x0] =	vst.idx.add.f32.msk $0xffff, v18;
	v6 =	vmov v8  }
0x62: {  	v18 =	vmul.f32 $1.442695020e+00, v15;
	v20 =	vadd.f32 v13, v24;
	v13 =	vmul.f32 $1.442695020e+00, v21;
	v14 =	vld.idx.msk [tilespmem:v22+s28+$0x0], $0xffff;
	v19 =	vpop (erf)  }
0x63: {  	v16 =	vadd.f32 v10, v16;
	v8 =	vmov v26;
	v22 =	vand.u32 $0x3FFF, v25;
	v15 =	vld.idx.msk [tilespmem:v17+s28+$0x0], $0xffff;
	[tilespmem:s22+$0x0] =	vst v19;
	s22 =	smov.u32 s21  }
0x64: {  	vm0 =	vge.f32 v20, $0.0e+00;
	v21 =	vmul.f32 $2.000000030e-01, v20;
	(erf) = vpow2.f32 v13;
	[tilespmem:v1+s1+$0x0] =	vst.idx.add.f32.msk $0xffff, v19;
	v1 =	vmovc v3;
	v3 =	vmovc v23  }
.Ltmp1:
0x65: {  	v19 =	vmul.f32 $2.000000030e-01, v16;
	v17 =	vld.idx.msk [tilespmem:v4+s30+$0x0], $0xffff;
	(erf) = vpow2.f32 v18;
	(pc) =	sbr.rel @p0 .LBB2_5-.Ltmp1, $4  }
0x66: {  	v10 =	vshra.s32 v25, $0xE;
	vm1 =	vge.f32 v16, $0.0e+00;
	v18 =	vsel vm0, v20, v21;
	v13 =	vld.idx.msk [tilespmem:v23+s30+$0x0], $0xffff  }
0x67: {  	v16 =	vsel vm1, v16, v19;
	v23 =	vmul.f32 $1.442695020e+00, v18;
	v19 =	vld.idx.msk [tilespmem:v26+s30+$0x0], $0xffff;
	v20 =	vpop (erf)  }
0x68: {  	v18 =	vmul.f32 $1.442695020e+00, v16;
	v21 =	vld [tilespmem:s25+$0xFFFFFFF0];
	[tilespmem:s21+$0xFFFFFFE0] =	vst v20  }
0x69: {  	v16 =	vld.idx.msk [tilespmem:v22+s28+$0x0], $0xffff;
	(erf) = vpow2.f32 v23  }
0x6a: {  	_ =	sdelay $0x1  }
0x6b: {  	v22 =	vand.u32 $0x3FFF, v11  }
0x6c: {  	v11 =	vshra.s32 v11, $0xE  }
0x6d: {  	v12 =	vld.idx.msk [tilespmem:v12+s28+$0x0], $0xffff;
	v23 =	vand.u32 $0x3FFF, v21  }
0x6e: {  	v14 =	vadd.f32 v17, v14;
	v15 =	vadd.f32 v19, v15;
	v17 =	vshra.s32 v21, $0xE  }
0x6f: {  	v21 =	vld.idx.msk [tilespmem:v10+s30+$0x0], $0xffff  }
0x70: {  	v19 =	vshra.s32 v9, $0xE;
	v24 =	vmul.f32 $2.000000030e-01, v14;
	v25 =	vmul.f32 $2.000000030e-01, v15;
	v22 =	vld.idx.msk [tilespmem:v22+s28+$0x0], $0xffff  }
0x71: {  	v9 =	vand.u32 $0x3FFF, v9;
	vm0 =	vge.f32 v14, $0.0e+00;
	vm5 =	vge.f32 v15, $0.0e+00;
	v62 =	vld.idx.msk [tilespmem:v11+s30+$0x0], $0xffff  }
0x72: {  	v14 =	vsel vm0, v14, v24;
	v12 =	vadd.f32 v13, v12;
	v15 =	vsel vm5, v15, v25;
	v23 =	vld.idx.msk [tilespmem:v23+s28+$0x0], $0xffff  }
0x73: {  	v13 =	vmul.f32 $1.442695020e+00, v14;
	v15 =	vmul.f32 $1.442695020e+00, v15;
	v14 =	vld.idx.msk [tilespmem:v17+s30+$0x0], $0xffff  }
0x74: {  	(erf) = vpow2.f32 v18;
	[tilespmem:v7+s1+$0x0] =	vst.idx.add.f32.msk $0xffff, v20;
	v18 =	vmul.f32 $2.000000030e-01, v12  }
0x75: {  	(erf) = vpow2.f32 v13;
	v13 =	vld.idx.msk [tilespmem:v19+s30+$0x0], $0xffff;
	vm6 =	vge.f32 v12, $0.0e+00;
	v16 =	vadd.f32 v21, v16  }
0x76: {  	v9 =	vld.idx.msk [tilespmem:v9+s28+$0x0], $0xffff;
	(erf) = vpow2.f32 v15;
	v7 =	vsel vm6, v12, v18  }
0x77: {  	v21 =	vmul.f32 $2.000000030e-01, v16;
	v12 =	vadd.f32 v62, v22;
	v7 =	vmul.f32 $1.442695020e+00, v7;
	v15 =	vpop (erf)  }
0x78: {  	vm1 =	vge.f32 v16, $0.0e+00;
	[tilespmem:s22+$0x10] =	vst v15;
	v18 =	vpop (erf);
	v14 =	vadd.f32 v14, v23  }
0x79: {  	v16 =	vsel vm1, v16, v21;
	v20 =	vmul.f32 $2.000000030e-01, v12;
	(erf) = vpow2.f32 v7;
	[tilespmem:s22+$0xFFFFFFF0] =	vst v18  }
0x7a: {  	vm7 =	vge.f32 v12, $0.0e+00;
	v16 =	vmul.f32 $1.442695020e+00, v16;
	[tilespmem:v5+s1+$0x0] =	vst.idx.add.f32.msk $0xffff, v15;
	v5 =	vmul.f32 $2.000000030e-01, v14  }
0x7b: {  	v9 =	vadd.f32 v13, v9;
	[tilespmem:v6+s1+$0x0] =	vst.idx.add.f32.msk $0xffff, v18;
	v6 =	vpop (erf);
	v7 =	vsel vm7, v12, v20;
	vm8 =	vge.f32 v14, $0.0e+00  }
0x7c: {  	[tilespmem:s22+$0x0] =	vst v6;
	(erf) = vpow2.f32 v16;
	v7 =	vmul.f32 $1.442695020e+00, v7;
	v5 =	vsel vm8, v14, v5  }
0x7d: {  	s10 =	sadd.s32 $0x40, s21;
	[tilespmem:v1+s1+$0x0] =	vst.idx.add.f32.msk $0xffff, v6;
	v1 =	vpop (erf);
	v6 =	vmul.f32 $2.000000030e-01, v9;
	v5 =	vmul.f32 $1.442695020e+00, v5  }
0x7e: {  	vm9 =	vge.f32 v9, $0.0e+00;
	[tilespmem:s10+$0xFFFFFFE0] =	vst v1;
	(erf) = vpow2.f32 v7  }
0x7f: {  	[tilespmem:v2+s1+$0x0] =	vst.idx.add.f32.msk $0xffff, v1;
	v1 =	vpop (erf);
	v2 =	vsel vm9, v9, v6  }
0x80: {  	[tilespmem:s10+$0x10] =	vst v1;
	v2 =	vmul.f32 $1.442695020e+00, v2;
	(erf) = vpow2.f32 v5  }
0x81: {  	[tilespmem:v4+s1+$0x0] =	vst.idx.add.f32.msk $0xffff, v1;
	v5 =	vpop (erf)  }
0x82: {  	(erf) = vpow2.f32 v2;
	[tilespmem:s10+$0xFFFFFFF0] =	vst v5  }
0x83: {  	v1 =	vpop (erf);
	[tilespmem:v8+s1+$0x0] =	vst.idx.add.f32.msk $0xffff, v5  }
0x84: {  	[tilespmem:s10+$0x0] =	vst v1  }
0x85: {  	v2 =	vpop (erf);
	s10 =	sadd.s32 $0x40, s10;
	[tilespmem:v3+s1+$0x0] =	vst.idx.add.f32.msk $0xffff, v1  }
0x86: {  	[tilespmem:s10+$0xFFFFFFE0] =	vst v2  }
0x87: {  	[tilespmem:v10+s1+$0x0] =	vst.idx.add.f32.msk $0xffff, v2;
	v1 =	vpop (erf)  }
0x88: {  	[tilespmem:s10+$0x10] =	vst v1  }
0x89: {  	[tilespmem:v11+s1+$0x0] =	vst.idx.add.f32.msk $0xffff, v1;
	v2 =	vpop (erf)  }
0x8a: {  	[tilespmem:s10+$0xFFFFFFF0] =	vst v2  }
0x8b: {  	v1 =	vpop (erf);
	[tilespmem:v17+s1+$0x0] =	vst.idx.add.f32.msk $0xffff, v2  }
0x8c: {  	[tilespmem:s10+$0x0] =	vst v1  }
0x8d: {  	[tilespmem:v19+s1+$0x0] =	vst.idx.add.f32.msk $0xffff, v1  }
0x8e: {  	v1 =	vld [tilespmem:$0x16750];
	_ =	sdelay $0x4  }
0x8f: {  	v2 =	vand.u32 $0x3FFF, v1  }
0x90: {  	v1 =	vshra.s32 v1, $0xE;
	_ =	sdelay $0x3  }
0x91: {  	v2 =	vld.idx.msk [tilespmem:v2+s28+$0x0], $0xffff  }
0x92: {  	v3 =	vld.idx.msk [tilespmem:v1+s30+$0x0], $0xffff;
	_ =	sdelay $0x4  }
0x93: {  	v2 =	vadd.f32 v3, v2;
	_ =	sdelay $0x1  }
0x94: {  	v3 =	vmul.f32 $2.000000030e-01, v2  }
0x95: {  	vm10 =	vge.f32 v2, $0.0e+00  }
0x96: {  	v2 =	vsel vm10, v2, v3  }
0x97: {  	v2 =	vmul.f32 $1.442695020e+00, v2;
	_ =	sdelay $0x1  }
0x98: {  	(erf) = vpow2.f32 v2;
	_ =	sdelay $0x8  }
0x99: {  	v2 =	vpop (erf)  }
0x9a: {  	s21 =	sshrl.u32 s20, $0x3;
	[tilespmem:$0x18690] =	vst v2  }
0x9b: {  	s10 =	sadd.s32 s6, s21;
	[tilespmem:v1+s1+$0x0] =	vst.idx.add.f32.msk $0xffff, v2  }
0x9c: {  	[hbm4b:s10+s3] =	stream.linear.scatter [tilespmem:s4], [sflag:$0x3], $0x7D0, $0x38;
	[tilespmem:$0x1DC90] =	vst v63  }
0x9d: {  	_ =	swait.ge [sflag:s31], $0x7D0  }
0x9e: {  	p0 =	seq.s32 s18, $0x4;
	[sflag:s31] =	ssyncset.done $0x0  }
0x9f: {  	s10 =	simm.s32 @!p0 $0x3;
	[sflag:s31] =	ssyncadd.s32 $0xFFFFF830  }
0xa0: {  	_ =	swait.ge @!p0 [sflag:s10], $0x7D0  }
0xa1: {  	s19 =	sadd.s32 @!p0 s19, s26;
	[sflag:s10] =	ssyncset.done @!p0 $0x0  }
0xa2: {  	s20 =	simm.s32 @!p0 $0x15F90;
	[sflag:s10] =	ssyncadd.s32 @!p0 $0xFFFFF830;
	s10 =	sshrl.u32 @!p0 s19, $0x3  }
0xa3: {  	s22 =	simm.s32 $0x19E30;
	s19 =	simm.s32 @!p0 $0x0;
	s10 =	sadd.s32 @!p0 s5, s10  }
0xa4: {  	[tilespmem:s20], [sflag:$0x1] =	stream.linear.gather @!p0 [hbm4b:s10+s19], $0x7D0, $0x38;
	[tilespmem:$0x1DC90] =	vst v63  }
0xa5: {  	v1 =	vld [tilespmem:s22+$0xFFFFFFE0];
	_ =	sdelay $0x3  }
0xa6: {  	v2 =	vld [tilespmem:s22+$0x10]  }
0xa7: {  	v4 =	vld [tilespmem:s22+$0xFFFFFFF0];
	v3 =	vand.u32 $0x3FFF, v1  }
0xa8: {  	v7 =	vshra.s32 v1, $0xE;
	_ =	sdelay $0x1  }
0xa9: {  	s25 =	simm.s32 $0x19E70;
	v8 =	vld [tilespmem:s22+$0x0]  }
0xaa: {  	v10 =	vld [tilespmem:s25+$0xFFFFFFE0];
	v9 =	vand.u32 $0x3FFF, v2  }
0xab: {  	v11 =	vand.u32 $0x3FFF, v4;
	v3 =	vld.idx.msk [tilespmem:v3+s28+$0x0], $0xffff  }
0xac: {  	v5 =	vshra.s32 v2, $0xE;
	v12 =	vld.idx.msk [tilespmem:v7+s30+$0x0], $0xffff  }
0xad: {  	v13 =	vld [tilespmem:s25+$0x10];
	v6 =	vshra.s32 v4, $0xE  }
0xae: {  	v15 =	vld [tilespmem:s25+$0xFFFFFFF0]  }
0xaf: {  	v1 =	vshra.s32 v8, $0xE;
	v4 =	vld.idx.msk [tilespmem:v9+s28+$0x0], $0xffff  }
0xb0: {  	v2 =	vshra.s32 v10, $0xE;
	v11 =	vld.idx.msk [tilespmem:v11+s28+$0x0], $0xffff  }
0xb1: {  	v8 =	vand.u32 $0x3FFF, v8;
	v3 =	vadd.f32 v12, v3;
	v12 =	vld.idx.msk [tilespmem:v5+s30+$0x0], $0xffff  }
0xb2: {  	v9 =	vand.u32 $0x3FFF, v10;
	v17 =	vld.idx.msk [tilespmem:v6+s30+$0x0], $0xffff  }
0xb3: {  	v16 =	vld [tilespmem:s25+$0x0];
	v14 =	vmul.f32 $2.000000030e-01, v3  }
0xb4: {  	v10 =	vld.idx.msk [tilespmem:v1+s30+$0x0], $0xffff;
	vm11 =	vge.f32 v3, $0.0e+00  }
0xb5: {  	v19 =	vld.idx.msk [tilespmem:v2+s30+$0x0], $0xffff;
	v3 =	vsel vm11, v3, v14  }
0xb6: {  	v21 =	vand.u32 $0x3FFF, v15;
	v14 =	vld.idx.msk [tilespmem:v8+s28+$0x0], $0xffff;
	v3 =	vmul.f32 $1.442695020e+00, v3;
	v12 =	vadd.f32 v12, v4  }
0xb7: {  	s21 =	simm.s32 $0x19EB0;
	v20 =	vand.u32 $0x3FFF, v13;
	v18 =	vld.idx.msk [tilespmem:v9+s28+$0x0], $0xffff;
	v4 =	vshra.s32 v13, $0xE;
	v13 =	vadd.f32 v17, v11  }
0xb8: {  	v22 =	vld [tilespmem:s21+$0xFFFFFFE0];
	(erf) = vpow2.f32 v3;
	v17 =	vmul.f32 $2.000000030e-01, v12  }
0xb9: {  	v8 =	vshra.s32 v15, $0xE;
	vm12 =	vge.f32 v12, $0.0e+00;
	v23 =	vmul.f32 $2.000000030e-01, v13  }
0xba: {  	v9 =	vld [tilespmem:s21+$0x0];
	v3 =	vshra.s32 v16, $0xE;
	vm13 =	vge.f32 v13, $0.0e+00;
	v12 =	vsel vm12, v12, v17  }
0xbb: {  	v15 =	vld.idx.msk [tilespmem:v21+s28+$0x0], $0xffff;
	v10 =	vadd.f32 v10, v14;
	v13 =	vsel vm13, v13, v23;
	v12 =	vmul.f32 $1.442695020e+00, v12  }
0xbc: {  	v18 =	vadd.f32 v19, v18;
	v14 =	vld.idx.msk [tilespmem:v20+s28+$0x0], $0xffff;
	v20 =	vmul.f32 $1.442695020e+00, v13  }
0xbd: {  	v63 =	vand.u32 $0x3FFF, v22;
	v11 =	vld [tilespmem:s21+$0x10];
	v19 =	vmul.f32 $2.000000030e-01, v10;
	(erf) = vpow2.f32 v12  }
0xbe: {  	v21 =	vmul.f32 $2.000000030e-01, v18;
	v17 =	vld.idx.msk [tilespmem:v4+s30+$0x0], $0xffff;
	vm14 =	vge.f32 v10, $0.0e+00;
	(erf) = vpow2.f32 v20  }
0xbf: {  	vm15 =	vge.f32 v18, $0.0e+00;
	v13 =	vld.idx.msk [tilespmem:v3+s30+$0x0], $0xffff;
	v10 =	vsel vm14, v10, v19  }
0xc0: {  	v12 =	vand.u32 $0x3FFF, v16;
	v16 =	vsel vm15, v18, v21;
	v21 =	vld [tilespmem:s21+$0xFFFFFFF0];
	v23 =	vmul.f32 $1.442695020e+00, v10  }
0xc1: {  	s19 =	simm.s32 $0x1BD70;
	v19 =	vld.idx.msk [tilespmem:v8+s30+$0x0], $0xffff;
	v20 =	vpop (erf)  }
0xc2: {  	s18 =	sadd.s32 $0x1, s18;
	s10 =	simm.s32 $0x8;
	s20 =	simm.s32 $0x1BD70;
	v18 =	vmul.f32 $1.442695020e+00, v16;
	v16 =	vld.idx.msk [tilespmem:v63+s28+$0x0], $0xffff;
	v10 =	vshra.s32 v22, $0xE;
	(erf) = vpow2.f32 v23;
	[tilespmem:s19+$0xFFFFFFE0] =	vst v20  }
.LBB2_7:
0xc3: {  	s10 =	sadd.s32 $0x4, s10;
	[tilespmem:v7+s1+$0x0] =	vst.idx.add.f32.msk $0xffff, v20;
	s19 =	sadd.s32 $0x40, s19;
	v7 =	vmov v2;
	v2 =	vmov v10  }
0xc4: {  	v20 =	vshra.s32 v11, $0xE;
	v22 =	vand.u32 $0x3FFF, v11;
	p0 =	slt.u32 s10, $0x78;
	v10 =	vld.idx.msk [tilespmem:v10+s30+$0x0], $0xffff  }
0xc5: {  	v23 =	vshra.s32 v9, $0xE;
	s21 =	sadd.s32 $0x40, s21;
	v14 =	vadd.f32 v17, v14;
	v24 =	vld.idx.msk [tilespmem:v12+s28+$0x0], $0xffff;
	v12 =	vand.u32 $0x3FFF, v9  }
0xc6: {  	v15 =	vadd.f32 v19, v15;
	v25 =	vld [tilespmem:s21+$0xFFFFFFE0];
	v26 =	vshra.s32 v21, $0xE;
	v17 =	vand.u32 $0x3FFF, v21;
	v19 =	vpop (erf)  }
0xc7: {  	v9 =	vld [tilespmem:s21+$0x0];
	(erf) = vpow2.f32 v18;
	[tilespmem:s20+$0x10] =	vst v19;
	v18 =	vpop (erf)  }
0xc8: {  	v27 =	vmul.f32 $2.000000030e-01, v14;
	v21 =	vmul.f32 $2.000000030e-01, v15;
	v11 =	vld [tilespmem:s21+$0x10];
	[tilespmem:s20+$0xFFFFFFF0] =	vst v18  }
0xc9: {  	vm1 =	vge.f32 v14, $0.0e+00;
	vm0 =	vge.f32 v15, $0.0e+00;
	[tilespmem:v5+s1+$0x0] =	vst.idx.add.f32.msk $0xffff, v19;
	v5 =	vmovc v4;
	v4 =	vmov v20  }
0xca: {  	v15 =	vsel vm0, v15, v21;
	v21 =	vsel vm1, v14, v27;
	[tilespmem:v6+s1+$0x0] =	vst.idx.add.f32.msk $0xffff, v18;
	v6 =	vmov v8  }
0xcb: {  	v18 =	vmul.f32 $1.442695020e+00, v15;
	v20 =	vadd.f32 v13, v24;
	v13 =	vmul.f32 $1.442695020e+00, v21;
	v14 =	vld.idx.msk [tilespmem:v22+s28+$0x0], $0xffff;
	v19 =	vpop (erf)  }
0xcc: {  	v16 =	vadd.f32 v10, v16;
	v8 =	vmov v26;
	v22 =	vand.u32 $0x3FFF, v25;
	v15 =	vld.idx.msk [tilespmem:v17+s28+$0x0], $0xffff;
	[tilespmem:s20+$0x0] =	vst v19;
	s20 =	smov.u32 s19  }
0xcd: {  	vm0 =	vge.f32 v20, $0.0e+00;
	v21 =	vmul.f32 $2.000000030e-01, v20;
	(erf) = vpow2.f32 v13;
	[tilespmem:v1+s1+$0x0] =	vst.idx.add.f32.msk $0xffff, v19;
	v1 =	vmovc v3;
	v3 =	vmovc v23  }
.Ltmp2:
0xce: {  	v19 =	vmul.f32 $2.000000030e-01, v16;
	v17 =	vld.idx.msk [tilespmem:v4+s30+$0x0], $0xffff;
	(erf) = vpow2.f32 v18;
	(pc) =	sbr.rel @p0 .LBB2_7-.Ltmp2, $4  }
0xcf: {  	v10 =	vshra.s32 v25, $0xE;
	vm1 =	vge.f32 v16, $0.0e+00;
	v18 =	vsel vm0, v20, v21;
	v13 =	vld.idx.msk [tilespmem:v23+s30+$0x0], $0xffff  }
0xd0: {  	v16 =	vsel vm1, v16, v19;
	v23 =	vmul.f32 $1.442695020e+00, v18;
	v19 =	vld.idx.msk [tilespmem:v26+s30+$0x0], $0xffff;
	v20 =	vpop (erf)  }
0xd1: {  	v18 =	vmul.f32 $1.442695020e+00, v16;
	v21 =	vld [tilespmem:s21+$0xFFFFFFF0];
	[tilespmem:s19+$0xFFFFFFE0] =	vst v20  }
0xd2: {  	v16 =	vld.idx.msk [tilespmem:v22+s28+$0x0], $0xffff;
	(erf) = vpow2.f32 v23  }
0xd3: {  	_ =	sdelay $0x1  }
0xd4: {  	v22 =	vand.u32 $0x3FFF, v11  }
0xd5: {  	v44 =	vshra.s32 v11, $0xE  }
0xd6: {  	v12 =	vld.idx.msk [tilespmem:v12+s28+$0x0], $0xffff;
	v23 =	vand.u32 $0x3FFF, v21  }
0xd7: {  	v14 =	vadd.f32 v17, v14;
	v45 =	vshra.s32 v21, $0xE  }
0xd8: {  	v46 =	vld.idx.msk [tilespmem:v10+s30+$0x0], $0xffff;
	v47 =	vshra.s32 v9, $0xE  }
0xd9: {  	v48 =	vand.u32 $0x3FFF, v9;
	v15 =	vadd.f32 v19, v15;
	v24 =	vmul.f32 $2.000000030e-01, v14;
	v22 =	vld.idx.msk [tilespmem:v22+s28+$0x0], $0xffff  }
0xda: {  	vm0 =	vge.f32 v14, $0.0e+00;
	v49 =	vld.idx.msk [tilespmem:v44+s30+$0x0], $0xffff  }
0xdb: {  	v25 =	vmul.f32 $2.000000030e-01, v15;
	v14 =	vsel vm0, v14, v24;
	v12 =	vadd.f32 v13, v12;
	v23 =	vld.idx.msk [tilespmem:v23+s28+$0x0], $0xffff  }
0xdc: {  	(erf) = vpow2.f32 v18;
	vm10 =	vge.f32 v15, $0.0e+00;
	v50 =	vmul.f32 $1.442695020e+00, v14;
	v51 =	vld.idx.msk [tilespmem:v45+s30+$0x0], $0xffff  }
0xdd: {  	v16 =	vadd.f32 v46, v16;
	v53 =	vld.idx.msk [tilespmem:v47+s30+$0x0], $0xffff;
	v15 =	vsel vm10, v15, v25;
	v52 =	vmul.f32 $2.000000030e-01, v12  }
0xde: {  	v9 =	vld.idx.msk [tilespmem:v48+s28+$0x0], $0xffff;
	v15 =	vmul.f32 $1.442695020e+00, v15;
	(erf) = vpow2.f32 v50;
	vm11 =	vge.f32 v12, $0.0e+00  }
0xdf: {  	[tilespmem:v7+s1+$0x0] =	vst.idx.add.f32.msk $0xffff, v20;
	v54 =	vpop (erf);
	v21 =	vmul.f32 $2.000000030e-01, v16;
	v55 =	vsel vm11, v12, v52;
	v56 =	vadd.f32 v49, v22  }
0xe0: {  	[tilespmem:s20+$0x10] =	vst v54;
	v57 =	vpop (erf);
	vm1 =	vge.f32 v16, $0.0e+00;
	(erf) = vpow2.f32 v15;
	v7 =	vmul.f32 $1.442695020e+00, v55  }
0xe1: {  	[tilespmem:s20+$0xFFFFFFF0] =	vst v57;
	v16 =	vsel vm1, v16, v21;
	v58 =	vmul.f32 $2.000000030e-01, v56;
	v14 =	vadd.f32 v51, v23  }
0xe2: {  	[tilespmem:v5+s1+$0x0] =	vst.idx.add.f32.msk $0xffff, v54;
	v16 =	vmul.f32 $1.442695020e+00, v16;
	(erf) = vpow2.f32 v7;
	vm12 =	vge.f32 v56, $0.0e+00  }
0xe3: {  	[tilespmem:v6+s1+$0x0] =	vst.idx.add.f32.msk $0xffff, v57;
	v60 =	vpop (erf);
	v9 =	vadd.f32 v53, v9;
	v61 =	vsel vm12, v56, v58;
	v59 =	vmul.f32 $2.000000030e-01, v14  }
0xe4: {  	[tilespmem:s20+$0x0] =	vst v60;
	(erf) = vpow2.f32 v16;
	vm13 =	vge.f32 v14, $0.0e+00;
	v7 =	vmul.f32 $1.442695020e+00, v61  }
0xe5: {  	s10 =	sadd.s32 $0x40, s19;
	[tilespmem:v1+s1+$0x0] =	vst.idx.add.f32.msk $0xffff, v60;
	v1 =	vpop (erf);
	v62 =	vmul.f32 $2.000000030e-01, v9;
	v5 =	vsel vm13, v14, v59  }
0xe6: {  	[tilespmem:s10+$0xFFFFFFE0] =	vst v1;
	vm14 =	vge.f32 v9, $0.0e+00;
	(erf) = vpow2.f32 v7;
	v5 =	vmul.f32 $1.442695020e+00, v5  }
0xe7: {  	[tilespmem:v2+s1+$0x0] =	vst.idx.add.f32.msk $0xffff, v1;
	v2 =	vsel vm14, v9, v62;
	v1 =	vpop (erf)  }
0xe8: {  	v2 =	vmul.f32 $1.442695020e+00, v2;
	[tilespmem:s10+$0x10] =	vst v1;
	(erf) = vpow2.f32 v5  }
0xe9: {  	v63 =	vpop (erf);
	[tilespmem:v4+s1+$0x0] =	vst.idx.add.f32.msk $0xffff, v1  }
0xea: {  	[tilespmem:s10+$0xFFFFFFF0] =	vst v63;
	(erf) = vpow2.f32 v2  }
0xeb: {  	[tilespmem:v8+s1+$0x0] =	vst.idx.add.f32.msk $0xffff, v63;
	v1 =	vpop (erf)  }
0xec: {  	[tilespmem:s10+$0x0] =	vst v1  }
0xed: {  	v2 =	vpop (erf);
	s10 =	sadd.s32 $0x40, s10;
	[tilespmem:v3+s1+$0x0] =	vst.idx.add.f32.msk $0xffff, v1  }
0xee: {  	[tilespmem:s10+$0xFFFFFFE0] =	vst v2  }
0xef: {  	[tilespmem:v10+s1+$0x0] =	vst.idx.add.f32.msk $0xffff, v2;
	v1 =	vpop (erf)  }
0xf0: {  	[tilespmem:s10+$0x10] =	vst v1  }
0xf1: {  	[tilespmem:v44+s1+$0x0] =	vst.idx.add.f32.msk $0xffff, v1;
	v2 =	vpop (erf)  }
0xf2: {  	[tilespmem:s10+$0xFFFFFFF0] =	vst v2  }
0xf3: {  	v1 =	vpop (erf);
	[tilespmem:v45+s1+$0x0] =	vst.idx.add.f32.msk $0xffff, v2  }
0xf4: {  	[tilespmem:s10+$0x0] =	vst v1  }
0xf5: {  	[tilespmem:v47+s1+$0x0] =	vst.idx.add.f32.msk $0xffff, v1  }
0xf6: {  	v1 =	vld [tilespmem:$0x1A5D0];
	_ =	sdelay $0x4  }
0xf7: {  	v2 =	vand.u32 $0x3FFF, v1  }
0xf8: {  	v1 =	vshra.s32 v1, $0xE;
	_ =	sdelay $0x3  }
0xf9: {  	v2 =	vld.idx.msk [tilespmem:v2+s28+$0x0], $0xffff  }
0xfa: {  	v3 =	vld.idx.msk [tilespmem:v1+s30+$0x0], $0xffff;
	_ =	sdelay $0x4  }
0xfb: {  	v2 =	vadd.f32 v3, v2;
	_ =	sdelay $0x1  }
0xfc: {  	v3 =	vmul.f32 $2.000000030e-01, v2  }
0xfd: {  	vm15 =	vge.f32 v2, $0.0e+00  }
0xfe: {  	v2 =	vsel vm15, v2, v3  }
0xff: {  	v2 =	vmul.f32 $1.442695020e+00, v2;
	_ =	sdelay $0x1  }
0x100: {  	(erf) = vpow2.f32 v2;
	_ =	sdelay $0x6  }
0x101: {  	p0 =	sne.s32 s18, $0x5  }
.Ltmp3:
0x102: {  	_ = 	snop;
	(pc) =	sbr.rel @p0 .LBB2_4-.Ltmp3, $4  }
0x103: {  	v2 =	vpop (erf)  }
0x104: {  	[tilespmem:$0x1C510] =	vst v2  }
0x105: {  	s25 =	sadd.s32 s6, s17;
	[tilespmem:v1+s1+$0x0] =	vst.idx.add.f32.msk $0xffff, v2  }
0x106: {  	[hbm4b:s25+s3] =	stream.linear.scatter [tilespmem:s8], [sflag:$0x4], $0x7D0, $0x38;
	[tilespmem:$0x1DC90] =	vst v63  }
0x107: {  	s10 =	simm.s32 $0x3  }
0x108: {  	_ =	swait.ge [sflag:s10], $0x7D0  }
0x109: {  	[sflag:s10] =	ssyncset.done $0x0  }
0x10a: {  	[sflag:s10] =	ssyncadd.s32 $0xFFFFF830  }
0x10b: {  	_ =	swait.ge [sflag:s11], $0x7D0  }
0x10c: {  	[sflag:s11] =	ssyncset.done $0x0  }
0x10d: {  	s21 =	rddreg [dreg:$0x5];
	[sflag:s11] =	ssyncadd.s32 $0xFFFFF830  }
0x10e: {  	[hbm4b:s21+s3] =	stream.linear.scatter [tilespmem:s1], [sflag:$0x5], $0x2710, $0x38;
	[tilespmem:$0x1DC90] =	vst v63  }
0x10f: {  	_ =	swait.ge [sflag:s29], $0x2710  }
0x110: {  	[sflag:s29] =	ssyncset.done $0x0  }
0x111: {  	[sflag:s29] =	ssyncadd.s32 $0xFFFFD8F0  }
0x112: {  	[bflag:$0x0] =	sbarrier.arrive $0xFFFF  }
0x113: {  	s22 =	rddreg [dreg:$0x6]  }
0x114: {  	[tilespmem:s3], [sflag:$0x5] =	stream.linear.gather [hbm4b:s22+s3], $0x2710, $0x38;
	[tilespmem:$0x1DC90] =	vst v63  }
0x115: {  	_ =	swait.ge [sflag:s29], $0x2710  }
0x116: {  	[sflag:s29] =	ssyncset.done $0x0  }
0x117: {  	s17 =	simm.s32 $0x2710;
	s25 =	rddreg [dreg:$0x7];
	[sflag:s29] =	ssyncadd.s32 $0xFFFFD8F0  }
0x118: {  	[tilespmem:s17], [sflag:$0x5] =	stream.linear.gather [hbm4b:s25+s3], $0x2710, $0x38;
	[tilespmem:$0x1DC90] =	vst v63  }
0x119: {  	_ =	swait.ge [sflag:s29], $0x2710  }
0x11a: {  	[sflag:s29] =	ssyncset.done $0x0  }
0x11b: {  	s19 =	simm.s32 $0x40;
	[sflag:s29] =	ssyncadd.s32 $0xFFFFD8F0  }
0x11c: {  	s10 =	simm.s32 $0x2750;
	v2 =	vld [tilespmem:s19+$0x30]  }
0x11d: {  	v3 =	vld [tilespmem:s10+$0x30]  }
0x11e: {  	v1 =	vld [tilespmem:s10+$0xFFFFFFC0]  }
0x11f: {  	v4 =	vld [tilespmem:s19+$0xFFFFFFD0]  }
0x120: {  	v5 =	vld [tilespmem:s10+$0xFFFFFFD0]  }
0x121: {  	v6 =	vld [tilespmem:s19+$0xFFFFFFE0]  }
0x122: {  	v7 =	vld [tilespmem:s10+$0xFFFFFFE0]  }
0x123: {  	v8 =	vld [tilespmem:s19+$0xFFFFFFF0]  }
0x124: {  	v9 =	vld [tilespmem:s10+$0xFFFFFFF0]  }
0x125: {  	v10 =	vld [tilespmem:s19+$0x0]  }
0x126: {  	v11 =	vld [tilespmem:s10+$0x0]  }
0x127: {  	s17 =	simm.s32 $0x4E60;
	v3 =	vpack.i.f32.bf16 v3, v2;
	v2 =	vld [tilespmem:s19+$0x10]  }
0x128: {  	[tilespmem:s17+$0x30] =	vst v3;
	v3 =	vpack.i.f32.bf16 v5, v4;
	v4 =	vld [tilespmem:s10+$0x10]  }
0x129: {  	v5 =	vpack.i.f32.bf16 v7, v6;
	[tilespmem:s17+$0xFFFFFFD0] =	vst v3;
	v3 =	vld [tilespmem:s19+$0x20]  }
0x12a: {  	v6 =	vpack.i.f32.bf16 v9, v8;
	[tilespmem:s17+$0xFFFFFFE0] =	vst v5;
	v5 =	vld [tilespmem:s10+$0x20]  }
0x12b: {  	s18 =	simm.s32 $0x0;
	v7 =	vpack.i.f32.bf16 v11, v10;
	[tilespmem:s17+$0xFFFFFFF0] =	vst v6;
	v6 =	vld [tilespmem:s19+$0xFFFFFFC0];
	s19 =	simm.s32 $0xC0  }
.LBB2_10:
0x12c: {  	v8 =	vld [tilespmem:s19+$0x30];
	[tilespmem:s17+$0x0] =	vst v7;
	s10 =	sadd.s32 $0x80, s10  }
0x12d: {  	s18 =	sadd.s32 $0x8, s18;
	v7 =	vld [tilespmem:s10+$0x30];
	v2 =	vpack.i.f32.bf16 v4, v2  }
0x12e: {  	p0 =	slt.u32 s18, $0x268;
	v4 =	vld [tilespmem:s10+$0xFFFFFFC0];
	[tilespmem:s17+$0x10] =	vst v2  }
0x12f: {  	v2 =	vld [tilespmem:s19+$0xFFFFFFD0];
	v3 =	vpack.i.f32.bf16 v5, v3  }
0x130: {  	v5 =	vld [tilespmem:s10+$0xFFFFFFD0];
	v1 =	vpack.i.f32.bf16 v1, v6;
	[tilespmem:s17+$0x20] =	vst v3  }
0x131: {  	v3 =	vld [tilespmem:s19+$0xFFFFFFE0];
	[tilespmem:s17+$0xFFFFFFC0] =	vst v1  }
0x132: {  	s17 =	sadd.s32 $0x80, s17;
	v6 =	vld [tilespmem:s10+$0xFFFFFFE0];
	v8 =	vpack.i.f32.bf16 v7, v8  }
0x133: {  	v7 =	vld [tilespmem:s19+$0xFFFFFFF0];
	[tilespmem:s17+$0x30] =	vst v8;
	v1 =	vmov v4  }
0x134: {  	v8 =	vld [tilespmem:s10+$0xFFFFFFF0]  }
0x135: {  	v2 =	vpack.i.f32.bf16 v5, v2;
	v9 =	vld [tilespmem:s19+$0x0]  }
0x136: {  	[tilespmem:s17+$0xFFFFFFD0] =	vst v2;
	v10 =	vld [tilespmem:s10+$0x0]  }
.Ltmp4:
0x137: {  	v3 =	vpack.i.f32.bf16 v6, v3;
	v2 =	vld [tilespmem:s19+$0x10];
	(pc) =	sbr.rel @p0 .LBB2_10-.Ltmp4, $4  }
0x138: {  	[tilespmem:s17+$0xFFFFFFE0] =	vst v3;
	v4 =	vld [tilespmem:s10+$0x10]  }
0x139: {  	v5 =	vpack.i.f32.bf16 v8, v7;
	v3 =	vld [tilespmem:s19+$0x20]  }
0x13a: {  	[tilespmem:s17+$0xFFFFFFF0] =	vst v5;
	v5 =	vld [tilespmem:s10+$0x20]  }
0x13b: {  	v6 =	vld [tilespmem:s19+$0xFFFFFFC0];
	v7 =	vpack.i.f32.bf16 v10, v9;
	s19 =	sadd.s32 $0x80, s19  }
0x13c: {  	_ =	sdelay $0x1  }
0x13d: {  	[tilespmem:s17+$0x0] =	vst v7;
	v2 =	vpack.i.f32.bf16 v4, v2  }
0x13e: {  	[tilespmem:s17+$0x10] =	vst v2;
	v2 =	vpack.i.f32.bf16 v5, v3  }
0x13f: {  	v1 =	vpack.i.f32.bf16 v1, v6;
	[tilespmem:s17+$0x20] =	vst v2  }
0x140: {  	[tilespmem:s17+$0xFFFFFFC0] =	vst v1  }
0x141: {  	v1 =	vld [tilespmem:$0x2700]  }
0x142: {  	v2 =	vld [tilespmem:$0x4E10];
	_ =	sdelay $0x4  }
0x143: {  	v1 =	vpack.i.f32.bf16 v2, v1  }
0x144: {  	s10 =	rddreg [dreg:$0x8];
	[tilespmem:$0x7520] =	vst v1  }
0x145: {  	[tilespmem:s3], [sflag:$0x5] =	stream.linear.gather [hbm4b:s10+s3], $0x2710, $0x38;
	[tilespmem:$0x1DC90] =	vst v63  }
0x146: {  	_ =	swait.ge [sflag:s29], $0x2710  }
0x147: {  	[sflag:s29] =	ssyncset.done $0x0  }
0x148: {  	s25 =	simm.s32 $0x2710;
	s22 =	rddreg [dreg:$0x9];
	[sflag:s29] =	ssyncadd.s32 $0xFFFFD8F0  }
0x149: {  	[tilespmem:s25], [sflag:$0x5] =	stream.linear.gather [hbm4b:s22+s3], $0x2710, $0x38;
	[tilespmem:$0x1DC90] =	vst v63  }
0x14a: {  	_ =	swait.ge [sflag:s29], $0x2710  }
0x14b: {  	[sflag:s29] =	ssyncset.done $0x0  }
0x14c: {  	s19 =	simm.s32 $0x40;
	[sflag:s29] =	ssyncadd.s32 $0xFFFFD8F0  }
0x14d: {  	s10 =	simm.s32 $0x2750;
	v2 =	vld [tilespmem:s19+$0x30]  }
0x14e: {  	v3 =	vld [tilespmem:s10+$0x30]  }
0x14f: {  	v1 =	vld [tilespmem:s10+$0xFFFFFFC0]  }
0x150: {  	v4 =	vld [tilespmem:s19+$0xFFFFFFD0]  }
0x151: {  	v5 =	vld [tilespmem:s10+$0xFFFFFFD0]  }
0x152: {  	v6 =	vld [tilespmem:s19+$0xFFFFFFE0]  }
0x153: {  	v7 =	vld [tilespmem:s10+$0xFFFFFFE0]  }
0x154: {  	v8 =	vld [tilespmem:s19+$0xFFFFFFF0]  }
0x155: {  	v9 =	vld [tilespmem:s10+$0xFFFFFFF0]  }
0x156: {  	v10 =	vld [tilespmem:s19+$0x0]  }
0x157: {  	v11 =	vld [tilespmem:s10+$0x0]  }
0x158: {  	s17 =	simm.s32 $0x7570;
	v3 =	vpack.i.f32.bf16 v3, v2;
	v2 =	vld [tilespmem:s19+$0x10]  }
0x159: {  	[tilespmem:s17+$0x30] =	vst v3;
	v3 =	vpack.i.f32.bf16 v5, v4;
	v4 =	vld [tilespmem:s10+$0x10]  }
0x15a: {  	v5 =	vpack.i.f32.bf16 v7, v6;
	[tilespmem:s17+$0xFFFFFFD0] =	vst v3;
	v3 =	vld [tilespmem:s19+$0x20]  }
0x15b: {  	v6 =	vpack.i.f32.bf16 v9, v8;
	[tilespmem:s17+$0xFFFFFFE0] =	vst v5;
	v5 =	vld [tilespmem:s10+$0x20]  }
0x15c: {  	s18 =	simm.s32 $0x0;
	s25 =	simm.s32 $0x15F90;
	v7 =	vpack.i.f32.bf16 v11, v10;
	[tilespmem:s17+$0xFFFFFFF0] =	vst v6;
	v6 =	vld [tilespmem:s19+$0xFFFFFFC0];
	s19 =	simm.s32 $0xC0  }
.LBB2_12:
0x15d: {  	v8 =	vld [tilespmem:s19+$0x30];
	[tilespmem:s17+$0x0] =	vst v7;
	s10 =	sadd.s32 $0x80, s10  }
0x15e: {  	s18 =	sadd.s32 $0x8, s18;
	v7 =	vld [tilespmem:s10+$0x30];
	v2 =	vpack.i.f32.bf16 v4, v2  }
0x15f: {  	p0 =	slt.u32 s18, $0x268;
	v4 =	vld [tilespmem:s10+$0xFFFFFFC0];
	[tilespmem:s17+$0x10] =	vst v2  }
0x160: {  	v2 =	vld [tilespmem:s19+$0xFFFFFFD0];
	v3 =	vpack.i.f32.bf16 v5, v3  }
0x161: {  	v5 =	vld [tilespmem:s10+$0xFFFFFFD0];
	v1 =	vpack.i.f32.bf16 v1, v6;
	[tilespmem:s17+$0x20] =	vst v3  }
0x162: {  	v3 =	vld [tilespmem:s19+$0xFFFFFFE0];
	[tilespmem:s17+$0xFFFFFFC0] =	vst v1  }
0x163: {  	s17 =	sadd.s32 $0x80, s17;
	v6 =	vld [tilespmem:s10+$0xFFFFFFE0];
	v8 =	vpack.i.f32.bf16 v7, v8  }
0x164: {  	v7 =	vld [tilespmem:s19+$0xFFFFFFF0];
	[tilespmem:s17+$0x30] =	vst v8;
	v1 =	vmov v4  }
0x165: {  	v8 =	vld [tilespmem:s10+$0xFFFFFFF0]  }
0x166: {  	v2 =	vpack.i.f32.bf16 v5, v2;
	v9 =	vld [tilespmem:s19+$0x0]  }
0x167: {  	[tilespmem:s17+$0xFFFFFFD0] =	vst v2;
	v10 =	vld [tilespmem:s10+$0x0]  }
.Ltmp5:
0x168: {  	v3 =	vpack.i.f32.bf16 v6, v3;
	v2 =	vld [tilespmem:s19+$0x10];
	(pc) =	sbr.rel @p0 .LBB2_12-.Ltmp5, $4  }
0x169: {  	[tilespmem:s17+$0xFFFFFFE0] =	vst v3;
	v4 =	vld [tilespmem:s10+$0x10]  }
0x16a: {  	v5 =	vpack.i.f32.bf16 v8, v7;
	v3 =	vld [tilespmem:s19+$0x20]  }
0x16b: {  	[tilespmem:s17+$0xFFFFFFF0] =	vst v5;
	v5 =	vld [tilespmem:s10+$0x20]  }
0x16c: {  	v6 =	vld [tilespmem:s19+$0xFFFFFFC0];
	v7 =	vpack.i.f32.bf16 v10, v9;
	s19 =	sadd.s32 $0x80, s19  }
0x16d: {  	_ =	sdelay $0x1  }
0x16e: {  	[tilespmem:s17+$0x0] =	vst v7;
	v2 =	vpack.i.f32.bf16 v4, v2  }
0x16f: {  	[tilespmem:s17+$0x10] =	vst v2;
	v2 =	vpack.i.f32.bf16 v5, v3  }
0x170: {  	v1 =	vpack.i.f32.bf16 v1, v6;
	[tilespmem:s17+$0x20] =	vst v2  }
0x171: {  	[tilespmem:s17+$0xFFFFFFC0] =	vst v1  }
0x172: {  	v1 =	vld [tilespmem:$0x2700]  }
0x173: {  	v2 =	vld [tilespmem:$0x4E10];
	_ =	sdelay $0x4  }
0x174: {  	v1 =	vpack.i.f32.bf16 v2, v1  }
0x175: {  	s17 =	simm.s32 $0x0;
	s10 =	rddreg [dreg:$0xa];
	[tilespmem:$0x9C30] =	vst v1  }
0x176: {  	[tilespmem:s25], [sflag:$0x1] =	stream.linear.gather [hbm4b:s10+s17], $0x1F40, $0x38;
	[tilespmem:$0x1DC90] =	vst v63  }
0x177: {  	s22 =	rddreg [dreg:$0xb]  }
0x178: {  	[tilespmem:s4], [sflag:$0x1] =	stream.linear.gather [hbm4b:s22+s17], $0x1F40, $0x38;
	[tilespmem:$0x1DC90] =	vst v63  }
.LBB2_15:
0x179: {  	_ =	swait.ge [sflag:s0], $0x1F40  }
0x17a: {  	s18 =	smul.u32 $0x3E80, s17;
	[sflag:s0] =	ssyncset.done $0x0  }
0x17b: {  	[sflag:s0] =	ssyncadd.s32 $0xFFFFE0C0  }
0x17c: {  	s10 =	sadd.s32 s18, s23;
	_ =	swait.ge [sflag:s0], $0x1F40  }
0x17d: {  	s10 =	sshrl.u32 s10, $0x3;
	[sflag:s0] =	ssyncset.done $0x0  }
0x17e: {  	s19 =	sadd.s32 s5, s10;
	[sflag:s0] =	ssyncadd.s32 $0xFFFFE0C0  }
0x17f: {  	[tilespmem:s2], [sflag:$0x2] =	stream.linear.gather [hbm4b:s19+s3], $0x1F40, $0x38;
	[tilespmem:$0x1DC90] =	vst v63  }
0x180: {  	s22 =	simm.s32 $0x15FD0;
	s10 =	sadd.s32 s6, s10  }
0x181: {  	[tilespmem:s8], [sflag:$0x2] =	stream.linear.gather [hbm4b:s10+s3], $0x1F40, $0x38;
	[tilespmem:$0x1DC90] =	vst v63  }
0x182: {  	v1 =	vld [tilespmem:s22+$0x30]  }
0x183: {  	v2 =	vld [tilespmem:s22+$0xFFFFFFD0]  }
0x184: {  	v3 =	vld [tilespmem:s22+$0xFFFFFFE0]  }
0x185: {  	v4 =	vld [tilespmem:s22+$0xFFFFFFF0]  }
0x186: {  	v5 =	vld [tilespmem:s22+$0x0]  }
0x187: {  	v7 =	vld [tilespmem:s22+$0x10]  }
0x188: {  	v9 =	vld [tilespmem:s22+$0xFFFFFFC0]  }
0x189: {  	s19 =	simm.s32 $0x17F10;
	v10 =	vld [tilespmem:s22+$0x20];
	v6 =	vand.u32 $0x3FFF, v1  }
0x18a: {  	v18 =	vld [tilespmem:s19+$0x30]  }
0x18b: {  	v53 =	vld [tilespmem:s19+$0xFFFFFFC0]  }
0x18c: {  	v54 =	vld [tilespmem:s19+$0xFFFFFFD0]  }
0x18d: {  	v27 =	vld [tilespmem:s19+$0xFFFFFFE0]  }
0x18e: {  	v8 =	vand.u32 $0x3FFF, v2;
	v14 =	vld.idx.msk [tilespmem:v6+s28+$0x0], $0xffff  }
0x18f: {  	v28 =	vld [tilespmem:s19+$0xFFFFFFF0];
	v12 =	vand.u32 $0x3FFF, v4  }
0x190: {  	v30 =	vld [tilespmem:s19+$0x0];
	v17 =	vand.u32 $0x3FFF, v9  }
0x191: {  	v31 =	vld [tilespmem:s19+$0x10];
	v1 =	vshra.s32 v1, $0xE  }
0x192: {  	v34 =	vld [tilespmem:s19+$0x20]  }
0x193: {  	v16 =	vld.idx.msk [tilespmem:v8+s28+$0x0], $0xffff;
	v24 =	vunpack.i.l.bf16.f32 v14  }
0x194: {  	v11 =	vand.u32 $0x3FFF, v3;
	v21 =	vld.idx.msk [tilespmem:v12+s28+$0x0], $0xffff;
	v14 =	vunpack.i.u.bf16.f32 v14;
	v24 =	vmul.f32 v24, v18  }
0x195: {  	v13 =	vand.u32 $0x3FFF, v5;
	v25 =	vld.idx.msk [tilespmem:v17+s28+$0x0], $0xffff;
	v14 =	vmul.f32 v14, v18  }
0x196: {  	v15 =	vand.u32 $0x3FFF, v7;
	[tilespmem:v1+s12+$0x0] =	vst.idx.add.f32.msk $0xffff, v24  }
0x197: {  	v19 =	vand.u32 $0x3FFF, v10;
	[tilespmem:v1+s13+$0x0] =	vst.idx.add.f32.msk $0xffff, v14  }
0x198: {  	v9 =	vshra.s32 v9, $0xE;
	v6 =	vld.idx.msk [tilespmem:v6+s30+$0x0], $0xffff  }
0x199: {  	v33 =	vshra.s32 v2, $0xE;
	v20 =	vld.idx.msk [tilespmem:v11+s28+$0x0], $0xffff  }
0x19a: {  	v4 =	vshra.s32 v4, $0xE;
	v22 =	vld.idx.msk [tilespmem:v13+s28+$0x0], $0xffff;
	v29 =	vunpack.i.l.bf16.f32 v25  }
0x19b: {  	v23 =	vld.idx.msk [tilespmem:v15+s28+$0x0], $0xffff;
	v55 =	vunpack.i.l.bf16.f32 v16;
	v29 =	vmul.f32 v29, v53  }
0x19c: {  	v57 =	vshra.s32 v5, $0xE;
	v26 =	vld.idx.msk [tilespmem:v19+s28+$0x0], $0xffff;
	v5 =	vunpack.i.l.bf16.f32 v21;
	v56 =	vmul.f32 v55, v54  }
0x19d: {  	v5 =	vmul.f32 v5, v28;
	[tilespmem:v9+s12+$0x0] =	vst.idx.add.f32.msk $0xffff, v29;
	v32 =	vunpack.i.l.bf16.f32 v6  }
0x19e: {  	[tilespmem:v33+s12+$0x0] =	vst.idx.add.f32.msk $0xffff, v56;
	v2 =	vunpack.i.u.bf16.f32 v6;
	v6 =	vmul.f32 v32, v18  }
0x19f: {  	v3 =	vshra.s32 v3, $0xE;
	v25 =	vunpack.i.u.bf16.f32 v25;
	[tilespmem:v4+s12+$0x0] =	vst.idx.add.f32.msk $0xffff, v5;
	v2 =	vmul.f32 v2, v18  }
0x1a0: {  	v25 =	vmul.f32 v25, v53;
	[tilespmem:v1+s14+$0x0] =	vst.idx.add.f32.msk $0xffff, v6;
	v6 =	vunpack.i.u.bf16.f32 v16  }
0x1a1: {  	[tilespmem:v1+s15+$0x0] =	vst.idx.add.f32.msk $0xffff, v2;
	v1 =	vunpack.i.l.bf16.f32 v20;
	v2 =	vmul.f32 v6, v54  }
0x1a2: {  	[tilespmem:v9+s13+$0x0] =	vst.idx.add.f32.msk $0xffff, v25;
	v6 =	vunpack.i.u.bf16.f32 v20;
	v1 =	vmul.f32 v1, v27  }
0x1a3: {  	v6 =	vmul.f32 v6, v27;
	[tilespmem:v33+s13+$0x0] =	vst.idx.add.f32.msk $0xffff, v2;
	v2 =	vunpack.i.u.bf16.f32 v21  }
0x1a4: {  	[tilespmem:v3+s12+$0x0] =	vst.idx.add.f32.msk $0xffff, v1;
	v1 =	vshra.s32 v7, $0xE;
	v7 =	vunpack.i.l.bf16.f32 v22;
	v58 =	vmul.f32 v2, v28  }
0x1a5: {  	[tilespmem:v3+s13+$0x0] =	vst.idx.add.f32.msk $0xffff, v6;
	v6 =	vunpack.i.u.bf16.f32 v22;
	v7 =	vmul.f32 v7, v30  }
0x1a6: {  	v2 =	vshra.s32 v10, $0xE;
	v6 =	vmul.f32 v6, v30;
	[tilespmem:v4+s13+$0x0] =	vst.idx.add.f32.msk $0xffff, v58  }
0x1a7: {  	v5 =	vunpack.i.l.bf16.f32 v23;
	[tilespmem:v57+s12+$0x0] =	vst.idx.add.f32.msk $0xffff, v7  }
0x1a8: {  	v5 =	vmul.f32 v5, v31;
	v7 =	vunpack.i.l.bf16.f32 v26;
	[tilespmem:v57+s13+$0x0] =	vst.idx.add.f32.msk $0xffff, v6  }
0x1a9: {  	v6 =	vmul.f32 v7, v34;
	v7 =	vld.idx.msk [tilespmem:v11+s30+$0x0], $0xffff  }
0x1aa: {  	[tilespmem:v1+s12+$0x0] =	vst.idx.add.f32.msk $0xffff, v5;
	v5 =	vunpack.i.u.bf16.f32 v26  }
0x1ab: {  	v5 =	vmul.f32 v5, v34;
	[tilespmem:v2+s12+$0x0] =	vst.idx.add.f32.msk $0xffff, v6  }
0x1ac: {  	v10 =	vunpack.i.u.bf16.f32 v23;
	v6 =	vld.idx.msk [tilespmem:v17+s30+$0x0], $0xffff  }
0x1ad: {  	v10 =	vmul.f32 v10, v31;
	[tilespmem:v2+s13+$0x0] =	vst.idx.add.f32.msk $0xffff, v5  }
0x1ae: {  	v5 =	vld.idx.msk [tilespmem:v8+s30+$0x0], $0xffff  }
0x1af: {  	[tilespmem:v1+s13+$0x0] =	vst.idx.add.f32.msk $0xffff, v10  }
0x1b0: {  	v10 =	vld.idx.msk [tilespmem:v13+s30+$0x0], $0xffff  }
0x1b1: {  	v59 =	vld.idx.msk [tilespmem:v15+s30+$0x0], $0xffff;
	v11 =	vunpack.i.l.bf16.f32 v6  }
0x1b2: {  	v8 =	vld.idx.msk [tilespmem:v12+s30+$0x0], $0xffff;
	v6 =	vunpack.i.u.bf16.f32 v6;
	v11 =	vmul.f32 v11, v53  }
0x1b3: {  	v60 =	vld.idx.msk [tilespmem:v19+s30+$0x0], $0xffff;
	v6 =	vmul.f32 v6, v53;
	v61 =	vunpack.i.l.bf16.f32 v5  }
0x1b4: {  	v5 =	vunpack.i.u.bf16.f32 v5;
	[tilespmem:v9+s14+$0x0] =	vst.idx.add.f32.msk $0xffff, v11;
	v11 =	vmul.f32 v61, v54  }
0x1b5: {  	v62 =	vunpack.i.l.bf16.f32 v7;
	v5 =	vmul.f32 v5, v54;
	[tilespmem:v9+s15+$0x0] =	vst.idx.add.f32.msk $0xffff, v6  }
0x1b6: {  	v6 =	vunpack.i.u.bf16.f32 v7;
	v7 =	vmul.f32 v62, v27;
	[tilespmem:v33+s14+$0x0] =	vst.idx.add.f32.msk $0xffff, v11  }
0x1b7: {  	v9 =	vunpack.i.l.bf16.f32 v8;
	[tilespmem:v33+s15+$0x0] =	vst.idx.add.f32.msk $0xffff, v5;
	v5 =	vmul.f32 v6, v27  }
0x1b8: {  	v6 =	vunpack.i.u.bf16.f32 v8;
	[tilespmem:v3+s14+$0x0] =	vst.idx.add.f32.msk $0xffff, v7;
	v7 =	vmul.f32 v9, v28  }
0x1b9: {  	v8 =	vunpack.i.l.bf16.f32 v10;
	v6 =	vmul.f32 v6, v28;
	[tilespmem:v3+s15+$0x0] =	vst.idx.add.f32.msk $0xffff, v5  }
0x1ba: {  	v11 =	vunpack.i.u.bf16.f32 v60;
	v8 =	vmul.f32 v8, v30;
	v3 =	vunpack.i.u.bf16.f32 v10;
	[tilespmem:v4+s14+$0x0] =	vst.idx.add.f32.msk $0xffff, v7  }
0x1bb: {  	v5 =	vunpack.i.u.bf16.f32 v59;
	v7 =	vunpack.i.l.bf16.f32 v59;
	v63 =	vmul.f32 v3, v30;
	[tilespmem:v4+s15+$0x0] =	vst.idx.add.f32.msk $0xffff, v6  }
0x1bc: {  	v3 =	vunpack.i.l.bf16.f32 v60;
	v10 =	vmul.f32 v7, v31;
	v9 =	vmul.f32 v5, v31;
	[tilespmem:v57+s14+$0x0] =	vst.idx.add.f32.msk $0xffff, v8  }
0x1bd: {  	s20 =	simm.s32 $0x0;
	s21 =	simm.s32 $0x16050;
	v5 =	vmul.f32 v3, v34;
	v3 =	vmul.f32 v11, v34;
	[tilespmem:v57+s15+$0x0] =	vst.idx.add.f32.msk $0xffff, v63  }
.LBB2_16:
0x1be: {  	v13 =	vld [tilespmem:s21+$0x30]  }
0x1bf: {  	v4 =	vld [tilespmem:s21+$0xFFFFFFD0]  }
0x1c0: {  	s20 =	sadd.s32 $0x8, s20;
	v6 =	vld [tilespmem:s21+$0xFFFFFFE0]  }
0x1c1: {  	p0 =	slt.u32 s20, $0x1E8;
	v14 =	vld [tilespmem:s21+$0xFFFFFFF0]  }
0x1c2: {  	v15 =	vld [tilespmem:s21+$0x0]  }
0x1c3: {  	v16 =	vld [tilespmem:s21+$0x10];
	v17 =	vand.u32 $0x3FFF, v13  }
0x1c4: {  	v8 =	vshra.s32 v4, $0xE;
	v11 =	vand.u32 $0x3FFF, v4;
	v18 =	vld [tilespmem:s21+$0x20]  }
0x1c5: {  	v19 =	vld [tilespmem:s21+$0xFFFFFFC0];
	v7 =	vshra.s32 v6, $0xE;
	v12 =	vand.u32 $0x3FFF, v6  }
0x1c6: {  	v6 =	vshra.s32 v14, $0xE;
	v14 =	vand.u32 $0x3FFF, v14;
	[tilespmem:v1+s14+$0x0] =	vst.idx.add.f32.msk $0xffff, v10  }
0x1c7: {  	v4 =	vshra.s32 v15, $0xE;
	v15 =	vand.u32 $0x3FFF, v15;
	[tilespmem:v1+s15+$0x0] =	vst.idx.add.f32.msk $0xffff, v9  }
0x1c8: {  	v1 =	vshra.s32 v16, $0xE;
	v16 =	vand.u32 $0x3FFF, v16;
	v20 =	vld.idx.msk [tilespmem:v17+s28+$0x0], $0xffff  }
0x1c9: {  	s19 =	sadd.s32 $0x80, s19;
	v21 =	vld.idx.msk [tilespmem:v11+s28+$0x0], $0xffff;
	v10 =	vshra.s32 v18, $0xE;
	v18 =	vand.u32 $0x3FFF, v18  }
0x1ca: {  	v9 =	vshra.s32 v19, $0xE;
	v19 =	vand.u32 $0x3FFF, v19;
	v22 =	vld [tilespmem:s19+$0x30]  }
0x1cb: {  	v23 =	vld.idx.msk [tilespmem:v12+s28+$0x0], $0xffff  }
0x1cc: {  	v13 =	vshra.s32 v13, $0xE;
	v24 =	vld.idx.msk [tilespmem:v14+s28+$0x0], $0xffff  }
0x1cd: {  	v25 =	vld.idx.msk [tilespmem:v15+s28+$0x0], $0xffff  }
0x1ce: {  	v27 =	vunpack.i.l.bf16.f32 v20;
	v26 =	vld.idx.msk [tilespmem:v16+s28+$0x0], $0xffff  }
0x1cf: {  	v20 =	vunpack.i.u.bf16.f32 v20;
	v29 =	vunpack.i.u.bf16.f32 v21;
	v28 =	vld.idx.msk [tilespmem:v19+s28+$0x0], $0xffff;
	v27 =	vmul.f32 v27, v22  }
0x1d0: {  	v21 =	vunpack.i.l.bf16.f32 v21;
	v20 =	vmul.f32 v20, v22;
	v30 =	vld.idx.msk [tilespmem:v18+s28+$0x0], $0xffff  }
0x1d1: {  	v31 =	vunpack.i.u.bf16.f32 v23;
	v23 =	vunpack.i.l.bf16.f32 v23;
	[tilespmem:v13+s12+$0x0] =	vst.idx.add.f32.msk $0xffff, v27  }
0x1d2: {  	v27 =	vunpack.i.u.bf16.f32 v24;
	v24 =	vunpack.i.l.bf16.f32 v24;
	[tilespmem:v13+s13+$0x0] =	vst.idx.add.f32.msk $0xffff, v20  }
0x1d3: {  	v20 =	vunpack.i.u.bf16.f32 v25;
	v25 =	vunpack.i.l.bf16.f32 v25;
	v17 =	vld.idx.msk [tilespmem:v17+s30+$0x0], $0xffff  }
0x1d4: {  	v33 =	vunpack.i.u.bf16.f32 v26;
	v26 =	vunpack.i.l.bf16.f32 v26;
	v32 =	vld [tilespmem:s19+$0xFFFFFFC0]  }
0x1d5: {  	v34 =	vunpack.i.u.bf16.f32 v28;
	v28 =	vunpack.i.l.bf16.f32 v28;
	v35 =	vld [tilespmem:s19+$0xFFFFFFD0]  }
0x1d6: {  	v37 =	vunpack.i.u.bf16.f32 v30;
	v30 =	vunpack.i.l.bf16.f32 v30;
	v36 =	vld [tilespmem:s19+$0xFFFFFFE0]  }
0x1d7: {  	v38 =	vld [tilespmem:s19+$0xFFFFFFF0]  }
0x1d8: {  	v39 =	vld [tilespmem:s19+$0x0]  }
0x1d9: {  	v41 =	vunpack.i.l.bf16.f32 v17;
	v28 =	vmul.f32 v28, v32;
	v34 =	vmul.f32 v34, v32;
	v40 =	vld [tilespmem:s19+$0x10]  }
0x1da: {  	v17 =	vunpack.i.u.bf16.f32 v17;
	v41 =	vmul.f32 v41, v22;
	v21 =	vmul.f32 v21, v35;
	v42 =	vld [tilespmem:s19+$0x20]  }
0x1db: {  	v17 =	vmul.f32 v17, v22;
	[tilespmem:v9+s12+$0x0] =	vst.idx.add.f32.msk $0xffff, v28;
	v28 =	vmul.f32 v29, v35  }
0x1dc: {  	v22 =	vmul.f32 v23, v36;
	v23 =	vmul.f32 v31, v36;
	[tilespmem:v13+s14+$0x0] =	vst.idx.add.f32.msk $0xffff, v41  }
0x1dd: {  	s22 =	simm.s32 $0x0;
	v24 =	vmul.f32 v24, v38;
	v27 =	vmul.f32 v27, v38;
	[tilespmem:v13+s15+$0x0] =	vst.idx.add.f32.msk $0xffff, v17  }
0x1de: {  	v13 =	vmul.f32 v25, v39;
	v17 =	vmul.f32 v20, v39;
	[tilespmem:v9+s13+$0x0] =	vst.idx.add.f32.msk $0xffff, v34  }
0x1df: {  	v20 =	vmul.f32 v26, v40;
	[tilespmem:v8+s12+$0x0] =	vst.idx.add.f32.msk $0xffff, v21;
	v21 =	vmul.f32 v33, v40  }
0x1e0: {  	v25 =	vmul.f32 v30, v42;
	v26 =	vmul.f32 v37, v42;
	[tilespmem:v8+s13+$0x0] =	vst.idx.add.f32.msk $0xffff, v28  }
0x1e1: {  	[tilespmem:v7+s12+$0x0] =	vst.idx.add.f32.msk $0xffff, v22  }
0x1e2: {  	[tilespmem:v7+s13+$0x0] =	vst.idx.add.f32.msk $0xffff, v23  }
0x1e3: {  	[tilespmem:v6+s12+$0x0] =	vst.idx.add.f32.msk $0xffff, v24  }
0x1e4: {  	[tilespmem:v6+s13+$0x0] =	vst.idx.add.f32.msk $0xffff, v27  }
0x1e5: {  	[tilespmem:v4+s12+$0x0] =	vst.idx.add.f32.msk $0xffff, v13  }
0x1e6: {  	[tilespmem:v4+s13+$0x0] =	vst.idx.add.f32.msk $0xffff, v17  }
0x1e7: {  	[tilespmem:v1+s12+$0x0] =	vst.idx.add.f32.msk $0xffff, v20  }
0x1e8: {  	[tilespmem:v1+s13+$0x0] =	vst.idx.add.f32.msk $0xffff, v21  }
0x1e9: {  	[tilespmem:v10+s12+$0x0] =	vst.idx.add.f32.msk $0xffff, v25  }
0x1ea: {  	[tilespmem:v10+s13+$0x0] =	vst.idx.add.f32.msk $0xffff, v26  }
0x1eb: {  	v13 =	vld.idx.msk [tilespmem:v19+s30+$0x0], $0xffff  }
0x1ec: {  	v11 =	vld.idx.msk [tilespmem:v11+s30+$0x0], $0xffff  }
0x1ed: {  	v12 =	vld.idx.msk [tilespmem:v12+s30+$0x0], $0xffff  }
0x1ee: {  	v14 =	vld.idx.msk [tilespmem:v14+s30+$0x0], $0xffff  }
0x1ef: {  	v15 =	vld.idx.msk [tilespmem:v15+s30+$0x0], $0xffff  }
0x1f0: {  	v16 =	vld.idx.msk [tilespmem:v16+s30+$0x0], $0xffff  }
0x1f1: {  	v17 =	vunpack.i.u.bf16.f32 v13;
	v13 =	vunpack.i.l.bf16.f32 v13;
	v18 =	vld.idx.msk [tilespmem:v18+s30+$0x0], $0xffff  }
0x1f2: {  	v13 =	vmul.f32 v13, v32;
	v19 =	vunpack.i.u.bf16.f32 v11;
	v11 =	vunpack.i.l.bf16.f32 v11;
	[tilespmem:v2+s14+$0x0] =	vst.idx.add.f32.msk $0xffff, v5  }
0x1f3: {  	v5 =	vmul.f32 v17, v32;
	v17 =	vunpack.i.u.bf16.f32 v12;
	v12 =	vunpack.i.l.bf16.f32 v12;
	[tilespmem:v2+s15+$0x0] =	vst.idx.add.f32.msk $0xffff, v3;
	v2 =	vmovc v10  }
0x1f4: {  	v3 =	vmul.f32 v11, v35;
	v10 =	vunpack.i.u.bf16.f32 v14;
	v11 =	vunpack.i.l.bf16.f32 v14;
	[tilespmem:v9+s14+$0x0] =	vst.idx.add.f32.msk $0xffff, v13  }
0x1f5: {  	v13 =	vunpack.i.l.bf16.f32 v15;
	[tilespmem:v9+s15+$0x0] =	vst.idx.add.f32.msk $0xffff, v5;
	v5 =	vmul.f32 v19, v35;
	v9 =	vunpack.i.u.bf16.f32 v15  }
0x1f6: {  	v14 =	vunpack.i.l.bf16.f32 v16;
	[tilespmem:v8+s14+$0x0] =	vst.idx.add.f32.msk $0xffff, v3;
	v3 =	vmul.f32 v12, v36;
	v12 =	vunpack.i.u.bf16.f32 v16  }
0x1f7: {  	v15 =	vunpack.i.l.bf16.f32 v18;
	[tilespmem:v8+s15+$0x0] =	vst.idx.add.f32.msk $0xffff, v5;
	v5 =	vmul.f32 v17, v36;
	v8 =	vunpack.i.u.bf16.f32 v18  }
0x1f8: {  	[tilespmem:v7+s14+$0x0] =	vst.idx.add.f32.msk $0xffff, v3;
	v3 =	vmul.f32 v11, v38;
	v11 =	vmul.f32 v10, v38  }
.Ltmp6:
0x1f9: {  	[tilespmem:v7+s15+$0x0] =	vst.idx.add.f32.msk $0xffff, v5;
	v7 =	vmul.f32 v13, v39;
	v13 =	vmul.f32 v9, v39;
	(pc) =	sbr.rel @p0 .LBB2_16-.Ltmp6, $4  }
0x1fa: {  	v10 =	vmul.f32 v14, v40;
	v9 =	vmul.f32 v12, v40;
	[tilespmem:v6+s14+$0x0] =	vst.idx.add.f32.msk $0xffff, v3  }
0x1fb: {  	v5 =	vmul.f32 v15, v42;
	v3 =	vmul.f32 v8, v42;
	[tilespmem:v6+s15+$0x0] =	vst.idx.add.f32.msk $0xffff, v11  }
0x1fc: {  	[tilespmem:v4+s14+$0x0] =	vst.idx.add.f32.msk $0xffff, v7  }
0x1fd: {  	s21 =	sadd.s32 $0x80, s21;
	[tilespmem:v4+s15+$0x0] =	vst.idx.add.f32.msk $0xffff, v13  }
0x1fe: {  	_ =	sdelay $0x3  }
0x1ff: {  	[tilespmem:v1+s14+$0x0] =	vst.idx.add.f32.msk $0xffff, v10  }
0x200: {  	[tilespmem:v2+s14+$0x0] =	vst.idx.add.f32.msk $0xffff, v5  }
0x201: {  	[tilespmem:v1+s15+$0x0] =	vst.idx.add.f32.msk $0xffff, v9  }
0x202: {  	[tilespmem:v2+s15+$0x0] =	vst.idx.add.f32.msk $0xffff, v3  }
.LBB2_18:
0x203: {  	s10 =	sshra.s32 s22, $0x2  }
0x204: {  	v1 =	vld [tilespmem:s10+$0x17E90];
	_ =	sdelay $0x4  }
0x205: {  	v2 =	vand.u32 $0x3FFF, v1;
	_ =	sdelay $0x4  }
0x206: {  	v3 =	vld.idx.msk [tilespmem:v2+s28+$0x0], $0xffff  }
0x207: {  	v4 =	vld [tilespmem:s10+$0x19DD0];
	_ =	sdelay $0x1  }
0x208: {  	v1 =	vshra.s32 v1, $0xE;
	_ =	sdelay $0x1  }
0x209: {  	v5 =	vunpack.i.l.bf16.f32 v3  }
0x20a: {  	v3 =	vunpack.i.u.bf16.f32 v3;
	v5 =	vmul.f32 v5, v4  }
0x20b: {  	v3 =	vmul.f32 v3, v4  }
0x20c: {  	[tilespmem:v1+s12+$0x0] =	vst.idx.add.f32.msk $0xffff, v5  }
0x20d: {  	[tilespmem:v1+s13+$0x0] =	vst.idx.add.f32.msk $0xffff, v3  }
0x20e: {  	v2 =	vld.idx.msk [tilespmem:v2+s30+$0x0], $0xffff;
	_ =	sdelay $0x3  }
0x20f: {  	p0 =	sne.s32 s22, $0xC0  }
.Ltmp7:
0x210: {  	v3 =	vunpack.i.l.bf16.f32 v2;
	(pc) =	sbr.rel @p0 .LBB2_18-.Ltmp7, $4  }
0x211: {  	v2 =	vunpack.i.u.bf16.f32 v2;
	v3 =	vmul.f32 v3, v4  }
0x212: {  	v2 =	vmul.f32 v2, v4  }
0x213: {  	[tilespmem:v1+s14+$0x0] =	vst.idx.add.f32.msk $0xffff, v3  }
0x214: {  	s22 =	sadd.s32 $0x40, s22;
	[tilespmem:v1+s15+$0x0] =	vst.idx.add.f32.msk $0xffff, v2  }
0x215: {  	_ =	swait.ge [sflag:s31], $0x1F40  }
0x216: {  	[sflag:s31] =	ssyncset.done $0x0  }
0x217: {  	p0 =	seq.s32 s17, $0x9;
	[sflag:s31] =	ssyncadd.s32 $0xFFFFE0C0  }
0x218: {  	s10 =	sadd.s32 @!p0 s18, s24;
	_ =	swait.ge [sflag:s31], $0x1F40  }
0x219: {  	s19 =	simm.s32 @!p0 $0x0;
	s10 =	sshrl.u32 @!p0 s10, $0x3;
	[sflag:s31] =	ssyncset.done $0x0  }
0x21a: {  	s20 =	simm.s32 @!p0 $0x15F90;
	s18 =	sadd.s32 @!p0 s5, s10;
	[sflag:s31] =	ssyncadd.s32 $0xFFFFE0C0  }
0x21b: {  	[tilespmem:s20], [sflag:$0x1] =	stream.linear.gather @!p0 [hbm4b:s18+s19], $0x1F40, $0x38;
	[tilespmem:$0x1DC90] =	vst v63  }
0x21c: {  	s22 =	simm.s32 $0x19E50;
	s10 =	sadd.s32 @!p0 s6, s10;
	s18 =	simm.s32 @!p0 $0x17ED0  }
0x21d: {  	[tilespmem:s18], [sflag:$0x1] =	stream.linear.gather @!p0 [hbm4b:s10+s19], $0x1F40, $0x38;
	[tilespmem:$0x1DC90] =	vst v63  }
0x21e: {  	v1 =	vld [tilespmem:s22+$0x30]  }
0x21f: {  	v2 =	vld [tilespmem:s22+$0xFFFFFFD0]  }
0x220: {  	v3 =	vld [tilespmem:s22+$0xFFFFFFE0]  }
0x221: {  	v4 =	vld [tilespmem:s22+$0xFFFFFFF0]  }
0x222: {  	v5 =	vld [tilespmem:s22+$0x0]  }
0x223: {  	v7 =	vld [tilespmem:s22+$0x10]  }
0x224: {  	v9 =	vld [tilespmem:s22+$0xFFFFFFC0]  }
0x225: {  	s18 =	simm.s32 $0x1BD90;
	v10 =	vld [tilespmem:s22+$0x20];
	v6 =	vand.u32 $0x3FFF, v1  }
0x226: {  	v18 =	vld [tilespmem:s18+$0x30]  }
0x227: {  	v53 =	vld [tilespmem:s18+$0xFFFFFFC0]  }
0x228: {  	v54 =	vld [tilespmem:s18+$0xFFFFFFD0]  }
0x229: {  	v27 =	vld [tilespmem:s18+$0xFFFFFFE0]  }
0x22a: {  	v8 =	vand.u32 $0x3FFF, v2;
	v14 =	vld.idx.msk [tilespmem:v6+s28+$0x0], $0xffff  }
0x22b: {  	v28 =	vld [tilespmem:s18+$0xFFFFFFF0];
	v12 =	vand.u32 $0x3FFF, v4  }
0x22c: {  	v30 =	vld [tilespmem:s18+$0x0];
	v17 =	vand.u32 $0x3FFF, v9  }
0x22d: {  	v31 =	vld [tilespmem:s18+$0x10];
	v1 =	vshra.s32 v1, $0xE  }
0x22e: {  	v34 =	vld [tilespmem:s18+$0x20]  }
0x22f: {  	v16 =	vld.idx.msk [tilespmem:v8+s28+$0x0], $0xffff;
	v24 =	vunpack.i.l.bf16.f32 v14  }
0x230: {  	v11 =	vand.u32 $0x3FFF, v3;
	v21 =	vld.idx.msk [tilespmem:v12+s28+$0x0], $0xffff;
	v14 =	vunpack.i.u.bf16.f32 v14;
	v24 =	vmul.f32 v24, v18  }
0x231: {  	v13 =	vand.u32 $0x3FFF, v5;
	v25 =	vld.idx.msk [tilespmem:v17+s28+$0x0], $0xffff;
	v14 =	vmul.f32 v14, v18  }
0x232: {  	v15 =	vand.u32 $0x3FFF, v7;
	[tilespmem:v1+s12+$0x0] =	vst.idx.add.f32.msk $0xffff, v24  }
0x233: {  	v19 =	vand.u32 $0x3FFF, v10;
	[tilespmem:v1+s13+$0x0] =	vst.idx.add.f32.msk $0xffff, v14  }
0x234: {  	v9 =	vshra.s32 v9, $0xE;
	v6 =	vld.idx.msk [tilespmem:v6+s30+$0x0], $0xffff  }
0x235: {  	v33 =	vshra.s32 v2, $0xE;
	v20 =	vld.idx.msk [tilespmem:v11+s28+$0x0], $0xffff  }
0x236: {  	v4 =	vshra.s32 v4, $0xE;
	v22 =	vld.idx.msk [tilespmem:v13+s28+$0x0], $0xffff;
	v29 =	vunpack.i.l.bf16.f32 v25  }
0x237: {  	v23 =	vld.idx.msk [tilespmem:v15+s28+$0x0], $0xffff;
	v55 =	vunpack.i.l.bf16.f32 v16;
	v29 =	vmul.f32 v29, v53  }
0x238: {  	v57 =	vshra.s32 v5, $0xE;
	v26 =	vld.idx.msk [tilespmem:v19+s28+$0x0], $0xffff;
	v5 =	vunpack.i.l.bf16.f32 v21;
	v56 =	vmul.f32 v55, v54  }
0x239: {  	v5 =	vmul.f32 v5, v28;
	[tilespmem:v9+s12+$0x0] =	vst.idx.add.f32.msk $0xffff, v29;
	v32 =	vunpack.i.l.bf16.f32 v6  }
0x23a: {  	[tilespmem:v33+s12+$0x0] =	vst.idx.add.f32.msk $0xffff, v56;
	v2 =	vunpack.i.u.bf16.f32 v6;
	v6 =	vmul.f32 v32, v18  }
0x23b: {  	v3 =	vshra.s32 v3, $0xE;
	v25 =	vunpack.i.u.bf16.f32 v25;
	[tilespmem:v4+s12+$0x0] =	vst.idx.add.f32.msk $0xffff, v5;
	v2 =	vmul.f32 v2, v18  }
0x23c: {  	v25 =	vmul.f32 v25, v53;
	[tilespmem:v1+s14+$0x0] =	vst.idx.add.f32.msk $0xffff, v6;
	v6 =	vunpack.i.u.bf16.f32 v16  }
0x23d: {  	[tilespmem:v1+s15+$0x0] =	vst.idx.add.f32.msk $0xffff, v2;
	v1 =	vunpack.i.l.bf16.f32 v20;
	v2 =	vmul.f32 v6, v54  }
0x23e: {  	[tilespmem:v9+s13+$0x0] =	vst.idx.add.f32.msk $0xffff, v25;
	v6 =	vunpack.i.u.bf16.f32 v20;
	v1 =	vmul.f32 v1, v27  }
0x23f: {  	v6 =	vmul.f32 v6, v27;
	[tilespmem:v33+s13+$0x0] =	vst.idx.add.f32.msk $0xffff, v2;
	v2 =	vunpack.i.u.bf16.f32 v21  }
0x240: {  	[tilespmem:v3+s12+$0x0] =	vst.idx.add.f32.msk $0xffff, v1;
	v1 =	vshra.s32 v7, $0xE;
	v7 =	vunpack.i.l.bf16.f32 v22;
	v58 =	vmul.f32 v2, v28  }
0x241: {  	[tilespmem:v3+s13+$0x0] =	vst.idx.add.f32.msk $0xffff, v6;
	v6 =	vunpack.i.u.bf16.f32 v22;
	v7 =	vmul.f32 v7, v30  }
0x242: {  	v2 =	vshra.s32 v10, $0xE;
	v6 =	vmul.f32 v6, v30;
	[tilespmem:v4+s13+$0x0] =	vst.idx.add.f32.msk $0xffff, v58  }
0x243: {  	v5 =	vunpack.i.l.bf16.f32 v23;
	[tilespmem:v57+s12+$0x0] =	vst.idx.add.f32.msk $0xffff, v7  }
0x244: {  	v5 =	vmul.f32 v5, v31;
	v7 =	vunpack.i.l.bf16.f32 v26;
	[tilespmem:v57+s13+$0x0] =	vst.idx.add.f32.msk $0xffff, v6  }
0x245: {  	v6 =	vmul.f32 v7, v34;
	v7 =	vld.idx.msk [tilespmem:v11+s30+$0x0], $0xffff  }
0x246: {  	[tilespmem:v1+s12+$0x0] =	vst.idx.add.f32.msk $0xffff, v5;
	v5 =	vunpack.i.u.bf16.f32 v26  }
0x247: {  	v5 =	vmul.f32 v5, v34;
	[tilespmem:v2+s12+$0x0] =	vst.idx.add.f32.msk $0xffff, v6  }
0x248: {  	v10 =	vunpack.i.u.bf16.f32 v23;
	v6 =	vld.idx.msk [tilespmem:v17+s30+$0x0], $0xffff  }
0x249: {  	v10 =	vmul.f32 v10, v31;
	[tilespmem:v2+s13+$0x0] =	vst.idx.add.f32.msk $0xffff, v5  }
0x24a: {  	v5 =	vld.idx.msk [tilespmem:v8+s30+$0x0], $0xffff  }
0x24b: {  	[tilespmem:v1+s13+$0x0] =	vst.idx.add.f32.msk $0xffff, v10  }
0x24c: {  	v10 =	vld.idx.msk [tilespmem:v13+s30+$0x0], $0xffff  }
0x24d: {  	v59 =	vld.idx.msk [tilespmem:v15+s30+$0x0], $0xffff;
	v11 =	vunpack.i.l.bf16.f32 v6  }
0x24e: {  	v8 =	vld.idx.msk [tilespmem:v12+s30+$0x0], $0xffff;
	v6 =	vunpack.i.u.bf16.f32 v6;
	v11 =	vmul.f32 v11, v53  }
0x24f: {  	v60 =	vld.idx.msk [tilespmem:v19+s30+$0x0], $0xffff;
	v6 =	vmul.f32 v6, v53;
	v61 =	vunpack.i.l.bf16.f32 v5  }
0x250: {  	v5 =	vunpack.i.u.bf16.f32 v5;
	[tilespmem:v9+s14+$0x0] =	vst.idx.add.f32.msk $0xffff, v11;
	v11 =	vmul.f32 v61, v54  }
0x251: {  	v62 =	vunpack.i.l.bf16.f32 v7;
	v5 =	vmul.f32 v5, v54;
	[tilespmem:v9+s15+$0x0] =	vst.idx.add.f32.msk $0xffff, v6  }
0x252: {  	v6 =	vunpack.i.u.bf16.f32 v7;
	v7 =	vmul.f32 v62, v27;
	[tilespmem:v33+s14+$0x0] =	vst.idx.add.f32.msk $0xffff, v11  }
0x253: {  	v9 =	vunpack.i.l.bf16.f32 v8;
	[tilespmem:v33+s15+$0x0] =	vst.idx.add.f32.msk $0xffff, v5;
	v5 =	vmul.f32 v6, v27  }
0x254: {  	v6 =	vunpack.i.u.bf16.f32 v8;
	[tilespmem:v3+s14+$0x0] =	vst.idx.add.f32.msk $0xffff, v7;
	v7 =	vmul.f32 v9, v28  }
0x255: {  	v8 =	vunpack.i.l.bf16.f32 v10;
	v6 =	vmul.f32 v6, v28;
	[tilespmem:v3+s15+$0x0] =	vst.idx.add.f32.msk $0xffff, v5  }
0x256: {  	v11 =	vunpack.i.u.bf16.f32 v60;
	v8 =	vmul.f32 v8, v30;
	v3 =	vunpack.i.u.bf16.f32 v10;
	[tilespmem:v4+s14+$0x0] =	vst.idx.add.f32.msk $0xffff, v7  }
0x257: {  	v5 =	vunpack.i.u.bf16.f32 v59;
	v7 =	vunpack.i.l.bf16.f32 v59;
	v63 =	vmul.f32 v3, v30;
	[tilespmem:v4+s15+$0x0] =	vst.idx.add.f32.msk $0xffff, v6  }
0x258: {  	v3 =	vunpack.i.l.bf16.f32 v60;
	v10 =	vmul.f32 v7, v31;
	v9 =	vmul.f32 v5, v31;
	[tilespmem:v57+s14+$0x0] =	vst.idx.add.f32.msk $0xffff, v8  }
0x259: {  	s17 =	sadd.s32 $0x1, s17;
	s20 =	simm.s32 $0x19ED0;
	s19 =	simm.s32 $0x0;
	v5 =	vmul.f32 v3, v34;
	v3 =	vmul.f32 v11, v34;
	[tilespmem:v57+s15+$0x0] =	vst.idx.add.f32.msk $0xffff, v63  }
.LBB2_20:
0x25a: {  	v13 =	vld [tilespmem:s20+$0x30]  }
0x25b: {  	v4 =	vld [tilespmem:s20+$0xFFFFFFD0]  }
0x25c: {  	s19 =	sadd.s32 $0x8, s19;
	v6 =	vld [tilespmem:s20+$0xFFFFFFE0]  }
0x25d: {  	p0 =	slt.u32 s19, $0x1E8;
	v14 =	vld [tilespmem:s20+$0xFFFFFFF0]  }
0x25e: {  	v15 =	vld [tilespmem:s20+$0x0]  }
0x25f: {  	v16 =	vld [tilespmem:s20+$0x10];
	v17 =	vand.u32 $0x3FFF, v13  }
0x260: {  	v8 =	vshra.s32 v4, $0xE;
	v11 =	vand.u32 $0x3FFF, v4;
	v18 =	vld [tilespmem:s20+$0x20]  }
0x261: {  	v19 =	vld [tilespmem:s20+$0xFFFFFFC0];
	v7 =	vshra.s32 v6, $0xE;
	v12 =	vand.u32 $0x3FFF, v6  }
0x262: {  	v6 =	vshra.s32 v14, $0xE;
	v14 =	vand.u32 $0x3FFF, v14;
	[tilespmem:v1+s14+$0x0] =	vst.idx.add.f32.msk $0xffff, v10  }
0x263: {  	v4 =	vshra.s32 v15, $0xE;
	v15 =	vand.u32 $0x3FFF, v15;
	[tilespmem:v1+s15+$0x0] =	vst.idx.add.f32.msk $0xffff, v9  }
0x264: {  	v1 =	vshra.s32 v16, $0xE;
	v16 =	vand.u32 $0x3FFF, v16;
	v20 =	vld.idx.msk [tilespmem:v17+s28+$0x0], $0xffff  }
0x265: {  	s18 =	sadd.s32 $0x80, s18;
	v21 =	vld.idx.msk [tilespmem:v11+s28+$0x0], $0xffff;
	v10 =	vshra.s32 v18, $0xE;
	v18 =	vand.u32 $0x3FFF, v18  }
0x266: {  	v9 =	vshra.s32 v19, $0xE;
	v19 =	vand.u32 $0x3FFF, v19;
	v22 =	vld [tilespmem:s18+$0x30]  }
0x267: {  	v23 =	vld.idx.msk [tilespmem:v12+s28+$0x0], $0xffff  }
0x268: {  	v13 =	vshra.s32 v13, $0xE;
	v24 =	vld.idx.msk [tilespmem:v14+s28+$0x0], $0xffff  }
0x269: {  	v25 =	vld.idx.msk [tilespmem:v15+s28+$0x0], $0xffff  }
0x26a: {  	v27 =	vunpack.i.l.bf16.f32 v20;
	v26 =	vld.idx.msk [tilespmem:v16+s28+$0x0], $0xffff  }
0x26b: {  	v20 =	vunpack.i.u.bf16.f32 v20;
	v29 =	vunpack.i.u.bf16.f32 v21;
	v28 =	vld.idx.msk [tilespmem:v19+s28+$0x0], $0xffff;
	v27 =	vmul.f32 v27, v22  }
0x26c: {  	v21 =	vunpack.i.l.bf16.f32 v21;
	v20 =	vmul.f32 v20, v22;
	v30 =	vld.idx.msk [tilespmem:v18+s28+$0x0], $0xffff  }
0x26d: {  	v31 =	vunpack.i.u.bf16.f32 v23;
	v23 =	vunpack.i.l.bf16.f32 v23;
	[tilespmem:v13+s12+$0x0] =	vst.idx.add.f32.msk $0xffff, v27  }
0x26e: {  	v27 =	vunpack.i.u.bf16.f32 v24;
	v24 =	vunpack.i.l.bf16.f32 v24;
	[tilespmem:v13+s13+$0x0] =	vst.idx.add.f32.msk $0xffff, v20  }
0x26f: {  	v20 =	vunpack.i.u.bf16.f32 v25;
	v25 =	vunpack.i.l.bf16.f32 v25;
	v17 =	vld.idx.msk [tilespmem:v17+s30+$0x0], $0xffff  }
0x270: {  	v33 =	vunpack.i.u.bf16.f32 v26;
	v26 =	vunpack.i.l.bf16.f32 v26;
	v32 =	vld [tilespmem:s18+$0xFFFFFFC0]  }
0x271: {  	v34 =	vunpack.i.u.bf16.f32 v28;
	v28 =	vunpack.i.l.bf16.f32 v28;
	v35 =	vld [tilespmem:s18+$0xFFFFFFD0]  }
0x272: {  	v37 =	vunpack.i.u.bf16.f32 v30;
	v30 =	vunpack.i.l.bf16.f32 v30;
	v36 =	vld [tilespmem:s18+$0xFFFFFFE0]  }
0x273: {  	v38 =	vld [tilespmem:s18+$0xFFFFFFF0]  }
0x274: {  	v39 =	vld [tilespmem:s18+$0x0]  }
0x275: {  	v41 =	vunpack.i.l.bf16.f32 v17;
	v28 =	vmul.f32 v28, v32;
	v34 =	vmul.f32 v34, v32;
	v40 =	vld [tilespmem:s18+$0x10]  }
0x276: {  	v17 =	vunpack.i.u.bf16.f32 v17;
	v41 =	vmul.f32 v41, v22;
	v21 =	vmul.f32 v21, v35;
	v42 =	vld [tilespmem:s18+$0x20]  }
0x277: {  	v17 =	vmul.f32 v17, v22;
	[tilespmem:v9+s12+$0x0] =	vst.idx.add.f32.msk $0xffff, v28;
	v28 =	vmul.f32 v29, v35  }
0x278: {  	v22 =	vmul.f32 v23, v36;
	v23 =	vmul.f32 v31, v36;
	[tilespmem:v13+s14+$0x0] =	vst.idx.add.f32.msk $0xffff, v41  }
0x279: {  	s21 =	simm.s32 $0x0;
	v24 =	vmul.f32 v24, v38;
	v27 =	vmul.f32 v27, v38;
	[tilespmem:v13+s15+$0x0] =	vst.idx.add.f32.msk $0xffff, v17  }
0x27a: {  	v13 =	vmul.f32 v25, v39;
	v17 =	vmul.f32 v20, v39;
	[tilespmem:v9+s13+$0x0] =	vst.idx.add.f32.msk $0xffff, v34  }
0x27b: {  	v20 =	vmul.f32 v26, v40;
	[tilespmem:v8+s12+$0x0] =	vst.idx.add.f32.msk $0xffff, v21;
	v21 =	vmul.f32 v33, v40  }
0x27c: {  	v25 =	vmul.f32 v30, v42;
	v26 =	vmul.f32 v37, v42;
	[tilespmem:v8+s13+$0x0] =	vst.idx.add.f32.msk $0xffff, v28  }
0x27d: {  	[tilespmem:v7+s12+$0x0] =	vst.idx.add.f32.msk $0xffff, v22  }
0x27e: {  	[tilespmem:v7+s13+$0x0] =	vst.idx.add.f32.msk $0xffff, v23  }
0x27f: {  	[tilespmem:v6+s12+$0x0] =	vst.idx.add.f32.msk $0xffff, v24  }
0x280: {  	[tilespmem:v6+s13+$0x0] =	vst.idx.add.f32.msk $0xffff, v27  }
0x281: {  	[tilespmem:v4+s12+$0x0] =	vst.idx.add.f32.msk $0xffff, v13  }
0x282: {  	[tilespmem:v4+s13+$0x0] =	vst.idx.add.f32.msk $0xffff, v17  }
0x283: {  	[tilespmem:v1+s12+$0x0] =	vst.idx.add.f32.msk $0xffff, v20  }
0x284: {  	[tilespmem:v1+s13+$0x0] =	vst.idx.add.f32.msk $0xffff, v21  }
0x285: {  	[tilespmem:v10+s12+$0x0] =	vst.idx.add.f32.msk $0xffff, v25  }
0x286: {  	[tilespmem:v10+s13+$0x0] =	vst.idx.add.f32.msk $0xffff, v26  }
0x287: {  	v13 =	vld.idx.msk [tilespmem:v19+s30+$0x0], $0xffff  }
0x288: {  	v11 =	vld.idx.msk [tilespmem:v11+s30+$0x0], $0xffff  }
0x289: {  	v12 =	vld.idx.msk [tilespmem:v12+s30+$0x0], $0xffff  }
0x28a: {  	v14 =	vld.idx.msk [tilespmem:v14+s30+$0x0], $0xffff  }
0x28b: {  	v15 =	vld.idx.msk [tilespmem:v15+s30+$0x0], $0xffff  }
0x28c: {  	v16 =	vld.idx.msk [tilespmem:v16+s30+$0x0], $0xffff  }
0x28d: {  	v17 =	vunpack.i.u.bf16.f32 v13;
	v13 =	vunpack.i.l.bf16.f32 v13;
	v18 =	vld.idx.msk [tilespmem:v18+s30+$0x0], $0xffff  }
0x28e: {  	v13 =	vmul.f32 v13, v32;
	v19 =	vunpack.i.u.bf16.f32 v11;
	v11 =	vunpack.i.l.bf16.f32 v11;
	[tilespmem:v2+s14+$0x0] =	vst.idx.add.f32.msk $0xffff, v5  }
0x28f: {  	v5 =	vmul.f32 v17, v32;
	v17 =	vunpack.i.u.bf16.f32 v12;
	v12 =	vunpack.i.l.bf16.f32 v12;
	[tilespmem:v2+s15+$0x0] =	vst.idx.add.f32.msk $0xffff, v3;
	v2 =	vmovc v10  }
0x290: {  	v3 =	vmul.f32 v11, v35;
	v10 =	vunpack.i.u.bf16.f32 v14;
	v11 =	vunpack.i.l.bf16.f32 v14;
	[tilespmem:v9+s14+$0x0] =	vst.idx.add.f32.msk $0xffff, v13  }
0x291: {  	v13 =	vunpack.i.l.bf16.f32 v15;
	[tilespmem:v9+s15+$0x0] =	vst.idx.add.f32.msk $0xffff, v5;
	v5 =	vmul.f32 v19, v35;
	v9 =	vunpack.i.u.bf16.f32 v15  }
0x292: {  	v14 =	vunpack.i.l.bf16.f32 v16;
	[tilespmem:v8+s14+$0x0] =	vst.idx.add.f32.msk $0xffff, v3;
	v3 =	vmul.f32 v12, v36;
	v12 =	vunpack.i.u.bf16.f32 v16  }
0x293: {  	v15 =	vunpack.i.l.bf16.f32 v18;
	[tilespmem:v8+s15+$0x0] =	vst.idx.add.f32.msk $0xffff, v5;
	v5 =	vmul.f32 v17, v36;
	v8 =	vunpack.i.u.bf16.f32 v18  }
0x294: {  	[tilespmem:v7+s14+$0x0] =	vst.idx.add.f32.msk $0xffff, v3;
	v3 =	vmul.f32 v11, v38;
	v11 =	vmul.f32 v10, v38  }
.Ltmp8:
0x295: {  	[tilespmem:v7+s15+$0x0] =	vst.idx.add.f32.msk $0xffff, v5;
	v7 =	vmul.f32 v13, v39;
	v13 =	vmul.f32 v9, v39;
	(pc) =	sbr.rel @p0 .LBB2_20-.Ltmp8, $4  }
0x296: {  	v10 =	vmul.f32 v14, v40;
	v9 =	vmul.f32 v12, v40;
	[tilespmem:v6+s14+$0x0] =	vst.idx.add.f32.msk $0xffff, v3  }
0x297: {  	v5 =	vmul.f32 v15, v42;
	v3 =	vmul.f32 v8, v42;
	[tilespmem:v6+s15+$0x0] =	vst.idx.add.f32.msk $0xffff, v11  }
0x298: {  	[tilespmem:v4+s14+$0x0] =	vst.idx.add.f32.msk $0xffff, v7  }
0x299: {  	s20 =	sadd.s32 $0x80, s20;
	[tilespmem:v4+s15+$0x0] =	vst.idx.add.f32.msk $0xffff, v13  }
0x29a: {  	_ =	sdelay $0x3  }
0x29b: {  	[tilespmem:v1+s14+$0x0] =	vst.idx.add.f32.msk $0xffff, v10  }
0x29c: {  	[tilespmem:v2+s14+$0x0] =	vst.idx.add.f32.msk $0xffff, v5  }
0x29d: {  	[tilespmem:v1+s15+$0x0] =	vst.idx.add.f32.msk $0xffff, v9  }
0x29e: {  	[tilespmem:v2+s15+$0x0] =	vst.idx.add.f32.msk $0xffff, v3  }
.LBB2_22:
0x29f: {  	s10 =	sshra.s32 s21, $0x2  }
0x2a0: {  	v1 =	vld [tilespmem:s10+$0x1BD10];
	_ =	sdelay $0x4  }
0x2a1: {  	v2 =	vand.u32 $0x3FFF, v1;
	_ =	sdelay $0x4  }
0x2a2: {  	v3 =	vld.idx.msk [tilespmem:v2+s28+$0x0], $0xffff  }
0x2a3: {  	v4 =	vld [tilespmem:s10+$0x1DC50];
	_ =	sdelay $0x1  }
0x2a4: {  	v1 =	vshra.s32 v1, $0xE;
	_ =	sdelay $0x1  }
0x2a5: {  	v5 =	vunpack.i.l.bf16.f32 v3  }
0x2a6: {  	v3 =	vunpack.i.u.bf16.f32 v3;
	v5 =	vmul.f32 v5, v4  }
0x2a7: {  	v3 =	vmul.f32 v3, v4  }
0x2a8: {  	[tilespmem:v1+s12+$0x0] =	vst.idx.add.f32.msk $0xffff, v5  }
0x2a9: {  	[tilespmem:v1+s13+$0x0] =	vst.idx.add.f32.msk $0xffff, v3  }
0x2aa: {  	v2 =	vld.idx.msk [tilespmem:v2+s30+$0x0], $0xffff;
	_ =	sdelay $0x3  }
0x2ab: {  	p0 =	seq.s32 s21, $0xC0  }
.Ltmp9:
0x2ac: {  	v3 =	vunpack.i.l.bf16.f32 v2;
	(pc) =	sbr.rel @!p0 .LBB2_22-.Ltmp9, $4  }
0x2ad: {  	v2 =	vunpack.i.u.bf16.f32 v2;
	v3 =	vmul.f32 v3, v4  }
0x2ae: {  	v2 =	vmul.f32 v2, v4  }
0x2af: {  	[tilespmem:v1+s14+$0x0] =	vst.idx.add.f32.msk $0xffff, v3  }
0x2b0: {  	s21 =	sadd.s32 $0x40, s21;
	[tilespmem:v1+s15+$0x0] =	vst.idx.add.f32.msk $0xffff, v2  }
0x2b1: {  	p0 =	seq.s32 s17, $0xA  }
.Ltmp10:
0x2b2: {  	_ = 	snop;
	(pc) =	sbr.rel @!p0 .LBB2_15-.Ltmp10, $1  }
0x2b3: {  	_ =	sdelay $0x3  }
0x2b4: {  	s10 =	rddreg [dreg:$0xc]  }
0x2b5: {  	[hbm4b:s10+s3] =	stream.linear.scatter [tilespmem:s14], [sflag:$0x5], $0x2710, $0x38;
	[tilespmem:$0x1DC90] =	vst v63  }
0x2b6: {  	_ =	swait.ge [sflag:s29], $0x2710  }
0x2b7: {  	[sflag:s29] =	ssyncset.done $0x0  }
0x2b8: {  	s21 =	rddreg [dreg:$0xd];
	[sflag:s29] =	ssyncadd.s32 $0xFFFFD8F0  }
0x2b9: {  	[hbm4b:s21+s3] =	stream.linear.scatter [tilespmem:s15], [sflag:$0x5], $0x2710, $0x38;
	[tilespmem:$0x1DC90] =	vst v63  }
0x2ba: {  	_ =	swait.ge [sflag:s29], $0x2710  }
0x2bb: {  	[sflag:s29] =	ssyncset.done $0x0  }
0x2bc: {  	[sflag:s29] =	ssyncadd.s32 $0xFFFFD8F0  }
0x2bd: {  	[bflag:$0x0] =	sbarrier.arrive $0xFFFF  }
0x2be: {  	s22 =	rddreg [dreg:$0xe]  }
0x2bf: {  	[tilespmem:s1], [sflag:$0x5] =	stream.linear.gather [hbm4b:s22+s3], $0x2710, $0x38;
	[tilespmem:$0x1DC90] =	vst v63  }
0x2c0: {  	_ =	swait.ge [sflag:s29], $0x2710  }
0x2c1: {  	[sflag:s29] =	ssyncset.done $0x0  }
0x2c2: {  	s10 =	simm.s32 $0x9C80;
	[sflag:s29] =	ssyncadd.s32 $0xFFFFD8F0  }
0x2c3: {  	s17 =	simm.s32 $0x138C0;
	v2 =	vld [tilespmem:s10+$0x30]  }
0x2c4: {  	v3 =	vld [tilespmem:s17+$0x30]  }
0x2c5: {  	v1 =	vld [tilespmem:s17+$0xFFFFFFC0]  }
0x2c6: {  	v4 =	vld [tilespmem:s10+$0xFFFFFFD0]  }
0x2c7: {  	v5 =	vld [tilespmem:s17+$0xFFFFFFD0]  }
0x2c8: {  	v6 =	vld [tilespmem:s10+$0xFFFFFFE0]  }
0x2c9: {  	v7 =	vld [tilespmem:s17+$0xFFFFFFE0]  }
0x2ca: {  	v8 =	vld [tilespmem:s10+$0xFFFFFFF0]  }
0x2cb: {  	v9 =	vld [tilespmem:s17+$0xFFFFFFF0]  }
0x2cc: {  	v10 =	vld [tilespmem:s10+$0x0]  }
0x2cd: {  	v11 =	vld [tilespmem:s17+$0x0];
	v3 =	vadd.f32 v3, v2  }
0x2ce: {  	v5 =	vadd.f32 v5, v4;
	v2 =	vld [tilespmem:s10+$0x10]  }
0x2cf: {  	v6 =	vadd.f32 v7, v6;
	v4 =	vld [tilespmem:s17+$0x10];
	[tilespmem:s10+$0x30] =	vst v3  }
0x2d0: {  	v7 =	vadd.f32 v9, v8;
	[tilespmem:s10+$0xFFFFFFD0] =	vst v5;
	v3 =	vld [tilespmem:s10+$0x20]  }
0x2d1: {  	[tilespmem:s10+$0xFFFFFFE0] =	vst v6;
	v6 =	vld [tilespmem:s17+$0x20]  }
0x2d2: {  	s18 =	simm.s32 $0x0;
	s19 =	simm.s32 $0x9D00;
	v5 =	vld [tilespmem:s10+$0xFFFFFFC0];
	[tilespmem:s10+$0xFFFFFFF0] =	vst v7;
	v7 =	vadd.f32 v11, v10  }
.LBB2_24:
0x2d3: {  	v8 =	vld [tilespmem:s19+$0x30];
	s17 =	sadd.s32 $0x80, s17  }
0x2d4: {  	s18 =	sadd.s32 $0x8, s18;
	v9 =	vld [tilespmem:s17+$0x30];
	[tilespmem:s10+$0x0] =	vst v7;
	v2 =	vadd.f32 v4, v2  }
0x2d5: {  	p0 =	slt.u32 s18, $0x268;
	v4 =	vld [tilespmem:s17+$0xFFFFFFC0]  }
0x2d6: {  	v7 =	vld [tilespmem:s19+$0xFFFFFFD0];
	[tilespmem:s10+$0x10] =	vst v2;
	v2 =	vadd.f32 v6, v3  }
0x2d7: {  	v3 =	vld [tilespmem:s17+$0xFFFFFFD0];
	v10 =	vadd.f32 v1, v5  }
0x2d8: {  	v5 =	vld [tilespmem:s19+$0xFFFFFFE0];
	[tilespmem:s10+$0x20] =	vst v2  }
0x2d9: {  	v2 =	vld [tilespmem:s17+$0xFFFFFFE0];
	v6 =	vadd.f32 v9, v8;
	[tilespmem:s10+$0xFFFFFFC0] =	vst v10;
	s10 =	smov.u32 s19  }
0x2da: {  	v8 =	vld [tilespmem:s19+$0xFFFFFFF0];
	v1 =	vmov v4  }
0x2db: {  	v9 =	vld [tilespmem:s17+$0xFFFFFFF0];
	[tilespmem:s19+$0x30] =	vst v6  }
0x2dc: {  	v3 =	vadd.f32 v3, v7;
	v7 =	vld [tilespmem:s19+$0x0]  }
0x2dd: {  	v10 =	vld [tilespmem:s17+$0x0]  }
.Ltmp11:
0x2de: {  	[tilespmem:s19+$0xFFFFFFD0] =	vst v3;
	v3 =	vadd.f32 v2, v5;
	v2 =	vld [tilespmem:s19+$0x10];
	(pc) =	sbr.rel @p0 .LBB2_24-.Ltmp11, $4  }
0x2df: {  	v4 =	vld [tilespmem:s17+$0x10]  }
0x2e0: {  	[tilespmem:s19+$0xFFFFFFE0] =	vst v3;
	v8 =	vadd.f32 v9, v8;
	v3 =	vld [tilespmem:s19+$0x20]  }
0x2e1: {  	v6 =	vld [tilespmem:s17+$0x20]  }
0x2e2: {  	s19 =	sadd.s32 $0x80, s19;
	v5 =	vld [tilespmem:s10+$0xFFFFFFC0];
	[tilespmem:s10+$0xFFFFFFF0] =	vst v8;
	v7 =	vadd.f32 v10, v7  }
0x2e3: {  	_ =	sdelay $0x1  }
0x2e4: {  	v2 =	vadd.f32 v4, v2  }
0x2e5: {  	[tilespmem:s10+$0x0] =	vst v7;
	v3 =	vadd.f32 v6, v3  }
0x2e6: {  	[tilespmem:s10+$0x10] =	vst v2;
	v1 =	vadd.f32 v1, v5  }
0x2e7: {  	[tilespmem:s10+$0x20] =	vst v3  }
0x2e8: {  	[tilespmem:s10+$0xFFFFFFC0] =	vst v1  }
0x2e9: {  	v1 =	vld [tilespmem:$0xC340]  }
0x2ea: {  	v2 =	vld [tilespmem:$0x15F80];
	_ =	sdelay $0x4  }
0x2eb: {  	v1 =	vadd.f32 v2, v1;
	_ =	sdelay $0x1  }
0x2ec: {  	s10 =	rddreg [dreg:$0xf];
	[tilespmem:$0xC340] =	vst v1  }
0x2ed: {  	[hbm4b:s10+s3] =	stream.linear.scatter [tilespmem:s12], [sflag:$0x5], $0x2710, $0x38;
	[tilespmem:$0x1DC90] =	vst v63  }
0x2ee: {  	_ =	swait.ge [sflag:s29], $0x2710  }
0x2ef: {  	[sflag:s29] =	ssyncset.done $0x0  }
0x2f0: {  	s22 =	rddreg [dreg:$0x10];
	[sflag:s29] =	ssyncadd.s32 $0xFFFFD8F0  }
0x2f1: {  	[tilespmem:s1], [sflag:$0x5] =	stream.linear.gather [hbm4b:s22+s3], $0x2710, $0x38;
	[tilespmem:$0x1DC90] =	vst v63  }
0x2f2: {  	_ =	swait.ge [sflag:s29], $0x2710  }
0x2f3: {  	[sflag:s29] =	ssyncset.done $0x0  }
0x2f4: {  	s10 =	simm.s32 $0xC390;
	[sflag:s29] =	ssyncadd.s32 $0xFFFFD8F0  }
0x2f5: {  	s17 =	simm.s32 $0x138C0;
	v2 =	vld [tilespmem:s10+$0x30]  }
0x2f6: {  	v3 =	vld [tilespmem:s17+$0x30]  }
0x2f7: {  	v1 =	vld [tilespmem:s17+$0xFFFFFFC0]  }
0x2f8: {  	v4 =	vld [tilespmem:s10+$0xFFFFFFD0]  }
0x2f9: {  	v5 =	vld [tilespmem:s17+$0xFFFFFFD0]  }
0x2fa: {  	v6 =	vld [tilespmem:s10+$0xFFFFFFE0]  }
0x2fb: {  	v7 =	vld [tilespmem:s17+$0xFFFFFFE0]  }
0x2fc: {  	v8 =	vld [tilespmem:s10+$0xFFFFFFF0]  }
0x2fd: {  	v9 =	vld [tilespmem:s17+$0xFFFFFFF0]  }
0x2fe: {  	v10 =	vld [tilespmem:s10+$0x0]  }
0x2ff: {  	v11 =	vld [tilespmem:s17+$0x0];
	v3 =	vadd.f32 v3, v2  }
0x300: {  	v5 =	vadd.f32 v5, v4;
	v2 =	vld [tilespmem:s10+$0x10]  }
0x301: {  	v6 =	vadd.f32 v7, v6;
	v4 =	vld [tilespmem:s17+$0x10];
	[tilespmem:s10+$0x30] =	vst v3  }
0x302: {  	v7 =	vadd.f32 v9, v8;
	[tilespmem:s10+$0xFFFFFFD0] =	vst v5;
	v3 =	vld [tilespmem:s10+$0x20]  }
0x303: {  	[tilespmem:s10+$0xFFFFFFE0] =	vst v6;
	v6 =	vld [tilespmem:s17+$0x20]  }
0x304: {  	s18 =	simm.s32 $0x0;
	s19 =	simm.s32 $0xC410;
	v5 =	vld [tilespmem:s10+$0xFFFFFFC0];
	[tilespmem:s10+$0xFFFFFFF0] =	vst v7;
	v7 =	vadd.f32 v11, v10  }
.LBB2_26:
0x305: {  	v8 =	vld [tilespmem:s19+$0x30];
	s17 =	sadd.s32 $0x80, s17  }
0x306: {  	s18 =	sadd.s32 $0x8, s18;
	v9 =	vld [tilespmem:s17+$0x30];
	[tilespmem:s10+$0x0] =	vst v7;
	v2 =	vadd.f32 v4, v2  }
0x307: {  	p0 =	slt.u32 s18, $0x268;
	v4 =	vld [tilespmem:s17+$0xFFFFFFC0]  }
0x308: {  	v7 =	vld [tilespmem:s19+$0xFFFFFFD0];
	[tilespmem:s10+$0x10] =	vst v2;
	v2 =	vadd.f32 v6, v3  }
0x309: {  	v3 =	vld [tilespmem:s17+$0xFFFFFFD0];
	v10 =	vadd.f32 v1, v5  }
0x30a: {  	v5 =	vld [tilespmem:s19+$0xFFFFFFE0];
	[tilespmem:s10+$0x20] =	vst v2  }
0x30b: {  	v2 =	vld [tilespmem:s17+$0xFFFFFFE0];
	v6 =	vadd.f32 v9, v8;
	[tilespmem:s10+$0xFFFFFFC0] =	vst v10;
	s10 =	smov.u32 s19  }
0x30c: {  	v8 =	vld [tilespmem:s19+$0xFFFFFFF0];
	v1 =	vmov v4  }
0x30d: {  	v9 =	vld [tilespmem:s17+$0xFFFFFFF0];
	[tilespmem:s19+$0x30] =	vst v6  }
0x30e: {  	v3 =	vadd.f32 v3, v7;
	v7 =	vld [tilespmem:s19+$0x0]  }
0x30f: {  	v10 =	vld [tilespmem:s17+$0x0]  }
.Ltmp12:
0x310: {  	[tilespmem:s19+$0xFFFFFFD0] =	vst v3;
	v3 =	vadd.f32 v2, v5;
	v2 =	vld [tilespmem:s19+$0x10];
	(pc) =	sbr.rel @p0 .LBB2_26-.Ltmp12, $4  }
0x311: {  	v4 =	vld [tilespmem:s17+$0x10]  }
0x312: {  	[tilespmem:s19+$0xFFFFFFE0] =	vst v3;
	v8 =	vadd.f32 v9, v8;
	v3 =	vld [tilespmem:s19+$0x20]  }
0x313: {  	v6 =	vld [tilespmem:s17+$0x20]  }
0x314: {  	s19 =	sadd.s32 $0x80, s19;
	v5 =	vld [tilespmem:s10+$0xFFFFFFC0];
	[tilespmem:s10+$0xFFFFFFF0] =	vst v8;
	v7 =	vadd.f32 v10, v7  }
0x315: {  	_ =	sdelay $0x1  }
0x316: {  	v2 =	vadd.f32 v4, v2  }
0x317: {  	[tilespmem:s10+$0x0] =	vst v7;
	v3 =	vadd.f32 v6, v3  }
0x318: {  	[tilespmem:s10+$0x10] =	vst v2;
	v1 =	vadd.f32 v1, v5  }
0x319: {  	[tilespmem:s10+$0x20] =	vst v3  }
0x31a: {  	[tilespmem:s10+$0xFFFFFFC0] =	vst v1  }
0x31b: {  	v1 =	vld [tilespmem:$0xEA50]  }
0x31c: {  	v2 =	vld [tilespmem:$0x15F80];
	_ =	sdelay $0x4  }
0x31d: {  	v1 =	vadd.f32 v2, v1;
	_ =	sdelay $0x1  }
0x31e: {  	s10 =	rddreg [dreg:$0x11];
	[tilespmem:$0xEA50] =	vst v1  }
0x31f: {  	[hbm4b:s10+s3] =	stream.linear.scatter [tilespmem:s13], [sflag:$0x5], $0x2710, $0x38;
	[tilespmem:$0x1DC90] =	vst v63  }
0x320: {  	_ =	swait.ge [sflag:s29], $0x2710  }
0x321: {  	s16 =	sadd.s32 $0x1, s16;
	s22 =	rddreg [dreg:$0x12]  }
0x322: {  	p0 =	sne.s32 s16, s22  }
.Ltmp13:
0x323: {  	_ = 	snop;
	(pc) =	sbr.rel @p0 .LBB2_1-.Ltmp13, $3  }
0x324: {  	_ =	sdelay $0x1  }
0x325: {  	[sflag:s29] =	ssyncset.done $0x0  }
0x326: {  	[sflag:s29] =	ssyncadd.s32 $0xFFFFD8F0  }
0x327: {  	_ =	sfence.sel $0x180000  }
0x328: {  	[bflag:$0x0] =	sbarrier.arrive $0xFFFF  }
0x329: {  	_ =	strace $0x9000004A  }
0x32a: {  	s0 =	stileid.u32;
	[bflag:$0x2] =	sbarrier.arrive $0xFFFF  }
0x32b: {  	p0 =	sne.s32 s0, $0x0;
	s0 =	rddreg [dreg:$0x2]  }
0x32c: {  	s0 =	sadd.s32 @!p0 $0x100000, s0  }
0x32d: {  	[sflag:s0] =	ssyncadd.tile.s32 @!p0 $0x1;
	_ =	shalt  }
.Lfunc_end2:
_tile_overlayer_lowered:
.L_overlay_start_2:
0x32e: {  	(tag) =	ssettag $0x2  }
0x32f: {  	s0 =	rddreg [dreg:$0x0];
	s2 =	stileid.u32  }
0x330: {  	s1 =	rddreg [dreg:$0x1];
	p0 =	sne.s32 s2, $0x0  }
0x331: {  	s3 =	rddreg [dreg:$0x2];
	[bflag:$0x3] =	sbarrier.arrive $0xFFFF;
	s2 =	simm.s32 @!p0 $0x1C05  }
0x332: {  	[timem:s3], [sflag:s2] =	dma.local @!p0 [hbm:s0], s1  }
0x333: {  	s0 =	simm.s32 @!p0 $0x5  }
0x334: {  	_ =	swait.ge @!p0 [sflag:s0], s1  }
0x335: {  	s1 =	ssub.s32 @!p0 $0x0, s1;
	[sflag:s0] =	ssyncset.done @!p0 $0x0  }
0x336: {  	[sflag:s0] =	ssyncadd.s32 @!p0 s1  }
0x337: {  	[bflag:$0x3] =	sbarrier.arrive $0xFFFF  }
0x338: {  	_ =	shalt  }

// kernel: kernel.15.cloned.1.call-start
scs
__scs_entry_jumppad:
0x0: {  	(pc) =	sbr.rel $0x88, $3  }
0x1: {  	(tag) =	ssettag $0x0;
	lr =	simm.s32 $0x1  }
0x2: {  	[smem:$0x3F93] =	sst lr;
	_ =	strace $0xD0000000  }
0x3: {  	_ = 	snop  }
0x4: {  	_ = 	snop  }
0x5: {  	_ = 	snop  }
0x6: {  	_ = 	snop  }
0x7: {  	_ = 	snop  }
__scs_overlays_trampoline_lowered:
0x8: {  	[smem:$0x3FA2] =	sst s0  }
0x9: {  	[smem:$0x3FA3] =	sst s1  }
0xa: {  	[smem:$0x3FA4] =	sst s2  }
0xb: {  	[smem:$0x3FA5] =	sst s3  }
0xc: {  	[smem:$0x3FA6] =	sst s4  }
0xd: {  	[smem:$0x3FA7] =	sst s5  }
0xe: {  	[smem:$0x3FA8] =	sst s6  }
0xf: {  	[smem:$0x3FA9] =	sst s7  }
0x10: {  	[smem:$0x3FAA] =	sst s8  }
0x11: {  	[smem:$0x3FAB] =	sst s9;
	s0 =	simm.s32 @!p0 $0x0  }
0x12: {  	s1 =	sld [smem:$0x3F91];
	s0 =	simm.s32 @p0 $0x1  }
0x13: {  	[smem:$0x3FAC] =	sst s0;
	s0 =	simm.s32 @!p1 $0x0  }
0x14: {  	s2 =	sld [smem:$0x3F90];
	s0 =	simm.s32 @p1 $0x1  }
0x15: {  	[smem:$0x3FAD] =	sst s0;
	s0 =	simm.s32 @!p2 $0x0  }
0x16: {  	s3 =	sld [smem:$0x3FDB];
	s0 =	simm.s32 @p2 $0x1  }
0x17: {  	s4 =	simm.s32 $0x1BF5;
	[smem:$0x3FAF] =	sst s0  }
0x18: {  	s0 =	sld [smem:$0x3F92];
	_ =	swait.ge [sflag:s4], $0x0  }
0x19: {  	s7 =	sld [smem:$0x3F93]  }
0x1a: {  	s8 =	sadd.s32 $0xFFFFE003, lr  }
0x1b: {  	s9 =	sadd.s32 $0xFFFFFEF7, lr;
	s5 =	simm.s32 $0xFFFFFFFF;
	p2 =	slt.u32 s8, $0xFFFFF086  }
0x1c: {  	p1 =	slt.u32 s9, $0xF7A;
	s5 =	simm.s32 @!p2 $0x0  }
0x1d: {  	s5 =	simm.s32 @p1 $0x1;
	p0 =	seq.s32 s7, s2  }
0x1e: {  	s7 =	smul.u32 @!p0 $0xF7A, s2;
	p2 =	seq.s32 @!p0 s5, $0x0  }
0x1f: {  	s9 =	smul.u32 $0xF7A, s1;
	s8 =	simm.s32 @!p0 $0x1BF5;
	p2 =	por !p2, p0  }
0x20: {  	[sflag:s8] =	ssyncset.s32 @!p0 $0xFFFFF086;
	s6 =	sadd.s32 @!p0 s3, s7;
	s7 =	simm.s32 @!p0 $0x108  }
0x21: {  	s3 =	sadd.s32 s3, s9;
	s6 =	sadd.s32 @!p0 $0x88, s6;
	s7 =	simm.s32 @p2 $0x1082  }
0x22: {  	[simem:s7], [sflag:s8] =	dma.local @!p0 [hbm:s6], $0xF7A  }
0x23: {  	s9 =	sor.u32 $0xD0000000, s2;
	s6 =	simm.s32 $0x108;
	_ =	swait.ge @!p0 [sflag:s8], $0x0  }
0x24: {  	s3 =	sadd.s32 $0x88, s3;
	s6 =	simm.s32 @!p1 $0x1082;
	[sflag:s4] =	ssyncset.s32 $0xFFFFF086  }
0x25: {  	[simem:s6], [sflag:s4] =	dma.local [hbm:s3], $0xF7A  }
0x26: {  	[smem:$0x3F93] =	sst s1;
	(tag) =	ssettag s2;
	_ =	strace s9  }
0x27: {  	s1 =	sld [smem:$0x3FA3]  }
0x28: {  	s2 =	sld [smem:$0x3FA4]  }
0x29: {  	s4 =	sld [smem:$0x3FA6]  }
0x2a: {  	p0 =	seq.s32 s5, $0x0;
	s5 =	sld [smem:$0x3FA7]  }
0x2b: {  	s6 =	sld [smem:$0x3FA8]  }
0x2c: {  	s7 =	sld [smem:$0x3FA9]  }
0x2d: {  	s3 =	simm.s32 $0x108;
	s8 =	sld [smem:$0x3FAA]  }
0x2e: {  	s3 =	simm.s32 @!p0 $0x1082;
	s9 =	sld [smem:$0x3FAB]  }
0x2f: {  	lr =	sadd.s32 s0, s3;
	s0 =	sld [smem:$0x3FA2]  }
0x30: {  	s3 =	sld [smem:$0x3FA5]  }
0x31: {  	[smem:$0x3FAE] =	sst s10  }
0x32: {  	s10 =	sld [smem:$0x3FAC];
	_ =	sdelay $0x3  }
0x33: {  	p0 =	seq.s32 s10, $0x1;
	s10 =	sld [smem:$0x3FAE];
	_ =	sdelay $0x3  }
0x34: {  	[smem:$0x3FAE] =	sst s10  }
0x35: {  	s10 =	sld [smem:$0x3FAD];
	_ =	sdelay $0x3  }
0x36: {  	p1 =	seq.s32 s10, $0x1;
	s10 =	sld [smem:$0x3FAE];
	_ =	sdelay $0x3  }
0x37: {  	[smem:$0x3FAE] =	sst s10  }
0x38: {  	s10 =	sld [smem:$0x3FAF]  }
0x39: {  	_ = 	snop;
	(pc) =	sbr.ind lr, $3  }
0x3a: {  	_ = 	snop  }
0x3b: {  	_ = 	snop  }
0x3c: {  	p2 =	seq.s32 s10, $0x1;
	s10 =	sld [smem:$0x3FAE]  }
0x3d: {  	_ =	shalt  }
0x3e: {  	_ =	shalt  }
0x3f: {  	_ =	shalt  }
0x40: {  	_ =	shalt  }
0x41: {  	_ =	shalt  }
0x42: {  	_ =	shalt  }
0x43: {  	_ =	shalt  }
0x44: {  	_ =	shalt  }
0x45: {  	_ =	shalt  }
0x46: {  	_ =	shalt  }
0x47: {  	_ =	shalt  }
0x48: {  	_ =	shalt  }
0x49: {  	_ =	shalt  }
0x4a: {  	_ =	shalt  }
0x4b: {  	_ =	shalt  }
0x4c: {  	_ =	shalt  }
0x4d: {  	_ =	shalt  }
0x4e: {  	_ =	shalt  }
0x4f: {  	_ =	shalt  }
0x50: {  	_ =	shalt  }
0x51: {  	_ =	shalt  }
0x52: {  	_ =	shalt  }
0x53: {  	_ =	shalt  }
0x54: {  	_ =	shalt  }
0x55: {  	_ =	shalt  }
0x56: {  	_ =	shalt  }
0x57: {  	_ =	shalt  }
0x58: {  	_ =	shalt  }
0x59: {  	_ =	shalt  }
0x5a: {  	_ =	shalt  }
0x5b: {  	_ =	shalt  }
0x5c: {  	_ =	shalt  }
0x5d: {  	_ =	shalt  }
0x5e: {  	_ =	shalt  }
0x5f: {  	_ =	shalt  }
0x60: {  	_ =	shalt  }
0x61: {  	_ =	shalt  }
0x62: {  	_ =	shalt  }
0x63: {  	_ =	shalt  }
0x64: {  	_ =	shalt  }
0x65: {  	_ =	shalt  }
0x66: {  	_ =	shalt  }
0x67: {  	_ =	shalt  }
0x68: {  	_ =	shalt  }
0x69: {  	_ =	shalt  }
0x6a: {  	_ =	shalt  }
0x6b: {  	_ =	shalt  }
0x6c: {  	_ =	shalt  }
0x6d: {  	_ =	shalt  }
0x6e: {  	_ =	shalt  }
0x6f: {  	_ =	shalt  }
0x70: {  	_ =	shalt  }
0x71: {  	_ =	shalt  }
0x72: {  	_ =	shalt  }
0x73: {  	_ =	shalt  }
0x74: {  	_ =	shalt  }
0x75: {  	_ =	shalt  }
0x76: {  	_ =	shalt  }
0x77: {  	_ =	shalt  }
0x78: {  	_ =	shalt  }
0x79: {  	_ =	shalt  }
0x7a: {  	_ =	shalt  }
0x7b: {  	_ =	shalt  }
0x7c: {  	_ =	shalt  }
0x7d: {  	_ =	shalt  }
0x7e: {  	_ =	shalt  }
0x7f: {  	_ =	shalt  }
0x80: {  	_ =	shalt  }
0x81: {  	_ =	shalt  }
0x82: {  	_ =	shalt  }
0x83: {  	_ =	shalt  }
0x84: {  	_ =	shalt  }
0x85: {  	_ =	shalt  }
0x86: {  	_ =	shalt  }
0x87: {  	_ =	shalt  }
.Lfunc_end0:
.L_simem_size_0:
called_computation.2_lowered:
.L_overlay_start_0:
0x88: {  	s2 =	sld [smem:$0x3FD9]  }
0x89: {  	s3 =	sld [smem:$0x3FFE];
	_ =	sdelay $0x1  }
0x8a: {  	s1 =	srdreg.scid  }
0x8b: {  	s0 =	sand.u32 $0x1, s1  }
0x8c: {  	s17 =	sshll.u32 s0, $0xA;
	s2 =	sadd.s32 s3, s2  }
0x8d: {  	s2 =	sadd.s32 s2, s17  }
0x8e: {  	[smem:$0x3FBA] =	sst s2  }
0x8f: {  	_ = 	snop  }
0x90: {  	s2 =	sld [smem:$0x3FC7]  }
0x91: {  	s18 =	sld [smem:$0x3FC6];
	(tm) =	ssettm $0x1  }
0x92: {  	s4 =	sld [smem:$0x3FFB];
	_ =	sdelay $0x3  }
0x93: {  	_ =	strace s4  }
0x94: {  	s4 =	sld [smem:$0x3FFC];
	_ =	sdelay $0x3  }
0x95: {  	_ =	strace s4  }
0x96: {  	s4 =	sld [smem:$0x3FFD];
	_ =	sdelay $0x3  }
0x97: {  	_ =	strace s4  }
0x98: {  	_ =	strace $0x8FFFFFFF  }
0x99: {  	s19 =	sld [smem:$0x3FDB];
	_ =	sdelay $0x1  }
0x9a: {  	s5 =	simm.s32 $_scs_section_size  }
0x9b: {  	s6 =	simm.s32 $_size__tile_overlayer_lowered;
	s7 =	simm.s32 $_tile_overlayer_lowered  }
0x9c: {  	s22 =	simm.s32 $0x1BFF;
	s21 =	sshll.u32 s7, $0x1;
	s4 =	sadd.s32 s5, s19  }
0x9d: {  	s8 =	simm.s32 $0x0;
	s20 =	sshll.u32 s6, $0x1;
	s6 =	sadd.s32 s21, s4  }
0x9e: {  	[timem:s8], [sflag:s22] =	dma.local [hbm:s6], s20  }
0x9f: {  	_ =	swait.ge [sflag:s22], s20  }
0xa0: {  	s5 =	ssub.s32 $0x0, s20;
	[sflag:s22] =	ssyncset.done $0x0  }
0xa1: {  	[sflag:s22] =	ssyncadd.s32 s5;
	_ =	sdelay $0x1  }
0xa2: {  	s23 =	simm.s32 $0x1B8B  }
0xa3: {  	_ =	swait.ge [sflag:s23], $0x1  }
0xa4: {  	[sflag:s23] =	ssyncset.done $0x0  }
0xa5: {  	s25 =	simm.s32 $0x1B8E;
	s24 =	sld [smem:$0x3FFE];
	[sflag:s23] =	ssyncadd.s32 $0xFFFFFFFF  }
0xa6: {  	s26 =	simm.s32 $execute0_lowered;
	[smem:$0x3FD2] =	sst s25  }
0xa7: {  	s6 =	sshll.u32 s26, $0x1;
	_ =	strace $0x8000004C;
	[dreg:$0x1] =	wrdreg $0xFFFFFFFF  }
0xa8: {  	s28 =	simm.s32 $_size_execute0_lowered;
	s4 =	sadd.s32 s4, s6;
	[dreg:$0x0] =	wrdreg $0x0  }
0xa9: {  	s6 =	sshll.u32 s28, $0x1;
	[dreg:$0x2] =	wrdreg s4  }
0xaa: {  	[dreg:$0x3] =	wrdreg s6  }
0xab: {  	[dreg:$0x4] =	wrdreg $0xC0  }
0xac: {  	_ =	task [dreg:s8], $0x5FFFF  }
0xad: {  	[dreg:$0x1] =	wrdreg $0xFFFFFFFF  }
0xae: {  	[dreg:$0x0] =	wrdreg $0x60  }
0xaf: {  	[dreg:$0x2] =	wrdreg s24  }
0xb0: {  	[dreg:$0x3] =	wrdreg s2  }
0xb1: {  	[dreg:$0x4] =	wrdreg s18  }
0xb2: {  	[dreg:$0x5] =	wrdreg $0x9  }
0xb3: {  	_ =	task.clear_ibuf [dreg:s8], $0x6FFFF;
	_ =	strace $0x9000004C  }
0xb4: {  	s29 =	simm.s32 $0x9;
	_ =	strace $0x8000004E  }
0xb5: {  	_ =	swait.ge [sflag:s29], $0x1  }
0xb6: {  	[sflag:s29] =	ssyncadd.s32 $0xFFFFFFFF  }
0xb7: {  	_ =	strace $0x9000004E  }
0xb8: {  	_ =	sfence  }
0xb9: {  	s30 =	sld [smem:$0x0];
	_ =	sdelay $0x2  }
0xba: {  	s31 =	sshll.u32 s1, $0xD;
	s1 =	sshrl.u32 s1, $0x2  }
0xbb: {  	s3 =	sand.u32 $0x4000, s31;
	s1 =	sadd.s32 s1, s30  }
0xbc: {  	s0 =	sor.u32 s3, s0;
	s1 =	sshll.u32 s1, $0x11  }
0xbd: {  	s0 =	sor.u32 s1, s0  }
0xbe: {  	s0 =	sadd.s32 $0x8F2B, s0  }
0xbf: {  	[sflag:s0] =	ssyncadd.remote.s32 $0x1  }
0xc0: {  	_ =	sfence.sel $0xFFFF  }
0xc1: {  	[dreg:$0x0] =	wrdreg $0xFFFFFFFF;
	(pc) =	sbr.abs _section_cstart, $3  }
0xc2: {  	[dreg:$0x1] =	wrdreg $0xFFFFFFFF  }
0xc3: {  	_ =	task.clear_ibuf [dreg:s8], $0x2FFFF;
	_ =	strace $0x9FFFFFFF  }
0xc4: {  	(tm) =	ssettm $0x7FFFFFFF  }
0xc5: {  	_ =	shalt  }
tec
execute0_lowered:
.L_overlay_start_1:
0x0: {  	(tag) =	ssettag $0x1  }
0x1: {  	s5 =	rddreg [dreg:$0x0]  }
0x2: {  	s1 =	rddreg [dreg:$0x1]  }
0x3: {  	s2 =	rddreg [dreg:$0x2]  }
0x4: {  	s3 =	srdreg.scid;
	s0 =	rddreg [dreg:$0x3]  }
0x5: {  	s4 =	simm.s32 $0x0;
	s13 =	simm.s32 $0x7530;
	s14 =	simm.s32 $0x9C40  }
0x6: {  	s15 =	simm.s32 $0xDC40;
	s16 =	simm.s32 $0x1;
	s17 =	simm.s32 $0x11C40  }
0x7: {  	s18 =	simm.s32 $0x2;
	s19 =	simm.s32 $0x0;
	s6 =	sand.u32 $0x1, s3  }
0x8: {  	s3 =	stileid.u32;
	[smem:$0x7FF] =	sst s4;
	s7 =	sshll.u32 s6, $0x4  }
0x9: {  	s8 =	sadd.s32 $0x15000, s5;
	s10 =	sadd.s32 $0x1600, s5;
	s7 =	sor.u32 s3, s7  }
0xa: {  	_ =	strace $0x8000004D;
	s6 =	ssub.s32 $0x2, s6;
	s9 =	smul.u32 $0x4E20, s7  }
0xb: {  	s12 =	sshrl.u32 s6, $0x1;
	s11 =	sshll.u32 s7, $0xB;
	s7 =	smul.u32 $0x9C4, s7  }
0xc: {  	s12 =	ssub.s32 s6, s12;
	s11 =	sadd.s32 s11, s5;
	s9 =	sshrl.u32 s9, $0x3  }
0xd: {  	s5 =	sadd.s32 s8, s7;
	s7 =	sadd.s32 s10, s7;
	s9 =	sadd.s32 $0x4E2, s9  }
0xe: {  	s6 =	sadd.s32 s8, s9;
	s8 =	sadd.s32 s10, s9;
	s9 =	sadd.s32 $0x28A00, s11  }
0xf: {  	s10 =	smax.u32 s12, $0x1;
	s11 =	simm.s32 $0x2710;
	s12 =	simm.s32 $0x4E20  }
.LBB2_1:
0x10: {  	[tilespmem:s4], [sflag:$0x1] =	stream.linear.gather [hbm4b:s5+s4], $0x2710, $0x38;
	[tilespmem:$0x15C40] =	vst v63  }
0x11: {  	_ = 	snop  }
0x12: {  	[tilespmem:s11], [sflag:$0x1] =	stream.linear.gather [hbm4b:s6+s4], $0x2710, $0x38;
	[tilespmem:$0x15C40] =	vst v63  }
0x13: {  	_ = 	snop  }
0x14: {  	[tilespmem:s12], [sflag:$0x1] =	stream.linear.gather [hbm4b:s7+s4], $0x2710, $0x38;
	[tilespmem:$0x15C40] =	vst v63  }
0x15: {  	_ = 	snop  }
0x16: {  	[tilespmem:s13], [sflag:$0x1] =	stream.linear.gather [hbm4b:s8+s4], $0x2710, $0x38;
	[tilespmem:$0x15C40] =	vst v63  }
0x17: {  	_ = 	snop  }
0x18: {  	[tilespmem:s14], [sflag:$0x1] =	stream.linear.gather [hbm4b:s1+s4], $0x4000, $0x38;
	[tilespmem:$0x15C40] =	vst v63  }
0x19: {  	_ = 	snop  }
0x1a: {  	[tilespmem:s15], [sflag:$0x1] =	stream.linear.gather [hbm4b:s2+s4], $0x4000, $0x38;
	[tilespmem:$0x15C40] =	vst v63  }
0x1b: {  	_ =	swait.ge [sflag:s16], $0x2710  }
0x1c: {  	[sflag:s16] =	ssyncset.done $0x0  }
0x1d: {  	[sflag:s16] =	ssyncadd.s32 $0xFFFFD8F0  }
0x1e: {  	_ =	swait.ge [sflag:s16], $0x2710  }
0x1f: {  	[sflag:s16] =	ssyncset.done $0x0  }
0x20: {  	[sflag:s16] =	ssyncadd.s32 $0xFFFFD8F0  }
0x21: {  	_ =	swait.ge [sflag:s16], $0x2710  }
0x22: {  	[sflag:s16] =	ssyncset.done $0x0  }
0x23: {  	[sflag:s16] =	ssyncadd.s32 $0xFFFFD8F0  }
0x24: {  	_ =	swait.ge [sflag:s16], $0x2710  }
0x25: {  	[sflag:s16] =	ssyncset.done $0x0  }
0x26: {  	[sflag:s16] =	ssyncadd.s32 $0xFFFFD8F0  }
0x27: {  	_ =	swait.ge [sflag:s16], $0x4000  }
0x28: {  	[sflag:s16] =	ssyncset.done $0x0  }
0x29: {  	[sflag:s16] =	ssyncadd.s32 $0xFFFFC000  }
0x2a: {  	_ =	swait.ge [sflag:s16], $0x4000  }
0x2b: {  	[sflag:s16] =	ssyncset.done $0x0  }
0x2c: {  	s21 =	simm.s32 $0x9C80;
	[sflag:s16] =	ssyncadd.s32 $0xFFFFC000  }
0x2d: {  	v0 =	vld [tilespmem:s21+$0x30]  }
0x2e: {  	v1 =	vld [tilespmem:s21+$0xFFFFFFD0]  }
0x2f: {  	s20 =	simm.s32 $0xDC80;
	v2 =	vld [tilespmem:s21+$0xFFFFFFE0]  }
0x30: {  	v3 =	vld [tilespmem:s20+$0x30]  }
0x31: {  	v4 =	vld [tilespmem:s21+$0xFFFFFFF0]  }
0x32: {  	v5 =	vld [tilespmem:s21+$0x0]  }
0x33: {  	v6 =	vld [tilespmem:s21+$0x10]  }
0x34: {  	v7 =	vld [tilespmem:s21+$0x20]  }
0x35: {  	v9 =	vld [tilespmem:s21+$0xFFFFFFC0]  }
0x36: {  	v11 =	vld [tilespmem:s20+$0xFFFFFFC0]  }
0x37: {  	v12 =	vld [tilespmem:s20+$0xFFFFFFD0]  }
0x38: {  	v13 =	vld [tilespmem:s20+$0xFFFFFFE0]  }
0x39: {  	v14 =	vld [tilespmem:s20+$0xFFFFFFF0]  }
0x3a: {  	v15 =	vld [tilespmem:s20+$0x0]  }
0x3b: {  	v16 =	vld [tilespmem:s20+$0x10]  }
0x3c: {  	v17 =	vld [tilespmem:s20+$0x20]  }
0x3d: {  	v8 =	vld.idx.msk [tilespmem:v0+s4+$0x0], $0xffff  }
0x3e: {  	v0 =	vld.idx.msk [tilespmem:v0+s11+$0x0], $0xffff  }
0x3f: {  	v10 =	vld.idx.msk [tilespmem:v3+s12+$0x0], $0xffff  }
0x40: {  	v3 =	vld.idx.msk [tilespmem:v3+s13+$0x0], $0xffff  }
0x41: {  	v18 =	vld.idx.msk [tilespmem:v9+s4+$0x0], $0xffff  }
0x42: {  	v9 =	vld.idx.msk [tilespmem:v9+s11+$0x0], $0xffff  }
0x43: {  	v19 =	vld.idx.msk [tilespmem:v1+s4+$0x0], $0xffff  }
0x44: {  	v1 =	vld.idx.msk [tilespmem:v1+s11+$0x0], $0xffff  }
0x45: {  	v20 =	vld.idx.msk [tilespmem:v2+s4+$0x0], $0xffff  }
0x46: {  	v2 =	vld.idx.msk [tilespmem:v2+s11+$0x0], $0xffff  }
0x47: {  	v21 =	vld.idx.msk [tilespmem:v4+s4+$0x0], $0xffff  }
0x48: {  	v4 =	vld.idx.msk [tilespmem:v4+s11+$0x0], $0xffff  }
0x49: {  	v22 =	vld.idx.msk [tilespmem:v5+s4+$0x0], $0xffff  }
0x4a: {  	v5 =	vld.idx.msk [tilespmem:v5+s11+$0x0], $0xffff  }
0x4b: {  	v23 =	vld.idx.msk [tilespmem:v6+s4+$0x0], $0xffff  }
0x4c: {  	v6 =	vld.idx.msk [tilespmem:v6+s11+$0x0], $0xffff  }
0x4d: {  	v24 =	vld.idx.msk [tilespmem:v7+s4+$0x0], $0xffff  }
0x4e: {  	v7 =	vld.idx.msk [tilespmem:v7+s11+$0x0], $0xffff  }
0x4f: {  	v25 =	vld.idx.msk [tilespmem:v11+s12+$0x0], $0xffff  }
0x50: {  	v26 =	vld.idx.msk [tilespmem:v12+s12+$0x0], $0xffff  }
0x51: {  	v27 =	vld.idx.msk [tilespmem:v13+s12+$0x0], $0xffff  }
0x52: {  	v28 =	vld.idx.msk [tilespmem:v14+s12+$0x0], $0xffff  }
0x53: {  	v29 =	vld.idx.msk [tilespmem:v16+s12+$0x0], $0xffff;
	v0 =	vadd.f32 v0, v8  }
0x54: {  	v61 =	vld.idx.msk [tilespmem:v17+s12+$0x0], $0xffff;
	v1 =	vadd.f32 v1, v19  }
0x55: {  	v62 =	vld.idx.msk [tilespmem:v11+s13+$0x0], $0xffff;
	v2 =	vadd.f32 v2, v20;
	v0 =	vadd.f32 v10, v0  }
0x56: {  	v63 =	vadd.f32 v5, v22;
	v8 =	vld.idx.msk [tilespmem:v12+s13+$0x0], $0xffff;
	v6 =	vadd.f32 v6, v23  }
0x57: {  	v12 =	vadd.f32 v7, v24;
	v10 =	vld.idx.msk [tilespmem:v15+s12+$0x0], $0xffff;
	v30 =	vadd.f32 v3, v0  }
0x58: {  	v7 =	vld.idx.msk [tilespmem:v13+s13+$0x0], $0xffff;
	v0 =	vadd.f32 v9, v18;
	v3 =	vadd.f32 v4, v21  }
0x59: {  	v5 =	vld.idx.msk [tilespmem:v14+s13+$0x0], $0xffff;
	v11 =	vadd.f32 v26, v1;
	v1 =	vadd.f32 v61, v12  }
0x5a: {  	v13 =	vadd.f32 v25, v0;
	v4 =	vadd.f32 v28, v3;
	v3 =	vld.idx.msk [tilespmem:v15+s13+$0x0], $0xffff  }
0x5b: {  	s21 =	simm.s32 $0x11C80;
	v9 =	vadd.f32 v27, v2;
	v0 =	vadd.f32 v29, v6;
	v6 =	vld.idx.msk [tilespmem:v16+s13+$0x0], $0xffff  }
0x5c: {  	s22 =	simm.s32 $0x0;
	s23 =	simm.s32 $0x9D00;
	[tilespmem:s21+$0x30] =	vst v30;
	v2 =	vadd.f32 v10, v63;
	v10 =	vld.idx.msk [tilespmem:v17+s13+$0x0], $0xffff;
	v12 =	vadd.f32 v62, v13  }
.LBB2_2:
0x5d: {  	v13 =	vld [tilespmem:s23+$0x30];
	v8 =	vadd.f32 v8, v11  }
0x5e: {  	s22 =	sadd.s32 $0x8, s22;
	v7 =	vadd.f32 v7, v9;
	v11 =	vld [tilespmem:s23+$0xFFFFFFD0];
	[tilespmem:s21+$0xFFFFFFC0] =	vst v12  }
0x5f: {  	s20 =	sadd.s32 $0x80, s20;
	p0 =	slt.u32 s22, $0x3F8;
	v4 =	vadd.f32 v5, v4;
	v9 =	vld [tilespmem:s23+$0xFFFFFFE0];
	[tilespmem:s21+$0xFFFFFFD0] =	vst v8  }
0x60: {  	v2 =	vadd.f32 v3, v2;
	v5 =	vld [tilespmem:s20+$0x30];
	[tilespmem:s21+$0xFFFFFFE0] =	vst v7  }
0x61: {  	v0 =	vadd.f32 v6, v0;
	v3 =	vld [tilespmem:s23+$0xFFFFFFF0];
	[tilespmem:s21+$0xFFFFFFF0] =	vst v4  }
0x62: {  	v1 =	vadd.f32 v10, v1;
	v4 =	vld [tilespmem:s23+$0x0];
	[tilespmem:s21+$0x0] =	vst v2  }
0x63: {  	v2 =	vld [tilespmem:s23+$0x10];
	[tilespmem:s21+$0x10] =	vst v0  }
0x64: {  	v0 =	vld [tilespmem:s23+$0x20];
	[tilespmem:s21+$0x20] =	vst v1  }
0x65: {  	v1 =	vld.idx.msk [tilespmem:v13+s4+$0x0], $0xffff  }
0x66: {  	v6 =	vld.idx.msk [tilespmem:v13+s11+$0x0], $0xffff  }
0x67: {  	v7 =	vld [tilespmem:s23+$0xFFFFFFC0]  }
0x68: {  	v8 =	vld.idx.msk [tilespmem:v5+s12+$0x0], $0xffff  }
0x69: {  	v10 =	vld [tilespmem:s20+$0xFFFFFFC0]  }
0x6a: {  	v5 =	vld.idx.msk [tilespmem:v5+s13+$0x0], $0xffff  }
0x6b: {  	v12 =	vld [tilespmem:s20+$0xFFFFFFD0]  }
0x6c: {  	v1 =	vadd.f32 v6, v1;
	v13 =	vld [tilespmem:s20+$0xFFFFFFE0]  }
0x6d: {  	v6 =	vld [tilespmem:s20+$0xFFFFFFF0]  }
0x6e: {  	v1 =	vadd.f32 v8, v1;
	v14 =	vld [tilespmem:s20+$0x0]  }
0x6f: {  	v15 =	vld [tilespmem:s20+$0x10]  }
0x70: {  	v1 =	vadd.f32 v5, v1;
	v16 =	vld [tilespmem:s20+$0x20]  }
0x71: {  	s21 =	sadd.s32 $0x80, s21;
	v5 =	vld.idx.msk [tilespmem:v7+s4+$0x0], $0xffff  }
0x72: {  	v7 =	vld.idx.msk [tilespmem:v7+s11+$0x0], $0xffff;
	[tilespmem:s21+$0x30] =	vst v1  }
0x73: {  	v1 =	vld.idx.msk [tilespmem:v11+s4+$0x0], $0xffff  }
0x74: {  	v8 =	vld.idx.msk [tilespmem:v11+s11+$0x0], $0xffff  }
0x75: {  	v11 =	vld.idx.msk [tilespmem:v9+s4+$0x0], $0xffff  }
0x76: {  	v9 =	vld.idx.msk [tilespmem:v9+s11+$0x0], $0xffff  }
0x77: {  	v17 =	vld.idx.msk [tilespmem:v3+s4+$0x0], $0xffff  }
0x78: {  	v5 =	vadd.f32 v7, v5;
	v3 =	vld.idx.msk [tilespmem:v3+s11+$0x0], $0xffff  }
0x79: {  	v7 =	vld.idx.msk [tilespmem:v4+s4+$0x0], $0xffff  }
0x7a: {  	v1 =	vadd.f32 v8, v1;
	v4 =	vld.idx.msk [tilespmem:v4+s11+$0x0], $0xffff  }
0x7b: {  	v8 =	vld.idx.msk [tilespmem:v2+s4+$0x0], $0xffff  }
0x7c: {  	v9 =	vadd.f32 v9, v11;
	v2 =	vld.idx.msk [tilespmem:v2+s11+$0x0], $0xffff  }
0x7d: {  	v11 =	vld.idx.msk [tilespmem:v0+s4+$0x0], $0xffff  }
0x7e: {  	v3 =	vadd.f32 v3, v17;
	v0 =	vld.idx.msk [tilespmem:v0+s11+$0x0], $0xffff  }
0x7f: {  	v17 =	vld.idx.msk [tilespmem:v10+s12+$0x0], $0xffff  }
0x80: {  	v19 =	vadd.f32 v4, v7;
	v18 =	vld.idx.msk [tilespmem:v12+s12+$0x0], $0xffff  }
0x81: {  	v4 =	vld.idx.msk [tilespmem:v13+s12+$0x0], $0xffff  }
0x82: {  	v21 =	vadd.f32 v2, v8;
	v20 =	vld.idx.msk [tilespmem:v6+s12+$0x0], $0xffff  }
0x83: {  	v2 =	vld.idx.msk [tilespmem:v14+s12+$0x0], $0xffff  }
0x84: {  	v23 =	vadd.f32 v0, v11;
	v22 =	vld.idx.msk [tilespmem:v15+s12+$0x0], $0xffff  }
0x85: {  	v17 =	vadd.f32 v17, v5;
	v24 =	vld.idx.msk [tilespmem:v16+s12+$0x0], $0xffff  }
0x86: {  	v11 =	vadd.f32 v18, v1;
	v10 =	vld.idx.msk [tilespmem:v10+s13+$0x0], $0xffff  }
0x87: {  	v9 =	vadd.f32 v4, v9;
	v8 =	vld.idx.msk [tilespmem:v12+s13+$0x0], $0xffff  }
.Ltmp0:
0x88: {  	v4 =	vadd.f32 v20, v3;
	v7 =	vld.idx.msk [tilespmem:v13+s13+$0x0], $0xffff;
	(pc) =	sbr.rel @p0 .LBB2_2-.Ltmp0, $4  }
0x89: {  	v2 =	vadd.f32 v2, v19;
	v5 =	vld.idx.msk [tilespmem:v6+s13+$0x0], $0xffff  }
0x8a: {  	v0 =	vadd.f32 v22, v21;
	v3 =	vld.idx.msk [tilespmem:v14+s13+$0x0], $0xffff  }
0x8b: {  	v1 =	vadd.f32 v24, v23;
	v6 =	vld.idx.msk [tilespmem:v15+s13+$0x0], $0xffff  }
0x8c: {  	s23 =	sadd.s32 $0x80, s23;
	v12 =	vadd.f32 v10, v17;
	v10 =	vld.idx.msk [tilespmem:v16+s13+$0x0], $0xffff  }
0x8d: {  	v8 =	vadd.f32 v8, v11  }
0x8e: {  	v7 =	vadd.f32 v7, v9;
	[tilespmem:s21+$0xFFFFFFC0] =	vst v12  }
0x8f: {  	v4 =	vadd.f32 v5, v4;
	[tilespmem:s21+$0xFFFFFFD0] =	vst v8  }
0x90: {  	[tilespmem:s21+$0xFFFFFFE0] =	vst v7;
	v2 =	vadd.f32 v3, v2  }
0x91: {  	[tilespmem:s21+$0xFFFFFFF0] =	vst v4;
	v0 =	vadd.f32 v6, v0  }
0x92: {  	s19 =	sadd.s32 $0x1, s19;
	[tilespmem:s21+$0x0] =	vst v2;
	v1 =	vadd.f32 v10, v1  }
0x93: {  	p0 =	sne.s32 s19, s10;
	[tilespmem:s21+$0x10] =	vst v0  }
.Ltmp1:
0x94: {  	[tilespmem:s21+$0x20] =	vst v1;
	(pc) =	sbr.rel @p0 .LBB2_1-.Ltmp1, $4  }
0x95: {  	[hbm4b:s9+s4] =	stream.linear.scatter [tilespmem:s17], [sflag:$0x2], $0x4000, $0x38;
	[tilespmem:$0x15C40] =	vst v63  }
0x96: {  	_ =	swait.ge [sflag:s18], $0x4000  }
0x97: {  	[sflag:s18] =	ssyncset.done $0x0  }
0x98: {  	[sflag:s18] =	ssyncadd.s32 $0xFFFFC000  }
0x99: {  	_ =	sfence.sel $0x180000  }
0x9a: {  	[bflag:$0x0] =	sbarrier.arrive $0xFFFF  }
0x9b: {  	p0 =	sne.s32 s3, $0x0;
	_ =	strace $0x9000004D  }
0x9c: {  	s0 =	sadd.s32 @!p0 $0x100000, s0;
	[bflag:$0x2] =	sbarrier.arrive $0xFFFF  }
0x9d: {  	[sflag:s0] =	ssyncadd.tile.s32 @!p0 $0x1;
	_ =	shalt  }
.Lfunc_end2:
_tile_overlayer_lowered:
.L_overlay_start_2:
0x9e: {  	(tag) =	ssettag $0x2  }
0x9f: {  	s0 =	rddreg [dreg:$0x0];
	s2 =	stileid.u32  }
0xa0: {  	s1 =	rddreg [dreg:$0x1];
	p0 =	sne.s32 s2, $0x0  }
0xa1: {  	s3 =	rddreg [dreg:$0x2];
	[bflag:$0x3] =	sbarrier.arrive $0xFFFF;
	s2 =	simm.s32 @!p0 $0x1C02  }
0xa2: {  	[timem:s3], [sflag:s2] =	dma.local @!p0 [hbm:s0], s1  }
0xa3: {  	s0 =	simm.s32 @!p0 $0x2  }
0xa4: {  	_ =	swait.ge @!p0 [sflag:s0], s1  }
0xa5: {  	s1 =	ssub.s32 @!p0 $0x0, s1;
	[sflag:s0] =	ssyncset.done @!p0 $0x0  }
0xa6: {  	[sflag:s0] =	ssyncadd.s32 @!p0 s1  }
0xa7: {  	[bflag:$0x3] =	sbarrier.arrive $0xFFFF  }
0xa8: {  	_ =	shalt  }

// kernel: kernel.9.cloned.1.call-start
scs
__scs_entry_jumppad:
0x0: {  	(pc) =	sbr.rel $0x88, $3  }
0x1: {  	(tag) =	ssettag $0x0;
	lr =	simm.s32 $0x1  }
0x2: {  	[smem:$0x3F93] =	sst lr;
	_ =	strace $0xD0000000  }
0x3: {  	_ = 	snop  }
0x4: {  	_ = 	snop  }
0x5: {  	_ = 	snop  }
0x6: {  	_ = 	snop  }
0x7: {  	_ = 	snop  }
__scs_overlays_trampoline_lowered:
0x8: {  	[smem:$0x3FA2] =	sst s0  }
0x9: {  	[smem:$0x3FA3] =	sst s1  }
0xa: {  	[smem:$0x3FA4] =	sst s2  }
0xb: {  	[smem:$0x3FA5] =	sst s3  }
0xc: {  	[smem:$0x3FA6] =	sst s4  }
0xd: {  	[smem:$0x3FA7] =	sst s5  }
0xe: {  	[smem:$0x3FA8] =	sst s6  }
0xf: {  	[smem:$0x3FA9] =	sst s7  }
0x10: {  	[smem:$0x3FAA] =	sst s8  }
0x11: {  	[smem:$0x3FAB] =	sst s9;
	s0 =	simm.s32 @!p0 $0x0  }
0x12: {  	s1 =	sld [smem:$0x3F91];
	s0 =	simm.s32 @p0 $0x1  }
0x13: {  	[smem:$0x3FAC] =	sst s0;
	s0 =	simm.s32 @!p1 $0x0  }
0x14: {  	s2 =	sld [smem:$0x3F90];
	s0 =	simm.s32 @p1 $0x1  }
0x15: {  	[smem:$0x3FAD] =	sst s0;
	s0 =	simm.s32 @!p2 $0x0  }
0x16: {  	s3 =	sld [smem:$0x3FDB];
	s0 =	simm.s32 @p2 $0x1  }
0x17: {  	s4 =	simm.s32 $0x1BF5;
	[smem:$0x3FAF] =	sst s0  }
0x18: {  	s0 =	sld [smem:$0x3F92];
	_ =	swait.ge [sflag:s4], $0x0  }
0x19: {  	s7 =	sld [smem:$0x3F93]  }
0x1a: {  	s8 =	sadd.s32 $0xFFFFE003, lr  }
0x1b: {  	s9 =	sadd.s32 $0xFFFFFEF7, lr;
	s5 =	simm.s32 $0xFFFFFFFF;
	p2 =	slt.u32 s8, $0xFFFFF086  }
0x1c: {  	p1 =	slt.u32 s9, $0xF7A;
	s5 =	simm.s32 @!p2 $0x0  }
0x1d: {  	s5 =	simm.s32 @p1 $0x1;
	p0 =	seq.s32 s7, s2  }
0x1e: {  	s7 =	smul.u32 @!p0 $0xF7A, s2;
	p2 =	seq.s32 @!p0 s5, $0x0  }
0x1f: {  	s9 =	smul.u32 $0xF7A, s1;
	s8 =	simm.s32 @!p0 $0x1BF5;
	p2 =	por !p2, p0  }
0x20: {  	[sflag:s8] =	ssyncset.s32 @!p0 $0xFFFFF086;
	s6 =	sadd.s32 @!p0 s3, s7;
	s7 =	simm.s32 @!p0 $0x108  }
0x21: {  	s3 =	sadd.s32 s3, s9;
	s6 =	sadd.s32 @!p0 $0x88, s6;
	s7 =	simm.s32 @p2 $0x1082  }
0x22: {  	[simem:s7], [sflag:s8] =	dma.local @!p0 [hbm:s6], $0xF7A  }
0x23: {  	s9 =	sor.u32 $0xD0000000, s2;
	s6 =	simm.s32 $0x108;
	_ =	swait.ge @!p0 [sflag:s8], $0x0  }
0x24: {  	s3 =	sadd.s32 $0x88, s3;
	s6 =	simm.s32 @!p1 $0x1082;
	[sflag:s4] =	ssyncset.s32 $0xFFFFF086  }
0x25: {  	[simem:s6], [sflag:s4] =	dma.local [hbm:s3], $0xF7A  }
0x26: {  	[smem:$0x3F93] =	sst s1;
	(tag) =	ssettag s2;
	_ =	strace s9  }
0x27: {  	s1 =	sld [smem:$0x3FA3]  }
0x28: {  	s2 =	sld [smem:$0x3FA4]  }
0x29: {  	s4 =	sld [smem:$0x3FA6]  }
0x2a: {  	p0 =	seq.s32 s5, $0x0;
	s5 =	sld [smem:$0x3FA7]  }
0x2b: {  	s6 =	sld [smem:$0x3FA8]  }
0x2c: {  	s7 =	sld [smem:$0x3FA9]  }
0x2d: {  	s3 =	simm.s32 $0x108;
	s8 =	sld [smem:$0x3FAA]  }
0x2e: {  	s3 =	simm.s32 @!p0 $0x1082;
	s9 =	sld [smem:$0x3FAB]  }
0x2f: {  	lr =	sadd.s32 s0, s3;
	s0 =	sld [smem:$0x3FA2]  }
0x30: {  	s3 =	sld [smem:$0x3FA5]  }
0x31: {  	[smem:$0x3FAE] =	sst s10  }
0x32: {  	s10 =	sld [smem:$0x3FAC];
	_ =	sdelay $0x3  }
0x33: {  	p0 =	seq.s32 s10, $0x1;
	s10 =	sld [smem:$0x3FAE];
	_ =	sdelay $0x3  }
0x34: {  	[smem:$0x3FAE] =	sst s10  }
0x35: {  	s10 =	sld [smem:$0x3FAD];
	_ =	sdelay $0x3  }
0x36: {  	p1 =	seq.s32 s10, $0x1;
	s10 =	sld [smem:$0x3FAE];
	_ =	sdelay $0x3  }
0x37: {  	[smem:$0x3FAE] =	sst s10  }
0x38: {  	s10 =	sld [smem:$0x3FAF]  }
0x39: {  	_ = 	snop;
	(pc) =	sbr.ind lr, $3  }
0x3a: {  	_ = 	snop  }
0x3b: {  	_ = 	snop  }
0x3c: {  	p2 =	seq.s32 s10, $0x1;
	s10 =	sld [smem:$0x3FAE]  }
0x3d: {  	_ =	shalt  }
0x3e: {  	_ =	shalt  }
0x3f: {  	_ =	shalt  }
0x40: {  	_ =	shalt  }
0x41: {  	_ =	shalt  }
0x42: {  	_ =	shalt  }
0x43: {  	_ =	shalt  }
0x44: {  	_ =	shalt  }
0x45: {  	_ =	shalt  }
0x46: {  	_ =	shalt  }
0x47: {  	_ =	shalt  }
0x48: {  	_ =	shalt  }
0x49: {  	_ =	shalt  }
0x4a: {  	_ =	shalt  }
0x4b: {  	_ =	shalt  }
0x4c: {  	_ =	shalt  }
0x4d: {  	_ =	shalt  }
0x4e: {  	_ =	shalt  }
0x4f: {  	_ =	shalt  }
0x50: {  	_ =	shalt  }
0x51: {  	_ =	shalt  }
0x52: {  	_ =	shalt  }
0x53: {  	_ =	shalt  }
0x54: {  	_ =	shalt  }
0x55: {  	_ =	shalt  }
0x56: {  	_ =	shalt  }
0x57: {  	_ =	shalt  }
0x58: {  	_ =	shalt  }
0x59: {  	_ =	shalt  }
0x5a: {  	_ =	shalt  }
0x5b: {  	_ =	shalt  }
0x5c: {  	_ =	shalt  }
0x5d: {  	_ =	shalt  }
0x5e: {  	_ =	shalt  }
0x5f: {  	_ =	shalt  }
0x60: {  	_ =	shalt  }
0x61: {  	_ =	shalt  }
0x62: {  	_ =	shalt  }
0x63: {  	_ =	shalt  }
0x64: {  	_ =	shalt  }
0x65: {  	_ =	shalt  }
0x66: {  	_ =	shalt  }
0x67: {  	_ =	shalt  }
0x68: {  	_ =	shalt  }
0x69: {  	_ =	shalt  }
0x6a: {  	_ =	shalt  }
0x6b: {  	_ =	shalt  }
0x6c: {  	_ =	shalt  }
0x6d: {  	_ =	shalt  }
0x6e: {  	_ =	shalt  }
0x6f: {  	_ =	shalt  }
0x70: {  	_ =	shalt  }
0x71: {  	_ =	shalt  }
0x72: {  	_ =	shalt  }
0x73: {  	_ =	shalt  }
0x74: {  	_ =	shalt  }
0x75: {  	_ =	shalt  }
0x76: {  	_ =	shalt  }
0x77: {  	_ =	shalt  }
0x78: {  	_ =	shalt  }
0x79: {  	_ =	shalt  }
0x7a: {  	_ =	shalt  }
0x7b: {  	_ =	shalt  }
0x7c: {  	_ =	shalt  }
0x7d: {  	_ =	shalt  }
0x7e: {  	_ =	shalt  }
0x7f: {  	_ =	shalt  }
0x80: {  	_ =	shalt  }
0x81: {  	_ =	shalt  }
0x82: {  	_ =	shalt  }
0x83: {  	_ =	shalt  }
0x84: {  	_ =	shalt  }
0x85: {  	_ =	shalt  }
0x86: {  	_ =	shalt  }
0x87: {  	_ =	shalt  }
.Lfunc_end0:
.L_simem_size_0:
called_computation_lowered:
.L_overlay_start_0:
0x88: {  	s2 =	sld [smem:$0x3FD9]  }
0x89: {  	s3 =	sld [smem:$0x3FFE];
	_ =	sdelay $0x1  }
0x8a: {  	s1 =	srdreg.scid  }
0x8b: {  	s0 =	sand.u32 $0x1, s1  }
0x8c: {  	s17 =	sshll.u32 s0, $0xA;
	s2 =	sadd.s32 s3, s2  }
0x8d: {  	s2 =	sadd.s32 s2, s17  }
0x8e: {  	[smem:$0x3FBA] =	sst s2  }
0x8f: {  	_ = 	snop  }
0x90: {  	s2 =	sld [smem:$0x3FD0];
	(tm) =	ssettm $0x1  }
0x91: {  	s18 =	sld [smem:$0x3FFB];
	_ =	sdelay $0x3  }
0x92: {  	_ =	strace s18  }
0x93: {  	s3 =	sld [smem:$0x3FFC];
	_ =	sdelay $0x3  }
0x94: {  	_ =	strace s3  }
0x95: {  	s3 =	sld [smem:$0x3FFD];
	_ =	sdelay $0x3  }
0x96: {  	_ =	strace s3  }
0x97: {  	_ =	strace $0x8FFFFFFF  }
0x98: {  	s19 =	sld [smem:$0x3FDB];
	_ =	sdelay $0x1  }
0x99: {  	s4 =	simm.s32 $_scs_section_size  }
0x9a: {  	s5 =	simm.s32 $_size__tile_overlayer_lowered;
	s6 =	simm.s32 $_tile_overlayer_lowered  }
0x9b: {  	s22 =	simm.s32 $0x1BFF;
	s21 =	sshll.u32 s6, $0x1;
	s3 =	sadd.s32 s4, s19  }
0x9c: {  	s7 =	simm.s32 $0x0;
	s20 =	sshll.u32 s5, $0x1;
	s5 =	sadd.s32 s21, s3  }
0x9d: {  	[timem:s7], [sflag:s22] =	dma.local [hbm:s5], s20  }
0x9e: {  	_ =	swait.ge [sflag:s22], s20  }
0x9f: {  	s4 =	ssub.s32 $0x0, s20;
	[sflag:s22] =	ssyncset.done $0x0  }
0xa0: {  	[sflag:s22] =	ssyncadd.s32 s4;
	_ =	sdelay $0x1  }
0xa1: {  	s23 =	simm.s32 $0x1B8B  }
0xa2: {  	_ =	swait.ge [sflag:s23], $0x1  }
0xa3: {  	[sflag:s23] =	ssyncset.done $0x0  }
0xa4: {  	s25 =	simm.s32 $0x1B8E;
	s24 =	sld [smem:$0x3FFE];
	[sflag:s23] =	ssyncadd.s32 $0xFFFFFFFF  }
0xa5: {  	s26 =	simm.s32 $execute0_lowered;
	[smem:$0x3FD2] =	sst s25  }
0xa6: {  	s5 =	sshll.u32 s26, $0x1;
	_ =	strace $0x80000046;
	[dreg:$0x1] =	wrdreg $0xFFFFFFFF  }
0xa7: {  	s28 =	simm.s32 $_size_execute0_lowered;
	s3 =	sadd.s32 s3, s5;
	[dreg:$0x0] =	wrdreg $0x0  }
0xa8: {  	s5 =	sshll.u32 s28, $0x1;
	[dreg:$0x2] =	wrdreg s3  }
0xa9: {  	[dreg:$0x3] =	wrdreg s5  }
0xaa: {  	[dreg:$0x4] =	wrdreg $0xC0  }
0xab: {  	_ =	task [dreg:s7], $0x5FFFF  }
0xac: {  	[dreg:$0x1] =	wrdreg $0xFFFFFFFF  }
0xad: {  	[dreg:$0x0] =	wrdreg $0x60  }
0xae: {  	[dreg:$0x2] =	wrdreg s24  }
0xaf: {  	[dreg:$0x3] =	wrdreg s2  }
0xb0: {  	[dreg:$0x4] =	wrdreg $0x9  }
0xb1: {  	_ =	task.clear_ibuf [dreg:s7], $0x5FFFF;
	_ =	strace $0x90000046  }
0xb2: {  	s29 =	simm.s32 $0x9;
	_ =	strace $0x80000048  }
0xb3: {  	_ =	swait.ge [sflag:s29], $0x1  }
0xb4: {  	[sflag:s29] =	ssyncadd.s32 $0xFFFFFFFF  }
0xb5: {  	_ =	strace $0x90000048  }
0xb6: {  	_ =	sfence  }
0xb7: {  	s30 =	sld [smem:$0x0];
	_ =	sdelay $0x2  }
0xb8: {  	s31 =	sshll.u32 s1, $0xD;
	s1 =	sshrl.u32 s1, $0x2  }
0xb9: {  	s3 =	sand.u32 $0x4000, s31;
	s1 =	sadd.s32 s1, s30  }
0xba: {  	s0 =	sor.u32 s3, s0;
	s1 =	sshll.u32 s1, $0x11  }
0xbb: {  	s0 =	sor.u32 s1, s0  }
0xbc: {  	s0 =	sadd.s32 $0x8F2B, s0  }
0xbd: {  	[sflag:s0] =	ssyncadd.remote.s32 $0x1  }
0xbe: {  	_ =	sfence.sel $0xFFFF  }
0xbf: {  	[dreg:$0x0] =	wrdreg $0xFFFFFFFF;
	(pc) =	sbr.abs _section_cstart, $3  }
0xc0: {  	[dreg:$0x1] =	wrdreg $0xFFFFFFFF  }
0xc1: {  	_ =	task.clear_ibuf [dreg:s7], $0x2FFFF;
	_ =	strace $0x9FFFFFFF  }
0xc2: {  	(tm) =	ssettm $0x7FFFFFFF  }
0xc3: {  	_ =	shalt  }
tec
execute0_lowered:
.L_overlay_start_1:
0x0: {  	(tag) =	ssettag $0x1  }
0x1: {  	s0 =	rddreg [dreg:$0x0];
	s1 =	srdreg.scid;
	s3 =	simm.s32 $0x0  }
0x2: {  	s16 =	stileid.u32;
	s1 =	sand.u32 $0x1, s1;
	[smem:$0x7FF] =	sst s3  }
0x3: {  	s4 =	sadd.s32 $0x1600, s0;
	s5 =	sadd.s32 $0x15000, s0;
	s6 =	sadd.s32 $0x15600, s0  }
0x4: {  	s9 =	sadd.s32 $0x50600, s0;
	s7 =	sadd.s32 $0x29200, s0;
	s10 =	sadd.s32 $0x3CC00, s0  }
0x5: {  	s8 =	sadd.s32 $0x6DE00, s0;
	s11 =	sshll.u32 s16, $0x1;
	s12 =	sand.u32 $0x1, s16  }
0x6: {  	s2 =	sshll.u32 s1, $0x4;
	_ =	strace $0x80000047;
	[dreg:$0x3] =	wrdreg s5  }
0x7: {  	s5 =	sadd.s32 $0x1F400, s0;
	s20 =	ssub.s32 $0x2, s1;
	s13 =	sshll.u32 s1, $0x5  }
0x8: {  	s11 =	sand.u32 $0x1C, s11;
	s21 =	sshll.u32 s12, $0x1;
	s18 =	smul.u32 $0x4E200, s1  }
0x9: {  	s31 =	smul.u32 $0x27100, s12;
	s2 =	sor.u32 s16, s2;
	s11 =	sor.u32 s13, s11  }
0xa: {  	s14 =	sshrl.u32 s20, $0x1;
	s16 =	smul.u32 $0x4E20, s16;
	s15 =	sor.u32 s21, s11  }
0xb: {  	s13 =	sadd.s32 $0xFFFFFFFF, s21;
	s17 =	sxor.u32 $0x2, s15;
	s15 =	smul.u32 $0x4E2, s15  }
0xc: {  	s2 =	smul.u32 $0x4E2, s2;
	s13 =	sand.u32 $0x3, s13;
	s1 =	sadd.s32 s18, s31  }
0xd: {  	s11 =	sor.u32 s11, s13;
	s29 =	sadd.s32 $0x1F40, s1;
	s24 =	sadd.s32 s4, s15  }
0xe: {  	s2 =	sadd.s32 s2, s0;
	s19 =	sadd.s32 s10, s15;
	[dreg:$0x4] =	wrdreg s24  }
0xf: {  	s0 =	ssub.s32 s20, s14;
	s20 =	sadd.s32 s9, s15;
	[dreg:$0xa] =	wrdreg s19  }
0x10: {  	s22 =	smul.u32 $0x4E2, s17;
	s2 =	sadd.s32 $0x64000, s2;
	[dreg:$0xb] =	wrdreg s20  }
0x11: {  	s23 =	sadd.s32 $0x4E2, s15;
	s0 =	smax.u32 s0, $0x1;
	[dreg:$0x11] =	wrdreg s2  }
0x12: {  	s11 =	smul.u32 $0x4E2, s11;
	s25 =	sadd.s32 s4, s23;
	[dreg:$0x14] =	wrdreg s0  }
0x13: {  	s30 =	sadd.s32 $0x3E80, s1;
	s26 =	sadd.s32 s4, s22;
	[dreg:$0x5] =	wrdreg s25  }
0x14: {  	s14 =	sshrl.u32 s16, $0x3;
	s28 =	sadd.s32 s4, s11;
	[dreg:$0x6] =	wrdreg s26  }
0x15: {  	s15 =	simm.s32 $0x2;
	s12 =	sadd.s32 s10, s22;
	[dreg:$0x7] =	wrdreg s28  }
0x16: {  	s13 =	sadd.s32 s10, s11;
	s21 =	sadd.s32 s10, s23;
	[dreg:$0x8] =	wrdreg s12  }
0x17: {  	s22 =	sadd.s32 s9, s23;
	s23 =	sadd.s32 s5, s14;
	[dreg:$0x9] =	wrdreg s13  }
0x18: {  	s24 =	sadd.s32 s6, s14;
	s0 =	simm.s32 $0x4E20;
	[dreg:$0xc] =	wrdreg s21  }
0x19: {  	s14 =	simm.s32 $0x5;
	s10 =	simm.s32 $0x1;
	[dreg:$0xd] =	wrdreg s22  }
0x1a: {  	s11 =	simm.s32 $0x1A5E0;
	s19 =	simm.s32 $0x9C40;
	[dreg:$0xe] =	wrdreg s23  }
0x1b: {  	s20 =	simm.s32 $0xC350;
	s4 =	simm.s32 $0x0;
	[dreg:$0xf] =	wrdreg s24  }
0x1c: {  	s25 =	sadd.s32 $0x7D0, s16;
	s22 =	smov.u32 s18;
	s23 =	sadd.s32 s16, s18  }
0x1d: {  	s26 =	sshrl.u32 s1, $0x3;
	s24 =	sadd.s32 $0xFA0, s16;
	s1 =	simm.s32 $0x7530  }
0x1e: {  	s13 =	simm.s32 $0x13880;
	[dreg:$0x10] =	wrdreg s25;
	s28 =	sadd.s32 s8, s26  }
0x1f: {  	s16 =	simm.s32 $0x1CCF0;
	s31 =	sadd.s32 s7, s26;
	[dreg:$0x12] =	wrdreg s28  }
0x20: {  	v0 =	vimm.f32 $0.0e+00;
	s21 =	simm.s32 $0xEA60;
	s25 =	simm.s32 $0x11170;
	[dreg:$0x13] =	wrdreg s31  }
.LBB2_1:
0x21: {  	[dreg:$0x15] =	wrdreg s4  }
0x22: {  	s2 =	rddreg [dreg:$0x1]  }
0x23: {  	[tilespmem:s0], [sflag:$0x5] =	stream.linear.gather [hbm4b:s2+s3], $0x2710, $0x38;
	[tilespmem:$0x1EC30] =	vst v63  }
0x24: {  	_ =	swait.ge [sflag:s14], $0x2710  }
0x25: {  	[sflag:s14] =	ssyncset.done $0x0  }
0x26: {  	s31 =	rddreg [dreg:$0x3];
	[sflag:s14] =	ssyncadd.s32 $0xFFFFD8F0  }
0x27: {  	[tilespmem:s1], [sflag:$0x5] =	stream.linear.gather [hbm4b:s31+s3], $0x2710, $0x38;
	[tilespmem:$0x1EC30] =	vst v63  }
0x28: {  	_ =	swait.ge [sflag:s14], $0x2710  }
0x29: {  	[sflag:s14] =	ssyncset.done $0x0  }
0x2a: {  	s4 =	simm.s32 $0x40;
	s2 =	simm.s32 $0x0;
	[sflag:s14] =	ssyncadd.s32 $0xFFFFD8F0  }
.LBB2_2:
0x2b: {  	p0 =	sne.s32 s4, $0x9C00;
	[tilespmem:s2+$0x13880] =	vst v0;
	s9 =	smov.u32 s4;
	s4 =	sadd.s32 $0x40, s4  }
.Ltmp0:
0x2c: {  	[tilespmem:s2+$0x11170] =	vst v0;
	(pc) =	sbr.rel @p0 .LBB2_2-.Ltmp0, $4  }
0x2d: {  	[tilespmem:s2+$0xEA60] =	vst v0  }
0x2e: {  	[tilespmem:s2+$0x9C40] =	vst v0  }
0x2f: {  	[tilespmem:s2+$0xC350] =	vst v0  }
0x30: {  	s2 =	sshra.s32 s9, $0x2  }
0x31: {  	[tilespmem:s2+$0x13880] =	vst v0  }
0x32: {  	[tilespmem:s2+$0x11170] =	vst v0  }
0x33: {  	[tilespmem:s2+$0xEA60] =	vst v0  }
0x34: {  	[tilespmem:s2+$0x9C40] =	vst v0  }
0x35: {  	[tilespmem:s2+$0xC350] =	vst v0;
	s31 =	simm.s32 $0x0;
	s18 =	rddreg [dreg:$0xe];
	s4 =	simm.s32 $0x15F90  }
0x36: {  	[tilespmem:s4], [sflag:$0x1] =	stream.linear.gather [hbm4b:s18+s31], $0x7D0, $0x38;
	[tilespmem:$0x1EC30] =	vst v63  }
0x37: {  	s26 =	rddreg [dreg:$0xf];
	s28 =	simm.s32 $0x17ED0  }
0x38: {  	[tilespmem:s28], [sflag:$0x1] =	stream.linear.gather [hbm4b:s26+s31], $0x7D0, $0x38;
	[tilespmem:$0x1EC30] =	vst v63  }
.LBB2_4:
0x39: {  	_ =	swait.ge [sflag:s10], $0x7D0  }
0x3a: {  	[sflag:s10] =	ssyncset.done $0x0  }
0x3b: {  	[sflag:s10] =	ssyncadd.s32 $0xFFFFF830  }
0x3c: {  	_ =	swait.ge [sflag:s10], $0x7D0  }
0x3d: {  	p0 =	seq.s32 s31, $0x0;
	[sflag:s10] =	ssyncset.done $0x0  }
0x3e: {  	s2 =	simm.s32 @!p0 $0x4;
	[sflag:s10] =	ssyncadd.s32 $0xFFFFF830  }
0x3f: {  	_ =	swait.ge @!p0 [sflag:s2], $0x7D0  }
0x40: {  	[sflag:s2] =	ssyncset.done @!p0 $0x0  }
0x41: {  	[sflag:s2] =	ssyncadd.s32 @!p0 $0xFFFFF830  }
0x42: {  	s17 =	smul.u32 $0xFA0, s31;
	_ =	swait.ge @!p0 [sflag:s2], $0x7D0  }
0x43: {  	s4 =	rddreg [dreg:$0x10]  }
0x44: {  	s28 =	sadd.s32 s17, s4  }
0x45: {  	[sflag:s2] =	ssyncset.done @!p0 $0x0;
	s4 =	sshrl.u32 s28, $0x3  }
0x46: {  	[sflag:s2] =	ssyncadd.s32 @!p0 $0xFFFFF830;
	s26 =	sadd.s32 s5, s4  }
0x47: {  	[tilespmem:s11], [sflag:$0x2] =	stream.linear.gather [hbm4b:s26+s3], $0x7D0, $0x38;
	[tilespmem:$0x1EC30] =	vst v63  }
0x48: {  	s9 =	simm.s32 $0x1C520;
	s4 =	sadd.s32 s6, s4;
	s26 =	simm.s32 $0x15FB0  }
0x49: {  	[tilespmem:s9], [sflag:$0x2] =	stream.linear.gather [hbm4b:s4+s3], $0x7D0, $0x38;
	[tilespmem:$0x1EC30] =	vst v63  }
0x4a: {  	s12 =	simm.s32 $0x17EF0;
	v4 =	vld [tilespmem:s26+$0x10]  }
0x4b: {  	v6 =	vld [tilespmem:s12+$0x10]  }
0x4c: {  	v13 =	vld [tilespmem:s26+$0xFFFFFFF0]  }
0x4d: {  	v14 =	vld [tilespmem:s26+$0x0]  }
0x4e: {  	v2 =	vld [tilespmem:s12+$0xFFFFFFF0]  }
0x4f: {  	v11 =	vld [tilespmem:s12+$0x0]  }
0x50: {  	v5 =	vld [tilespmem:s12+$0xFFFFFFE0]  }
0x51: {  	v10 =	vld [tilespmem:s26+$0xFFFFFFE0]  }
0x52: {  	v1 =	vld.idx.msk [tilespmem:v4+s0+$0x0], $0xffff  }
0x53: {  	v3 =	vld.idx.msk [tilespmem:v6+s1+$0x0], $0xffff;
	_ =	sdelay $0x2  }
0x54: {  	v8 =	vld.idx.msk [tilespmem:v14+s0+$0x0], $0xffff  }
0x55: {  	v17 =	vld.idx.msk [tilespmem:v11+s1+$0x0], $0xffff  }
0x56: {  	v15 =	vld.idx.msk [tilespmem:v13+s0+$0x0], $0xffff;
	v3 =	vadd.f32 v3, v1  }
0x57: {  	v18 =	vld.idx.msk [tilespmem:v5+s1+$0x0], $0xffff  }
0x58: {  	v19 =	vld.idx.msk [tilespmem:v10+s0+$0x0], $0xffff;
	v7 =	vmul.f32 $2.000000030e-01, v3  }
0x59: {  	s18 =	simm.s32 $0x15FF0;
	v16 =	vld.idx.msk [tilespmem:v2+s1+$0x0], $0xffff;
	vm0 =	vge.f32 v3, $0.0e+00  }
0x5a: {  	v23 =	vld [tilespmem:s18+$0xFFFFFFF0];
	v17 =	vadd.f32 v17, v8;
	v3 =	vsel vm0, v3, v7  }
0x5b: {  	s14 =	simm.s32 $0x17F30;
	v25 =	vld [tilespmem:s18+$0x0];
	v20 =	vmul.f32 $1.442695020e+00, v3  }
0x5c: {  	v1 =	vld [tilespmem:s14+$0xFFFFFFF0];
	v21 =	vmul.f32 $2.000000030e-01, v17  }
0x5d: {  	v9 =	vld [tilespmem:s14+$0x0];
	vm14 =	vge.f32 v17, $0.0e+00;
	(erf) = vpow2.f32 v20;
	v20 =	vadd.f32 v18, v19  }
0x5e: {  	v22 =	vadd.f32 v16, v15;
	v7 =	vld [tilespmem:s18+$0x10];
	v17 =	vsel vm14, v17, v21;
	v18 =	vshll.u32 v11, $0xE  }
0x5f: {  	v12 =	vld [tilespmem:s14+$0x10];
	v17 =	vmul.f32 $1.442695020e+00, v17;
	v15 =	vor.u32 v14, v18;
	v14 =	vmul.f32 $2.000000030e-01, v20  }
0x60: {  	v3 =	vld [tilespmem:s14+$0xFFFFFFE0];
	vm1 =	vge.f32 v20, $0.0e+00  }
0x61: {  	v8 =	vld [tilespmem:s18+$0xFFFFFFE0];
	(erf) = vpow2.f32 v17;
	v14 =	vsel vm1, v20, v14  }
0x62: {  	v16 =	vld.idx.msk [tilespmem:v23+s0+$0x0], $0xffff;
	v26 =	vmul.f32 $1.442695020e+00, v14  }
0x63: {  	v21 =	vmul.f32 $2.000000030e-01, v22;
	v19 =	vld.idx.msk [tilespmem:v25+s0+$0x0], $0xffff  }
0x64: {  	vm15 =	vge.f32 v22, $0.0e+00;
	v18 =	vld.idx.msk [tilespmem:v1+s1+$0x0], $0xffff;
	(erf) = vpow2.f32 v26  }
0x65: {  	v21 =	vsel vm15, v22, v21;
	v20 =	vld.idx.msk [tilespmem:v9+s1+$0x0], $0xffff  }
0x66: {  	v24 =	vshll.u32 v2, $0xE;
	v27 =	vmul.f32 $1.442695020e+00, v21;
	v22 =	vld.idx.msk [tilespmem:v7+s0+$0x0], $0xffff  }
0x67: {  	v14 =	vor.u32 v13, v24;
	v24 =	vld.idx.msk [tilespmem:v12+s1+$0x0], $0xffff  }
0x68: {  	s2 =	simm.s32 $0x16030;
	s4 =	simm.s32 $0x4;
	v28 =	vshll.u32 v1, $0xE;
	v13 =	vshll.u32 v9, $0xE;
	v21 =	vld.idx.msk [tilespmem:v3+s1+$0x0], $0xffff;
	(erf) = vpow2.f32 v27  }
0x69: {  	s9 =	simm.s32 $0x17F70;
	s12 =	simm.s32 $0x186C0;
	s14 =	simm.s32 $0x186C0;
	v17 =	vor.u32 v25, v13;
	v13 =	vor.u32 v23, v28;
	v23 =	vld.idx.msk [tilespmem:v8+s0+$0x0], $0xffff;
	v25 =	vpop (erf)  }
.LBB2_5:
0x6a: {  	v26 =	vld [tilespmem:s9+$0xFFFFFFE0];
	s4 =	sadd.s32 $0x4, s4;
	[tilespmem:s12+$0x10] =	vst v25;
	s14 =	sadd.s32 $0x40, s14;
	v27 =	vpop (erf)  }
0x6b: {  	v28 =	vld [tilespmem:s2+$0x0];
	p0 =	slt.u32 s4, $0x78;
	[tilespmem:s12+$0x0] =	vst v27  }
0x6c: {  	[tilespmem:v11+s13+$0x0] =	vst.idx.add.f32.msk $0xffff, v27;
	v11 =	vmov v9  }
0x6d: {  	v22 =	vadd.f32 v24, v22;
	[tilespmem:v6+s13+$0x0] =	vst.idx.add.f32.msk $0xffff, v25;
	v24 =	vpop (erf)  }
0x6e: {  	v19 =	vadd.f32 v20, v19;
	v20 =	vshll.u32 v6, $0xE;
	v6 =	vmov v12;
	v25 =	vld [tilespmem:s2+$0xFFFFFFF0];
	[tilespmem:s12+$0xFFFFFFE0] =	vst v24  }
0x6f: {  	v30 =	vor.u32 v4, v20;
	v4 =	vmovc v7;
	v21 =	vadd.f32 v21, v23;
	v12 =	vmul.f32 $2.000000030e-01, v22;
	v9 =	vld [tilespmem:s9+$0x0];
	[tilespmem:s26+$0x0] =	vst v15  }
0x70: {  	v27 =	vshll.u32 v5, $0xE;
	v23 =	vmul.f32 $2.000000030e-01, v19;
	vm0 =	vge.f32 v22, $0.0e+00;
	v15 =	vmovc v17;
	v20 =	vld [tilespmem:s9+$0xFFFFFFF0];
	[tilespmem:s26+$0x10] =	vst v30  }
0x71: {  	vm1 =	vge.f32 v19, $0.0e+00;
	v17 =	vmul.f32 $2.000000030e-01, v21;
	v22 =	vsel vm0, v22, v12;
	v7 =	vld [tilespmem:s2+$0x10];
	v29 =	vpop (erf)  }
0x72: {  	vm0 =	vge.f32 v21, $0.0e+00;
	v19 =	vsel vm1, v19, v23;
	v22 =	vmul.f32 $1.442695020e+00, v22;
	v12 =	vld [tilespmem:s9+$0x10];
	[tilespmem:s12+$0xFFFFFFF0] =	vst v29;
	s12 =	smov.u32 s14  }
0x73: {  	v19 =	vmul.f32 $1.442695020e+00, v19;
	v17 =	vsel vm0, v21, v17;
	[tilespmem:v5+s13+$0x0] =	vst.idx.add.f32.msk $0xffff, v24;
	v24 =	vor.u32 v10, v27  }
0x74: {  	v21 =	vmul.f32 $1.442695020e+00, v17;
	v5 =	vmovc v3;
	v3 =	vmovc v26;
	v23 =	vld [tilespmem:s2+$0xFFFFFFE0];
	v27 =	vshll.u32 v9, $0xE;
	(erf) = vpow2.f32 v22;
	[tilespmem:s26+$0xFFFFFFE0] =	vst v24  }
0x75: {  	v22 =	vadd.f32 v18, v16;
	v17 =	vor.u32 v28, v27;
	(erf) = vpow2.f32 v19;
	[tilespmem:v2+s13+$0x0] =	vst.idx.add.f32.msk $0xffff, v29  }
0x76: {  	v10 =	vmovc v8;
	v18 =	vshll.u32 v20, $0xE;
	v2 =	vmovc v1;
	v1 =	vmov v20;
	v16 =	vld.idx.msk [tilespmem:v25+s0+$0x0], $0xffff;
	[tilespmem:s26+$0xFFFFFFF0] =	vst v14;
	v14 =	vmov v13;
	s26 =	smov.u32 s18;
	s18 =	smov.u32 s2  }
0x77: {  	v13 =	vor.u32 v25, v18;
	v24 =	vmul.f32 $2.000000030e-01, v22;
	v19 =	vld.idx.msk [tilespmem:v28+s0+$0x0], $0xffff  }
0x78: {  	vm0 =	vge.f32 v22, $0.0e+00;
	v18 =	vld.idx.msk [tilespmem:v20+s1+$0x0], $0xffff;
	(erf) = vpow2.f32 v21  }
.Ltmp1:
0x79: {  	v21 =	vsel vm0, v22, v24;
	v20 =	vld.idx.msk [tilespmem:v9+s1+$0x0], $0xffff;
	v8 =	vmov v23;
	(pc) =	sbr.rel @p0 .LBB2_5-.Ltmp1, $4  }
0x7a: {  	v27 =	vmul.f32 $1.442695020e+00, v21;
	v22 =	vld.idx.msk [tilespmem:v7+s0+$0x0], $0xffff  }
0x7b: {  	v24 =	vld.idx.msk [tilespmem:v12+s1+$0x0], $0xffff  }
0x7c: {  	v21 =	vld.idx.msk [tilespmem:v26+s1+$0x0], $0xffff;
	(erf) = vpow2.f32 v27  }
0x7d: {  	s9 =	sadd.s32 $0x40, s9;
	s2 =	sadd.s32 $0x40, s2;
	v23 =	vld.idx.msk [tilespmem:v23+s0+$0x0], $0xffff;
	v25 =	vpop (erf)  }
0x7e: {  	_ =	sdelay $0x1  }
0x7f: {  	v22 =	vadd.f32 v24, v22  }
0x80: {  	v19 =	vadd.f32 v20, v19  }
0x81: {  	v20 =	vmul.f32 $2.000000030e-01, v22  }
0x82: {  	v24 =	vmul.f32 $2.000000030e-01, v19;
	vm0 =	vge.f32 v22, $0.0e+00  }
0x83: {  	vm1 =	vge.f32 v19, $0.0e+00;
	v21 =	vadd.f32 v21, v23;
	v20 =	vsel vm0, v22, v20  }
0x84: {  	[tilespmem:s12+$0x10] =	vst v25;
	v19 =	vsel vm1, v19, v24;
	v20 =	vmul.f32 $1.442695020e+00, v20  }
0x85: {  	[tilespmem:v6+s13+$0x0] =	vst.idx.add.f32.msk $0xffff, v25;
	v6 =	vshll.u32 v6, $0xE;
	v19 =	vmul.f32 $1.442695020e+00, v19;
	v22 =	vpop (erf);
	v23 =	vmul.f32 $2.000000030e-01, v21  }
0x86: {  	v4 =	vor.u32 v4, v6;
	vm9 =	vge.f32 v21, $0.0e+00;
	[tilespmem:s12+$0x0] =	vst v22;
	(erf) = vpow2.f32 v20  }
0x87: {  	[tilespmem:v11+s13+$0x0] =	vst.idx.add.f32.msk $0xffff, v22;
	v11 =	vadd.f32 v18, v16;
	v16 =	vpop (erf);
	v18 =	vsel vm9, v21, v23;
	(erf) = vpow2.f32 v19  }
0x88: {  	[tilespmem:s26+$0x10] =	vst v4;
	v18 =	vmul.f32 $1.442695020e+00, v18  }
0x89: {  	[tilespmem:s12+$0xFFFFFFE0] =	vst v16  }
0x8a: {  	[tilespmem:s26+$0x0] =	vst v15;
	v4 =	vpop (erf);
	v19 =	vmul.f32 $2.000000030e-01, v11;
	(erf) = vpow2.f32 v18  }
0x8b: {  	vm10 =	vge.f32 v11, $0.0e+00;
	[tilespmem:s12+$0xFFFFFFF0] =	vst v4  }
0x8c: {  	[tilespmem:v5+s13+$0x0] =	vst.idx.add.f32.msk $0xffff, v16;
	v6 =	vsel vm10, v11, v19  }
0x8d: {  	[tilespmem:v2+s13+$0x0] =	vst.idx.add.f32.msk $0xffff, v4;
	v11 =	vshll.u32 v5, $0xE;
	v6 =	vmul.f32 $1.442695020e+00, v6  }
0x8e: {  	[tilespmem:s26+$0xFFFFFFF0] =	vst v14;
	v5 =	vor.u32 v10, v11  }
0x8f: {  	s2 =	sadd.s32 $0x40, s14;
	[tilespmem:s26+$0xFFFFFFE0] =	vst v5;
	(erf) = vpow2.f32 v6;
	v2 =	vpop (erf)  }
0x90: {  	[tilespmem:s2+$0x10] =	vst v2;
	v4 =	vpop (erf)  }
0x91: {  	[tilespmem:s2+$0x0] =	vst v4  }
0x92: {  	[tilespmem:v12+s13+$0x0] =	vst.idx.add.f32.msk $0xffff, v2  }
0x93: {  	v2 =	vpop (erf);
	[tilespmem:v9+s13+$0x0] =	vst.idx.add.f32.msk $0xffff, v4  }
0x94: {  	[tilespmem:s2+$0xFFFFFFE0] =	vst v2;
	v4 =	vshll.u32 v12, $0xE  }
0x95: {  	[tilespmem:s18+$0x0] =	vst v17;
	v4 =	vor.u32 v7, v4  }
0x96: {  	v5 =	vshll.u32 v3, $0xE;
	[tilespmem:v3+s13+$0x0] =	vst.idx.add.f32.msk $0xffff, v2  }
0x97: {  	v2 =	vor.u32 v8, v5;
	[tilespmem:s18+$0x10] =	vst v4  }
0x98: {  	[tilespmem:s18+$0xFFFFFFE0] =	vst v2;
	v4 =	vpop (erf)  }
0x99: {  	[tilespmem:s2+$0xFFFFFFF0] =	vst v4  }
0x9a: {  	[tilespmem:v1+s13+$0x0] =	vst.idx.add.f32.msk $0xffff, v4  }
0x9b: {  	[tilespmem:s18+$0xFFFFFFF0] =	vst v13  }
0x9c: {  	v1 =	vld [tilespmem:$0x16750]  }
0x9d: {  	v2 =	vld [tilespmem:$0x18690];
	_ =	sdelay $0x6  }
0x9e: {  	v3 =	vld.idx.msk [tilespmem:v1+s0+$0x0], $0xffff  }
0x9f: {  	v4 =	vld.idx.msk [tilespmem:v2+s1+$0x0], $0xffff;
	_ =	sdelay $0x4  }
0xa0: {  	v3 =	vadd.f32 v4, v3;
	_ =	sdelay $0x1  }
0xa1: {  	v4 =	vmul.f32 $2.000000030e-01, v3  }
0xa2: {  	vm11 =	vge.f32 v3, $0.0e+00  }
0xa3: {  	v3 =	vsel vm11, v3, v4  }
0xa4: {  	v3 =	vmul.f32 $1.442695020e+00, v3;
	_ =	sdelay $0x1  }
0xa5: {  	(erf) = vpow2.f32 v3;
	_ =	sdelay $0x8  }
0xa6: {  	v3 =	vpop (erf)  }
0xa7: {  	s12 =	sadd.s32 s17, s23;
	v4 =	vshll.u32 v2, $0xE;
	[tilespmem:$0x18E60] =	vst v3  }
0xa8: {  	s2 =	sshrl.u32 s12, $0x3;
	v1 =	vor.u32 v1, v4;
	[tilespmem:v2+s13+$0x0] =	vst.idx.add.f32.msk $0xffff, v3  }
0xa9: {  	s9 =	simm.s32 $0x186A0;
	s4 =	sadd.s32 s7, s2;
	[tilespmem:$0x16750] =	vst v1  }
0xaa: {  	[hbm4b:s4+s3] =	stream.linear.scatter [tilespmem:s9], [sflag:$0x3], $0x7D0, $0x38;
	[tilespmem:$0x1EC30] =	vst v63  }
0xab: {  	s14 =	simm.s32 $0x15F90;
	s2 =	sadd.s32 s8, s2  }
0xac: {  	[hbm4b:s2+s3] =	stream.linear.scatter [tilespmem:s14], [sflag:$0x3], $0x7D0, $0x38;
	[tilespmem:$0x1EC30] =	vst v63  }
0xad: {  	_ =	swait.ge [sflag:s15], $0x7D0  }
0xae: {  	[sflag:s15] =	ssyncset.done $0x0  }
0xaf: {  	[sflag:s15] =	ssyncadd.s32 $0xFFFFF830  }
0xb0: {  	_ =	swait.ge [sflag:s15], $0x7D0  }
0xb1: {  	p0 =	seq.s32 s31, $0x4;
	[sflag:s15] =	ssyncset.done $0x0  }
0xb2: {  	s2 =	simm.s32 @!p0 $0x3;
	[sflag:s15] =	ssyncadd.s32 $0xFFFFF830  }
0xb3: {  	_ =	swait.ge @!p0 [sflag:s2], $0x7D0  }
0xb4: {  	[sflag:s2] =	ssyncset.done @!p0 $0x0  }
0xb5: {  	[sflag:s2] =	ssyncadd.s32 @!p0 $0xFFFFF830  }
0xb6: {  	_ =	swait.ge @!p0 [sflag:s2], $0x7D0  }
0xb7: {  	s4 =	sadd.s32 @!p0 s17, s24;
	[sflag:s2] =	ssyncset.done @!p0 $0x0  }
0xb8: {  	[sflag:s2] =	ssyncadd.s32 @!p0 $0xFFFFF830;
	s2 =	sshrl.u32 @!p0 s4, $0x3  }
0xb9: {  	s12 =	simm.s32 @!p0 $0x15F90;
	s9 =	simm.s32 @!p0 $0x0;
	s4 =	sadd.s32 @!p0 s5, s2  }
0xba: {  	[tilespmem:s12], [sflag:$0x1] =	stream.linear.gather @!p0 [hbm4b:s4+s9], $0x7D0, $0x38;
	[tilespmem:$0x1EC30] =	vst v63  }
0xbb: {  	s18 =	simm.s32 $0x1A600;
	s2 =	sadd.s32 @!p0 s6, s2;
	s4 =	simm.s32 @!p0 $0x17ED0  }
0xbc: {  	[tilespmem:s4], [sflag:$0x1] =	stream.linear.gather @!p0 [hbm4b:s2+s9], $0x7D0, $0x38;
	[tilespmem:$0x1EC30] =	vst v63  }
0xbd: {  	s17 =	simm.s32 $0x1C540;
	v4 =	vld [tilespmem:s18+$0x10]  }
0xbe: {  	v6 =	vld [tilespmem:s17+$0x10]  }
0xbf: {  	v13 =	vld [tilespmem:s18+$0xFFFFFFF0]  }
0xc0: {  	v14 =	vld [tilespmem:s18+$0x0]  }
0xc1: {  	v2 =	vld [tilespmem:s17+$0xFFFFFFF0]  }
0xc2: {  	v11 =	vld [tilespmem:s17+$0x0]  }
0xc3: {  	v5 =	vld [tilespmem:s17+$0xFFFFFFE0]  }
0xc4: {  	v10 =	vld [tilespmem:s18+$0xFFFFFFE0]  }
0xc5: {  	v1 =	vld.idx.msk [tilespmem:v4+s0+$0x0], $0xffff  }
0xc6: {  	v3 =	vld.idx.msk [tilespmem:v6+s1+$0x0], $0xffff;
	_ =	sdelay $0x2  }
0xc7: {  	v8 =	vld.idx.msk [tilespmem:v14+s0+$0x0], $0xffff  }
0xc8: {  	v17 =	vld.idx.msk [tilespmem:v11+s1+$0x0], $0xffff  }
0xc9: {  	v15 =	vld.idx.msk [tilespmem:v13+s0+$0x0], $0xffff;
	v3 =	vadd.f32 v3, v1  }
0xca: {  	v18 =	vld.idx.msk [tilespmem:v5+s1+$0x0], $0xffff  }
0xcb: {  	v19 =	vld.idx.msk [tilespmem:v10+s0+$0x0], $0xffff;
	v7 =	vmul.f32 $2.000000030e-01, v3  }
0xcc: {  	s17 =	simm.s32 $0x1A640;
	v16 =	vld.idx.msk [tilespmem:v2+s1+$0x0], $0xffff;
	vm12 =	vge.f32 v3, $0.0e+00  }
0xcd: {  	v24 =	vld [tilespmem:s17+$0xFFFFFFF0];
	v17 =	vadd.f32 v17, v8;
	v3 =	vsel vm12, v3, v7  }
0xce: {  	s26 =	simm.s32 $0x1C580;
	v25 =	vld [tilespmem:s17+$0x0];
	v20 =	vmul.f32 $1.442695020e+00, v3  }
0xcf: {  	v1 =	vld [tilespmem:s26+$0xFFFFFFF0];
	v21 =	vmul.f32 $2.000000030e-01, v17  }
0xd0: {  	v9 =	vld [tilespmem:s26+$0x0];
	vm13 =	vge.f32 v17, $0.0e+00;
	(erf) = vpow2.f32 v20;
	v20 =	vadd.f32 v18, v19  }
0xd1: {  	v22 =	vadd.f32 v16, v15;
	v7 =	vld [tilespmem:s17+$0x10];
	v17 =	vsel vm13, v17, v21;
	v18 =	vshll.u32 v11, $0xE  }
0xd2: {  	v12 =	vld [tilespmem:s26+$0x10];
	v17 =	vmul.f32 $1.442695020e+00, v17;
	v15 =	vor.u32 v14, v18;
	v14 =	vmul.f32 $2.000000030e-01, v20  }
0xd3: {  	v3 =	vld [tilespmem:s26+$0xFFFFFFE0];
	vm14 =	vge.f32 v20, $0.0e+00  }
0xd4: {  	v8 =	vld [tilespmem:s17+$0xFFFFFFE0];
	(erf) = vpow2.f32 v17;
	v14 =	vsel vm14, v20, v14  }
0xd5: {  	v16 =	vld.idx.msk [tilespmem:v24+s0+$0x0], $0xffff;
	v26 =	vmul.f32 $1.442695020e+00, v14  }
0xd6: {  	v21 =	vmul.f32 $2.000000030e-01, v22;
	v19 =	vld.idx.msk [tilespmem:v25+s0+$0x0], $0xffff  }
0xd7: {  	vm15 =	vge.f32 v22, $0.0e+00;
	v18 =	vld.idx.msk [tilespmem:v1+s1+$0x0], $0xffff;
	(erf) = vpow2.f32 v26  }
0xd8: {  	v22 =	vsel vm15, v22, v21;
	v20 =	vld.idx.msk [tilespmem:v9+s1+$0x0], $0xffff  }
0xd9: {  	v23 =	vshll.u32 v2, $0xE;
	v27 =	vmul.f32 $1.442695020e+00, v22;
	v21 =	vld.idx.msk [tilespmem:v7+s0+$0x0], $0xffff  }
0xda: {  	v14 =	vor.u32 v13, v23;
	v23 =	vld.idx.msk [tilespmem:v12+s1+$0x0], $0xffff  }
0xdb: {  	s31 =	sadd.s32 $0x1, s31;
	s14 =	simm.s32 $0x1CD10;
	s12 =	simm.s32 $0x1CD10;
	v28 =	vshll.u32 v1, $0xE;
	v13 =	vshll.u32 v9, $0xE;
	v22 =	vld.idx.msk [tilespmem:v3+s1+$0x0], $0xffff;
	(erf) = vpow2.f32 v27  }
0xdc: {  	s4 =	simm.s32 $0x4;
	s2 =	simm.s32 $0x1A680;
	s9 =	simm.s32 $0x1C5C0;
	v17 =	vor.u32 v25, v13;
	v13 =	vor.u32 v24, v28;
	v24 =	vld.idx.msk [tilespmem:v8+s0+$0x0], $0xffff;
	v25 =	vpop (erf)  }
.LBB2_7:
0xdd: {  	v26 =	vld [tilespmem:s9+$0xFFFFFFE0];
	s4 =	sadd.s32 $0x4, s4;
	[tilespmem:s12+$0x10] =	vst v25;
	s14 =	sadd.s32 $0x40, s14;
	v27 =	vpop (erf)  }
0xde: {  	v28 =	vld [tilespmem:s2+$0x0];
	p0 =	slt.u32 s4, $0x78;
	[tilespmem:s12+$0x0] =	vst v27  }
0xdf: {  	[tilespmem:v11+s13+$0x0] =	vst.idx.add.f32.msk $0xffff, v27;
	v11 =	vmov v9  }
0xe0: {  	v21 =	vadd.f32 v23, v21;
	[tilespmem:v6+s13+$0x0] =	vst.idx.add.f32.msk $0xffff, v25;
	v23 =	vpop (erf)  }
0xe1: {  	v19 =	vadd.f32 v20, v19;
	v20 =	vshll.u32 v6, $0xE;
	v6 =	vmov v12;
	v25 =	vld [tilespmem:s2+$0xFFFFFFF0];
	[tilespmem:s12+$0xFFFFFFE0] =	vst v23  }
0xe2: {  	v30 =	vor.u32 v4, v20;
	v4 =	vmovc v7;
	v22 =	vadd.f32 v22, v24;
	v12 =	vmul.f32 $2.000000030e-01, v21;
	v9 =	vld [tilespmem:s9+$0x0];
	[tilespmem:s18+$0x0] =	vst v15  }
0xe3: {  	v27 =	vshll.u32 v5, $0xE;
	v24 =	vmul.f32 $2.000000030e-01, v19;
	vm0 =	vge.f32 v21, $0.0e+00;
	v15 =	vmovc v17;
	v20 =	vld [tilespmem:s9+$0xFFFFFFF0];
	[tilespmem:s18+$0x10] =	vst v30  }
0xe4: {  	vm1 =	vge.f32 v19, $0.0e+00;
	v17 =	vmul.f32 $2.000000030e-01, v22;
	v21 =	vsel vm0, v21, v12;
	v7 =	vld [tilespmem:s2+$0x10];
	v29 =	vpop (erf)  }
0xe5: {  	vm0 =	vge.f32 v22, $0.0e+00;
	v19 =	vsel vm1, v19, v24;
	v21 =	vmul.f32 $1.442695020e+00, v21;
	v12 =	vld [tilespmem:s9+$0x10];
	[tilespmem:s12+$0xFFFFFFF0] =	vst v29;
	s12 =	smov.u32 s14  }
0xe6: {  	v19 =	vmul.f32 $1.442695020e+00, v19;
	v17 =	vsel vm0, v22, v17;
	[tilespmem:v5+s13+$0x0] =	vst.idx.add.f32.msk $0xffff, v23;
	v23 =	vor.u32 v10, v27  }
0xe7: {  	v22 =	vmul.f32 $1.442695020e+00, v17;
	v5 =	vmovc v3;
	v3 =	vmovc v26;
	v24 =	vld [tilespmem:s2+$0xFFFFFFE0];
	v27 =	vshll.u32 v9, $0xE;
	(erf) = vpow2.f32 v21;
	[tilespmem:s18+$0xFFFFFFE0] =	vst v23  }
0xe8: {  	v21 =	vadd.f32 v18, v16;
	v17 =	vor.u32 v28, v27;
	(erf) = vpow2.f32 v19;
	[tilespmem:v2+s13+$0x0] =	vst.idx.add.f32.msk $0xffff, v29  }
0xe9: {  	v10 =	vmovc v8;
	v18 =	vshll.u32 v20, $0xE;
	v2 =	vmovc v1;
	v1 =	vmov v20;
	v16 =	vld.idx.msk [tilespmem:v25+s0+$0x0], $0xffff;
	[tilespmem:s18+$0xFFFFFFF0] =	vst v14;
	v14 =	vmov v13;
	s18 =	smov.u32 s17;
	s17 =	smov.u32 s2  }
0xea: {  	v13 =	vor.u32 v25, v18;
	v23 =	vmul.f32 $2.000000030e-01, v21;
	v19 =	vld.idx.msk [tilespmem:v28+s0+$0x0], $0xffff  }
0xeb: {  	vm0 =	vge.f32 v21, $0.0e+00;
	v18 =	vld.idx.msk [tilespmem:v20+s1+$0x0], $0xffff;
	(erf) = vpow2.f32 v22  }
.Ltmp2:
0xec: {  	v22 =	vsel vm0, v21, v23;
	v20 =	vld.idx.msk [tilespmem:v9+s1+$0x0], $0xffff;
	v8 =	vmov v24;
	(pc) =	sbr.rel @p0 .LBB2_7-.Ltmp2, $4  }
0xed: {  	v27 =	vmul.f32 $1.442695020e+00, v22;
	v21 =	vld.idx.msk [tilespmem:v7+s0+$0x0], $0xffff  }
0xee: {  	v23 =	vld.idx.msk [tilespmem:v12+s1+$0x0], $0xffff  }
0xef: {  	v22 =	vld.idx.msk [tilespmem:v26+s1+$0x0], $0xffff;
	(erf) = vpow2.f32 v27  }
0xf0: {  	s9 =	sadd.s32 $0x40, s9;
	s2 =	sadd.s32 $0x40, s2;
	v24 =	vld.idx.msk [tilespmem:v24+s0+$0x0], $0xffff;
	v25 =	vpop (erf)  }
0xf1: {  	_ =	sdelay $0x1  }
0xf2: {  	v21 =	vadd.f32 v23, v21  }
0xf3: {  	v19 =	vadd.f32 v20, v19  }
0xf4: {  	v46 =	vmul.f32 $2.000000030e-01, v21  }
0xf5: {  	v47 =	vmul.f32 $2.000000030e-01, v19;
	vm0 =	vge.f32 v21, $0.0e+00  }
0xf6: {  	vm1 =	vge.f32 v19, $0.0e+00;
	v22 =	vadd.f32 v22, v24;
	v20 =	vsel vm0, v21, v46  }
0xf7: {  	[tilespmem:s12+$0x10] =	vst v25;
	v48 =	vpop (erf);
	v19 =	vsel vm1, v19, v47;
	v20 =	vmul.f32 $1.442695020e+00, v20  }
0xf8: {  	v50 =	vadd.f32 v18, v16;
	[tilespmem:s12+$0x0] =	vst v48;
	v19 =	vmul.f32 $1.442695020e+00, v19;
	v49 =	vmul.f32 $2.000000030e-01, v22  }
0xf9: {  	v53 =	vshll.u32 v6, $0xE;
	[tilespmem:v6+s13+$0x0] =	vst.idx.add.f32.msk $0xffff, v25;
	vm13 =	vge.f32 v22, $0.0e+00;
	(erf) = vpow2.f32 v20  }
0xfa: {  	v4 =	vor.u32 v4, v53;
	[tilespmem:v11+s13+$0x0] =	vst.idx.add.f32.msk $0xffff, v48;
	v51 =	vpop (erf);
	v52 =	vsel vm13, v22, v49;
	(erf) = vpow2.f32 v19  }
0xfb: {  	v54 =	vmul.f32 $2.000000030e-01, v50;
	[tilespmem:s18+$0x10] =	vst v4;
	v18 =	vmul.f32 $1.442695020e+00, v52  }
0xfc: {  	vm14 =	vge.f32 v50, $0.0e+00;
	[tilespmem:s18+$0x0] =	vst v15  }
0xfd: {  	v57 =	vshll.u32 v5, $0xE;
	[tilespmem:s12+$0xFFFFFFE0] =	vst v51;
	v56 =	vsel vm14, v50, v54;
	v55 =	vpop (erf);
	(erf) = vpow2.f32 v18  }
0xfe: {  	v58 =	vor.u32 v10, v57;
	v6 =	vmul.f32 $1.442695020e+00, v56;
	[tilespmem:v5+s13+$0x0] =	vst.idx.add.f32.msk $0xffff, v51  }
0xff: {  	[tilespmem:s18+$0xFFFFFFE0] =	vst v58  }
0x100: {  	[tilespmem:s12+$0xFFFFFFF0] =	vst v55;
	(erf) = vpow2.f32 v6  }
0x101: {  	[tilespmem:v2+s13+$0x0] =	vst.idx.add.f32.msk $0xffff, v55  }
0x102: {  	s2 =	sadd.s32 $0x40, s14;
	[tilespmem:s18+$0xFFFFFFF0] =	vst v14;
	v2 =	vpop (erf)  }
0x103: {  	[tilespmem:s2+$0x10] =	vst v2;
	v59 =	vpop (erf)  }
0x104: {  	[tilespmem:s2+$0x0] =	vst v59  }
0x105: {  	[tilespmem:v12+s13+$0x0] =	vst.idx.add.f32.msk $0xffff, v2  }
0x106: {  	v60 =	vshll.u32 v12, $0xE;
	v2 =	vpop (erf);
	[tilespmem:v9+s13+$0x0] =	vst.idx.add.f32.msk $0xffff, v59  }
0x107: {  	v4 =	vor.u32 v7, v60;
	[tilespmem:s2+$0xFFFFFFE0] =	vst v2  }
0x108: {  	[tilespmem:s17+$0x10] =	vst v4  }
0x109: {  	v61 =	vpop (erf);
	[tilespmem:s17+$0x0] =	vst v17  }
0x10a: {  	v62 =	vshll.u32 v3, $0xE;
	[tilespmem:s2+$0xFFFFFFF0] =	vst v61  }
0x10b: {  	[tilespmem:v3+s13+$0x0] =	vst.idx.add.f32.msk $0xffff, v2;
	v2 =	vor.u32 v8, v62  }
0x10c: {  	[tilespmem:s17+$0xFFFFFFE0] =	vst v2  }
0x10d: {  	[tilespmem:v1+s13+$0x0] =	vst.idx.add.f32.msk $0xffff, v61  }
0x10e: {  	[tilespmem:s17+$0xFFFFFFF0] =	vst v13  }
0x10f: {  	v1 =	vld [tilespmem:$0x1ADA0]  }
0x110: {  	v2 =	vld [tilespmem:$0x1CCE0];
	_ =	sdelay $0x6  }
0x111: {  	v3 =	vld.idx.msk [tilespmem:v1+s0+$0x0], $0xffff  }
0x112: {  	v4 =	vld.idx.msk [tilespmem:v2+s1+$0x0], $0xffff;
	_ =	sdelay $0x4  }
0x113: {  	v3 =	vadd.f32 v4, v3;
	_ =	sdelay $0x1  }
0x114: {  	v4 =	vmul.f32 $2.000000030e-01, v3  }
0x115: {  	vm15 =	vge.f32 v3, $0.0e+00  }
0x116: {  	v3 =	vsel vm15, v3, v4  }
0x117: {  	v3 =	vmul.f32 $1.442695020e+00, v3;
	_ =	sdelay $0x1  }
0x118: {  	(erf) = vpow2.f32 v3;
	_ =	sdelay $0x8  }
0x119: {  	v3 =	vpop (erf)  }
0x11a: {  	s28 =	sadd.s32 s22, s28;
	p0 =	sne.s32 s31, $0x5;
	v63 =	vshll.u32 v2, $0xE;
	[tilespmem:$0x1D4B0] =	vst v3  }
.Ltmp3:
0x11b: {  	s2 =	sshrl.u32 s28, $0x3;
	v1 =	vor.u32 v1, v63;
	[tilespmem:v2+s13+$0x0] =	vst.idx.add.f32.msk $0xffff, v3;
	(pc) =	sbr.rel @p0 .LBB2_4-.Ltmp3, $4  }
0x11c: {  	s4 =	sadd.s32 s7, s2;
	[tilespmem:$0x1ADA0] =	vst v1  }
0x11d: {  	[hbm4b:s4+s3] =	stream.linear.scatter [tilespmem:s16], [sflag:$0x4], $0x7D0, $0x38;
	[tilespmem:$0x1EC30] =	vst v63  }
0x11e: {  	s2 =	sadd.s32 s8, s2  }
0x11f: {  	[hbm4b:s2+s3] =	stream.linear.scatter [tilespmem:s11], [sflag:$0x4], $0x7D0, $0x38;
	[tilespmem:$0x1EC30] =	vst v63  }
0x120: {  	s2 =	simm.s32 $0x3  }
0x121: {  	_ =	swait.ge [sflag:s2], $0x7D0  }
0x122: {  	[sflag:s2] =	ssyncset.done $0x0  }
0x123: {  	[sflag:s2] =	ssyncadd.s32 $0xFFFFF830  }
0x124: {  	_ =	swait.ge [sflag:s2], $0x7D0  }
0x125: {  	[sflag:s2] =	ssyncset.done $0x0  }
0x126: {  	s18 =	simm.s32 $0x4;
	[sflag:s2] =	ssyncadd.s32 $0xFFFFF830  }
0x127: {  	_ =	swait.ge [sflag:s18], $0x7D0  }
0x128: {  	[sflag:s18] =	ssyncset.done $0x0  }
0x129: {  	[sflag:s18] =	ssyncadd.s32 $0xFFFFF830  }
0x12a: {  	_ =	swait.ge [sflag:s18], $0x7D0  }
0x12b: {  	[sflag:s18] =	ssyncset.done $0x0  }
0x12c: {  	s14 =	simm.s32 $0x5;
	s26 =	rddreg [dreg:$0x11];
	[sflag:s18] =	ssyncadd.s32 $0xFFFFF830  }
0x12d: {  	[hbm4b:s26+s3] =	stream.linear.scatter [tilespmem:s13], [sflag:$0x5], $0x2710, $0x38;
	[tilespmem:$0x1EC30] =	vst v63  }
0x12e: {  	_ =	swait.ge [sflag:s14], $0x2710  }
0x12f: {  	[sflag:s14] =	ssyncset.done $0x0  }
0x130: {  	[sflag:s14] =	ssyncadd.s32 $0xFFFFD8F0  }
0x131: {  	[bflag:$0x0] =	sbarrier.arrive $0xFFFF  }
0x132: {  	s28 =	rddreg [dreg:$0x4]  }
0x133: {  	[tilespmem:s3], [sflag:$0x5] =	stream.linear.gather [hbm4b:s28+s3], $0x2710, $0x38;
	[tilespmem:$0x1EC30] =	vst v63  }
0x134: {  	_ =	swait.ge [sflag:s14], $0x2710  }
0x135: {  	[sflag:s14] =	ssyncset.done $0x0  }
0x136: {  	s4 =	simm.s32 $0x2710;
	s31 =	rddreg [dreg:$0x5];
	[sflag:s14] =	ssyncadd.s32 $0xFFFFD8F0  }
0x137: {  	[tilespmem:s4], [sflag:$0x5] =	stream.linear.gather [hbm4b:s31+s3], $0x2710, $0x38;
	[tilespmem:$0x1EC30] =	vst v63  }
0x138: {  	_ =	swait.ge [sflag:s14], $0x2710  }
0x139: {  	[sflag:s14] =	ssyncset.done $0x0  }
0x13a: {  	s12 =	simm.s32 $0x40;
	[sflag:s14] =	ssyncadd.s32 $0xFFFFD8F0  }
0x13b: {  	s2 =	simm.s32 $0x2750;
	v2 =	vld [tilespmem:s12+$0x30]  }
0x13c: {  	v3 =	vld [tilespmem:s2+$0x30]  }
0x13d: {  	v1 =	vld [tilespmem:s2+$0xFFFFFFC0]  }
0x13e: {  	v4 =	vld [tilespmem:s12+$0xFFFFFFD0]  }
0x13f: {  	v5 =	vld [tilespmem:s2+$0xFFFFFFD0]  }
0x140: {  	v6 =	vld [tilespmem:s12+$0xFFFFFFE0]  }
0x141: {  	v7 =	vld [tilespmem:s2+$0xFFFFFFE0]  }
0x142: {  	v8 =	vld [tilespmem:s12+$0xFFFFFFF0]  }
0x143: {  	v9 =	vld [tilespmem:s2+$0xFFFFFFF0]  }
0x144: {  	v10 =	vld [tilespmem:s12+$0x0]  }
0x145: {  	v11 =	vld [tilespmem:s2+$0x0]  }
0x146: {  	s4 =	simm.s32 $0x4E60;
	v3 =	vpack.i.f32.bf16 v3, v2;
	v2 =	vld [tilespmem:s12+$0x10]  }
0x147: {  	[tilespmem:s4+$0x30] =	vst v3;
	v3 =	vpack.i.f32.bf16 v5, v4;
	v4 =	vld [tilespmem:s2+$0x10]  }
0x148: {  	v5 =	vpack.i.f32.bf16 v7, v6;
	[tilespmem:s4+$0xFFFFFFD0] =	vst v3;
	v3 =	vld [tilespmem:s12+$0x20]  }
0x149: {  	v6 =	vpack.i.f32.bf16 v9, v8;
	[tilespmem:s4+$0xFFFFFFE0] =	vst v5;
	v5 =	vld [tilespmem:s2+$0x20]  }
0x14a: {  	s9 =	simm.s32 $0x0;
	v7 =	vpack.i.f32.bf16 v11, v10;
	[tilespmem:s4+$0xFFFFFFF0] =	vst v6;
	v6 =	vld [tilespmem:s12+$0xFFFFFFC0];
	s12 =	simm.s32 $0xC0  }
.LBB2_10:
0x14b: {  	v8 =	vld [tilespmem:s12+$0x30];
	[tilespmem:s4+$0x0] =	vst v7;
	s2 =	sadd.s32 $0x80, s2  }
0x14c: {  	s9 =	sadd.s32 $0x8, s9;
	v7 =	vld [tilespmem:s2+$0x30];
	v2 =	vpack.i.f32.bf16 v4, v2  }
0x14d: {  	p0 =	slt.u32 s9, $0x268;
	v4 =	vld [tilespmem:s2+$0xFFFFFFC0];
	[tilespmem:s4+$0x10] =	vst v2  }
0x14e: {  	v2 =	vld [tilespmem:s12+$0xFFFFFFD0];
	v3 =	vpack.i.f32.bf16 v5, v3  }
0x14f: {  	v5 =	vld [tilespmem:s2+$0xFFFFFFD0];
	v1 =	vpack.i.f32.bf16 v1, v6;
	[tilespmem:s4+$0x20] =	vst v3  }
0x150: {  	v3 =	vld [tilespmem:s12+$0xFFFFFFE0];
	[tilespmem:s4+$0xFFFFFFC0] =	vst v1  }
0x151: {  	s4 =	sadd.s32 $0x80, s4;
	v6 =	vld [tilespmem:s2+$0xFFFFFFE0];
	v8 =	vpack.i.f32.bf16 v7, v8  }
0x152: {  	v7 =	vld [tilespmem:s12+$0xFFFFFFF0];
	[tilespmem:s4+$0x30] =	vst v8;
	v1 =	vmov v4  }
0x153: {  	v8 =	vld [tilespmem:s2+$0xFFFFFFF0]  }
0x154: {  	v2 =	vpack.i.f32.bf16 v5, v2;
	v9 =	vld [tilespmem:s12+$0x0]  }
0x155: {  	[tilespmem:s4+$0xFFFFFFD0] =	vst v2;
	v10 =	vld [tilespmem:s2+$0x0]  }
.Ltmp4:
0x156: {  	v3 =	vpack.i.f32.bf16 v6, v3;
	v2 =	vld [tilespmem:s12+$0x10];
	(pc) =	sbr.rel @p0 .LBB2_10-.Ltmp4, $4  }
0x157: {  	[tilespmem:s4+$0xFFFFFFE0] =	vst v3;
	v4 =	vld [tilespmem:s2+$0x10]  }
0x158: {  	v5 =	vpack.i.f32.bf16 v8, v7;
	v3 =	vld [tilespmem:s12+$0x20]  }
0x159: {  	[tilespmem:s4+$0xFFFFFFF0] =	vst v5;
	v5 =	vld [tilespmem:s2+$0x20]  }
0x15a: {  	v6 =	vld [tilespmem:s12+$0xFFFFFFC0];
	v7 =	vpack.i.f32.bf16 v10, v9;
	s12 =	sadd.s32 $0x80, s12  }
0x15b: {  	_ =	sdelay $0x1  }
0x15c: {  	[tilespmem:s4+$0x0] =	vst v7;
	v2 =	vpack.i.f32.bf16 v4, v2  }
0x15d: {  	[tilespmem:s4+$0x10] =	vst v2;
	v2 =	vpack.i.f32.bf16 v5, v3  }
0x15e: {  	v1 =	vpack.i.f32.bf16 v1, v6;
	[tilespmem:s4+$0x20] =	vst v2  }
0x15f: {  	[tilespmem:s4+$0xFFFFFFC0] =	vst v1  }
0x160: {  	v1 =	vld [tilespmem:$0x2700]  }
0x161: {  	v2 =	vld [tilespmem:$0x4E10];
	_ =	sdelay $0x4  }
0x162: {  	v1 =	vpack.i.f32.bf16 v2, v1  }
0x163: {  	s2 =	rddreg [dreg:$0x6];
	[tilespmem:$0x7520] =	vst v1  }
0x164: {  	[tilespmem:s3], [sflag:$0x5] =	stream.linear.gather [hbm4b:s2+s3], $0x2710, $0x38;
	[tilespmem:$0x1EC30] =	vst v63  }
0x165: {  	_ =	swait.ge [sflag:s14], $0x2710  }
0x166: {  	[sflag:s14] =	ssyncset.done $0x0  }
0x167: {  	s31 =	simm.s32 $0x2710;
	s28 =	rddreg [dreg:$0x7];
	[sflag:s14] =	ssyncadd.s32 $0xFFFFD8F0  }
0x168: {  	[tilespmem:s31], [sflag:$0x5] =	stream.linear.gather [hbm4b:s28+s3], $0x2710, $0x38;
	[tilespmem:$0x1EC30] =	vst v63  }
0x169: {  	_ =	swait.ge [sflag:s14], $0x2710  }
0x16a: {  	[sflag:s14] =	ssyncset.done $0x0  }
0x16b: {  	s12 =	simm.s32 $0x40;
	[sflag:s14] =	ssyncadd.s32 $0xFFFFD8F0  }
0x16c: {  	s2 =	simm.s32 $0x2750;
	v2 =	vld [tilespmem:s12+$0x30]  }
0x16d: {  	v3 =	vld [tilespmem:s2+$0x30]  }
0x16e: {  	v1 =	vld [tilespmem:s2+$0xFFFFFFC0]  }
0x16f: {  	v4 =	vld [tilespmem:s12+$0xFFFFFFD0]  }
0x170: {  	v5 =	vld [tilespmem:s2+$0xFFFFFFD0]  }
0x171: {  	v6 =	vld [tilespmem:s12+$0xFFFFFFE0]  }
0x172: {  	v7 =	vld [tilespmem:s2+$0xFFFFFFE0]  }
0x173: {  	v8 =	vld [tilespmem:s12+$0xFFFFFFF0]  }
0x174: {  	v9 =	vld [tilespmem:s2+$0xFFFFFFF0]  }
0x175: {  	v10 =	vld [tilespmem:s12+$0x0]  }
0x176: {  	v11 =	vld [tilespmem:s2+$0x0]  }
0x177: {  	s4 =	simm.s32 $0x7570;
	v3 =	vpack.i.f32.bf16 v3, v2;
	v2 =	vld [tilespmem:s12+$0x10]  }
0x178: {  	[tilespmem:s4+$0x30] =	vst v3;
	v3 =	vpack.i.f32.bf16 v5, v4;
	v4 =	vld [tilespmem:s2+$0x10]  }
0x179: {  	v5 =	vpack.i.f32.bf16 v7, v6;
	[tilespmem:s4+$0xFFFFFFD0] =	vst v3;
	v3 =	vld [tilespmem:s12+$0x20]  }
0x17a: {  	v6 =	vpack.i.f32.bf16 v9, v8;
	[tilespmem:s4+$0xFFFFFFE0] =	vst v5;
	v5 =	vld [tilespmem:s2+$0x20]  }
0x17b: {  	s9 =	simm.s32 $0x0;
	v7 =	vpack.i.f32.bf16 v11, v10;
	[tilespmem:s4+$0xFFFFFFF0] =	vst v6;
	v6 =	vld [tilespmem:s12+$0xFFFFFFC0];
	s12 =	simm.s32 $0xC0  }
.LBB2_12:
0x17c: {  	v8 =	vld [tilespmem:s12+$0x30];
	[tilespmem:s4+$0x0] =	vst v7;
	s2 =	sadd.s32 $0x80, s2  }
0x17d: {  	s9 =	sadd.s32 $0x8, s9;
	v7 =	vld [tilespmem:s2+$0x30];
	v2 =	vpack.i.f32.bf16 v4, v2  }
0x17e: {  	p0 =	slt.u32 s9, $0x268;
	v4 =	vld [tilespmem:s2+$0xFFFFFFC0];
	[tilespmem:s4+$0x10] =	vst v2  }
0x17f: {  	v2 =	vld [tilespmem:s12+$0xFFFFFFD0];
	v3 =	vpack.i.f32.bf16 v5, v3  }
0x180: {  	v5 =	vld [tilespmem:s2+$0xFFFFFFD0];
	v1 =	vpack.i.f32.bf16 v1, v6;
	[tilespmem:s4+$0x20] =	vst v3  }
0x181: {  	v3 =	vld [tilespmem:s12+$0xFFFFFFE0];
	[tilespmem:s4+$0xFFFFFFC0] =	vst v1  }
0x182: {  	s4 =	sadd.s32 $0x80, s4;
	v6 =	vld [tilespmem:s2+$0xFFFFFFE0];
	v8 =	vpack.i.f32.bf16 v7, v8  }
0x183: {  	v7 =	vld [tilespmem:s12+$0xFFFFFFF0];
	[tilespmem:s4+$0x30] =	vst v8;
	v1 =	vmov v4  }
0x184: {  	v8 =	vld [tilespmem:s2+$0xFFFFFFF0]  }
0x185: {  	v2 =	vpack.i.f32.bf16 v5, v2;
	v9 =	vld [tilespmem:s12+$0x0]  }
0x186: {  	[tilespmem:s4+$0xFFFFFFD0] =	vst v2;
	v10 =	vld [tilespmem:s2+$0x0]  }
.Ltmp5:
0x187: {  	v3 =	vpack.i.f32.bf16 v6, v3;
	v2 =	vld [tilespmem:s12+$0x10];
	(pc) =	sbr.rel @p0 .LBB2_12-.Ltmp5, $4  }
0x188: {  	[tilespmem:s4+$0xFFFFFFE0] =	vst v3;
	v4 =	vld [tilespmem:s2+$0x10]  }
0x189: {  	v5 =	vpack.i.f32.bf16 v8, v7;
	v3 =	vld [tilespmem:s12+$0x20]  }
0x18a: {  	[tilespmem:s4+$0xFFFFFFF0] =	vst v5;
	v5 =	vld [tilespmem:s2+$0x20]  }
0x18b: {  	v6 =	vld [tilespmem:s12+$0xFFFFFFC0];
	v7 =	vpack.i.f32.bf16 v10, v9;
	s12 =	sadd.s32 $0x80, s12  }
0x18c: {  	_ =	sdelay $0x1  }
0x18d: {  	[tilespmem:s4+$0x0] =	vst v7;
	v2 =	vpack.i.f32.bf16 v4, v2  }
0x18e: {  	[tilespmem:s4+$0x10] =	vst v2;
	v2 =	vpack.i.f32.bf16 v5, v3  }
0x18f: {  	v1 =	vpack.i.f32.bf16 v1, v6;
	[tilespmem:s4+$0x20] =	vst v2  }
0x190: {  	[tilespmem:s4+$0xFFFFFFC0] =	vst v1  }
0x191: {  	v1 =	vld [tilespmem:$0x2700]  }
0x192: {  	v2 =	vld [tilespmem:$0x4E10];
	_ =	sdelay $0x4  }
0x193: {  	v1 =	vpack.i.f32.bf16 v2, v1  }
0x194: {  	s28 =	simm.s32 $0x0;
	s18 =	simm.s32 $0x15F90;
	s2 =	rddreg [dreg:$0x12];
	[tilespmem:$0x9C30] =	vst v1  }
0x195: {  	[tilespmem:s18], [sflag:$0x1] =	stream.linear.gather [hbm4b:s2+s28], $0x1F40, $0x38;
	[tilespmem:$0x1EC30] =	vst v63  }
0x196: {  	s31 =	simm.s32 $0x186A0;
	s26 =	rddreg [dreg:$0x13]  }
0x197: {  	[tilespmem:s31], [sflag:$0x1] =	stream.linear.gather [hbm4b:s26+s28], $0x1F40, $0x38;
	[tilespmem:$0x1EC30] =	vst v63  }
.LBB2_15:
0x198: {  	_ =	swait.ge [sflag:s10], $0x1F40  }
0x199: {  	s31 =	smul.u32 $0x3E80, s28;
	[sflag:s10] =	ssyncset.done $0x0  }
0x19a: {  	[sflag:s10] =	ssyncadd.s32 $0xFFFFE0C0  }
0x19b: {  	s2 =	sadd.s32 s31, s29;
	_ =	swait.ge [sflag:s10], $0x1F40  }
0x19c: {  	s2 =	sshrl.u32 s2, $0x3;
	[sflag:s10] =	ssyncset.done $0x0  }
0x19d: {  	s4 =	sadd.s32 s8, s2;
	[sflag:s10] =	ssyncadd.s32 $0xFFFFE0C0  }
0x19e: {  	[tilespmem:s11], [sflag:$0x2] =	stream.linear.gather [hbm4b:s4+s3], $0x1F40, $0x38;
	[tilespmem:$0x1EC30] =	vst v63  }
0x19f: {  	s26 =	simm.s32 $0x15FD0;
	s2 =	sadd.s32 s7, s2  }
0x1a0: {  	[tilespmem:s16], [sflag:$0x2] =	stream.linear.gather [hbm4b:s2+s3], $0x1F40, $0x38;
	[tilespmem:$0x1EC30] =	vst v63  }
0x1a1: {  	v1 =	vld [tilespmem:s26+$0x30]  }
0x1a2: {  	v2 =	vld [tilespmem:s26+$0xFFFFFFD0]  }
0x1a3: {  	v3 =	vld [tilespmem:s26+$0xFFFFFFE0]  }
0x1a4: {  	v4 =	vld [tilespmem:s26+$0xFFFFFFF0]  }
0x1a5: {  	v5 =	vld [tilespmem:s26+$0x0]  }
0x1a6: {  	v7 =	vld [tilespmem:s26+$0x10]  }
0x1a7: {  	v9 =	vld [tilespmem:s26+$0xFFFFFFC0]  }
0x1a8: {  	s17 =	simm.s32 $0x186E0;
	v10 =	vld [tilespmem:s26+$0x20];
	v6 =	vand.u32 $0x3FFF, v1  }
0x1a9: {  	v18 =	vld [tilespmem:s17+$0x30]  }
0x1aa: {  	v53 =	vld [tilespmem:s17+$0xFFFFFFC0]  }
0x1ab: {  	v54 =	vld [tilespmem:s17+$0xFFFFFFD0]  }
0x1ac: {  	v27 =	vld [tilespmem:s17+$0xFFFFFFE0]  }
0x1ad: {  	v8 =	vand.u32 $0x3FFF, v2;
	v14 =	vld.idx.msk [tilespmem:v6+s0+$0x0], $0xffff  }
0x1ae: {  	v28 =	vld [tilespmem:s17+$0xFFFFFFF0];
	v12 =	vand.u32 $0x3FFF, v4  }
0x1af: {  	v30 =	vld [tilespmem:s17+$0x0];
	v17 =	vand.u32 $0x3FFF, v9  }
0x1b0: {  	v31 =	vld [tilespmem:s17+$0x10];
	v1 =	vshra.s32 v1, $0xE  }
0x1b1: {  	v34 =	vld [tilespmem:s17+$0x20]  }
0x1b2: {  	v16 =	vld.idx.msk [tilespmem:v8+s0+$0x0], $0xffff;
	v24 =	vunpack.i.l.bf16.f32 v14  }
0x1b3: {  	v11 =	vand.u32 $0x3FFF, v3;
	v21 =	vld.idx.msk [tilespmem:v12+s0+$0x0], $0xffff;
	v14 =	vunpack.i.u.bf16.f32 v14;
	v24 =	vmul.f32 v24, v18  }
0x1b4: {  	v13 =	vand.u32 $0x3FFF, v5;
	v25 =	vld.idx.msk [tilespmem:v17+s0+$0x0], $0xffff;
	v14 =	vmul.f32 v14, v18  }
0x1b5: {  	v15 =	vand.u32 $0x3FFF, v7;
	[tilespmem:v1+s19+$0x0] =	vst.idx.add.f32.msk $0xffff, v24  }
0x1b6: {  	v19 =	vand.u32 $0x3FFF, v10;
	[tilespmem:v1+s20+$0x0] =	vst.idx.add.f32.msk $0xffff, v14  }
0x1b7: {  	v9 =	vshra.s32 v9, $0xE;
	v6 =	vld.idx.msk [tilespmem:v6+s1+$0x0], $0xffff  }
0x1b8: {  	v33 =	vshra.s32 v2, $0xE;
	v20 =	vld.idx.msk [tilespmem:v11+s0+$0x0], $0xffff  }
0x1b9: {  	v4 =	vshra.s32 v4, $0xE;
	v22 =	vld.idx.msk [tilespmem:v13+s0+$0x0], $0xffff;
	v29 =	vunpack.i.l.bf16.f32 v25  }
0x1ba: {  	v23 =	vld.idx.msk [tilespmem:v15+s0+$0x0], $0xffff;
	v55 =	vunpack.i.l.bf16.f32 v16;
	v29 =	vmul.f32 v29, v53  }
0x1bb: {  	v57 =	vshra.s32 v5, $0xE;
	v26 =	vld.idx.msk [tilespmem:v19+s0+$0x0], $0xffff;
	v5 =	vunpack.i.l.bf16.f32 v21;
	v56 =	vmul.f32 v55, v54  }
0x1bc: {  	v5 =	vmul.f32 v5, v28;
	[tilespmem:v9+s19+$0x0] =	vst.idx.add.f32.msk $0xffff, v29;
	v32 =	vunpack.i.l.bf16.f32 v6  }
0x1bd: {  	[tilespmem:v33+s19+$0x0] =	vst.idx.add.f32.msk $0xffff, v56;
	v2 =	vunpack.i.u.bf16.f32 v6;
	v6 =	vmul.f32 v32, v18  }
0x1be: {  	v3 =	vshra.s32 v3, $0xE;
	v25 =	vunpack.i.u.bf16.f32 v25;
	[tilespmem:v4+s19+$0x0] =	vst.idx.add.f32.msk $0xffff, v5;
	v2 =	vmul.f32 v2, v18  }
0x1bf: {  	v25 =	vmul.f32 v25, v53;
	[tilespmem:v1+s21+$0x0] =	vst.idx.add.f32.msk $0xffff, v6;
	v6 =	vunpack.i.u.bf16.f32 v16  }
0x1c0: {  	[tilespmem:v1+s25+$0x0] =	vst.idx.add.f32.msk $0xffff, v2;
	v1 =	vunpack.i.l.bf16.f32 v20;
	v2 =	vmul.f32 v6, v54  }
0x1c1: {  	[tilespmem:v9+s20+$0x0] =	vst.idx.add.f32.msk $0xffff, v25;
	v6 =	vunpack.i.u.bf16.f32 v20;
	v1 =	vmul.f32 v1, v27  }
0x1c2: {  	v6 =	vmul.f32 v6, v27;
	[tilespmem:v33+s20+$0x0] =	vst.idx.add.f32.msk $0xffff, v2;
	v2 =	vunpack.i.u.bf16.f32 v21  }
0x1c3: {  	[tilespmem:v3+s19+$0x0] =	vst.idx.add.f32.msk $0xffff, v1;
	v1 =	vshra.s32 v7, $0xE;
	v7 =	vunpack.i.l.bf16.f32 v22;
	v58 =	vmul.f32 v2, v28  }
0x1c4: {  	[tilespmem:v3+s20+$0x0] =	vst.idx.add.f32.msk $0xffff, v6;
	v6 =	vunpack.i.u.bf16.f32 v22;
	v7 =	vmul.f32 v7, v30  }
0x1c5: {  	v2 =	vshra.s32 v10, $0xE;
	v6 =	vmul.f32 v6, v30;
	[tilespmem:v4+s20+$0x0] =	vst.idx.add.f32.msk $0xffff, v58  }
0x1c6: {  	v5 =	vunpack.i.l.bf16.f32 v23;
	[tilespmem:v57+s19+$0x0] =	vst.idx.add.f32.msk $0xffff, v7  }
0x1c7: {  	v5 =	vmul.f32 v5, v31;
	v7 =	vunpack.i.l.bf16.f32 v26;
	[tilespmem:v57+s20+$0x0] =	vst.idx.add.f32.msk $0xffff, v6  }
0x1c8: {  	v6 =	vmul.f32 v7, v34;
	v7 =	vld.idx.msk [tilespmem:v11+s1+$0x0], $0xffff  }
0x1c9: {  	[tilespmem:v1+s19+$0x0] =	vst.idx.add.f32.msk $0xffff, v5;
	v5 =	vunpack.i.u.bf16.f32 v26  }
0x1ca: {  	v5 =	vmul.f32 v5, v34;
	[tilespmem:v2+s19+$0x0] =	vst.idx.add.f32.msk $0xffff, v6  }
0x1cb: {  	v10 =	vunpack.i.u.bf16.f32 v23;
	v6 =	vld.idx.msk [tilespmem:v17+s1+$0x0], $0xffff  }
0x1cc: {  	v10 =	vmul.f32 v10, v31;
	[tilespmem:v2+s20+$0x0] =	vst.idx.add.f32.msk $0xffff, v5  }
0x1cd: {  	v5 =	vld.idx.msk [tilespmem:v8+s1+$0x0], $0xffff  }
0x1ce: {  	[tilespmem:v1+s20+$0x0] =	vst.idx.add.f32.msk $0xffff, v10  }
0x1cf: {  	v10 =	vld.idx.msk [tilespmem:v13+s1+$0x0], $0xffff  }
0x1d0: {  	v59 =	vld.idx.msk [tilespmem:v15+s1+$0x0], $0xffff;
	v11 =	vunpack.i.l.bf16.f32 v6  }
0x1d1: {  	v8 =	vld.idx.msk [tilespmem:v12+s1+$0x0], $0xffff;
	v6 =	vunpack.i.u.bf16.f32 v6;
	v11 =	vmul.f32 v11, v53  }
0x1d2: {  	v60 =	vld.idx.msk [tilespmem:v19+s1+$0x0], $0xffff;
	v6 =	vmul.f32 v6, v53;
	v61 =	vunpack.i.l.bf16.f32 v5  }
0x1d3: {  	v5 =	vunpack.i.u.bf16.f32 v5;
	[tilespmem:v9+s21+$0x0] =	vst.idx.add.f32.msk $0xffff, v11;
	v11 =	vmul.f32 v61, v54  }
0x1d4: {  	v62 =	vunpack.i.l.bf16.f32 v7;
	v5 =	vmul.f32 v5, v54;
	[tilespmem:v9+s25+$0x0] =	vst.idx.add.f32.msk $0xffff, v6  }
0x1d5: {  	v6 =	vunpack.i.u.bf16.f32 v7;
	v7 =	vmul.f32 v62, v27;
	[tilespmem:v33+s21+$0x0] =	vst.idx.add.f32.msk $0xffff, v11  }
0x1d6: {  	v9 =	vunpack.i.l.bf16.f32 v8;
	[tilespmem:v33+s25+$0x0] =	vst.idx.add.f32.msk $0xffff, v5;
	v5 =	vmul.f32 v6, v27  }
0x1d7: {  	v6 =	vunpack.i.u.bf16.f32 v8;
	[tilespmem:v3+s21+$0x0] =	vst.idx.add.f32.msk $0xffff, v7;
	v7 =	vmul.f32 v9, v28  }
0x1d8: {  	v8 =	vunpack.i.l.bf16.f32 v10;
	v6 =	vmul.f32 v6, v28;
	[tilespmem:v3+s25+$0x0] =	vst.idx.add.f32.msk $0xffff, v5  }
0x1d9: {  	v11 =	vunpack.i.u.bf16.f32 v60;
	v8 =	vmul.f32 v8, v30;
	v3 =	vunpack.i.u.bf16.f32 v10;
	[tilespmem:v4+s21+$0x0] =	vst.idx.add.f32.msk $0xffff, v7  }
0x1da: {  	v5 =	vunpack.i.u.bf16.f32 v59;
	v7 =	vunpack.i.l.bf16.f32 v59;
	v63 =	vmul.f32 v3, v30;
	[tilespmem:v4+s25+$0x0] =	vst.idx.add.f32.msk $0xffff, v6  }
0x1db: {  	v3 =	vunpack.i.l.bf16.f32 v60;
	v10 =	vmul.f32 v7, v31;
	v9 =	vmul.f32 v5, v31;
	[tilespmem:v57+s21+$0x0] =	vst.idx.add.f32.msk $0xffff, v8  }
0x1dc: {  	s18 =	simm.s32 $0x0;
	s26 =	simm.s32 $0x16050;
	v5 =	vmul.f32 v3, v34;
	v3 =	vmul.f32 v11, v34;
	[tilespmem:v57+s25+$0x0] =	vst.idx.add.f32.msk $0xffff, v63  }
.LBB2_16:
0x1dd: {  	v13 =	vld [tilespmem:s26+$0x30]  }
0x1de: {  	v4 =	vld [tilespmem:s26+$0xFFFFFFD0]  }
0x1df: {  	s18 =	sadd.s32 $0x8, s18;
	v6 =	vld [tilespmem:s26+$0xFFFFFFE0]  }
0x1e0: {  	p0 =	slt.u32 s18, $0x1E8;
	v14 =	vld [tilespmem:s26+$0xFFFFFFF0]  }
0x1e1: {  	v15 =	vld [tilespmem:s26+$0x0]  }
0x1e2: {  	v16 =	vld [tilespmem:s26+$0x10];
	v17 =	vand.u32 $0x3FFF, v13  }
0x1e3: {  	v8 =	vshra.s32 v4, $0xE;
	v11 =	vand.u32 $0x3FFF, v4;
	v18 =	vld [tilespmem:s26+$0x20]  }
0x1e4: {  	v19 =	vld [tilespmem:s26+$0xFFFFFFC0];
	v7 =	vshra.s32 v6, $0xE;
	v12 =	vand.u32 $0x3FFF, v6  }
0x1e5: {  	v6 =	vshra.s32 v14, $0xE;
	v14 =	vand.u32 $0x3FFF, v14;
	[tilespmem:v1+s21+$0x0] =	vst.idx.add.f32.msk $0xffff, v10  }
0x1e6: {  	v4 =	vshra.s32 v15, $0xE;
	v15 =	vand.u32 $0x3FFF, v15;
	[tilespmem:v1+s25+$0x0] =	vst.idx.add.f32.msk $0xffff, v9  }
0x1e7: {  	v1 =	vshra.s32 v16, $0xE;
	v16 =	vand.u32 $0x3FFF, v16;
	v20 =	vld.idx.msk [tilespmem:v17+s0+$0x0], $0xffff  }
0x1e8: {  	s17 =	sadd.s32 $0x80, s17;
	v21 =	vld.idx.msk [tilespmem:v11+s0+$0x0], $0xffff;
	v10 =	vshra.s32 v18, $0xE;
	v18 =	vand.u32 $0x3FFF, v18  }
0x1e9: {  	v9 =	vshra.s32 v19, $0xE;
	v19 =	vand.u32 $0x3FFF, v19;
	v22 =	vld [tilespmem:s17+$0x30]  }
0x1ea: {  	v23 =	vld.idx.msk [tilespmem:v12+s0+$0x0], $0xffff  }
0x1eb: {  	v13 =	vshra.s32 v13, $0xE;
	v24 =	vld.idx.msk [tilespmem:v14+s0+$0x0], $0xffff  }
0x1ec: {  	v25 =	vld.idx.msk [tilespmem:v15+s0+$0x0], $0xffff  }
0x1ed: {  	v27 =	vunpack.i.l.bf16.f32 v20;
	v26 =	vld.idx.msk [tilespmem:v16+s0+$0x0], $0xffff  }
0x1ee: {  	v20 =	vunpack.i.u.bf16.f32 v20;
	v29 =	vunpack.i.u.bf16.f32 v21;
	v28 =	vld.idx.msk [tilespmem:v19+s0+$0x0], $0xffff;
	v27 =	vmul.f32 v27, v22  }
0x1ef: {  	v21 =	vunpack.i.l.bf16.f32 v21;
	v20 =	vmul.f32 v20, v22;
	v30 =	vld.idx.msk [tilespmem:v18+s0+$0x0], $0xffff  }
0x1f0: {  	v31 =	vunpack.i.u.bf16.f32 v23;
	v23 =	vunpack.i.l.bf16.f32 v23;
	[tilespmem:v13+s19+$0x0] =	vst.idx.add.f32.msk $0xffff, v27  }
0x1f1: {  	v27 =	vunpack.i.u.bf16.f32 v24;
	v24 =	vunpack.i.l.bf16.f32 v24;
	[tilespmem:v13+s20+$0x0] =	vst.idx.add.f32.msk $0xffff, v20  }
0x1f2: {  	v20 =	vunpack.i.u.bf16.f32 v25;
	v25 =	vunpack.i.l.bf16.f32 v25;
	v17 =	vld.idx.msk [tilespmem:v17+s1+$0x0], $0xffff  }
0x1f3: {  	v33 =	vunpack.i.u.bf16.f32 v26;
	v26 =	vunpack.i.l.bf16.f32 v26;
	v32 =	vld [tilespmem:s17+$0xFFFFFFC0]  }
0x1f4: {  	v34 =	vunpack.i.u.bf16.f32 v28;
	v28 =	vunpack.i.l.bf16.f32 v28;
	v35 =	vld [tilespmem:s17+$0xFFFFFFD0]  }
0x1f5: {  	v37 =	vunpack.i.u.bf16.f32 v30;
	v30 =	vunpack.i.l.bf16.f32 v30;
	v36 =	vld [tilespmem:s17+$0xFFFFFFE0]  }
0x1f6: {  	v38 =	vld [tilespmem:s17+$0xFFFFFFF0]  }
0x1f7: {  	v39 =	vld [tilespmem:s17+$0x0]  }
0x1f8: {  	v41 =	vunpack.i.l.bf16.f32 v17;
	v28 =	vmul.f32 v28, v32;
	v34 =	vmul.f32 v34, v32;
	v40 =	vld [tilespmem:s17+$0x10]  }
0x1f9: {  	v17 =	vunpack.i.u.bf16.f32 v17;
	v41 =	vmul.f32 v41, v22;
	v21 =	vmul.f32 v21, v35;
	v42 =	vld [tilespmem:s17+$0x20]  }
0x1fa: {  	v17 =	vmul.f32 v17, v22;
	[tilespmem:v9+s19+$0x0] =	vst.idx.add.f32.msk $0xffff, v28;
	v28 =	vmul.f32 v29, v35  }
0x1fb: {  	v22 =	vmul.f32 v23, v36;
	v23 =	vmul.f32 v31, v36;
	[tilespmem:v13+s21+$0x0] =	vst.idx.add.f32.msk $0xffff, v41  }
0x1fc: {  	s12 =	simm.s32 $0x0;
	v24 =	vmul.f32 v24, v38;
	v27 =	vmul.f32 v27, v38;
	[tilespmem:v13+s25+$0x0] =	vst.idx.add.f32.msk $0xffff, v17  }
0x1fd: {  	v13 =	vmul.f32 v25, v39;
	v17 =	vmul.f32 v20, v39;
	[tilespmem:v9+s20+$0x0] =	vst.idx.add.f32.msk $0xffff, v34  }
0x1fe: {  	v20 =	vmul.f32 v26, v40;
	[tilespmem:v8+s19+$0x0] =	vst.idx.add.f32.msk $0xffff, v21;
	v21 =	vmul.f32 v33, v40  }
0x1ff: {  	v25 =	vmul.f32 v30, v42;
	v26 =	vmul.f32 v37, v42;
	[tilespmem:v8+s20+$0x0] =	vst.idx.add.f32.msk $0xffff, v28  }
0x200: {  	[tilespmem:v7+s19+$0x0] =	vst.idx.add.f32.msk $0xffff, v22  }
0x201: {  	[tilespmem:v7+s20+$0x0] =	vst.idx.add.f32.msk $0xffff, v23  }
0x202: {  	[tilespmem:v6+s19+$0x0] =	vst.idx.add.f32.msk $0xffff, v24  }
0x203: {  	[tilespmem:v6+s20+$0x0] =	vst.idx.add.f32.msk $0xffff, v27  }
0x204: {  	[tilespmem:v4+s19+$0x0] =	vst.idx.add.f32.msk $0xffff, v13  }
0x205: {  	[tilespmem:v4+s20+$0x0] =	vst.idx.add.f32.msk $0xffff, v17  }
0x206: {  	[tilespmem:v1+s19+$0x0] =	vst.idx.add.f32.msk $0xffff, v20  }
0x207: {  	[tilespmem:v1+s20+$0x0] =	vst.idx.add.f32.msk $0xffff, v21  }
0x208: {  	[tilespmem:v10+s19+$0x0] =	vst.idx.add.f32.msk $0xffff, v25  }
0x209: {  	[tilespmem:v10+s20+$0x0] =	vst.idx.add.f32.msk $0xffff, v26  }
0x20a: {  	v13 =	vld.idx.msk [tilespmem:v19+s1+$0x0], $0xffff  }
0x20b: {  	v11 =	vld.idx.msk [tilespmem:v11+s1+$0x0], $0xffff  }
0x20c: {  	v12 =	vld.idx.msk [tilespmem:v12+s1+$0x0], $0xffff  }
0x20d: {  	v14 =	vld.idx.msk [tilespmem:v14+s1+$0x0], $0xffff  }
0x20e: {  	v15 =	vld.idx.msk [tilespmem:v15+s1+$0x0], $0xffff  }
0x20f: {  	v16 =	vld.idx.msk [tilespmem:v16+s1+$0x0], $0xffff  }
0x210: {  	v17 =	vunpack.i.u.bf16.f32 v13;
	v13 =	vunpack.i.l.bf16.f32 v13;
	v18 =	vld.idx.msk [tilespmem:v18+s1+$0x0], $0xffff  }
0x211: {  	v13 =	vmul.f32 v13, v32;
	v19 =	vunpack.i.u.bf16.f32 v11;
	v11 =	vunpack.i.l.bf16.f32 v11;
	[tilespmem:v2+s21+$0x0] =	vst.idx.add.f32.msk $0xffff, v5  }
0x212: {  	v5 =	vmul.f32 v17, v32;
	v17 =	vunpack.i.u.bf16.f32 v12;
	v12 =	vunpack.i.l.bf16.f32 v12;
	[tilespmem:v2+s25+$0x0] =	vst.idx.add.f32.msk $0xffff, v3;
	v2 =	vmovc v10  }
0x213: {  	v3 =	vmul.f32 v11, v35;
	v10 =	vunpack.i.u.bf16.f32 v14;
	v11 =	vunpack.i.l.bf16.f32 v14;
	[tilespmem:v9+s21+$0x0] =	vst.idx.add.f32.msk $0xffff, v13  }
0x214: {  	v13 =	vunpack.i.l.bf16.f32 v15;
	[tilespmem:v9+s25+$0x0] =	vst.idx.add.f32.msk $0xffff, v5;
	v5 =	vmul.f32 v19, v35;
	v9 =	vunpack.i.u.bf16.f32 v15  }
0x215: {  	v14 =	vunpack.i.l.bf16.f32 v16;
	[tilespmem:v8+s21+$0x0] =	vst.idx.add.f32.msk $0xffff, v3;
	v3 =	vmul.f32 v12, v36;
	v12 =	vunpack.i.u.bf16.f32 v16  }
0x216: {  	v15 =	vunpack.i.l.bf16.f32 v18;
	[tilespmem:v8+s25+$0x0] =	vst.idx.add.f32.msk $0xffff, v5;
	v5 =	vmul.f32 v17, v36;
	v8 =	vunpack.i.u.bf16.f32 v18  }
0x217: {  	[tilespmem:v7+s21+$0x0] =	vst.idx.add.f32.msk $0xffff, v3;
	v3 =	vmul.f32 v11, v38;
	v11 =	vmul.f32 v10, v38  }
.Ltmp6:
0x218: {  	[tilespmem:v7+s25+$0x0] =	vst.idx.add.f32.msk $0xffff, v5;
	v7 =	vmul.f32 v13, v39;
	v13 =	vmul.f32 v9, v39;
	(pc) =	sbr.rel @p0 .LBB2_16-.Ltmp6, $4  }
0x219: {  	v10 =	vmul.f32 v14, v40;
	v9 =	vmul.f32 v12, v40;
	[tilespmem:v6+s21+$0x0] =	vst.idx.add.f32.msk $0xffff, v3  }
0x21a: {  	v5 =	vmul.f32 v15, v42;
	v3 =	vmul.f32 v8, v42;
	[tilespmem:v6+s25+$0x0] =	vst.idx.add.f32.msk $0xffff, v11  }
0x21b: {  	[tilespmem:v4+s21+$0x0] =	vst.idx.add.f32.msk $0xffff, v7  }
0x21c: {  	s26 =	sadd.s32 $0x80, s26;
	[tilespmem:v4+s25+$0x0] =	vst.idx.add.f32.msk $0xffff, v13  }
0x21d: {  	_ =	sdelay $0x3  }
0x21e: {  	[tilespmem:v1+s21+$0x0] =	vst.idx.add.f32.msk $0xffff, v10  }
0x21f: {  	[tilespmem:v2+s21+$0x0] =	vst.idx.add.f32.msk $0xffff, v5  }
0x220: {  	[tilespmem:v1+s25+$0x0] =	vst.idx.add.f32.msk $0xffff, v9  }
0x221: {  	[tilespmem:v2+s25+$0x0] =	vst.idx.add.f32.msk $0xffff, v3  }
.LBB2_18:
0x222: {  	s2 =	sshra.s32 s12, $0x2  }
0x223: {  	v1 =	vld [tilespmem:s2+$0x17E90];
	_ =	sdelay $0x4  }
0x224: {  	v2 =	vand.u32 $0x3FFF, v1;
	_ =	sdelay $0x4  }
0x225: {  	v3 =	vld.idx.msk [tilespmem:v2+s0+$0x0], $0xffff  }
0x226: {  	v4 =	vld [tilespmem:s2+$0x1A5A0];
	_ =	sdelay $0x1  }
0x227: {  	v1 =	vshra.s32 v1, $0xE;
	_ =	sdelay $0x1  }
0x228: {  	v5 =	vunpack.i.l.bf16.f32 v3  }
0x229: {  	v3 =	vunpack.i.u.bf16.f32 v3;
	v5 =	vmul.f32 v5, v4  }
0x22a: {  	v3 =	vmul.f32 v3, v4  }
0x22b: {  	[tilespmem:v1+s19+$0x0] =	vst.idx.add.f32.msk $0xffff, v5  }
0x22c: {  	[tilespmem:v1+s20+$0x0] =	vst.idx.add.f32.msk $0xffff, v3  }
0x22d: {  	v2 =	vld.idx.msk [tilespmem:v2+s1+$0x0], $0xffff;
	_ =	sdelay $0x3  }
0x22e: {  	p0 =	sne.s32 s12, $0xC0  }
.Ltmp7:
0x22f: {  	v3 =	vunpack.i.l.bf16.f32 v2;
	(pc) =	sbr.rel @p0 .LBB2_18-.Ltmp7, $4  }
0x230: {  	v2 =	vunpack.i.u.bf16.f32 v2;
	v3 =	vmul.f32 v3, v4  }
0x231: {  	v2 =	vmul.f32 v2, v4  }
0x232: {  	[tilespmem:v1+s21+$0x0] =	vst.idx.add.f32.msk $0xffff, v3  }
0x233: {  	s12 =	sadd.s32 $0x40, s12;
	[tilespmem:v1+s25+$0x0] =	vst.idx.add.f32.msk $0xffff, v2  }
0x234: {  	_ =	swait.ge [sflag:s15], $0x1F40  }
0x235: {  	[sflag:s15] =	ssyncset.done $0x0  }
0x236: {  	p0 =	seq.s32 s28, $0x9;
	[sflag:s15] =	ssyncadd.s32 $0xFFFFE0C0  }
0x237: {  	s2 =	sadd.s32 @!p0 s31, s30;
	_ =	swait.ge [sflag:s15], $0x1F40  }
0x238: {  	s9 =	simm.s32 @!p0 $0x0;
	s2 =	sshrl.u32 @!p0 s2, $0x3;
	[sflag:s15] =	ssyncset.done $0x0  }
0x239: {  	s12 =	simm.s32 @!p0 $0x15F90;
	s4 =	sadd.s32 @!p0 s8, s2;
	[sflag:s15] =	ssyncadd.s32 $0xFFFFE0C0  }
0x23a: {  	[tilespmem:s12], [sflag:$0x1] =	stream.linear.gather @!p0 [hbm4b:s4+s9], $0x1F40, $0x38;
	[tilespmem:$0x1EC30] =	vst v63  }
0x23b: {  	s26 =	simm.s32 $0x1A620;
	s2 =	sadd.s32 @!p0 s7, s2;
	s4 =	simm.s32 @!p0 $0x186A0  }
0x23c: {  	[tilespmem:s4], [sflag:$0x1] =	stream.linear.gather @!p0 [hbm4b:s2+s9], $0x1F40, $0x38;
	[tilespmem:$0x1EC30] =	vst v63  }
0x23d: {  	v1 =	vld [tilespmem:s26+$0x30]  }
0x23e: {  	v2 =	vld [tilespmem:s26+$0xFFFFFFD0]  }
0x23f: {  	v3 =	vld [tilespmem:s26+$0xFFFFFFE0]  }
0x240: {  	v4 =	vld [tilespmem:s26+$0xFFFFFFF0]  }
0x241: {  	v5 =	vld [tilespmem:s26+$0x0]  }
0x242: {  	v7 =	vld [tilespmem:s26+$0x10]  }
0x243: {  	v9 =	vld [tilespmem:s26+$0xFFFFFFC0]  }
0x244: {  	s31 =	simm.s32 $0x1CD30;
	v10 =	vld [tilespmem:s26+$0x20];
	v6 =	vand.u32 $0x3FFF, v1  }
0x245: {  	v18 =	vld [tilespmem:s31+$0x30]  }
0x246: {  	v53 =	vld [tilespmem:s31+$0xFFFFFFC0]  }
0x247: {  	v54 =	vld [tilespmem:s31+$0xFFFFFFD0]  }
0x248: {  	v27 =	vld [tilespmem:s31+$0xFFFFFFE0]  }
0x249: {  	v8 =	vand.u32 $0x3FFF, v2;
	v14 =	vld.idx.msk [tilespmem:v6+s0+$0x0], $0xffff  }
0x24a: {  	v28 =	vld [tilespmem:s31+$0xFFFFFFF0];
	v12 =	vand.u32 $0x3FFF, v4  }
0x24b: {  	v30 =	vld [tilespmem:s31+$0x0];
	v17 =	vand.u32 $0x3FFF, v9  }
0x24c: {  	v31 =	vld [tilespmem:s31+$0x10];
	v1 =	vshra.s32 v1, $0xE  }
0x24d: {  	v34 =	vld [tilespmem:s31+$0x20]  }
0x24e: {  	v16 =	vld.idx.msk [tilespmem:v8+s0+$0x0], $0xffff;
	v24 =	vunpack.i.l.bf16.f32 v14  }
0x24f: {  	v11 =	vand.u32 $0x3FFF, v3;
	v21 =	vld.idx.msk [tilespmem:v12+s0+$0x0], $0xffff;
	v14 =	vunpack.i.u.bf16.f32 v14;
	v24 =	vmul.f32 v24, v18  }
0x250: {  	v13 =	vand.u32 $0x3FFF, v5;
	v25 =	vld.idx.msk [tilespmem:v17+s0+$0x0], $0xffff;
	v14 =	vmul.f32 v14, v18  }
0x251: {  	v15 =	vand.u32 $0x3FFF, v7;
	[tilespmem:v1+s19+$0x0] =	vst.idx.add.f32.msk $0xffff, v24  }
0x252: {  	v19 =	vand.u32 $0x3FFF, v10;
	[tilespmem:v1+s20+$0x0] =	vst.idx.add.f32.msk $0xffff, v14  }
0x253: {  	v9 =	vshra.s32 v9, $0xE;
	v6 =	vld.idx.msk [tilespmem:v6+s1+$0x0], $0xffff  }
0x254: {  	v33 =	vshra.s32 v2, $0xE;
	v20 =	vld.idx.msk [tilespmem:v11+s0+$0x0], $0xffff  }
0x255: {  	v4 =	vshra.s32 v4, $0xE;
	v22 =	vld.idx.msk [tilespmem:v13+s0+$0x0], $0xffff;
	v29 =	vunpack.i.l.bf16.f32 v25  }
0x256: {  	v23 =	vld.idx.msk [tilespmem:v15+s0+$0x0], $0xffff;
	v55 =	vunpack.i.l.bf16.f32 v16;
	v29 =	vmul.f32 v29, v53  }
0x257: {  	v57 =	vshra.s32 v5, $0xE;
	v26 =	vld.idx.msk [tilespmem:v19+s0+$0x0], $0xffff;
	v5 =	vunpack.i.l.bf16.f32 v21;
	v56 =	vmul.f32 v55, v54  }
0x258: {  	v5 =	vmul.f32 v5, v28;
	[tilespmem:v9+s19+$0x0] =	vst.idx.add.f32.msk $0xffff, v29;
	v32 =	vunpack.i.l.bf16.f32 v6  }
0x259: {  	[tilespmem:v33+s19+$0x0] =	vst.idx.add.f32.msk $0xffff, v56;
	v2 =	vunpack.i.u.bf16.f32 v6;
	v6 =	vmul.f32 v32, v18  }
0x25a: {  	v3 =	vshra.s32 v3, $0xE;
	v25 =	vunpack.i.u.bf16.f32 v25;
	[tilespmem:v4+s19+$0x0] =	vst.idx.add.f32.msk $0xffff, v5;
	v2 =	vmul.f32 v2, v18  }
0x25b: {  	v25 =	vmul.f32 v25, v53;
	[tilespmem:v1+s21+$0x0] =	vst.idx.add.f32.msk $0xffff, v6;
	v6 =	vunpack.i.u.bf16.f32 v16  }
0x25c: {  	[tilespmem:v1+s25+$0x0] =	vst.idx.add.f32.msk $0xffff, v2;
	v1 =	vunpack.i.l.bf16.f32 v20;
	v2 =	vmul.f32 v6, v54  }
0x25d: {  	[tilespmem:v9+s20+$0x0] =	vst.idx.add.f32.msk $0xffff, v25;
	v6 =	vunpack.i.u.bf16.f32 v20;
	v1 =	vmul.f32 v1, v27  }
0x25e: {  	v6 =	vmul.f32 v6, v27;
	[tilespmem:v33+s20+$0x0] =	vst.idx.add.f32.msk $0xffff, v2;
	v2 =	vunpack.i.u.bf16.f32 v21  }
0x25f: {  	[tilespmem:v3+s19+$0x0] =	vst.idx.add.f32.msk $0xffff, v1;
	v1 =	vshra.s32 v7, $0xE;
	v7 =	vunpack.i.l.bf16.f32 v22;
	v58 =	vmul.f32 v2, v28  }
0x260: {  	[tilespmem:v3+s20+$0x0] =	vst.idx.add.f32.msk $0xffff, v6;
	v6 =	vunpack.i.u.bf16.f32 v22;
	v7 =	vmul.f32 v7, v30  }
0x261: {  	v2 =	vshra.s32 v10, $0xE;
	v6 =	vmul.f32 v6, v30;
	[tilespmem:v4+s20+$0x0] =	vst.idx.add.f32.msk $0xffff, v58  }
0x262: {  	v5 =	vunpack.i.l.bf16.f32 v23;
	[tilespmem:v57+s19+$0x0] =	vst.idx.add.f32.msk $0xffff, v7  }
0x263: {  	v5 =	vmul.f32 v5, v31;
	v7 =	vunpack.i.l.bf16.f32 v26;
	[tilespmem:v57+s20+$0x0] =	vst.idx.add.f32.msk $0xffff, v6  }
0x264: {  	v6 =	vmul.f32 v7, v34;
	v7 =	vld.idx.msk [tilespmem:v11+s1+$0x0], $0xffff  }
0x265: {  	[tilespmem:v1+s19+$0x0] =	vst.idx.add.f32.msk $0xffff, v5;
	v5 =	vunpack.i.u.bf16.f32 v26  }
0x266: {  	v5 =	vmul.f32 v5, v34;
	[tilespmem:v2+s19+$0x0] =	vst.idx.add.f32.msk $0xffff, v6  }
0x267: {  	v10 =	vunpack.i.u.bf16.f32 v23;
	v6 =	vld.idx.msk [tilespmem:v17+s1+$0x0], $0xffff  }
0x268: {  	v10 =	vmul.f32 v10, v31;
	[tilespmem:v2+s20+$0x0] =	vst.idx.add.f32.msk $0xffff, v5  }
0x269: {  	v5 =	vld.idx.msk [tilespmem:v8+s1+$0x0], $0xffff  }
0x26a: {  	[tilespmem:v1+s20+$0x0] =	vst.idx.add.f32.msk $0xffff, v10  }
0x26b: {  	v10 =	vld.idx.msk [tilespmem:v13+s1+$0x0], $0xffff  }
0x26c: {  	v59 =	vld.idx.msk [tilespmem:v15+s1+$0x0], $0xffff;
	v11 =	vunpack.i.l.bf16.f32 v6  }
0x26d: {  	v8 =	vld.idx.msk [tilespmem:v12+s1+$0x0], $0xffff;
	v6 =	vunpack.i.u.bf16.f32 v6;
	v11 =	vmul.f32 v11, v53  }
0x26e: {  	v60 =	vld.idx.msk [tilespmem:v19+s1+$0x0], $0xffff;
	v6 =	vmul.f32 v6, v53;
	v61 =	vunpack.i.l.bf16.f32 v5  }
0x26f: {  	v5 =	vunpack.i.u.bf16.f32 v5;
	[tilespmem:v9+s21+$0x0] =	vst.idx.add.f32.msk $0xffff, v11;
	v11 =	vmul.f32 v61, v54  }
0x270: {  	v62 =	vunpack.i.l.bf16.f32 v7;
	v5 =	vmul.f32 v5, v54;
	[tilespmem:v9+s25+$0x0] =	vst.idx.add.f32.msk $0xffff, v6  }
0x271: {  	v6 =	vunpack.i.u.bf16.f32 v7;
	v7 =	vmul.f32 v62, v27;
	[tilespmem:v33+s21+$0x0] =	vst.idx.add.f32.msk $0xffff, v11  }
0x272: {  	v9 =	vunpack.i.l.bf16.f32 v8;
	[tilespmem:v33+s25+$0x0] =	vst.idx.add.f32.msk $0xffff, v5;
	v5 =	vmul.f32 v6, v27  }
0x273: {  	v6 =	vunpack.i.u.bf16.f32 v8;
	[tilespmem:v3+s21+$0x0] =	vst.idx.add.f32.msk $0xffff, v7;
	v7 =	vmul.f32 v9, v28  }
0x274: {  	v8 =	vunpack.i.l.bf16.f32 v10;
	v6 =	vmul.f32 v6, v28;
	[tilespmem:v3+s25+$0x0] =	vst.idx.add.f32.msk $0xffff, v5  }
0x275: {  	v11 =	vunpack.i.u.bf16.f32 v60;
	v8 =	vmul.f32 v8, v30;
	v3 =	vunpack.i.u.bf16.f32 v10;
	[tilespmem:v4+s21+$0x0] =	vst.idx.add.f32.msk $0xffff, v7  }
0x276: {  	v5 =	vunpack.i.u.bf16.f32 v59;
	v7 =	vunpack.i.l.bf16.f32 v59;
	v63 =	vmul.f32 v3, v30;
	[tilespmem:v4+s25+$0x0] =	vst.idx.add.f32.msk $0xffff, v6  }
0x277: {  	v3 =	vunpack.i.l.bf16.f32 v60;
	v10 =	vmul.f32 v7, v31;
	v9 =	vmul.f32 v5, v31;
	[tilespmem:v57+s21+$0x0] =	vst.idx.add.f32.msk $0xffff, v8  }
0x278: {  	s28 =	sadd.s32 $0x1, s28;
	s17 =	simm.s32 $0x0;
	s18 =	simm.s32 $0x1A6A0;
	v5 =	vmul.f32 v3, v34;
	v3 =	vmul.f32 v11, v34;
	[tilespmem:v57+s25+$0x0] =	vst.idx.add.f32.msk $0xffff, v63  }
.LBB2_20:
0x279: {  	v13 =	vld [tilespmem:s18+$0x30]  }
0x27a: {  	v4 =	vld [tilespmem:s18+$0xFFFFFFD0]  }
0x27b: {  	s17 =	sadd.s32 $0x8, s17;
	v6 =	vld [tilespmem:s18+$0xFFFFFFE0]  }
0x27c: {  	p0 =	slt.u32 s17, $0x1E8;
	v14 =	vld [tilespmem:s18+$0xFFFFFFF0]  }
0x27d: {  	v15 =	vld [tilespmem:s18+$0x0]  }
0x27e: {  	v16 =	vld [tilespmem:s18+$0x10];
	v17 =	vand.u32 $0x3FFF, v13  }
0x27f: {  	v8 =	vshra.s32 v4, $0xE;
	v11 =	vand.u32 $0x3FFF, v4;
	v18 =	vld [tilespmem:s18+$0x20]  }
0x280: {  	v19 =	vld [tilespmem:s18+$0xFFFFFFC0];
	v7 =	vshra.s32 v6, $0xE;
	v12 =	vand.u32 $0x3FFF, v6  }
0x281: {  	v6 =	vshra.s32 v14, $0xE;
	v14 =	vand.u32 $0x3FFF, v14;
	[tilespmem:v1+s21+$0x0] =	vst.idx.add.f32.msk $0xffff, v10  }
0x282: {  	v4 =	vshra.s32 v15, $0xE;
	v15 =	vand.u32 $0x3FFF, v15;
	[tilespmem:v1+s25+$0x0] =	vst.idx.add.f32.msk $0xffff, v9  }
0x283: {  	v1 =	vshra.s32 v16, $0xE;
	v16 =	vand.u32 $0x3FFF, v16;
	v20 =	vld.idx.msk [tilespmem:v17+s0+$0x0], $0xffff  }
0x284: {  	s31 =	sadd.s32 $0x80, s31;
	v21 =	vld.idx.msk [tilespmem:v11+s0+$0x0], $0xffff;
	v10 =	vshra.s32 v18, $0xE;
	v18 =	vand.u32 $0x3FFF, v18  }
0x285: {  	v9 =	vshra.s32 v19, $0xE;
	v19 =	vand.u32 $0x3FFF, v19;
	v22 =	vld [tilespmem:s31+$0x30]  }
0x286: {  	v23 =	vld.idx.msk [tilespmem:v12+s0+$0x0], $0xffff  }
0x287: {  	v13 =	vshra.s32 v13, $0xE;
	v24 =	vld.idx.msk [tilespmem:v14+s0+$0x0], $0xffff  }
0x288: {  	v25 =	vld.idx.msk [tilespmem:v15+s0+$0x0], $0xffff  }
0x289: {  	v27 =	vunpack.i.l.bf16.f32 v20;
	v26 =	vld.idx.msk [tilespmem:v16+s0+$0x0], $0xffff  }
0x28a: {  	v20 =	vunpack.i.u.bf16.f32 v20;
	v29 =	vunpack.i.u.bf16.f32 v21;
	v28 =	vld.idx.msk [tilespmem:v19+s0+$0x0], $0xffff;
	v27 =	vmul.f32 v27, v22  }
0x28b: {  	v21 =	vunpack.i.l.bf16.f32 v21;
	v20 =	vmul.f32 v20, v22;
	v30 =	vld.idx.msk [tilespmem:v18+s0+$0x0], $0xffff  }
0x28c: {  	v31 =	vunpack.i.u.bf16.f32 v23;
	v23 =	vunpack.i.l.bf16.f32 v23;
	[tilespmem:v13+s19+$0x0] =	vst.idx.add.f32.msk $0xffff, v27  }
0x28d: {  	v27 =	vunpack.i.u.bf16.f32 v24;
	v24 =	vunpack.i.l.bf16.f32 v24;
	[tilespmem:v13+s20+$0x0] =	vst.idx.add.f32.msk $0xffff, v20  }
0x28e: {  	v20 =	vunpack.i.u.bf16.f32 v25;
	v25 =	vunpack.i.l.bf16.f32 v25;
	v17 =	vld.idx.msk [tilespmem:v17+s1+$0x0], $0xffff  }
0x28f: {  	v33 =	vunpack.i.u.bf16.f32 v26;
	v26 =	vunpack.i.l.bf16.f32 v26;
	v32 =	vld [tilespmem:s31+$0xFFFFFFC0]  }
0x290: {  	v34 =	vunpack.i.u.bf16.f32 v28;
	v28 =	vunpack.i.l.bf16.f32 v28;
	v35 =	vld [tilespmem:s31+$0xFFFFFFD0]  }
0x291: {  	v37 =	vunpack.i.u.bf16.f32 v30;
	v30 =	vunpack.i.l.bf16.f32 v30;
	v36 =	vld [tilespmem:s31+$0xFFFFFFE0]  }
0x292: {  	v38 =	vld [tilespmem:s31+$0xFFFFFFF0]  }
0x293: {  	v39 =	vld [tilespmem:s31+$0x0]  }
0x294: {  	v41 =	vunpack.i.l.bf16.f32 v17;
	v28 =	vmul.f32 v28, v32;
	v34 =	vmul.f32 v34, v32;
	v40 =	vld [tilespmem:s31+$0x10]  }
0x295: {  	v17 =	vunpack.i.u.bf16.f32 v17;
	v41 =	vmul.f32 v41, v22;
	v21 =	vmul.f32 v21, v35;
	v42 =	vld [tilespmem:s31+$0x20]  }
0x296: {  	v17 =	vmul.f32 v17, v22;
	[tilespmem:v9+s19+$0x0] =	vst.idx.add.f32.msk $0xffff, v28;
	v28 =	vmul.f32 v29, v35  }
0x297: {  	v22 =	vmul.f32 v23, v36;
	v23 =	vmul.f32 v31, v36;
	[tilespmem:v13+s21+$0x0] =	vst.idx.add.f32.msk $0xffff, v41  }
0x298: {  	s12 =	simm.s32 $0x0;
	v24 =	vmul.f32 v24, v38;
	v27 =	vmul.f32 v27, v38;
	[tilespmem:v13+s25+$0x0] =	vst.idx.add.f32.msk $0xffff, v17  }
0x299: {  	v13 =	vmul.f32 v25, v39;
	v17 =	vmul.f32 v20, v39;
	[tilespmem:v9+s20+$0x0] =	vst.idx.add.f32.msk $0xffff, v34  }
0x29a: {  	v20 =	vmul.f32 v26, v40;
	[tilespmem:v8+s19+$0x0] =	vst.idx.add.f32.msk $0xffff, v21;
	v21 =	vmul.f32 v33, v40  }
0x29b: {  	v25 =	vmul.f32 v30, v42;
	v26 =	vmul.f32 v37, v42;
	[tilespmem:v8+s20+$0x0] =	vst.idx.add.f32.msk $0xffff, v28  }
0x29c: {  	[tilespmem:v7+s19+$0x0] =	vst.idx.add.f32.msk $0xffff, v22  }
0x29d: {  	[tilespmem:v7+s20+$0x0] =	vst.idx.add.f32.msk $0xffff, v23  }
0x29e: {  	[tilespmem:v6+s19+$0x0] =	vst.idx.add.f32.msk $0xffff, v24  }
0x29f: {  	[tilespmem:v6+s20+$0x0] =	vst.idx.add.f32.msk $0xffff, v27  }
0x2a0: {  	[tilespmem:v4+s19+$0x0] =	vst.idx.add.f32.msk $0xffff, v13  }
0x2a1: {  	[tilespmem:v4+s20+$0x0] =	vst.idx.add.f32.msk $0xffff, v17  }
0x2a2: {  	[tilespmem:v1+s19+$0x0] =	vst.idx.add.f32.msk $0xffff, v20  }
0x2a3: {  	[tilespmem:v1+s20+$0x0] =	vst.idx.add.f32.msk $0xffff, v21  }
0x2a4: {  	[tilespmem:v10+s19+$0x0] =	vst.idx.add.f32.msk $0xffff, v25  }
0x2a5: {  	[tilespmem:v10+s20+$0x0] =	vst.idx.add.f32.msk $0xffff, v26  }
0x2a6: {  	v13 =	vld.idx.msk [tilespmem:v19+s1+$0x0], $0xffff  }
0x2a7: {  	v11 =	vld.idx.msk [tilespmem:v11+s1+$0x0], $0xffff  }
0x2a8: {  	v12 =	vld.idx.msk [tilespmem:v12+s1+$0x0], $0xffff  }
0x2a9: {  	v14 =	vld.idx.msk [tilespmem:v14+s1+$0x0], $0xffff  }
0x2aa: {  	v15 =	vld.idx.msk [tilespmem:v15+s1+$0x0], $0xffff  }
0x2ab: {  	v16 =	vld.idx.msk [tilespmem:v16+s1+$0x0], $0xffff  }
0x2ac: {  	v17 =	vunpack.i.u.bf16.f32 v13;
	v13 =	vunpack.i.l.bf16.f32 v13;
	v18 =	vld.idx.msk [tilespmem:v18+s1+$0x0], $0xffff  }
0x2ad: {  	v13 =	vmul.f32 v13, v32;
	v19 =	vunpack.i.u.bf16.f32 v11;
	v11 =	vunpack.i.l.bf16.f32 v11;
	[tilespmem:v2+s21+$0x0] =	vst.idx.add.f32.msk $0xffff, v5  }
0x2ae: {  	v5 =	vmul.f32 v17, v32;
	v17 =	vunpack.i.u.bf16.f32 v12;
	v12 =	vunpack.i.l.bf16.f32 v12;
	[tilespmem:v2+s25+$0x0] =	vst.idx.add.f32.msk $0xffff, v3;
	v2 =	vmovc v10  }
0x2af: {  	v3 =	vmul.f32 v11, v35;
	v10 =	vunpack.i.u.bf16.f32 v14;
	v11 =	vunpack.i.l.bf16.f32 v14;
	[tilespmem:v9+s21+$0x0] =	vst.idx.add.f32.msk $0xffff, v13  }
0x2b0: {  	v13 =	vunpack.i.l.bf16.f32 v15;
	[tilespmem:v9+s25+$0x0] =	vst.idx.add.f32.msk $0xffff, v5;
	v5 =	vmul.f32 v19, v35;
	v9 =	vunpack.i.u.bf16.f32 v15  }
0x2b1: {  	v14 =	vunpack.i.l.bf16.f32 v16;
	[tilespmem:v8+s21+$0x0] =	vst.idx.add.f32.msk $0xffff, v3;
	v3 =	vmul.f32 v12, v36;
	v12 =	vunpack.i.u.bf16.f32 v16  }
0x2b2: {  	v15 =	vunpack.i.l.bf16.f32 v18;
	[tilespmem:v8+s25+$0x0] =	vst.idx.add.f32.msk $0xffff, v5;
	v5 =	vmul.f32 v17, v36;
	v8 =	vunpack.i.u.bf16.f32 v18  }
0x2b3: {  	[tilespmem:v7+s21+$0x0] =	vst.idx.add.f32.msk $0xffff, v3;
	v3 =	vmul.f32 v11, v38;
	v11 =	vmul.f32 v10, v38  }
.Ltmp8:
0x2b4: {  	[tilespmem:v7+s25+$0x0] =	vst.idx.add.f32.msk $0xffff, v5;
	v7 =	vmul.f32 v13, v39;
	v13 =	vmul.f32 v9, v39;
	(pc) =	sbr.rel @p0 .LBB2_20-.Ltmp8, $4  }
0x2b5: {  	v10 =	vmul.f32 v14, v40;
	v9 =	vmul.f32 v12, v40;
	[tilespmem:v6+s21+$0x0] =	vst.idx.add.f32.msk $0xffff, v3  }
0x2b6: {  	v5 =	vmul.f32 v15, v42;
	v3 =	vmul.f32 v8, v42;
	[tilespmem:v6+s25+$0x0] =	vst.idx.add.f32.msk $0xffff, v11  }
0x2b7: {  	[tilespmem:v4+s21+$0x0] =	vst.idx.add.f32.msk $0xffff, v7  }
0x2b8: {  	s18 =	sadd.s32 $0x80, s18;
	[tilespmem:v4+s25+$0x0] =	vst.idx.add.f32.msk $0xffff, v13  }
0x2b9: {  	_ =	sdelay $0x3  }
0x2ba: {  	[tilespmem:v1+s21+$0x0] =	vst.idx.add.f32.msk $0xffff, v10  }
0x2bb: {  	[tilespmem:v2+s21+$0x0] =	vst.idx.add.f32.msk $0xffff, v5  }
0x2bc: {  	[tilespmem:v1+s25+$0x0] =	vst.idx.add.f32.msk $0xffff, v9  }
0x2bd: {  	[tilespmem:v2+s25+$0x0] =	vst.idx.add.f32.msk $0xffff, v3  }
.LBB2_22:
0x2be: {  	s2 =	sshra.s32 s12, $0x2  }
0x2bf: {  	v1 =	vld [tilespmem:s2+$0x1C4E0];
	_ =	sdelay $0x4  }
0x2c0: {  	v2 =	vand.u32 $0x3FFF, v1;
	_ =	sdelay $0x4  }
0x2c1: {  	v3 =	vld.idx.msk [tilespmem:v2+s0+$0x0], $0xffff  }
0x2c2: {  	v4 =	vld [tilespmem:s2+$0x1EBF0];
	_ =	sdelay $0x1  }
0x2c3: {  	v1 =	vshra.s32 v1, $0xE;
	_ =	sdelay $0x1  }
0x2c4: {  	v5 =	vunpack.i.l.bf16.f32 v3  }
0x2c5: {  	v3 =	vunpack.i.u.bf16.f32 v3;
	v5 =	vmul.f32 v5, v4  }
0x2c6: {  	v3 =	vmul.f32 v3, v4  }
0x2c7: {  	[tilespmem:v1+s19+$0x0] =	vst.idx.add.f32.msk $0xffff, v5  }
0x2c8: {  	[tilespmem:v1+s20+$0x0] =	vst.idx.add.f32.msk $0xffff, v3  }
0x2c9: {  	v2 =	vld.idx.msk [tilespmem:v2+s1+$0x0], $0xffff;
	_ =	sdelay $0x3  }
0x2ca: {  	p0 =	seq.s32 s12, $0xC0  }
.Ltmp9:
0x2cb: {  	v3 =	vunpack.i.l.bf16.f32 v2;
	(pc) =	sbr.rel @!p0 .LBB2_22-.Ltmp9, $4  }
0x2cc: {  	v2 =	vunpack.i.u.bf16.f32 v2;
	v3 =	vmul.f32 v3, v4  }
0x2cd: {  	v2 =	vmul.f32 v2, v4  }
0x2ce: {  	[tilespmem:v1+s21+$0x0] =	vst.idx.add.f32.msk $0xffff, v3  }
0x2cf: {  	s12 =	sadd.s32 $0x40, s12;
	[tilespmem:v1+s25+$0x0] =	vst.idx.add.f32.msk $0xffff, v2  }
0x2d0: {  	p0 =	seq.s32 s28, $0xA  }
.Ltmp10:
0x2d1: {  	_ = 	snop;
	(pc) =	sbr.rel @!p0 .LBB2_15-.Ltmp10, $1  }
0x2d2: {  	_ =	sdelay $0x3  }
0x2d3: {  	s2 =	rddreg [dreg:$0x8]  }
0x2d4: {  	[hbm4b:s2+s3] =	stream.linear.scatter [tilespmem:s21], [sflag:$0x5], $0x2710, $0x38;
	[tilespmem:$0x1EC30] =	vst v63  }
0x2d5: {  	_ =	swait.ge [sflag:s14], $0x2710  }
0x2d6: {  	[sflag:s14] =	ssyncset.done $0x0  }
0x2d7: {  	s28 =	rddreg [dreg:$0x9];
	[sflag:s14] =	ssyncadd.s32 $0xFFFFD8F0  }
0x2d8: {  	[hbm4b:s28+s3] =	stream.linear.scatter [tilespmem:s25], [sflag:$0x5], $0x2710, $0x38;
	[tilespmem:$0x1EC30] =	vst v63  }
0x2d9: {  	_ =	swait.ge [sflag:s14], $0x2710  }
0x2da: {  	[sflag:s14] =	ssyncset.done $0x0  }
0x2db: {  	[sflag:s14] =	ssyncadd.s32 $0xFFFFD8F0  }
0x2dc: {  	[bflag:$0x0] =	sbarrier.arrive $0xFFFF  }
0x2dd: {  	s31 =	rddreg [dreg:$0xa]  }
0x2de: {  	[tilespmem:s13], [sflag:$0x5] =	stream.linear.gather [hbm4b:s31+s3], $0x2710, $0x38;
	[tilespmem:$0x1EC30] =	vst v63  }
0x2df: {  	_ =	swait.ge [sflag:s14], $0x2710  }
0x2e0: {  	[sflag:s14] =	ssyncset.done $0x0  }
0x2e1: {  	s2 =	simm.s32 $0x9C80;
	[sflag:s14] =	ssyncadd.s32 $0xFFFFD8F0  }
0x2e2: {  	s4 =	simm.s32 $0x138C0;
	v2 =	vld [tilespmem:s2+$0x30]  }
0x2e3: {  	v3 =	vld [tilespmem:s4+$0x30]  }
0x2e4: {  	v1 =	vld [tilespmem:s4+$0xFFFFFFC0]  }
0x2e5: {  	v4 =	vld [tilespmem:s2+$0xFFFFFFD0]  }
0x2e6: {  	v5 =	vld [tilespmem:s4+$0xFFFFFFD0]  }
0x2e7: {  	v6 =	vld [tilespmem:s2+$0xFFFFFFE0]  }
0x2e8: {  	v7 =	vld [tilespmem:s4+$0xFFFFFFE0]  }
0x2e9: {  	v8 =	vld [tilespmem:s2+$0xFFFFFFF0]  }
0x2ea: {  	v9 =	vld [tilespmem:s4+$0xFFFFFFF0]  }
0x2eb: {  	v10 =	vld [tilespmem:s2+$0x0]  }
0x2ec: {  	v11 =	vld [tilespmem:s4+$0x0];
	v3 =	vadd.f32 v3, v2  }
0x2ed: {  	v5 =	vadd.f32 v5, v4;
	v2 =	vld [tilespmem:s2+$0x10]  }
0x2ee: {  	v6 =	vadd.f32 v7, v6;
	v4 =	vld [tilespmem:s4+$0x10];
	[tilespmem:s2+$0x30] =	vst v3  }
0x2ef: {  	v7 =	vadd.f32 v9, v8;
	[tilespmem:s2+$0xFFFFFFD0] =	vst v5;
	v3 =	vld [tilespmem:s2+$0x20]  }
0x2f0: {  	[tilespmem:s2+$0xFFFFFFE0] =	vst v6;
	v6 =	vld [tilespmem:s4+$0x20]  }
0x2f1: {  	s9 =	simm.s32 $0x0;
	s12 =	simm.s32 $0x9D00;
	v5 =	vld [tilespmem:s2+$0xFFFFFFC0];
	[tilespmem:s2+$0xFFFFFFF0] =	vst v7;
	v7 =	vadd.f32 v11, v10  }
.LBB2_24:
0x2f2: {  	v8 =	vld [tilespmem:s12+$0x30];
	s4 =	sadd.s32 $0x80, s4  }
0x2f3: {  	s9 =	sadd.s32 $0x8, s9;
	v9 =	vld [tilespmem:s4+$0x30];
	[tilespmem:s2+$0x0] =	vst v7;
	v2 =	vadd.f32 v4, v2  }
0x2f4: {  	p0 =	slt.u32 s9, $0x268;
	v4 =	vld [tilespmem:s4+$0xFFFFFFC0]  }
0x2f5: {  	v7 =	vld [tilespmem:s12+$0xFFFFFFD0];
	[tilespmem:s2+$0x10] =	vst v2;
	v2 =	vadd.f32 v6, v3  }
0x2f6: {  	v3 =	vld [tilespmem:s4+$0xFFFFFFD0];
	v10 =	vadd.f32 v1, v5  }
0x2f7: {  	v5 =	vld [tilespmem:s12+$0xFFFFFFE0];
	[tilespmem:s2+$0x20] =	vst v2  }
0x2f8: {  	v2 =	vld [tilespmem:s4+$0xFFFFFFE0];
	v6 =	vadd.f32 v9, v8;
	[tilespmem:s2+$0xFFFFFFC0] =	vst v10;
	s2 =	smov.u32 s12  }
0x2f9: {  	v8 =	vld [tilespmem:s12+$0xFFFFFFF0];
	v1 =	vmov v4  }
0x2fa: {  	v9 =	vld [tilespmem:s4+$0xFFFFFFF0];
	[tilespmem:s12+$0x30] =	vst v6  }
0x2fb: {  	v3 =	vadd.f32 v3, v7;
	v7 =	vld [tilespmem:s12+$0x0]  }
0x2fc: {  	v10 =	vld [tilespmem:s4+$0x0]  }
.Ltmp11:
0x2fd: {  	[tilespmem:s12+$0xFFFFFFD0] =	vst v3;
	v3 =	vadd.f32 v2, v5;
	v2 =	vld [tilespmem:s12+$0x10];
	(pc) =	sbr.rel @p0 .LBB2_24-.Ltmp11, $4  }
0x2fe: {  	v4 =	vld [tilespmem:s4+$0x10]  }
0x2ff: {  	[tilespmem:s12+$0xFFFFFFE0] =	vst v3;
	v8 =	vadd.f32 v9, v8;
	v3 =	vld [tilespmem:s12+$0x20]  }
0x300: {  	v6 =	vld [tilespmem:s4+$0x20]  }
0x301: {  	s12 =	sadd.s32 $0x80, s12;
	v5 =	vld [tilespmem:s2+$0xFFFFFFC0];
	[tilespmem:s2+$0xFFFFFFF0] =	vst v8;
	v7 =	vadd.f32 v10, v7  }
0x302: {  	_ =	sdelay $0x1  }
0x303: {  	v2 =	vadd.f32 v4, v2  }
0x304: {  	[tilespmem:s2+$0x0] =	vst v7;
	v3 =	vadd.f32 v6, v3  }
0x305: {  	[tilespmem:s2+$0x10] =	vst v2;
	v1 =	vadd.f32 v1, v5  }
0x306: {  	[tilespmem:s2+$0x20] =	vst v3  }
0x307: {  	[tilespmem:s2+$0xFFFFFFC0] =	vst v1  }
0x308: {  	v1 =	vld [tilespmem:$0xC340]  }
0x309: {  	v2 =	vld [tilespmem:$0x15F80];
	_ =	sdelay $0x4  }
0x30a: {  	v1 =	vadd.f32 v2, v1;
	_ =	sdelay $0x1  }
0x30b: {  	s2 =	rddreg [dreg:$0xb];
	[tilespmem:$0xC340] =	vst v1  }
0x30c: {  	[hbm4b:s2+s3] =	stream.linear.scatter [tilespmem:s19], [sflag:$0x5], $0x2710, $0x38;
	[tilespmem:$0x1EC30] =	vst v63  }
0x30d: {  	_ =	swait.ge [sflag:s14], $0x2710  }
0x30e: {  	[sflag:s14] =	ssyncset.done $0x0  }
0x30f: {  	s31 =	rddreg [dreg:$0xc];
	[sflag:s14] =	ssyncadd.s32 $0xFFFFD8F0  }
0x310: {  	[tilespmem:s13], [sflag:$0x5] =	stream.linear.gather [hbm4b:s31+s3], $0x2710, $0x38;
	[tilespmem:$0x1EC30] =	vst v63  }
0x311: {  	_ =	swait.ge [sflag:s14], $0x2710  }
0x312: {  	[sflag:s14] =	ssyncset.done $0x0  }
0x313: {  	s2 =	simm.s32 $0xC390;
	[sflag:s14] =	ssyncadd.s32 $0xFFFFD8F0  }
0x314: {  	s4 =	simm.s32 $0x138C0;
	v2 =	vld [tilespmem:s2+$0x30]  }
0x315: {  	v3 =	vld [tilespmem:s4+$0x30]  }
0x316: {  	v1 =	vld [tilespmem:s4+$0xFFFFFFC0]  }
0x317: {  	v4 =	vld [tilespmem:s2+$0xFFFFFFD0]  }
0x318: {  	v5 =	vld [tilespmem:s4+$0xFFFFFFD0]  }
0x319: {  	v6 =	vld [tilespmem:s2+$0xFFFFFFE0]  }
0x31a: {  	v7 =	vld [tilespmem:s4+$0xFFFFFFE0]  }
0x31b: {  	v8 =	vld [tilespmem:s2+$0xFFFFFFF0]  }
0x31c: {  	v9 =	vld [tilespmem:s4+$0xFFFFFFF0]  }
0x31d: {  	v10 =	vld [tilespmem:s2+$0x0]  }
0x31e: {  	v11 =	vld [tilespmem:s4+$0x0];
	v3 =	vadd.f32 v3, v2  }
0x31f: {  	v5 =	vadd.f32 v5, v4;
	v2 =	vld [tilespmem:s2+$0x10]  }
0x320: {  	v6 =	vadd.f32 v7, v6;
	v4 =	vld [tilespmem:s4+$0x10];
	[tilespmem:s2+$0x30] =	vst v3  }
0x321: {  	v7 =	vadd.f32 v9, v8;
	[tilespmem:s2+$0xFFFFFFD0] =	vst v5;
	v3 =	vld [tilespmem:s2+$0x20]  }
0x322: {  	[tilespmem:s2+$0xFFFFFFE0] =	vst v6;
	v6 =	vld [tilespmem:s4+$0x20]  }
0x323: {  	s9 =	simm.s32 $0x0;
	s12 =	simm.s32 $0xC410;
	v5 =	vld [tilespmem:s2+$0xFFFFFFC0];
	[tilespmem:s2+$0xFFFFFFF0] =	vst v7;
	v7 =	vadd.f32 v11, v10  }
.LBB2_26:
0x324: {  	v8 =	vld [tilespmem:s12+$0x30];
	s4 =	sadd.s32 $0x80, s4  }
0x325: {  	s9 =	sadd.s32 $0x8, s9;
	v9 =	vld [tilespmem:s4+$0x30];
	[tilespmem:s2+$0x0] =	vst v7;
	v2 =	vadd.f32 v4, v2  }
0x326: {  	p0 =	slt.u32 s9, $0x268;
	v4 =	vld [tilespmem:s4+$0xFFFFFFC0]  }
0x327: {  	v7 =	vld [tilespmem:s12+$0xFFFFFFD0];
	[tilespmem:s2+$0x10] =	vst v2;
	v2 =	vadd.f32 v6, v3  }
0x328: {  	v3 =	vld [tilespmem:s4+$0xFFFFFFD0];
	v10 =	vadd.f32 v1, v5  }
0x329: {  	v5 =	vld [tilespmem:s12+$0xFFFFFFE0];
	[tilespmem:s2+$0x20] =	vst v2  }
0x32a: {  	v2 =	vld [tilespmem:s4+$0xFFFFFFE0];
	v6 =	vadd.f32 v9, v8;
	[tilespmem:s2+$0xFFFFFFC0] =	vst v10;
	s2 =	smov.u32 s12  }
0x32b: {  	v8 =	vld [tilespmem:s12+$0xFFFFFFF0];
	v1 =	vmov v4  }
0x32c: {  	v9 =	vld [tilespmem:s4+$0xFFFFFFF0];
	[tilespmem:s12+$0x30] =	vst v6  }
0x32d: {  	v3 =	vadd.f32 v3, v7;
	v7 =	vld [tilespmem:s12+$0x0]  }
0x32e: {  	v10 =	vld [tilespmem:s4+$0x0]  }
.Ltmp12:
0x32f: {  	[tilespmem:s12+$0xFFFFFFD0] =	vst v3;
	v3 =	vadd.f32 v2, v5;
	v2 =	vld [tilespmem:s12+$0x10];
	(pc) =	sbr.rel @p0 .LBB2_26-.Ltmp12, $4  }
0x330: {  	v4 =	vld [tilespmem:s4+$0x10]  }
0x331: {  	[tilespmem:s12+$0xFFFFFFE0] =	vst v3;
	v8 =	vadd.f32 v9, v8;
	v3 =	vld [tilespmem:s12+$0x20]  }
0x332: {  	v6 =	vld [tilespmem:s4+$0x20]  }
0x333: {  	s12 =	sadd.s32 $0x80, s12;
	v5 =	vld [tilespmem:s2+$0xFFFFFFC0];
	[tilespmem:s2+$0xFFFFFFF0] =	vst v8;
	v7 =	vadd.f32 v10, v7  }
0x334: {  	_ =	sdelay $0x1  }
0x335: {  	v2 =	vadd.f32 v4, v2  }
0x336: {  	[tilespmem:s2+$0x0] =	vst v7;
	v3 =	vadd.f32 v6, v3  }
0x337: {  	[tilespmem:s2+$0x10] =	vst v2;
	v1 =	vadd.f32 v1, v5  }
0x338: {  	[tilespmem:s2+$0x20] =	vst v3  }
0x339: {  	[tilespmem:s2+$0xFFFFFFC0] =	vst v1  }
0x33a: {  	v1 =	vld [tilespmem:$0xEA50]  }
0x33b: {  	v2 =	vld [tilespmem:$0x15F80];
	_ =	sdelay $0x4  }
0x33c: {  	v1 =	vadd.f32 v2, v1;
	_ =	sdelay $0x1  }
0x33d: {  	s2 =	rddreg [dreg:$0xd];
	[tilespmem:$0xEA50] =	vst v1  }
0x33e: {  	[hbm4b:s2+s3] =	stream.linear.scatter [tilespmem:s20], [sflag:$0x5], $0x2710, $0x38;
	[tilespmem:$0x1EC30] =	vst v63  }
0x33f: {  	_ =	swait.ge [sflag:s14], $0x2710  }
0x340: {  	s4 =	rddreg [dreg:$0x15]  }
0x341: {  	s31 =	rddreg [dreg:$0x14];
	s4 =	sadd.s32 $0x1, s4  }
0x342: {  	p0 =	sne.s32 s4, s31  }
.Ltmp13:
0x343: {  	_ = 	snop;
	(pc) =	sbr.rel @p0 .LBB2_1-.Ltmp13, $3  }
0x344: {  	_ =	sdelay $0x1  }
0x345: {  	[sflag:s14] =	ssyncset.done $0x0  }
0x346: {  	[sflag:s14] =	ssyncadd.s32 $0xFFFFD8F0  }
0x347: {  	_ =	sfence.sel $0x180000  }
0x348: {  	[bflag:$0x0] =	sbarrier.arrive $0xFFFF  }
0x349: {  	_ =	strace $0x90000047  }
0x34a: {  	s0 =	stileid.u32;
	[bflag:$0x2] =	sbarrier.arrive $0xFFFF  }
0x34b: {  	p0 =	sne.s32 s0, $0x0;
	s0 =	rddreg [dreg:$0x2]  }
0x34c: {  	s0 =	sadd.s32 @!p0 $0x100000, s0  }
0x34d: {  	[sflag:s0] =	ssyncadd.tile.s32 @!p0 $0x1;
	_ =	shalt  }
.Lfunc_end2:
_tile_overlayer_lowered:
.L_overlay_start_2:
0x34e: {  	(tag) =	ssettag $0x2  }
0x34f: {  	s0 =	rddreg [dreg:$0x0];
	s2 =	stileid.u32  }
0x350: {  	s1 =	rddreg [dreg:$0x1];
	p0 =	sne.s32 s2, $0x0  }
0x351: {  	s3 =	rddreg [dreg:$0x2];
	[bflag:$0x3] =	sbarrier.arrive $0xFFFF;
	s2 =	simm.s32 @!p0 $0x1C05  }
0x352: {  	[timem:s3], [sflag:s2] =	dma.local @!p0 [hbm:s0], s1  }
0x353: {  	s0 =	simm.s32 @!p0 $0x5  }
0x354: {  	_ =	swait.ge @!p0 [sflag:s0], s1  }
0x355: {  	s1 =	ssub.s32 @!p0 $0x0, s1;
	[sflag:s0] =	ssyncset.done @!p0 $0x0  }
0x356: {  	[sflag:s0] =	ssyncadd.s32 @!p0 s1  }
0x357: {  	[bflag:$0x3] =	sbarrier.arrive $0xFFFF  }
0x358: {  	_ =	shalt  }

</sc_bundles>
